<compile_context>
chip_gen: v7x
topology: tpu7x:2x2x1
jax: 0.10.2.dev20260603
libtpu: 0.0.44.dev20260713+nightly
codegen_flags: <defaults>
</compile_context>

<pallas_src>
import functools

import jax
import jax.numpy as jnp
from jax import lax
from jax.experimental import pallas as pl
from jax.experimental.pallas import tpu as pltpu
from jax.experimental.pallas import tpu_sc as plsc

N = 10000
NP = 10240
D = 128
DH = 64
E = 320000
EP = 327680
CHUNK = 128
ECHUNKS = EP // CHUNK
ROWS_T = NP // 16
BLK = 512

_MESH = plsc.VectorSubcoreMesh(core_axis_name="c", subcore_axis_name="s",
                               num_cores=2, num_subcores=16)


@functools.partial(
    pl.kernel,
    out_type=(
        jax.ShapeDtypeStruct((2, NP, 16), jnp.float32),
        jax.ShapeDtypeStruct((2, NP, 16), jnp.float32),
    ),
    mesh=_MESH,
    scratch_types=[
        pltpu.VMEM((ECHUNKS // 32, CHUNK), jnp.int32),
        pltpu.VMEM((ECHUNKS // 32, CHUNK), jnp.int32),
        pltpu.VMEM((CHUNK, 16), jnp.float32),
        pltpu.VMEM_SHARED((NP, 16), jnp.float32),
        pltpu.VMEM_SHARED((NP, 16), jnp.float32),
        pltpu.SemaphoreType.DMA,
        pltpu.SemaphoreType.DMA,
    ],
    compiler_params=pltpu.CompilerParams(use_tc_tiling_on_sc=False),
)
def _deg_kernel(srcp, dstp, ones_h, z16, out_s, out_d,
                si_v, di_v, ones_v, acc_s, acc_d, sem_s, sem_d):
    cid = lax.axis_index("c")
    sid = lax.axis_index("s")
    wid = cid * 16 + sid
    nck = ECHUNKS // 32
    W = 4
    pltpu.sync_copy(ones_h, ones_v)
    pltpu.sync_copy(z16, acc_s.at[pl.ds(sid * ROWS_T, ROWS_T)])
    pltpu.sync_copy(z16, acc_d.at[pl.ds(sid * ROWS_T, ROWS_T)])
    pltpu.sync_copy(srcp.at[pl.ds(wid * nck, nck)], si_v)
    pltpu.sync_copy(dstp.at[pl.ds(wid * nck, nck)], di_v)
    plsc.subcore_barrier()

    def start(c):
        pltpu.async_copy(ones_v, acc_s.at[si_v.at[c]], sem_s, add=True)
        pltpu.async_copy(ones_v, acc_d.at[di_v.at[c]], sem_d, add=True)

    def drain():
        pltpu.make_async_copy(ones_v, acc_s.at[si_v.at[0]], sem_s).wait()
        pltpu.make_async_copy(ones_v, acc_d.at[di_v.at[0]], sem_d).wait()

    for c in range(W):
        start(c)

    def body(c, carry):
        drain()
        start(c)
        return carry

    lax.fori_loop(W, nck, body, 0)
    for _ in range(W):
        drain()
    plsc.subcore_barrier()
    pltpu.sync_copy(acc_s.at[pl.ds(sid * ROWS_T, ROWS_T)],
                    out_s.at[cid, pl.ds(sid * ROWS_T, ROWS_T)])
    pltpu.sync_copy(acc_d.at[pl.ds(sid * ROWS_T, ROWS_T)],
                    out_d.at[cid, pl.ds(sid * ROWS_T, ROWS_T)])


NBUF = 6
GDIST = 4


@functools.partial(
    pl.kernel,
    out_type=jax.ShapeDtypeStruct((2, NP, DH), jnp.float32),
    mesh=_MESH,
    scratch_types=[
        pltpu.VMEM((ECHUNKS // 16, CHUNK), jnp.int32),
        pltpu.VMEM((ECHUNKS // 16, CHUNK), jnp.int32),
        pltpu.VMEM((NBUF, CHUNK, DH), jnp.float32),
        pltpu.VMEM_SHARED((NP, DH), jnp.float32),
    ] + [pltpu.SemaphoreType.DMA] * (2 * NBUF),
    compiler_params=pltpu.CompilerParams(use_tc_tiling_on_sc=False),
)
def _agg_kernel(hh, srci, dstp, zrows, out,
                si_v, di_v, buf_v, acc_sh, *sems):
    cid = lax.axis_index("c")
    sid = lax.axis_index("s")
    r0 = sid * ROWS_T
    nck = ECHUNKS // 16
    pltpu.sync_copy(zrows, acc_sh.at[pl.ds(r0, ROWS_T)])
    pltpu.sync_copy(srci.at[cid, pl.ds(sid * nck, nck)], si_v)
    pltpu.sync_copy(dstp.at[pl.ds(sid * nck, nck)], di_v)
    plsc.subcore_barrier()

    sg = sems[:NBUF]
    ss = sems[NBUF:]

    def start_g(c, b):
        pltpu.async_copy(hh.at[si_v.at[c]], buf_v.at[b], sg[b])

    def wait_g(b):
        pltpu.make_async_copy(hh.at[si_v.at[0]], buf_v.at[b], sg[b]).wait()

    def start_s(c, b):
        pltpu.async_copy(buf_v.at[b], acc_sh.at[di_v.at[c]], ss[b], add=True)

    def wait_s(b):
        pltpu.make_async_copy(buf_v.at[b], acc_sh.at[di_v.at[0]],
                              ss[b]).wait()

    nfull = nck - 2 - GDIST
    main_iters = nfull // NBUF
    for c in range(GDIST):
        start_g(c, c)
    for c in range(2):
        wait_g(c)
        start_s(c, c)
        start_g(c + GDIST, (c + GDIST) % NBUF)

    def loop_body(k, carry):
        for j in range(NBUF):
            c = NBUF * k + 2 + j
            b = (2 + j) % NBUF
            wait_g(b)
            start_s(c, b)
            wait_s((b + GDIST) % NBUF)
            start_g(c + GDIST, (b + GDIST) % NBUF)
        return carry

    lax.fori_loop(0, main_iters, loop_body, 0)
    for c in range(2 + main_iters * NBUF, nck - GDIST):
        b = c % NBUF
        wait_g(b)
        start_s(c, b)
        wait_s((b + GDIST) % NBUF)
        start_g(c + GDIST, (b + GDIST) % NBUF)
    for c in range(nck - GDIST, nck):
        b = c % NBUF
        wait_g(b)
        start_s(c, b)
        wait_s((b + GDIST) % NBUF)
    wait_s((nck - 2) % NBUF)
    wait_s((nck - 1) % NBUF)
    plsc.subcore_barrier()
    pltpu.sync_copy(acc_sh.at[pl.ds(r0, ROWS_T)],
                    out.at[cid, pl.ds(r0, ROWS_T)])


def _prep_body(x_ref, ds_ref, dd_ref, hh_ref, ns_ref, nd_ref):
    dsv = ds_ref[...]
    ddv = dd_ref[...]
    deg_s = dsv[0, :, 0:1] + dsv[1, :, 0:1]
    deg_d = ddv[0, :, 0:1] + ddv[1, :, 0:1]
    ns = jnp.where(deg_s > 0, lax.rsqrt(deg_s), 0.0)
    nd = jnp.where(deg_d > 0, lax.rsqrt(deg_d), 0.0)
    h = x_ref[...] * ns
    hh_ref[0] = h[:, :DH]
    hh_ref[1] = h[:, DH:]
    ns_ref[...] = ns
    nd_ref[...] = nd


def _prep_stage(xp, deg_s, deg_d):
    return pl.pallas_call(
        _prep_body,
        grid=(NP // BLK,),
        in_specs=[
            pl.BlockSpec((BLK, D), lambda i: (i, 0)),
            pl.BlockSpec((2, BLK, 16), lambda i: (0, i, 0)),
            pl.BlockSpec((2, BLK, 16), lambda i: (0, i, 0)),
        ],
        out_specs=[
            pl.BlockSpec((2, BLK, DH), lambda i: (0, i, 0)),
            pl.BlockSpec((BLK, 1), lambda i: (i, 0)),
            pl.BlockSpec((BLK, 1), lambda i: (i, 0)),
        ],
        out_shape=[
            jax.ShapeDtypeStruct((2, NP, DH), jnp.float32),
            jax.ShapeDtypeStruct((NP, 1), jnp.float32),
            jax.ShapeDtypeStruct((NP, 1), jnp.float32),
        ],
    )(xp, deg_s, deg_d)


def _dense_body(p_ref, nd_ref, w_ref, b_ref, *rest, relu, post, split_out):
    if post:
        ns_ref = rest[0]
        rest = rest[1:]
    o_ref = rest[0]
    pv = p_ref[...]
    agg = jnp.concatenate([pv[0], pv[1]], axis=1)
    y = jnp.dot(agg * nd_ref[...], w_ref[...],
                preferred_element_type=jnp.float32) + b_ref[...]
    if relu:
        y = jnp.maximum(y, 0.0)
    if post:
        y = y * ns_ref[...]
    if split_out:
        o_ref[0] = y[:, :DH]
        o_ref[1] = y[:, DH:]
    else:
        o_ref[...] = y


def _dense_stage(p, nd, w, b, relu, post=None, split_out=False):
    args = [p, nd, w, b]
    in_specs = [
        pl.BlockSpec((2, BLK, DH), lambda i: (0, i, 0)),
        pl.BlockSpec((BLK, 1), lambda i: (i, 0)),
        pl.BlockSpec((D, D), lambda i: (0, 0)),
        pl.BlockSpec((1, D), lambda i: (0, 0)),
    ]
    if post is not None:
        args.append(post)
        in_specs.append(pl.BlockSpec((BLK, 1), lambda i: (i, 0)))
    if split_out:
        out_spec = pl.BlockSpec((2, BLK, DH), lambda i: (0, i, 0))
        out_shape = jax.ShapeDtypeStruct((2, NP, DH), jnp.float32)
    else:
        out_spec = pl.BlockSpec((BLK, D), lambda i: (i, 0))
        out_shape = jax.ShapeDtypeStruct((NP, D), jnp.float32)
    body = functools.partial(_dense_body, relu=relu, post=post is not None,
                             split_out=split_out)
    return pl.pallas_call(
        body,
        grid=(NP // BLK,),
        in_specs=in_specs,
        out_specs=out_spec,
        out_shape=out_shape,
    )(*args)


def kernel(x, edge_index, W1, b1, W2, b2):
    prev_x64 = jax.config.jax_enable_x64
    jax.config.update("jax_enable_x64", False)
    try:
        return _kernel_impl(x, edge_index, W1, b1, W2, b2)
    finally:
        jax.config.update("jax_enable_x64", prev_x64)


def _kernel_impl(x, edge_index, W1, b1, W2, b2):
    src = edge_index[0].astype(jnp.int32)
    dst = edge_index[1].astype(jnp.int32)
    x = x.astype(jnp.float32)
    W1 = W1.astype(jnp.float32)
    W2 = W2.astype(jnp.float32)
    b1 = b1.astype(jnp.float32).reshape(1, D)
    b2 = b2.astype(jnp.float32).reshape(1, D)

    pad = N + (jnp.arange(EP - E, dtype=jnp.int32) % (NP - N))
    srcp = jnp.concatenate([src, pad]).reshape(ECHUNKS, CHUNK)
    dstp = jnp.concatenate([dst, pad]).reshape(ECHUNKS, CHUNK)
    xp = jnp.zeros((NP, D), jnp.float32).at[:N].set(x)

    src2 = jnp.stack([srcp, srcp + NP])
    ones_h = jnp.ones((CHUNK, 16), jnp.float32)
    z16 = jnp.zeros((ROWS_T, 16), jnp.float32)
    zrows = jnp.zeros((ROWS_T, DH), jnp.float32)

    deg_s, deg_d = _deg_kernel(srcp, dstp, ones_h, z16)
    hh, ns, nd = _prep_stage(xp, deg_s, deg_d)
    p1 = _agg_kernel(hh.reshape(2 * NP, DH), src2, dstp, zrows)
    h1h = _dense_stage(p1, nd, W1, b1, relu=True, post=ns, split_out=True)
    p2 = _agg_kernel(h1h.reshape(2 * NP, DH), src2, dstp, zrows)
    out = _dense_stage(p2, nd, W2, b2, relu=False)
    return out[:N]

# --- scband reference (transcript-rebuilt; emitter-appended) ---
"""Pipeline reference for scband-aegcn-35012573397337 (READ-ONLY COPY).

The authoritative reference and input builder live on the scoring server;
editing this copy changes nothing except your own understanding.
"""

import jax
jax.config.update("jax_enable_x64", True)
import jax.numpy as jnp
import numpy as np

N_NODES = 10000
N_EDGES = 320000
IN_FEATS = 128
HIDDEN = 128


def setup_inputs(seed: int = 0) -> dict:
    key = jax.random.key(seed)
    k1, k2, k3, k4, k5, k6 = jax.random.split(key, 6)
    x = jax.random.normal(k1, (N_NODES, IN_FEATS), dtype=jnp.float32)
    edge_index = jax.random.randint(k2, (2, N_EDGES), 0, N_NODES, dtype=jnp.int64)
    W1 = jax.random.normal(k3, (IN_FEATS, HIDDEN), dtype=jnp.float32) * 0.05
    b1 = jnp.zeros((HIDDEN,), dtype=jnp.float32)
    W2 = jax.random.normal(k4, (HIDDEN, IN_FEATS), dtype=jnp.float32) * 0.05
    b2 = jnp.zeros((IN_FEATS,), dtype=jnp.float32)
    return {"x": x, "edge_index": edge_index, "W1": W1, "b1": b1, "W2": W2, "b2": b2}


def _graph_conv(x, edge_index, W, b):
    # DGL GraphConv with norm='both': D_in^{-1/2} * A * D_out^{-1/2} * X * W + b
    src = edge_index[0]
    dst = edge_index[1]
    n = x.shape[0]
    deg_out = jnp.bincount(src, length=n).astype(x.dtype)
    deg_in = jnp.bincount(dst, length=n).astype(x.dtype)
    norm_src = jnp.where(deg_out > 0, deg_out ** -0.5, 0.0)
    norm_dst = jnp.where(deg_in > 0, deg_in ** -0.5, 0.0)
    h = x * norm_src[:, None]
    msgs = jnp.take(h, src, axis=0)
    agg = jax.ops.segment_sum(msgs, dst, num_segments=n)
    agg = agg * norm_dst[:, None]
    return agg @ W + b


def reference(x, edge_index, W1, b1, W2, b2):
    h = _graph_conv(x, edge_index, W1, b1)
    h = jax.nn.relu(h)
    out = _graph_conv(h, edge_index, W2, b2)
    return out

if __name__ == "__main__":
    import jax
    _d = setup_inputs()
    print(jax.jit(kernel)(*tuple(_d.values())))

</pallas_src>

<mosaic_0001>
#map = affine_map<(d0, d1) -> (0, 0)>
#map1 = affine_map<(d0, d1) -> (0, 0, 0)>
module attributes {stable_mosaic.version = 14 : i64} {
  func.func @_agg_kernel(%arg0: i32, %arg1: i32, %arg2: memref<20480x64xf32, #tpu.memory_space<hbm>>, %arg3: memref<2x2560x128xi32, #tpu.memory_space<hbm>>, %arg4: memref<2560x128xi32, #tpu.memory_space<hbm>>, %arg5: memref<640x64xf32, #tpu.memory_space<hbm>>, %arg6: memref<2x10240x64xf32, #tpu.memory_space<hbm>>, %arg7: memref<160x128xi32, #tpu.memory_space<vmem>>, %arg8: memref<160x128xi32, #tpu.memory_space<vmem>>, %arg9: memref<6x128x64xf32, #tpu.memory_space<vmem>>, %arg10: memref<10240x64xf32, #tpu.memory_space<vmem_shared>>, %arg11: memref<!tpu.dma_semaphore, #tpu.memory_space<semaphore_mem>>, %arg12: memref<!tpu.dma_semaphore, #tpu.memory_space<semaphore_mem>>, %arg13: memref<!tpu.dma_semaphore, #tpu.memory_space<semaphore_mem>>, %arg14: memref<!tpu.dma_semaphore, #tpu.memory_space<semaphore_mem>>, %arg15: memref<!tpu.dma_semaphore, #tpu.memory_space<semaphore_mem>>, %arg16: memref<!tpu.dma_semaphore, #tpu.memory_space<semaphore_mem>>, %arg17: memref<!tpu.dma_semaphore, #tpu.memory_space<semaphore_mem>>, %arg18: memref<!tpu.dma_semaphore, #tpu.memory_space<semaphore_mem>>, %arg19: memref<!tpu.dma_semaphore, #tpu.memory_space<semaphore_mem>>, %arg20: memref<!tpu.dma_semaphore, #tpu.memory_space<semaphore_mem>>, %arg21: memref<!tpu.dma_semaphore, #tpu.memory_space<semaphore_mem>>, %arg22: memref<!tpu.dma_semaphore, #tpu.memory_space<semaphore_mem>>) attributes {dimension_semantics = [#tpu.dimension_semantics<core_parallel>, #tpu.dimension_semantics<subcore_parallel>], iteration_bounds = array<i64: 2, 16>, scalar_prefetch = 0 : i64, scratch_operands = 16 : i64, tpu.core_type = #tpu.core_type<sc_vector_subcore>, window_params = [{transform_indices = #map}, {transform_indices = #map1}, {transform_indices = #map}, {transform_indices = #map}, {transform_indices = #map1}]} {
    %mul3A = arith.constant 640 : i32
    %mul3A_0 = arith.muli %arg1, %mul3A : i32
    "tpu.region"() ({
      %run_scoped3A = tpu.sem_alloc : memref<!tpu.dma_semaphore, #tpu.memory_space<semaphore_mem>>
      %dma_start3A_489 = arith.constant 0 : i32
      %dma_start3A_490 = tpu.memref_slice %arg10[%mul3A_0, %dma_start3A_489] : memref<10240x64xf32, #tpu.memory_space<vmem_shared>> -> memref<640x64xf32, #tpu.memory_space<vmem_shared>>
      tpu.enqueue_dma source(%arg5 : memref<640x64xf32, #tpu.memory_space<hbm>>) target(%dma_start3A_490 : memref<640x64xf32, #tpu.memory_space<vmem_shared>>) target_semaphore(%run_scoped3A : memref<!tpu.dma_semaphore, #tpu.memory_space<semaphore_mem>>)
      %dma_wait3A_491 = arith.constant 0 : i32
      %dma_wait3A_492 = tpu.memref_slice %arg10[%mul3A_0, %dma_wait3A_491] : memref<10240x64xf32, #tpu.memory_space<vmem_shared>> -> memref<640x64xf32, #tpu.memory_space<vmem_shared>>
      tpu.wait_dma2 semaphore(%run_scoped3A : memref<!tpu.dma_semaphore, #tpu.memory_space<semaphore_mem>>) src(%arg5 : memref<640x64xf32, #tpu.memory_space<hbm>>) dst(%dma_wait3A_492 : memref<640x64xf32, #tpu.memory_space<vmem_shared>>)
      tpu.yield
    }) : () -> ()
    %mul3A_1 = arith.constant 160 : i32
    %mul3A_2 = arith.muli %arg1, %mul3A_1 : i32
    "tpu.region"() ({
      %run_scoped3A = tpu.sem_alloc : memref<!tpu.dma_semaphore, #tpu.memory_space<semaphore_mem>>
      %dma_start3A_489 = arith.constant 0 : i32
      %dma_start3A_490 = tpu.memref_slice %arg3[%arg0, %mul3A_2, %dma_start3A_489] : memref<2x2560x128xi32, #tpu.memory_space<hbm>> -> memref<1x160x128xi32, #tpu.memory_space<hbm>>
      %dma_start3A_491 = tpu.memref_squeeze %dma_start3A_490 : memref<1x160x128xi32, #tpu.memory_space<hbm>> -> memref<160x128xi32, #tpu.memory_space<hbm>>
      %dma_start3A_492 = arith.constant 0 : i32
      %dma_start3A_493 = tpu.memref_slice %arg3[%arg0, %mul3A_2, %dma_start3A_492] : memref<2x2560x128xi32, #tpu.memory_space<hbm>> -> memref<1x160x128xi32, #tpu.memory_space<hbm>>
      %dma_start3A_494 = tpu.memref_squeeze %dma_start3A_493 : memref<1x160x128xi32, #tpu.memory_space<hbm>> -> memref<160x128xi32, #tpu.memory_space<hbm>>
      tpu.enqueue_dma source(%dma_start3A_494 : memref<160x128xi32, #tpu.memory_space<hbm>>) target(%arg7 : memref<160x128xi32, #tpu.memory_space<vmem>>) target_semaphore(%run_scoped3A : memref<!tpu.dma_semaphore, #tpu.memory_space<semaphore_mem>>)
      %dma_wait3A_495 = arith.constant 0 : i32
      %dma_wait3A_496 = tpu.memref_slice %arg3[%arg0, %mul3A_2, %dma_wait3A_495] : memref<2x2560x128xi32, #tpu.memory_space<hbm>> -> memref<1x160x128xi32, #tpu.memory_space<hbm>>
      %dma_wait3A_497 = tpu.memref_squeeze %dma_wait3A_496 : memref<1x160x128xi32, #tpu.memory_space<hbm>> -> memref<160x128xi32, #tpu.memory_space<hbm>>
      %dma_wait3A_498 = arith.constant 0 : i32
      %dma_wait3A_499 = tpu.memref_slice %arg3[%arg0, %mul3A_2, %dma_wait3A_498] : memref<2x2560x128xi32, #tpu.memory_space<hbm>> -> memref<1x160x128xi32, #tpu.memory_space<hbm>>
      %dma_wait3A_500 = tpu.memref_squeeze %dma_wait3A_499 : memref<1x160x128xi32, #tpu.memory_space<hbm>> -> memref<160x128xi32, #tpu.memory_space<hbm>>
      tpu.wait_dma2 semaphore(%run_scoped3A : memref<!tpu.dma_semaphore, #tpu.memory_space<semaphore_mem>>) src(%dma_wait3A_500 : memref<160x128xi32, #tpu.memory_space<hbm>>) dst(%arg7 : memref<160x128xi32, #tpu.memory_space<vmem>>)
      tpu.yield
    }) : () -> ()
    %mul3A_3 = arith.constant 160 : i32
    %mul3A_4 = arith.muli %arg1, %mul3A_3 : i32
    "tpu.region"() ({
      %run_scoped3A = tpu.sem_alloc : memref<!tpu.dma_semaphore, #tpu.memory_space<semaphore_mem>>
      %dma_start3A_489 = arith.constant 0 : i32
      %dma_start3A_490 = tpu.memref_slice %arg4[%mul3A_4, %dma_start3A_489] : memref<2560x128xi32, #tpu.memory_space<hbm>> -> memref<160x128xi32, #tpu.memory_space<hbm>>
      %dma_start3A_491 = arith.constant 0 : i32
      %dma_start3A_492 = tpu.memref_slice %arg4[%mul3A_4, %dma_start3A_491] : memref<2560x128xi32, #tpu.memory_space<hbm>> -> memref<160x128xi32, #tpu.memory_space<hbm>>
      tpu.enqueue_dma source(%dma_start3A_492 : memref<160x128xi32, #tpu.memory_space<hbm>>) target(%arg8 : memref<160x128xi32, #tpu.memory_space<vmem>>) target_semaphore(%run_scoped3A : memref<!tpu.dma_semaphore, #tpu.memory_space<semaphore_mem>>)
      %dma_wait3A_493 = arith.constant 0 : i32
      %dma_wait3A_494 = tpu.memref_slice %arg4[%mul3A_4, %dma_wait3A_493] : memref<2560x128xi32, #tpu.memory_space<hbm>> -> memref<160x128xi32, #tpu.memory_space<hbm>>
      %dma_wait3A_495 = arith.constant 0 : i32
      %dma_wait3A_496 = tpu.memref_slice %arg4[%mul3A_4, %dma_wait3A_495] : memref<2560x128xi32, #tpu.memory_space<hbm>> -> memref<160x128xi32, #tpu.memory_space<hbm>>
      tpu.wait_dma2 semaphore(%run_scoped3A : memref<!tpu.dma_semaphore, #tpu.memory_space<semaphore_mem>>) src(%dma_wait3A_496 : memref<160x128xi32, #tpu.memory_space<hbm>>) dst(%arg8 : memref<160x128xi32, #tpu.memory_space<vmem>>)
      tpu.yield
    }) : () -> ()
    %barrier3A = arith.constant 0 : index
    tpu.barrier barrier_id(%barrier3A)
    %dma_start3A = arith.constant 0 : i32
    %dma_start3A_5 = arith.constant 0 : i32
    %dma_start3A_6 = arith.constant 0 : i32
    %dma_start3A_7 = arith.constant 0 : i32
    %dma_start3A_8 = tpu.memref_slice %arg9[%dma_start3A_5, %dma_start3A_6, %dma_start3A_7] : memref<6x128x64xf32, #tpu.memory_space<vmem>> -> memref<1x128x64xf32, #tpu.memory_space<vmem>>
    %dma_start3A_9 = tpu.memref_squeeze %dma_start3A_8 : memref<1x128x64xf32, #tpu.memory_space<vmem>> -> memref<128x64xf32, #tpu.memory_space<vmem>>
    %dma_start3A_10 = arith.constant 0 : i32
    %dma_start3A_11 = tpu.memref_slice %arg7[%dma_start3A, %dma_start3A_10] : memref<160x128xi32, #tpu.memory_space<vmem>> -> memref<1x128xi32, #tpu.memory_space<vmem>>
    %dma_start3A_12 = tpu.memref_squeeze %dma_start3A_11 : memref<1x128xi32, #tpu.memory_space<vmem>> -> memref<128xi32, #tpu.memory_space<vmem>>
    %dma_start3A_13 = arith.constant 0 : i32
    %dma_start3A_14 = arith.constant 0 : i32
    %dma_start3A_15 = tpu.memref_slice %arg2[%dma_start3A_13, %dma_start3A_14] : memref<20480x64xf32, #tpu.memory_space<hbm>> -> memref<20480x64xf32, #tpu.memory_space<hbm>>
    tpu.enqueue_indirect_dma source(%dma_start3A_15 : memref<20480x64xf32, #tpu.memory_space<hbm>>) target(%dma_start3A_9 : memref<128x64xf32, #tpu.memory_space<vmem>>) offsets(%dma_start3A_12 : memref<128xi32, #tpu.memory_space<vmem>>) semaphore(%arg11 : memref<!tpu.dma_semaphore, #tpu.memory_space<semaphore_mem>>)
    %dma_start3A_16 = arith.constant 1 : i32
    %dma_start3A_17 = arith.constant 1 : i32
    %dma_start3A_18 = arith.constant 0 : i32
    %dma_start3A_19 = arith.constant 0 : i32
    %dma_start3A_20 = tpu.memref_slice %arg9[%dma_start3A_17, %dma_start3A_18, %dma_start3A_19] : memref<6x128x64xf32, #tpu.memory_space<vmem>> -> memref<1x128x64xf32, #tpu.memory_space<vmem>>
    %dma_start3A_21 = tpu.memref_squeeze %dma_start3A_20 : memref<1x128x64xf32, #tpu.memory_space<vmem>> -> memref<128x64xf32, #tpu.memory_space<vmem>>
    %dma_start3A_22 = arith.constant 0 : i32
    %dma_start3A_23 = tpu.memref_slice %arg7[%dma_start3A_16, %dma_start3A_22] : memref<160x128xi32, #tpu.memory_space<vmem>> -> memref<1x128xi32, #tpu.memory_space<vmem>>
    %dma_start3A_24 = tpu.memref_squeeze %dma_start3A_23 : memref<1x128xi32, #tpu.memory_space<vmem>> -> memref<128xi32, #tpu.memory_space<vmem>>
    %dma_start3A_25 = arith.constant 0 : i32
    %dma_start3A_26 = arith.constant 0 : i32
    %dma_start3A_27 = tpu.memref_slice %arg2[%dma_start3A_25, %dma_start3A_26] : memref<20480x64xf32, #tpu.memory_space<hbm>> -> memref<20480x64xf32, #tpu.memory_space<hbm>>
    tpu.enqueue_indirect_dma source(%dma_start3A_27 : memref<20480x64xf32, #tpu.memory_space<hbm>>) target(%dma_start3A_21 : memref<128x64xf32, #tpu.memory_space<vmem>>) offsets(%dma_start3A_24 : memref<128xi32, #tpu.memory_space<vmem>>) semaphore(%arg12 : memref<!tpu.dma_semaphore, #tpu.memory_space<semaphore_mem>>)
    %dma_start3A_28 = arith.constant 2 : i32
    %dma_start3A_29 = arith.constant 2 : i32
    %dma_start3A_30 = arith.constant 0 : i32
    %dma_start3A_31 = arith.constant 0 : i32
    %dma_start3A_32 = tpu.memref_slice %arg9[%dma_start3A_29, %dma_start3A_30, %dma_start3A_31] : memref<6x128x64xf32, #tpu.memory_space<vmem>> -> memref<1x128x64xf32, #tpu.memory_space<vmem>>
    %dma_start3A_33 = tpu.memref_squeeze %dma_start3A_32 : memref<1x128x64xf32, #tpu.memory_space<vmem>> -> memref<128x64xf32, #tpu.memory_space<vmem>>
    %dma_start3A_34 = arith.constant 0 : i32
    %dma_start3A_35 = tpu.memref_slice %arg7[%dma_start3A_28, %dma_start3A_34] : memref<160x128xi32, #tpu.memory_space<vmem>> -> memref<1x128xi32, #tpu.memory_space<vmem>>
    %dma_start3A_36 = tpu.memref_squeeze %dma_start3A_35 : memref<1x128xi32, #tpu.memory_space<vmem>> -> memref<128xi32, #tpu.memory_space<vmem>>
    %dma_start3A_37 = arith.constant 0 : i32
    %dma_start3A_38 = arith.constant 0 : i32
    %dma_start3A_39 = tpu.memref_slice %arg2[%dma_start3A_37, %dma_start3A_38] : memref<20480x64xf32, #tpu.memory_space<hbm>> -> memref<20480x64xf32, #tpu.memory_space<hbm>>
    tpu.enqueue_indirect_dma source(%dma_start3A_39 : memref<20480x64xf32, #tpu.memory_space<hbm>>) target(%dma_start3A_33 : memref<128x64xf32, #tpu.memory_space<vmem>>) offsets(%dma_start3A_36 : memref<128xi32, #tpu.memory_space<vmem>>) semaphore(%arg13 : memref<!tpu.dma_semaphore, #tpu.memory_space<semaphore_mem>>)
    %dma_start3A_40 = arith.constant 3 : i32
    %dma_start3A_41 = arith.constant 3 : i32
    %dma_start3A_42 = arith.constant 0 : i32
    %dma_start3A_43 = arith.constant 0 : i32
    %dma_start3A_44 = tpu.memref_slice %arg9[%dma_start3A_41, %dma_start3A_42, %dma_start3A_43] : memref<6x128x64xf32, #tpu.memory_space<vmem>> -> memref<1x128x64xf32, #tpu.memory_space<vmem>>
    %dma_start3A_45 = tpu.memref_squeeze %dma_start3A_44 : memref<1x128x64xf32, #tpu.memory_space<vmem>> -> memref<128x64xf32, #tpu.memory_space<vmem>>
    %dma_start3A_46 = arith.constant 0 : i32
    %dma_start3A_47 = tpu.memref_slice %arg7[%dma_start3A_40, %dma_start3A_46] : memref<160x128xi32, #tpu.memory_space<vmem>> -> memref<1x128xi32, #tpu.memory_space<vmem>>
    %dma_start3A_48 = tpu.memref_squeeze %dma_start3A_47 : memref<1x128xi32, #tpu.memory_space<vmem>> -> memref<128xi32, #tpu.memory_space<vmem>>
    %dma_start3A_49 = arith.constant 0 : i32
    %dma_start3A_50 = arith.constant 0 : i32
    %dma_start3A_51 = tpu.memref_slice %arg2[%dma_start3A_49, %dma_start3A_50] : memref<20480x64xf32, #tpu.memory_space<hbm>> -> memref<20480x64xf32, #tpu.memory_space<hbm>>
    tpu.enqueue_indirect_dma source(%dma_start3A_51 : memref<20480x64xf32, #tpu.memory_space<hbm>>) target(%dma_start3A_45 : memref<128x64xf32, #tpu.memory_space<vmem>>) offsets(%dma_start3A_48 : memref<128xi32, #tpu.memory_space<vmem>>) semaphore(%arg14 : memref<!tpu.dma_semaphore, #tpu.memory_space<semaphore_mem>>)
    %dma_wait3A = arith.constant 0 : i32
    %dma_wait3A_52 = arith.constant 0 : i32
    %dma_wait3A_53 = arith.constant 0 : i32
    %dma_wait3A_54 = arith.constant 0 : i32
    %dma_wait3A_55 = tpu.memref_slice %arg9[%dma_wait3A_52, %dma_wait3A_53, %dma_wait3A_54] : memref<6x128x64xf32, #tpu.memory_space<vmem>> -> memref<1x128x64xf32, #tpu.memory_space<vmem>>
    %dma_wait3A_56 = tpu.memref_squeeze %dma_wait3A_55 : memref<1x128x64xf32, #tpu.memory_space<vmem>> -> memref<128x64xf32, #tpu.memory_space<vmem>>
    %dma_wait3A_57 = arith.constant 0 : i32
    %dma_wait3A_58 = tpu.memref_slice %arg7[%dma_wait3A, %dma_wait3A_57] : memref<160x128xi32, #tpu.memory_space<vmem>> -> memref<1x128xi32, #tpu.memory_space<vmem>>
    %dma_wait3A_59 = tpu.memref_squeeze %dma_wait3A_58 : memref<1x128xi32, #tpu.memory_space<vmem>> -> memref<128xi32, #tpu.memory_space<vmem>>
    %dma_wait3A_60 = arith.constant 0 : i32
    %dma_wait3A_61 = arith.constant 0 : i32
    %dma_wait3A_62 = tpu.memref_slice %arg2[%dma_wait3A_60, %dma_wait3A_61] : memref<20480x64xf32, #tpu.memory_space<hbm>> -> memref<20480x64xf32, #tpu.memory_space<hbm>>
    tpu.wait_indirect_dma semaphore(%arg11 : memref<!tpu.dma_semaphore, #tpu.memory_space<semaphore_mem>>) src(%dma_wait3A_62 : memref<20480x64xf32, #tpu.memory_space<hbm>>) dst(%dma_wait3A_56 : memref<128x64xf32, #tpu.memory_space<vmem>>)
    %dma_start3A_63 = arith.constant 0 : i32
    %dma_start3A_64 = arith.constant 0 : i32
    %dma_start3A_65 = arith.constant 0 : i32
    %dma_start3A_66 = arith.constant 0 : i32
    %dma_start3A_67 = tpu.memref_slice %arg9[%dma_start3A_63, %dma_start3A_65, %dma_start3A_66] : memref<6x128x64xf32, #tpu.memory_space<vmem>> -> memref<1x128x64xf32, #tpu.memory_space<vmem>>
    %dma_start3A_68 = tpu.memref_squeeze %dma_start3A_67 : memref<1x128x64xf32, #tpu.memory_space<vmem>> -> memref<128x64xf32, #tpu.memory_space<vmem>>
    %dma_start3A_69 = arith.constant 0 : i32
    %dma_start3A_70 = tpu.memref_slice %arg8[%dma_start3A_64, %dma_start3A_69] : memref<160x128xi32, #tpu.memory_space<vmem>> -> memref<1x128xi32, #tpu.memory_space<vmem>>
    %dma_start3A_71 = tpu.memref_squeeze %dma_start3A_70 : memref<1x128xi32, #tpu.memory_space<vmem>> -> memref<128xi32, #tpu.memory_space<vmem>>
    %dma_start3A_72 = arith.constant 0 : i32
    %dma_start3A_73 = arith.constant 0 : i32
    %dma_start3A_74 = tpu.memref_slice %arg10[%dma_start3A_72, %dma_start3A_73] : memref<10240x64xf32, #tpu.memory_space<vmem_shared>> -> memref<10240x64xf32, #tpu.memory_space<vmem_shared>>
    tpu.enqueue_indirect_dma source(%dma_start3A_68 : memref<128x64xf32, #tpu.memory_space<vmem>>) target(%dma_start3A_74 : memref<10240x64xf32, #tpu.memory_space<vmem_shared>>) offsets(%dma_start3A_71 : memref<128xi32, #tpu.memory_space<vmem>>) semaphore(%arg17 : memref<!tpu.dma_semaphore, #tpu.memory_space<semaphore_mem>>) {add = true}
    %dma_start3A_75 = arith.constant 4 : i32
    %dma_start3A_76 = arith.constant 4 : i32
    %dma_start3A_77 = arith.constant 0 : i32
    %dma_start3A_78 = arith.constant 0 : i32
    %dma_start3A_79 = tpu.memref_slice %arg9[%dma_start3A_76, %dma_start3A_77, %dma_start3A_78] : memref<6x128x64xf32, #tpu.memory_space<vmem>> -> memref<1x128x64xf32, #tpu.memory_space<vmem>>
    %dma_start3A_80 = tpu.memref_squeeze %dma_start3A_79 : memref<1x128x64xf32, #tpu.memory_space<vmem>> -> memref<128x64xf32, #tpu.memory_space<vmem>>
    %dma_start3A_81 = arith.constant 0 : i32
    %dma_start3A_82 = tpu.memref_slice %arg7[%dma_start3A_75, %dma_start3A_81] : memref<160x128xi32, #tpu.memory_space<vmem>> -> memref<1x128xi32, #tpu.memory_space<vmem>>
    %dma_start3A_83 = tpu.memref_squeeze %dma_start3A_82 : memref<1x128xi32, #tpu.memory_space<vmem>> -> memref<128xi32, #tpu.memory_space<vmem>>
    %dma_start3A_84 = arith.constant 0 : i32
    %dma_start3A_85 = arith.constant 0 : i32
    %dma_start3A_86 = tpu.memref_slice %arg2[%dma_start3A_84, %dma_start3A_85] : memref<20480x64xf32, #tpu.memory_space<hbm>> -> memref<20480x64xf32, #tpu.memory_space<hbm>>
    tpu.enqueue_indirect_dma source(%dma_start3A_86 : memref<20480x64xf32, #tpu.memory_space<hbm>>) target(%dma_start3A_80 : memref<128x64xf32, #tpu.memory_space<vmem>>) offsets(%dma_start3A_83 : memref<128xi32, #tpu.memory_space<vmem>>) semaphore(%arg15 : memref<!tpu.dma_semaphore, #tpu.memory_space<semaphore_mem>>)
    %dma_wait3A_87 = arith.constant 0 : i32
    %dma_wait3A_88 = arith.constant 1 : i32
    %dma_wait3A_89 = arith.constant 0 : i32
    %dma_wait3A_90 = arith.constant 0 : i32
    %dma_wait3A_91 = tpu.memref_slice %arg9[%dma_wait3A_88, %dma_wait3A_89, %dma_wait3A_90] : memref<6x128x64xf32, #tpu.memory_space<vmem>> -> memref<1x128x64xf32, #tpu.memory_space<vmem>>
    %dma_wait3A_92 = tpu.memref_squeeze %dma_wait3A_91 : memref<1x128x64xf32, #tpu.memory_space<vmem>> -> memref<128x64xf32, #tpu.memory_space<vmem>>
    %dma_wait3A_93 = arith.constant 0 : i32
    %dma_wait3A_94 = tpu.memref_slice %arg7[%dma_wait3A_87, %dma_wait3A_93] : memref<160x128xi32, #tpu.memory_space<vmem>> -> memref<1x128xi32, #tpu.memory_space<vmem>>
    %dma_wait3A_95 = tpu.memref_squeeze %dma_wait3A_94 : memref<1x128xi32, #tpu.memory_space<vmem>> -> memref<128xi32, #tpu.memory_space<vmem>>
    %dma_wait3A_96 = arith.constant 0 : i32
    %dma_wait3A_97 = arith.constant 0 : i32
    %dma_wait3A_98 = tpu.memref_slice %arg2[%dma_wait3A_96, %dma_wait3A_97] : memref<20480x64xf32, #tpu.memory_space<hbm>> -> memref<20480x64xf32, #tpu.memory_space<hbm>>
    tpu.wait_indirect_dma semaphore(%arg12 : memref<!tpu.dma_semaphore, #tpu.memory_space<semaphore_mem>>) src(%dma_wait3A_98 : memref<20480x64xf32, #tpu.memory_space<hbm>>) dst(%dma_wait3A_92 : memref<128x64xf32, #tpu.memory_space<vmem>>)
    %dma_start3A_99 = arith.constant 1 : i32
    %dma_start3A_100 = arith.constant 1 : i32
    %dma_start3A_101 = arith.constant 0 : i32
    %dma_start3A_102 = arith.constant 0 : i32
    %dma_start3A_103 = tpu.memref_slice %arg9[%dma_start3A_99, %dma_start3A_101, %dma_start3A_102] : memref<6x128x64xf32, #tpu.memory_space<vmem>> -> memref<1x128x64xf32, #tpu.memory_space<vmem>>
    %dma_start3A_104 = tpu.memref_squeeze %dma_start3A_103 : memref<1x128x64xf32, #tpu.memory_space<vmem>> -> memref<128x64xf32, #tpu.memory_space<vmem>>
    %dma_start3A_105 = arith.constant 0 : i32
    %dma_start3A_106 = tpu.memref_slice %arg8[%dma_start3A_100, %dma_start3A_105] : memref<160x128xi32, #tpu.memory_space<vmem>> -> memref<1x128xi32, #tpu.memory_space<vmem>>
    %dma_start3A_107 = tpu.memref_squeeze %dma_start3A_106 : memref<1x128xi32, #tpu.memory_space<vmem>> -> memref<128xi32, #tpu.memory_space<vmem>>
    %dma_start3A_108 = arith.constant 0 : i32
    %dma_start3A_109 = arith.constant 0 : i32
    %dma_start3A_110 = tpu.memref_slice %arg10[%dma_start3A_108, %dma_start3A_109] : memref<10240x64xf32, #tpu.memory_space<vmem_shared>> -> memref<10240x64xf32, #tpu.memory_space<vmem_shared>>
    tpu.enqueue_indirect_dma source(%dma_start3A_104 : memref<128x64xf32, #tpu.memory_space<vmem>>) target(%dma_start3A_110 : memref<10240x64xf32, #tpu.memory_space<vmem_shared>>) offsets(%dma_start3A_107 : memref<128xi32, #tpu.memory_space<vmem>>) semaphore(%arg18 : memref<!tpu.dma_semaphore, #tpu.memory_space<semaphore_mem>>) {add = true}
    %dma_start3A_111 = arith.constant 5 : i32
    %dma_start3A_112 = arith.constant 5 : i32
    %dma_start3A_113 = arith.constant 0 : i32
    %dma_start3A_114 = arith.constant 0 : i32
    %dma_start3A_115 = tpu.memref_slice %arg9[%dma_start3A_112, %dma_start3A_113, %dma_start3A_114] : memref<6x128x64xf32, #tpu.memory_space<vmem>> -> memref<1x128x64xf32, #tpu.memory_space<vmem>>
    %dma_start3A_116 = tpu.memref_squeeze %dma_start3A_115 : memref<1x128x64xf32, #tpu.memory_space<vmem>> -> memref<128x64xf32, #tpu.memory_space<vmem>>
    %dma_start3A_117 = arith.constant 0 : i32
    %dma_start3A_118 = tpu.memref_slice %arg7[%dma_start3A_111, %dma_start3A_117] : memref<160x128xi32, #tpu.memory_space<vmem>> -> memref<1x128xi32, #tpu.memory_space<vmem>>
    %dma_start3A_119 = tpu.memref_squeeze %dma_start3A_118 : memref<1x128xi32, #tpu.memory_space<vmem>> -> memref<128xi32, #tpu.memory_space<vmem>>
    %dma_start3A_120 = arith.constant 0 : i32
    %dma_start3A_121 = arith.constant 0 : i32
    %dma_start3A_122 = tpu.memref_slice %arg2[%dma_start3A_120, %dma_start3A_121] : memref<20480x64xf32, #tpu.memory_space<hbm>> -> memref<20480x64xf32, #tpu.memory_space<hbm>>
    tpu.enqueue_indirect_dma source(%dma_start3A_122 : memref<20480x64xf32, #tpu.memory_space<hbm>>) target(%dma_start3A_116 : memref<128x64xf32, #tpu.memory_space<vmem>>) offsets(%dma_start3A_119 : memref<128xi32, #tpu.memory_space<vmem>>) semaphore(%arg16 : memref<!tpu.dma_semaphore, #tpu.memory_space<semaphore_mem>>)
    %scan3A = arith.constant 0 : i32
    %scan3A_123 = arith.constant 0 : i32
    %scan3A_124 = arith.constant 25 : i32
    %scan3A_125 = arith.addi %scan3A_123, %scan3A_124 : i32
    %scan3A_126 = arith.constant 1 : i32
    scf.for %scan3A_489 = %scan3A_123 to %scan3A_125 step %scan3A_126  : i32 {
      %mul3A_490 = arith.constant 6 : i32
      %mul3A_491 = arith.muli %mul3A_490, %scan3A_489 : i32
      %add3A = arith.constant 2 : i32
      %add3A_492 = arith.addi %mul3A_491, %add3A : i32
      %add3A_493 = arith.constant 0 : i32
      %add3A_494 = arith.addi %add3A_492, %add3A_493 : i32
      %dma_wait3A_495 = arith.constant 0 : i32
      %dma_wait3A_496 = arith.constant 2 : i32
      %dma_wait3A_497 = arith.constant 0 : i32
      %dma_wait3A_498 = arith.constant 0 : i32
      %dma_wait3A_499 = tpu.memref_slice %arg9[%dma_wait3A_496, %dma_wait3A_497, %dma_wait3A_498] : memref<6x128x64xf32, #tpu.memory_space<vmem>> -> memref<1x128x64xf32, #tpu.memory_space<vmem>>
      %dma_wait3A_500 = tpu.memref_squeeze %dma_wait3A_499 : memref<1x128x64xf32, #tpu.memory_space<vmem>> -> memref<128x64xf32, #tpu.memory_space<vmem>>
      %dma_wait3A_501 = arith.constant 0 : i32
      %dma_wait3A_502 = tpu.memref_slice %arg7[%dma_wait3A_495, %dma_wait3A_501] : memref<160x128xi32, #tpu.memory_space<vmem>> -> memref<1x128xi32, #tpu.memory_space<vmem>>
      %dma_wait3A_503 = tpu.memref_squeeze %dma_wait3A_502 : memref<1x128xi32, #tpu.memory_space<vmem>> -> memref<128xi32, #tpu.memory_space<vmem>>
      %dma_wait3A_504 = arith.constant 0 : i32
      %dma_wait3A_505 = arith.constant 0 : i32
      %dma_wait3A_506 = tpu.memref_slice %arg2[%dma_wait3A_504, %dma_wait3A_505] : memref<20480x64xf32, #tpu.memory_space<hbm>> -> memref<20480x64xf32, #tpu.memory_space<hbm>>
      tpu.wait_indirect_dma semaphore(%arg13 : memref<!tpu.dma_semaphore, #tpu.memory_space<semaphore_mem>>) src(%dma_wait3A_506 : memref<20480x64xf32, #tpu.memory_space<hbm>>) dst(%dma_wait3A_500 : memref<128x64xf32, #tpu.memory_space<vmem>>)
      %dma_start3A_507 = arith.constant 2 : i32
      %dma_start3A_508 = arith.constant 0 : i32
      %dma_start3A_509 = arith.constant 0 : i32
      %dma_start3A_510 = tpu.memref_slice %arg9[%dma_start3A_507, %dma_start3A_508, %dma_start3A_509] : memref<6x128x64xf32, #tpu.memory_space<vmem>> -> memref<1x128x64xf32, #tpu.memory_space<vmem>>
      %dma_start3A_511 = tpu.memref_squeeze %dma_start3A_510 : memref<1x128x64xf32, #tpu.memory_space<vmem>> -> memref<128x64xf32, #tpu.memory_space<vmem>>
      %dma_start3A_512 = arith.constant 0 : i32
      %dma_start3A_513 = tpu.memref_slice %arg8[%add3A_494, %dma_start3A_512] : memref<160x128xi32, #tpu.memory_space<vmem>> -> memref<1x128xi32, #tpu.memory_space<vmem>>
      %dma_start3A_514 = tpu.memref_squeeze %dma_start3A_513 : memref<1x128xi32, #tpu.memory_space<vmem>> -> memref<128xi32, #tpu.memory_space<vmem>>
      %dma_start3A_515 = arith.constant 0 : i32
      %dma_start3A_516 = arith.constant 0 : i32
      %dma_start3A_517 = tpu.memref_slice %arg10[%dma_start3A_515, %dma_start3A_516] : memref<10240x64xf32, #tpu.memory_space<vmem_shared>> -> memref<10240x64xf32, #tpu.memory_space<vmem_shared>>
      tpu.enqueue_indirect_dma source(%dma_start3A_511 : memref<128x64xf32, #tpu.memory_space<vmem>>) target(%dma_start3A_517 : memref<10240x64xf32, #tpu.memory_space<vmem_shared>>) offsets(%dma_start3A_514 : memref<128xi32, #tpu.memory_space<vmem>>) semaphore(%arg19 : memref<!tpu.dma_semaphore, #tpu.memory_space<semaphore_mem>>) {add = true}
      %dma_wait3A_518 = arith.constant 0 : i32
      %dma_wait3A_519 = arith.constant 0 : i32
      %dma_wait3A_520 = arith.constant 0 : i32
      %dma_wait3A_521 = arith.constant 0 : i32
      %dma_wait3A_522 = tpu.memref_slice %arg9[%dma_wait3A_518, %dma_wait3A_520, %dma_wait3A_521] : memref<6x128x64xf32, #tpu.memory_space<vmem>> -> memref<1x128x64xf32, #tpu.memory_space<vmem>>
      %dma_wait3A_523 = tpu.memref_squeeze %dma_wait3A_522 : memref<1x128x64xf32, #tpu.memory_space<vmem>> -> memref<128x64xf32, #tpu.memory_space<vmem>>
      %dma_wait3A_524 = arith.constant 0 : i32
      %dma_wait3A_525 = tpu.memref_slice %arg8[%dma_wait3A_519, %dma_wait3A_524] : memref<160x128xi32, #tpu.memory_space<vmem>> -> memref<1x128xi32, #tpu.memory_space<vmem>>
      %dma_wait3A_526 = tpu.memref_squeeze %dma_wait3A_525 : memref<1x128xi32, #tpu.memory_space<vmem>> -> memref<128xi32, #tpu.memory_space<vmem>>
      %dma_wait3A_527 = arith.constant 0 : i32
      %dma_wait3A_528 = arith.constant 0 : i32
      %dma_wait3A_529 = tpu.memref_slice %arg10[%dma_wait3A_527, %dma_wait3A_528] : memref<10240x64xf32, #tpu.memory_space<vmem_shared>> -> memref<10240x64xf32, #tpu.memory_space<vmem_shared>>
      tpu.wait_indirect_dma semaphore(%arg17 : memref<!tpu.dma_semaphore, #tpu.memory_space<semaphore_mem>>) src(%dma_wait3A_523 : memref<128x64xf32, #tpu.memory_space<vmem>>) dst(%dma_wait3A_529 : memref<10240x64xf32, #tpu.memory_space<vmem_shared>>)
      %add3A_530 = arith.constant 4 : i32
      %add3A_531 = arith.addi %add3A_494, %add3A_530 : i32
      %dma_start3A_532 = arith.constant 0 : i32
      %dma_start3A_533 = arith.constant 0 : i32
      %dma_start3A_534 = arith.constant 0 : i32
      %dma_start3A_535 = tpu.memref_slice %arg9[%dma_start3A_532, %dma_start3A_533, %dma_start3A_534] : memref<6x128x64xf32, #tpu.memory_space<vmem>> -> memref<1x128x64xf32, #tpu.memory_space<vmem>>
      %dma_start3A_536 = tpu.memref_squeeze %dma_start3A_535 : memref<1x128x64xf32, #tpu.memory_space<vmem>> -> memref<128x64xf32, #tpu.memory_space<vmem>>
      %dma_start3A_537 = arith.constant 0 : i32
      %dma_start3A_538 = tpu.memref_slice %arg7[%add3A_531, %dma_start3A_537] : memref<160x128xi32, #tpu.memory_space<vmem>> -> memref<1x128xi32, #tpu.memory_space<vmem>>
      %dma_start3A_539 = tpu.memref_squeeze %dma_start3A_538 : memref<1x128xi32, #tpu.memory_space<vmem>> -> memref<128xi32, #tpu.memory_space<vmem>>
      %dma_start3A_540 = arith.constant 0 : i32
      %dma_start3A_541 = arith.constant 0 : i32
      %dma_start3A_542 = tpu.memref_slice %arg2[%dma_start3A_540, %dma_start3A_541] : memref<20480x64xf32, #tpu.memory_space<hbm>> -> memref<20480x64xf32, #tpu.memory_space<hbm>>
      tpu.enqueue_indirect_dma source(%dma_start3A_542 : memref<20480x64xf32, #tpu.memory_space<hbm>>) target(%dma_start3A_536 : memref<128x64xf32, #tpu.memory_space<vmem>>) offsets(%dma_start3A_539 : memref<128xi32, #tpu.memory_space<vmem>>) semaphore(%arg11 : memref<!tpu.dma_semaphore, #tpu.memory_space<semaphore_mem>>)
      %mul3A_543 = arith.constant 6 : i32
      %mul3A_544 = arith.muli %mul3A_543, %scan3A_489 : i32
      %add3A_545 = arith.constant 2 : i32
      %add3A_546 = arith.addi %mul3A_544, %add3A_545 : i32
      %add3A_547 = arith.constant 1 : i32
      %add3A_548 = arith.addi %add3A_546, %add3A_547 : i32
      %dma_wait3A_549 = arith.constant 0 : i32
      %dma_wait3A_550 = arith.constant 3 : i32
      %dma_wait3A_551 = arith.constant 0 : i32
      %dma_wait3A_552 = arith.constant 0 : i32
      %dma_wait3A_553 = tpu.memref_slice %arg9[%dma_wait3A_550, %dma_wait3A_551, %dma_wait3A_552] : memref<6x128x64xf32, #tpu.memory_space<vmem>> -> memref<1x128x64xf32, #tpu.memory_space<vmem>>
      %dma_wait3A_554 = tpu.memref_squeeze %dma_wait3A_553 : memref<1x128x64xf32, #tpu.memory_space<vmem>> -> memref<128x64xf32, #tpu.memory_space<vmem>>
      %dma_wait3A_555 = arith.constant 0 : i32
      %dma_wait3A_556 = tpu.memref_slice %arg7[%dma_wait3A_549, %dma_wait3A_555] : memref<160x128xi32, #tpu.memory_space<vmem>> -> memref<1x128xi32, #tpu.memory_space<vmem>>
      %dma_wait3A_557 = tpu.memref_squeeze %dma_wait3A_556 : memref<1x128xi32, #tpu.memory_space<vmem>> -> memref<128xi32, #tpu.memory_space<vmem>>
      %dma_wait3A_558 = arith.constant 0 : i32
      %dma_wait3A_559 = arith.constant 0 : i32
      %dma_wait3A_560 = tpu.memref_slice %arg2[%dma_wait3A_558, %dma_wait3A_559] : memref<20480x64xf32, #tpu.memory_space<hbm>> -> memref<20480x64xf32, #tpu.memory_space<hbm>>
      tpu.wait_indirect_dma semaphore(%arg14 : memref<!tpu.dma_semaphore, #tpu.memory_space<semaphore_mem>>) src(%dma_wait3A_560 : memref<20480x64xf32, #tpu.memory_space<hbm>>) dst(%dma_wait3A_554 : memref<128x64xf32, #tpu.memory_space<vmem>>)
      %dma_start3A_561 = arith.constant 3 : i32
      %dma_start3A_562 = arith.constant 0 : i32
      %dma_start3A_563 = arith.constant 0 : i32
      %dma_start3A_564 = tpu.memref_slice %arg9[%dma_start3A_561, %dma_start3A_562, %dma_start3A_563] : memref<6x128x64xf32, #tpu.memory_space<vmem>> -> memref<1x128x64xf32, #tpu.memory_space<vmem>>
      %dma_start3A_565 = tpu.memref_squeeze %dma_start3A_564 : memref<1x128x64xf32, #tpu.memory_space<vmem>> -> memref<128x64xf32, #tpu.memory_space<vmem>>
      %dma_start3A_566 = arith.constant 0 : i32
      %dma_start3A_567 = tpu.memref_slice %arg8[%add3A_548, %dma_start3A_566] : memref<160x128xi32, #tpu.memory_space<vmem>> -> memref<1x128xi32, #tpu.memory_space<vmem>>
      %dma_start3A_568 = tpu.memref_squeeze %dma_start3A_567 : memref<1x128xi32, #tpu.memory_space<vmem>> -> memref<128xi32, #tpu.memory_space<vmem>>
      %dma_start3A_569 = arith.constant 0 : i32
      %dma_start3A_570 = arith.constant 0 : i32
      %dma_start3A_571 = tpu.memref_slice %arg10[%dma_start3A_569, %dma_start3A_570] : memref<10240x64xf32, #tpu.memory_space<vmem_shared>> -> memref<10240x64xf32, #tpu.memory_space<vmem_shared>>
      tpu.enqueue_indirect_dma source(%dma_start3A_565 : memref<128x64xf32, #tpu.memory_space<vmem>>) target(%dma_start3A_571 : memref<10240x64xf32, #tpu.memory_space<vmem_shared>>) offsets(%dma_start3A_568 : memref<128xi32, #tpu.memory_space<vmem>>) semaphore(%arg20 : memref<!tpu.dma_semaphore, #tpu.memory_space<semaphore_mem>>) {add = true}
      %dma_wait3A_572 = arith.constant 1 : i32
      %dma_wait3A_573 = arith.constant 0 : i32
      %dma_wait3A_574 = arith.constant 0 : i32
      %dma_wait3A_575 = arith.constant 0 : i32
      %dma_wait3A_576 = tpu.memref_slice %arg9[%dma_wait3A_572, %dma_wait3A_574, %dma_wait3A_575] : memref<6x128x64xf32, #tpu.memory_space<vmem>> -> memref<1x128x64xf32, #tpu.memory_space<vmem>>
      %dma_wait3A_577 = tpu.memref_squeeze %dma_wait3A_576 : memref<1x128x64xf32, #tpu.memory_space<vmem>> -> memref<128x64xf32, #tpu.memory_space<vmem>>
      %dma_wait3A_578 = arith.constant 0 : i32
      %dma_wait3A_579 = tpu.memref_slice %arg8[%dma_wait3A_573, %dma_wait3A_578] : memref<160x128xi32, #tpu.memory_space<vmem>> -> memref<1x128xi32, #tpu.memory_space<vmem>>
      %dma_wait3A_580 = tpu.memref_squeeze %dma_wait3A_579 : memref<1x128xi32, #tpu.memory_space<vmem>> -> memref<128xi32, #tpu.memory_space<vmem>>
      %dma_wait3A_581 = arith.constant 0 : i32
      %dma_wait3A_582 = arith.constant 0 : i32
      %dma_wait3A_583 = tpu.memref_slice %arg10[%dma_wait3A_581, %dma_wait3A_582] : memref<10240x64xf32, #tpu.memory_space<vmem_shared>> -> memref<10240x64xf32, #tpu.memory_space<vmem_shared>>
      tpu.wait_indirect_dma semaphore(%arg18 : memref<!tpu.dma_semaphore, #tpu.memory_space<semaphore_mem>>) src(%dma_wait3A_577 : memref<128x64xf32, #tpu.memory_space<vmem>>) dst(%dma_wait3A_583 : memref<10240x64xf32, #tpu.memory_space<vmem_shared>>)
      %add3A_584 = arith.constant 4 : i32
      %add3A_585 = arith.addi %add3A_548, %add3A_584 : i32
      %dma_start3A_586 = arith.constant 1 : i32
      %dma_start3A_587 = arith.constant 0 : i32
      %dma_start3A_588 = arith.constant 0 : i32
      %dma_start3A_589 = tpu.memref_slice %arg9[%dma_start3A_586, %dma_start3A_587, %dma_start3A_588] : memref<6x128x64xf32, #tpu.memory_space<vmem>> -> memref<1x128x64xf32, #tpu.memory_space<vmem>>
      %dma_start3A_590 = tpu.memref_squeeze %dma_start3A_589 : memref<1x128x64xf32, #tpu.memory_space<vmem>> -> memref<128x64xf32, #tpu.memory_space<vmem>>
      %dma_start3A_591 = arith.constant 0 : i32
      %dma_start3A_592 = tpu.memref_slice %arg7[%add3A_585, %dma_start3A_591] : memref<160x128xi32, #tpu.memory_space<vmem>> -> memref<1x128xi32, #tpu.memory_space<vmem>>
      %dma_start3A_593 = tpu.memref_squeeze %dma_start3A_592 : memref<1x128xi32, #tpu.memory_space<vmem>> -> memref<128xi32, #tpu.memory_space<vmem>>
      %dma_start3A_594 = arith.constant 0 : i32
      %dma_start3A_595 = arith.constant 0 : i32
      %dma_start3A_596 = tpu.memref_slice %arg2[%dma_start3A_594, %dma_start3A_595] : memref<20480x64xf32, #tpu.memory_space<hbm>> -> memref<20480x64xf32, #tpu.memory_space<hbm>>
      tpu.enqueue_indirect_dma source(%dma_start3A_596 : memref<20480x64xf32, #tpu.memory_space<hbm>>) target(%dma_start3A_590 : memref<128x64xf32, #tpu.memory_space<vmem>>) offsets(%dma_start3A_593 : memref<128xi32, #tpu.memory_space<vmem>>) semaphore(%arg12 : memref<!tpu.dma_semaphore, #tpu.memory_space<semaphore_mem>>)
      %mul3A_597 = arith.constant 6 : i32
      %mul3A_598 = arith.muli %mul3A_597, %scan3A_489 : i32
      %add3A_599 = arith.constant 2 : i32
      %add3A_600 = arith.addi %mul3A_598, %add3A_599 : i32
      %add3A_601 = arith.constant 2 : i32
      %add3A_602 = arith.addi %add3A_600, %add3A_601 : i32
      %dma_wait3A_603 = arith.constant 0 : i32
      %dma_wait3A_604 = arith.constant 4 : i32
      %dma_wait3A_605 = arith.constant 0 : i32
      %dma_wait3A_606 = arith.constant 0 : i32
      %dma_wait3A_607 = tpu.memref_slice %arg9[%dma_wait3A_604, %dma_wait3A_605, %dma_wait3A_606] : memref<6x128x64xf32, #tpu.memory_space<vmem>> -> memref<1x128x64xf32, #tpu.memory_space<vmem>>
      %dma_wait3A_608 = tpu.memref_squeeze %dma_wait3A_607 : memref<1x128x64xf32, #tpu.memory_space<vmem>> -> memref<128x64xf32, #tpu.memory_space<vmem>>
      %dma_wait3A_609 = arith.constant 0 : i32
      %dma_wait3A_610 = tpu.memref_slice %arg7[%dma_wait3A_603, %dma_wait3A_609] : memref<160x128xi32, #tpu.memory_space<vmem>> -> memref<1x128xi32, #tpu.memory_space<vmem>>
      %dma_wait3A_611 = tpu.memref_squeeze %dma_wait3A_610 : memref<1x128xi32, #tpu.memory_space<vmem>> -> memref<128xi32, #tpu.memory_space<vmem>>
      %dma_wait3A_612 = arith.constant 0 : i32
      %dma_wait3A_613 = arith.constant 0 : i32
      %dma_wait3A_614 = tpu.memref_slice %arg2[%dma_wait3A_612, %dma_wait3A_613] : memref<20480x64xf32, #tpu.memory_space<hbm>> -> memref<20480x64xf32, #tpu.memory_space<hbm>>
      tpu.wait_indirect_dma semaphore(%arg15 : memref<!tpu.dma_semaphore, #tpu.memory_space<semaphore_mem>>) src(%dma_wait3A_614 : memref<20480x64xf32, #tpu.memory_space<hbm>>) dst(%dma_wait3A_608 : memref<128x64xf32, #tpu.memory_space<vmem>>)
      %dma_start3A_615 = arith.constant 4 : i32
      %dma_start3A_616 = arith.constant 0 : i32
      %dma_start3A_617 = arith.constant 0 : i32
      %dma_start3A_618 = tpu.memref_slice %arg9[%dma_start3A_615, %dma_start3A_616, %dma_start3A_617] : memref<6x128x64xf32, #tpu.memory_space<vmem>> -> memref<1x128x64xf32, #tpu.memory_space<vmem>>
      %dma_start3A_619 = tpu.memref_squeeze %dma_start3A_618 : memref<1x128x64xf32, #tpu.memory_space<vmem>> -> memref<128x64xf32, #tpu.memory_space<vmem>>
      %dma_start3A_620 = arith.constant 0 : i32
      %dma_start3A_621 = tpu.memref_slice %arg8[%add3A_602, %dma_start3A_620] : memref<160x128xi32, #tpu.memory_space<vmem>> -> memref<1x128xi32, #tpu.memory_space<vmem>>
      %dma_start3A_622 = tpu.memref_squeeze %dma_start3A_621 : memref<1x128xi32, #tpu.memory_space<vmem>> -> memref<128xi32, #tpu.memory_space<vmem>>
      %dma_start3A_623 = arith.constant 0 : i32
      %dma_start3A_624 = arith.constant 0 : i32
      %dma_start3A_625 = tpu.memref_slice %arg10[%dma_start3A_623, %dma_start3A_624] : memref<10240x64xf32, #tpu.memory_space<vmem_shared>> -> memref<10240x64xf32, #tpu.memory_space<vmem_shared>>
      tpu.enqueue_indirect_dma source(%dma_start3A_619 : memref<128x64xf32, #tpu.memory_space<vmem>>) target(%dma_start3A_625 : memref<10240x64xf32, #tpu.memory_space<vmem_shared>>) offsets(%dma_start3A_622 : memref<128xi32, #tpu.memory_space<vmem>>) semaphore(%arg21 : memref<!tpu.dma_semaphore, #tpu.memory_space<semaphore_mem>>) {add = true}
      %dma_wait3A_626 = arith.constant 2 : i32
      %dma_wait3A_627 = arith.constant 0 : i32
      %dma_wait3A_628 = arith.constant 0 : i32
      %dma_wait3A_629 = arith.constant 0 : i32
      %dma_wait3A_630 = tpu.memref_slice %arg9[%dma_wait3A_626, %dma_wait3A_628, %dma_wait3A_629] : memref<6x128x64xf32, #tpu.memory_space<vmem>> -> memref<1x128x64xf32, #tpu.memory_space<vmem>>
      %dma_wait3A_631 = tpu.memref_squeeze %dma_wait3A_630 : memref<1x128x64xf32, #tpu.memory_space<vmem>> -> memref<128x64xf32, #tpu.memory_space<vmem>>
      %dma_wait3A_632 = arith.constant 0 : i32
      %dma_wait3A_633 = tpu.memref_slice %arg8[%dma_wait3A_627, %dma_wait3A_632] : memref<160x128xi32, #tpu.memory_space<vmem>> -> memref<1x128xi32, #tpu.memory_space<vmem>>
      %dma_wait3A_634 = tpu.memref_squeeze %dma_wait3A_633 : memref<1x128xi32, #tpu.memory_space<vmem>> -> memref<128xi32, #tpu.memory_space<vmem>>
      %dma_wait3A_635 = arith.constant 0 : i32
      %dma_wait3A_636 = arith.constant 0 : i32
      %dma_wait3A_637 = tpu.memref_slice %arg10[%dma_wait3A_635, %dma_wait3A_636] : memref<10240x64xf32, #tpu.memory_space<vmem_shared>> -> memref<10240x64xf32, #tpu.memory_space<vmem_shared>>
      tpu.wait_indirect_dma semaphore(%arg19 : memref<!tpu.dma_semaphore, #tpu.memory_space<semaphore_mem>>) src(%dma_wait3A_631 : memref<128x64xf32, #tpu.memory_space<vmem>>) dst(%dma_wait3A_637 : memref<10240x64xf32, #tpu.memory_space<vmem_shared>>)
      %add3A_638 = arith.constant 4 : i32
      %add3A_639 = arith.addi %add3A_602, %add3A_638 : i32
      %dma_start3A_640 = arith.constant 2 : i32
      %dma_start3A_641 = arith.constant 0 : i32
      %dma_start3A_642 = arith.constant 0 : i32
      %dma_start3A_643 = tpu.memref_slice %arg9[%dma_start3A_640, %dma_start3A_641, %dma_start3A_642] : memref<6x128x64xf32, #tpu.memory_space<vmem>> -> memref<1x128x64xf32, #tpu.memory_space<vmem>>
      %dma_start3A_644 = tpu.memref_squeeze %dma_start3A_643 : memref<1x128x64xf32, #tpu.memory_space<vmem>> -> memref<128x64xf32, #tpu.memory_space<vmem>>
      %dma_start3A_645 = arith.constant 0 : i32
      %dma_start3A_646 = tpu.memref_slice %arg7[%add3A_639, %dma_start3A_645] : memref<160x128xi32, #tpu.memory_space<vmem>> -> memref<1x128xi32, #tpu.memory_space<vmem>>
      %dma_start3A_647 = tpu.memref_squeeze %dma_start3A_646 : memref<1x128xi32, #tpu.memory_space<vmem>> -> memref<128xi32, #tpu.memory_space<vmem>>
      %dma_start3A_648 = arith.constant 0 : i32
      %dma_start3A_649 = arith.constant 0 : i32
      %dma_start3A_650 = tpu.memref_slice %arg2[%dma_start3A_648, %dma_start3A_649] : memref<20480x64xf32, #tpu.memory_space<hbm>> -> memref<20480x64xf32, #tpu.memory_space<hbm>>
      tpu.enqueue_indirect_dma source(%dma_start3A_650 : memref<20480x64xf32, #tpu.memory_space<hbm>>) target(%dma_start3A_644 : memref<128x64xf32, #tpu.memory_space<vmem>>) offsets(%dma_start3A_647 : memref<128xi32, #tpu.memory_space<vmem>>) semaphore(%arg13 : memref<!tpu.dma_semaphore, #tpu.memory_space<semaphore_mem>>)
      %mul3A_651 = arith.constant 6 : i32
      %mul3A_652 = arith.muli %mul3A_651, %scan3A_489 : i32
      %add3A_653 = arith.constant 2 : i32
      %add3A_654 = arith.addi %mul3A_652, %add3A_653 : i32
      %add3A_655 = arith.constant 3 : i32
      %add3A_656 = arith.addi %add3A_654, %add3A_655 : i32
      %dma_wait3A_657 = arith.constant 0 : i32
      %dma_wait3A_658 = arith.constant 5 : i32
      %dma_wait3A_659 = arith.constant 0 : i32
      %dma_wait3A_660 = arith.constant 0 : i32
      %dma_wait3A_661 = tpu.memref_slice %arg9[%dma_wait3A_658, %dma_wait3A_659, %dma_wait3A_660] : memref<6x128x64xf32, #tpu.memory_space<vmem>> -> memref<1x128x64xf32, #tpu.memory_space<vmem>>
      %dma_wait3A_662 = tpu.memref_squeeze %dma_wait3A_661 : memref<1x128x64xf32, #tpu.memory_space<vmem>> -> memref<128x64xf32, #tpu.memory_space<vmem>>
      %dma_wait3A_663 = arith.constant 0 : i32
      %dma_wait3A_664 = tpu.memref_slice %arg7[%dma_wait3A_657, %dma_wait3A_663] : memref<160x128xi32, #tpu.memory_space<vmem>> -> memref<1x128xi32, #tpu.memory_space<vmem>>
      %dma_wait3A_665 = tpu.memref_squeeze %dma_wait3A_664 : memref<1x128xi32, #tpu.memory_space<vmem>> -> memref<128xi32, #tpu.memory_space<vmem>>
      %dma_wait3A_666 = arith.constant 0 : i32
      %dma_wait3A_667 = arith.constant 0 : i32
      %dma_wait3A_668 = tpu.memref_slice %arg2[%dma_wait3A_666, %dma_wait3A_667] : memref<20480x64xf32, #tpu.memory_space<hbm>> -> memref<20480x64xf32, #tpu.memory_space<hbm>>
      tpu.wait_indirect_dma semaphore(%arg16 : memref<!tpu.dma_semaphore, #tpu.memory_space<semaphore_mem>>) src(%dma_wait3A_668 : memref<20480x64xf32, #tpu.memory_space<hbm>>) dst(%dma_wait3A_662 : memref<128x64xf32, #tpu.memory_space<vmem>>)
      %dma_start3A_669 = arith.constant 5 : i32
      %dma_start3A_670 = arith.constant 0 : i32
      %dma_start3A_671 = arith.constant 0 : i32
      %dma_start3A_672 = tpu.memref_slice %arg9[%dma_start3A_669, %dma_start3A_670, %dma_start3A_671] : memref<6x128x64xf32, #tpu.memory_space<vmem>> -> memref<1x128x64xf32, #tpu.memory_space<vmem>>
      %dma_start3A_673 = tpu.memref_squeeze %dma_start3A_672 : memref<1x128x64xf32, #tpu.memory_space<vmem>> -> memref<128x64xf32, #tpu.memory_space<vmem>>
      %dma_start3A_674 = arith.constant 0 : i32
      %dma_start3A_675 = tpu.memref_slice %arg8[%add3A_656, %dma_start3A_674] : memref<160x128xi32, #tpu.memory_space<vmem>> -> memref<1x128xi32, #tpu.memory_space<vmem>>
      %dma_start3A_676 = tpu.memref_squeeze %dma_start3A_675 : memref<1x128xi32, #tpu.memory_space<vmem>> -> memref<128xi32, #tpu.memory_space<vmem>>
      %dma_start3A_677 = arith.constant 0 : i32
      %dma_start3A_678 = arith.constant 0 : i32
      %dma_start3A_679 = tpu.memref_slice %arg10[%dma_start3A_677, %dma_start3A_678] : memref<10240x64xf32, #tpu.memory_space<vmem_shared>> -> memref<10240x64xf32, #tpu.memory_space<vmem_shared>>
      tpu.enqueue_indirect_dma source(%dma_start3A_673 : memref<128x64xf32, #tpu.memory_space<vmem>>) target(%dma_start3A_679 : memref<10240x64xf32, #tpu.memory_space<vmem_shared>>) offsets(%dma_start3A_676 : memref<128xi32, #tpu.memory_space<vmem>>) semaphore(%arg22 : memref<!tpu.dma_semaphore, #tpu.memory_space<semaphore_mem>>) {add = true}
      %dma_wait3A_680 = arith.constant 3 : i32
      %dma_wait3A_681 = arith.constant 0 : i32
      %dma_wait3A_682 = arith.constant 0 : i32
      %dma_wait3A_683 = arith.constant 0 : i32
      %dma_wait3A_684 = tpu.memref_slice %arg9[%dma_wait3A_680, %dma_wait3A_682, %dma_wait3A_683] : memref<6x128x64xf32, #tpu.memory_space<vmem>> -> memref<1x128x64xf32, #tpu.memory_space<vmem>>
      %dma_wait3A_685 = tpu.memref_squeeze %dma_wait3A_684 : memref<1x128x64xf32, #tpu.memory_space<vmem>> -> memref<128x64xf32, #tpu.memory_space<vmem>>
      %dma_wait3A_686 = arith.constant 0 : i32
      %dma_wait3A_687 = tpu.memref_slice %arg8[%dma_wait3A_681, %dma_wait3A_686] : memref<160x128xi32, #tpu.memory_space<vmem>> -> memref<1x128xi32, #tpu.memory_space<vmem>>
      %dma_wait3A_688 = tpu.memref_squeeze %dma_wait3A_687 : memref<1x128xi32, #tpu.memory_space<vmem>> -> memref<128xi32, #tpu.memory_space<vmem>>
      %dma_wait3A_689 = arith.constant 0 : i32
      %dma_wait3A_690 = arith.constant 0 : i32
      %dma_wait3A_691 = tpu.memref_slice %arg10[%dma_wait3A_689, %dma_wait3A_690] : memref<10240x64xf32, #tpu.memory_space<vmem_shared>> -> memref<10240x64xf32, #tpu.memory_space<vmem_shared>>
      tpu.wait_indirect_dma semaphore(%arg20 : memref<!tpu.dma_semaphore, #tpu.memory_space<semaphore_mem>>) src(%dma_wait3A_685 : memref<128x64xf32, #tpu.memory_space<vmem>>) dst(%dma_wait3A_691 : memref<10240x64xf32, #tpu.memory_space<vmem_shared>>)
      %add3A_692 = arith.constant 4 : i32
      %add3A_693 = arith.addi %add3A_656, %add3A_692 : i32
      %dma_start3A_694 = arith.constant 3 : i32
      %dma_start3A_695 = arith.constant 0 : i32
      %dma_start3A_696 = arith.constant 0 : i32
      %dma_start3A_697 = tpu.memref_slice %arg9[%dma_start3A_694, %dma_start3A_695, %dma_start3A_696] : memref<6x128x64xf32, #tpu.memory_space<vmem>> -> memref<1x128x64xf32, #tpu.memory_space<vmem>>
      %dma_start3A_698 = tpu.memref_squeeze %dma_start3A_697 : memref<1x128x64xf32, #tpu.memory_space<vmem>> -> memref<128x64xf32, #tpu.memory_space<vmem>>
      %dma_start3A_699 = arith.constant 0 : i32
      %dma_start3A_700 = tpu.memref_slice %arg7[%add3A_693, %dma_start3A_699] : memref<160x128xi32, #tpu.memory_space<vmem>> -> memref<1x128xi32, #tpu.memory_space<vmem>>
      %dma_start3A_701 = tpu.memref_squeeze %dma_start3A_700 : memref<1x128xi32, #tpu.memory_space<vmem>> -> memref<128xi32, #tpu.memory_space<vmem>>
      %dma_start3A_702 = arith.constant 0 : i32
      %dma_start3A_703 = arith.constant 0 : i32
      %dma_start3A_704 = tpu.memref_slice %arg2[%dma_start3A_702, %dma_start3A_703] : memref<20480x64xf32, #tpu.memory_space<hbm>> -> memref<20480x64xf32, #tpu.memory_space<hbm>>
      tpu.enqueue_indirect_dma source(%dma_start3A_704 : memref<20480x64xf32, #tpu.memory_space<hbm>>) target(%dma_start3A_698 : memref<128x64xf32, #tpu.memory_space<vmem>>) offsets(%dma_start3A_701 : memref<128xi32, #tpu.memory_space<vmem>>) semaphore(%arg14 : memref<!tpu.dma_semaphore, #tpu.memory_space<semaphore_mem>>)
      %mul3A_705 = arith.constant 6 : i32
      %mul3A_706 = arith.muli %mul3A_705, %scan3A_489 : i32
      %add3A_707 = arith.constant 2 : i32
      %add3A_708 = arith.addi %mul3A_706, %add3A_707 : i32
      %add3A_709 = arith.constant 4 : i32
      %add3A_710 = arith.addi %add3A_708, %add3A_709 : i32
      %dma_wait3A_711 = arith.constant 0 : i32
      %dma_wait3A_712 = arith.constant 0 : i32
      %dma_wait3A_713 = arith.constant 0 : i32
      %dma_wait3A_714 = arith.constant 0 : i32
      %dma_wait3A_715 = tpu.memref_slice %arg9[%dma_wait3A_712, %dma_wait3A_713, %dma_wait3A_714] : memref<6x128x64xf32, #tpu.memory_space<vmem>> -> memref<1x128x64xf32, #tpu.memory_space<vmem>>
      %dma_wait3A_716 = tpu.memref_squeeze %dma_wait3A_715 : memref<1x128x64xf32, #tpu.memory_space<vmem>> -> memref<128x64xf32, #tpu.memory_space<vmem>>
      %dma_wait3A_717 = arith.constant 0 : i32
      %dma_wait3A_718 = tpu.memref_slice %arg7[%dma_wait3A_711, %dma_wait3A_717] : memref<160x128xi32, #tpu.memory_space<vmem>> -> memref<1x128xi32, #tpu.memory_space<vmem>>
      %dma_wait3A_719 = tpu.memref_squeeze %dma_wait3A_718 : memref<1x128xi32, #tpu.memory_space<vmem>> -> memref<128xi32, #tpu.memory_space<vmem>>
      %dma_wait3A_720 = arith.constant 0 : i32
      %dma_wait3A_721 = arith.constant 0 : i32
      %dma_wait3A_722 = tpu.memref_slice %arg2[%dma_wait3A_720, %dma_wait3A_721] : memref<20480x64xf32, #tpu.memory_space<hbm>> -> memref<20480x64xf32, #tpu.memory_space<hbm>>
      tpu.wait_indirect_dma semaphore(%arg11 : memref<!tpu.dma_semaphore, #tpu.memory_space<semaphore_mem>>) src(%dma_wait3A_722 : memref<20480x64xf32, #tpu.memory_space<hbm>>) dst(%dma_wait3A_716 : memref<128x64xf32, #tpu.memory_space<vmem>>)
      %dma_start3A_723 = arith.constant 0 : i32
      %dma_start3A_724 = arith.constant 0 : i32
      %dma_start3A_725 = arith.constant 0 : i32
      %dma_start3A_726 = tpu.memref_slice %arg9[%dma_start3A_723, %dma_start3A_724, %dma_start3A_725] : memref<6x128x64xf32, #tpu.memory_space<vmem>> -> memref<1x128x64xf32, #tpu.memory_space<vmem>>
      %dma_start3A_727 = tpu.memref_squeeze %dma_start3A_726 : memref<1x128x64xf32, #tpu.memory_space<vmem>> -> memref<128x64xf32, #tpu.memory_space<vmem>>
      %dma_start3A_728 = arith.constant 0 : i32
      %dma_start3A_729 = tpu.memref_slice %arg8[%add3A_710, %dma_start3A_728] : memref<160x128xi32, #tpu.memory_space<vmem>> -> memref<1x128xi32, #tpu.memory_space<vmem>>
      %dma_start3A_730 = tpu.memref_squeeze %dma_start3A_729 : memref<1x128xi32, #tpu.memory_space<vmem>> -> memref<128xi32, #tpu.memory_space<vmem>>
      %dma_start3A_731 = arith.constant 0 : i32
      %dma_start3A_732 = arith.constant 0 : i32
      %dma_start3A_733 = tpu.memref_slice %arg10[%dma_start3A_731, %dma_start3A_732] : memref<10240x64xf32, #tpu.memory_space<vmem_shared>> -> memref<10240x64xf32, #tpu.memory_space<vmem_shared>>
      tpu.enqueue_indirect_dma source(%dma_start3A_727 : memref<128x64xf32, #tpu.memory_space<vmem>>) target(%dma_start3A_733 : memref<10240x64xf32, #tpu.memory_space<vmem_shared>>) offsets(%dma_start3A_730 : memref<128xi32, #tpu.memory_space<vmem>>) semaphore(%arg17 : memref<!tpu.dma_semaphore, #tpu.memory_space<semaphore_mem>>) {add = true}
      %dma_wait3A_734 = arith.constant 4 : i32
      %dma_wait3A_735 = arith.constant 0 : i32
      %dma_wait3A_736 = arith.constant 0 : i32
      %dma_wait3A_737 = arith.constant 0 : i32
      %dma_wait3A_738 = tpu.memref_slice %arg9[%dma_wait3A_734, %dma_wait3A_736, %dma_wait3A_737] : memref<6x128x64xf32, #tpu.memory_space<vmem>> -> memref<1x128x64xf32, #tpu.memory_space<vmem>>
      %dma_wait3A_739 = tpu.memref_squeeze %dma_wait3A_738 : memref<1x128x64xf32, #tpu.memory_space<vmem>> -> memref<128x64xf32, #tpu.memory_space<vmem>>
      %dma_wait3A_740 = arith.constant 0 : i32
      %dma_wait3A_741 = tpu.memref_slice %arg8[%dma_wait3A_735, %dma_wait3A_740] : memref<160x128xi32, #tpu.memory_space<vmem>> -> memref<1x128xi32, #tpu.memory_space<vmem>>
      %dma_wait3A_742 = tpu.memref_squeeze %dma_wait3A_741 : memref<1x128xi32, #tpu.memory_space<vmem>> -> memref<128xi32, #tpu.memory_space<vmem>>
      %dma_wait3A_743 = arith.constant 0 : i32
      %dma_wait3A_744 = arith.constant 0 : i32
      %dma_wait3A_745 = tpu.memref_slice %arg10[%dma_wait3A_743, %dma_wait3A_744] : memref<10240x64xf32, #tpu.memory_space<vmem_shared>> -> memref<10240x64xf32, #tpu.memory_space<vmem_shared>>
      tpu.wait_indirect_dma semaphore(%arg21 : memref<!tpu.dma_semaphore, #tpu.memory_space<semaphore_mem>>) src(%dma_wait3A_739 : memref<128x64xf32, #tpu.memory_space<vmem>>) dst(%dma_wait3A_745 : memref<10240x64xf32, #tpu.memory_space<vmem_shared>>)
      %add3A_746 = arith.constant 4 : i32
      %add3A_747 = arith.addi %add3A_710, %add3A_746 : i32
      %dma_start3A_748 = arith.constant 4 : i32
      %dma_start3A_749 = arith.constant 0 : i32
      %dma_start3A_750 = arith.constant 0 : i32
      %dma_start3A_751 = tpu.memref_slice %arg9[%dma_start3A_748, %dma_start3A_749, %dma_start3A_750] : memref<6x128x64xf32, #tpu.memory_space<vmem>> -> memref<1x128x64xf32, #tpu.memory_space<vmem>>
      %dma_start3A_752 = tpu.memref_squeeze %dma_start3A_751 : memref<1x128x64xf32, #tpu.memory_space<vmem>> -> memref<128x64xf32, #tpu.memory_space<vmem>>
      %dma_start3A_753 = arith.constant 0 : i32
      %dma_start3A_754 = tpu.memref_slice %arg7[%add3A_747, %dma_start3A_753] : memref<160x128xi32, #tpu.memory_space<vmem>> -> memref<1x128xi32, #tpu.memory_space<vmem>>
      %dma_start3A_755 = tpu.memref_squeeze %dma_start3A_754 : memref<1x128xi32, #tpu.memory_space<vmem>> -> memref<128xi32, #tpu.memory_space<vmem>>
      %dma_start3A_756 = arith.constant 0 : i32
      %dma_start3A_757 = arith.constant 0 : i32
      %dma_start3A_758 = tpu.memref_slice %arg2[%dma_start3A_756, %dma_start3A_757] : memref<20480x64xf32, #tpu.memory_space<hbm>> -> memref<20480x64xf32, #tpu.memory_space<hbm>>
      tpu.enqueue_indirect_dma source(%dma_start3A_758 : memref<20480x64xf32, #tpu.memory_space<hbm>>) target(%dma_start3A_752 : memref<128x64xf32, #tpu.memory_space<vmem>>) offsets(%dma_start3A_755 : memref<128xi32, #tpu.memory_space<vmem>>) semaphore(%arg15 : memref<!tpu.dma_semaphore, #tpu.memory_space<semaphore_mem>>)
      %mul3A_759 = arith.constant 6 : i32
      %mul3A_760 = arith.muli %mul3A_759, %scan3A_489 : i32
      %add3A_761 = arith.constant 2 : i32
      %add3A_762 = arith.addi %mul3A_760, %add3A_761 : i32
      %add3A_763 = arith.constant 5 : i32
      %add3A_764 = arith.addi %add3A_762, %add3A_763 : i32
      %dma_wait3A_765 = arith.constant 0 : i32
      %dma_wait3A_766 = arith.constant 1 : i32
      %dma_wait3A_767 = arith.constant 0 : i32
      %dma_wait3A_768 = arith.constant 0 : i32
      %dma_wait3A_769 = tpu.memref_slice %arg9[%dma_wait3A_766, %dma_wait3A_767, %dma_wait3A_768] : memref<6x128x64xf32, #tpu.memory_space<vmem>> -> memref<1x128x64xf32, #tpu.memory_space<vmem>>
      %dma_wait3A_770 = tpu.memref_squeeze %dma_wait3A_769 : memref<1x128x64xf32, #tpu.memory_space<vmem>> -> memref<128x64xf32, #tpu.memory_space<vmem>>
      %dma_wait3A_771 = arith.constant 0 : i32
      %dma_wait3A_772 = tpu.memref_slice %arg7[%dma_wait3A_765, %dma_wait3A_771] : memref<160x128xi32, #tpu.memory_space<vmem>> -> memref<1x128xi32, #tpu.memory_space<vmem>>
      %dma_wait3A_773 = tpu.memref_squeeze %dma_wait3A_772 : memref<1x128xi32, #tpu.memory_space<vmem>> -> memref<128xi32, #tpu.memory_space<vmem>>
      %dma_wait3A_774 = arith.constant 0 : i32
      %dma_wait3A_775 = arith.constant 0 : i32
      %dma_wait3A_776 = tpu.memref_slice %arg2[%dma_wait3A_774, %dma_wait3A_775] : memref<20480x64xf32, #tpu.memory_space<hbm>> -> memref<20480x64xf32, #tpu.memory_space<hbm>>
      tpu.wait_indirect_dma semaphore(%arg12 : memref<!tpu.dma_semaphore, #tpu.memory_space<semaphore_mem>>) src(%dma_wait3A_776 : memref<20480x64xf32, #tpu.memory_space<hbm>>) dst(%dma_wait3A_770 : memref<128x64xf32, #tpu.memory_space<vmem>>)
      %dma_start3A_777 = arith.constant 1 : i32
      %dma_start3A_778 = arith.constant 0 : i32
      %dma_start3A_779 = arith.constant 0 : i32
      %dma_start3A_780 = tpu.memref_slice %arg9[%dma_start3A_777, %dma_start3A_778, %dma_start3A_779] : memref<6x128x64xf32, #tpu.memory_space<vmem>> -> memref<1x128x64xf32, #tpu.memory_space<vmem>>
      %dma_start3A_781 = tpu.memref_squeeze %dma_start3A_780 : memref<1x128x64xf32, #tpu.memory_space<vmem>> -> memref<128x64xf32, #tpu.memory_space<vmem>>
      %dma_start3A_782 = arith.constant 0 : i32
      %dma_start3A_783 = tpu.memref_slice %arg8[%add3A_764, %dma_start3A_782] : memref<160x128xi32, #tpu.memory_space<vmem>> -> memref<1x128xi32, #tpu.memory_space<vmem>>
      %dma_start3A_784 = tpu.memref_squeeze %dma_start3A_783 : memref<1x128xi32, #tpu.memory_space<vmem>> -> memref<128xi32, #tpu.memory_space<vmem>>
      %dma_start3A_785 = arith.constant 0 : i32
      %dma_start3A_786 = arith.constant 0 : i32
      %dma_start3A_787 = tpu.memref_slice %arg10[%dma_start3A_785, %dma_start3A_786] : memref<10240x64xf32, #tpu.memory_space<vmem_shared>> -> memref<10240x64xf32, #tpu.memory_space<vmem_shared>>
      tpu.enqueue_indirect_dma source(%dma_start3A_781 : memref<128x64xf32, #tpu.memory_space<vmem>>) target(%dma_start3A_787 : memref<10240x64xf32, #tpu.memory_space<vmem_shared>>) offsets(%dma_start3A_784 : memref<128xi32, #tpu.memory_space<vmem>>) semaphore(%arg18 : memref<!tpu.dma_semaphore, #tpu.memory_space<semaphore_mem>>) {add = true}
      %dma_wait3A_788 = arith.constant 5 : i32
      %dma_wait3A_789 = arith.constant 0 : i32
      %dma_wait3A_790 = arith.constant 0 : i32
      %dma_wait3A_791 = arith.constant 0 : i32
      %dma_wait3A_792 = tpu.memref_slice %arg9[%dma_wait3A_788, %dma_wait3A_790, %dma_wait3A_791] : memref<6x128x64xf32, #tpu.memory_space<vmem>> -> memref<1x128x64xf32, #tpu.memory_space<vmem>>
      %dma_wait3A_793 = tpu.memref_squeeze %dma_wait3A_792 : memref<1x128x64xf32, #tpu.memory_space<vmem>> -> memref<128x64xf32, #tpu.memory_space<vmem>>
      %dma_wait3A_794 = arith.constant 0 : i32
      %dma_wait3A_795 = tpu.memref_slice %arg8[%dma_wait3A_789, %dma_wait3A_794] : memref<160x128xi32, #tpu.memory_space<vmem>> -> memref<1x128xi32, #tpu.memory_space<vmem>>
      %dma_wait3A_796 = tpu.memref_squeeze %dma_wait3A_795 : memref<1x128xi32, #tpu.memory_space<vmem>> -> memref<128xi32, #tpu.memory_space<vmem>>
      %dma_wait3A_797 = arith.constant 0 : i32
      %dma_wait3A_798 = arith.constant 0 : i32
      %dma_wait3A_799 = tpu.memref_slice %arg10[%dma_wait3A_797, %dma_wait3A_798] : memref<10240x64xf32, #tpu.memory_space<vmem_shared>> -> memref<10240x64xf32, #tpu.memory_space<vmem_shared>>
      tpu.wait_indirect_dma semaphore(%arg22 : memref<!tpu.dma_semaphore, #tpu.memory_space<semaphore_mem>>) src(%dma_wait3A_793 : memref<128x64xf32, #tpu.memory_space<vmem>>) dst(%dma_wait3A_799 : memref<10240x64xf32, #tpu.memory_space<vmem_shared>>)
      %add3A_800 = arith.constant 4 : i32
      %add3A_801 = arith.addi %add3A_764, %add3A_800 : i32
      %dma_start3A_802 = arith.constant 5 : i32
      %dma_start3A_803 = arith.constant 0 : i32
      %dma_start3A_804 = arith.constant 0 : i32
      %dma_start3A_805 = tpu.memref_slice %arg9[%dma_start3A_802, %dma_start3A_803, %dma_start3A_804] : memref<6x128x64xf32, #tpu.memory_space<vmem>> -> memref<1x128x64xf32, #tpu.memory_space<vmem>>
      %dma_start3A_806 = tpu.memref_squeeze %dma_start3A_805 : memref<1x128x64xf32, #tpu.memory_space<vmem>> -> memref<128x64xf32, #tpu.memory_space<vmem>>
      %dma_start3A_807 = arith.constant 0 : i32
      %dma_start3A_808 = tpu.memref_slice %arg7[%add3A_801, %dma_start3A_807] : memref<160x128xi32, #tpu.memory_space<vmem>> -> memref<1x128xi32, #tpu.memory_space<vmem>>
      %dma_start3A_809 = tpu.memref_squeeze %dma_start3A_808 : memref<1x128xi32, #tpu.memory_space<vmem>> -> memref<128xi32, #tpu.memory_space<vmem>>
      %dma_start3A_810 = arith.constant 0 : i32
      %dma_start3A_811 = arith.constant 0 : i32
      %dma_start3A_812 = tpu.memref_slice %arg2[%dma_start3A_810, %dma_start3A_811] : memref<20480x64xf32, #tpu.memory_space<hbm>> -> memref<20480x64xf32, #tpu.memory_space<hbm>>
      tpu.enqueue_indirect_dma source(%dma_start3A_812 : memref<20480x64xf32, #tpu.memory_space<hbm>>) target(%dma_start3A_806 : memref<128x64xf32, #tpu.memory_space<vmem>>) offsets(%dma_start3A_809 : memref<128xi32, #tpu.memory_space<vmem>>) semaphore(%arg16 : memref<!tpu.dma_semaphore, #tpu.memory_space<semaphore_mem>>)
    }
    %scan3A_127 = arith.constant 25 : i32
    %dma_wait3A_128 = arith.constant 0 : i32
    %dma_wait3A_129 = arith.constant 2 : i32
    %dma_wait3A_130 = arith.constant 0 : i32
    %dma_wait3A_131 = arith.constant 0 : i32
    %dma_wait3A_132 = tpu.memref_slice %arg9[%dma_wait3A_129, %dma_wait3A_130, %dma_wait3A_131] : memref<6x128x64xf32, #tpu.memory_space<vmem>> -> memref<1x128x64xf32, #tpu.memory_space<vmem>>
    %dma_wait3A_133 = tpu.memref_squeeze %dma_wait3A_132 : memref<1x128x64xf32, #tpu.memory_space<vmem>> -> memref<128x64xf32, #tpu.memory_space<vmem>>
    %dma_wait3A_134 = arith.constant 0 : i32
    %dma_wait3A_135 = tpu.memref_slice %arg7[%dma_wait3A_128, %dma_wait3A_134] : memref<160x128xi32, #tpu.memory_space<vmem>> -> memref<1x128xi32, #tpu.memory_space<vmem>>
    %dma_wait3A_136 = tpu.memref_squeeze %dma_wait3A_135 : memref<1x128xi32, #tpu.memory_space<vmem>> -> memref<128xi32, #tpu.memory_space<vmem>>
    %dma_wait3A_137 = arith.constant 0 : i32
    %dma_wait3A_138 = arith.constant 0 : i32
    %dma_wait3A_139 = tpu.memref_slice %arg2[%dma_wait3A_137, %dma_wait3A_138] : memref<20480x64xf32, #tpu.memory_space<hbm>> -> memref<20480x64xf32, #tpu.memory_space<hbm>>
    tpu.wait_indirect_dma semaphore(%arg13 : memref<!tpu.dma_semaphore, #tpu.memory_space<semaphore_mem>>) src(%dma_wait3A_139 : memref<20480x64xf32, #tpu.memory_space<hbm>>) dst(%dma_wait3A_133 : memref<128x64xf32, #tpu.memory_space<vmem>>)
    %dma_start3A_140 = arith.constant 2 : i32
    %dma_start3A_141 = arith.constant 152 : i32
    %dma_start3A_142 = arith.constant 0 : i32
    %dma_start3A_143 = arith.constant 0 : i32
    %dma_start3A_144 = tpu.memref_slice %arg9[%dma_start3A_140, %dma_start3A_142, %dma_start3A_143] : memref<6x128x64xf32, #tpu.memory_space<vmem>> -> memref<1x128x64xf32, #tpu.memory_space<vmem>>
    %dma_start3A_145 = tpu.memref_squeeze %dma_start3A_144 : memref<1x128x64xf32, #tpu.memory_space<vmem>> -> memref<128x64xf32, #tpu.memory_space<vmem>>
    %dma_start3A_146 = arith.constant 0 : i32
    %dma_start3A_147 = tpu.memref_slice %arg8[%dma_start3A_141, %dma_start3A_146] : memref<160x128xi32, #tpu.memory_space<vmem>> -> memref<1x128xi32, #tpu.memory_space<vmem>>
    %dma_start3A_148 = tpu.memref_squeeze %dma_start3A_147 : memref<1x128xi32, #tpu.memory_space<vmem>> -> memref<128xi32, #tpu.memory_space<vmem>>
    %dma_start3A_149 = arith.constant 0 : i32
    %dma_start3A_150 = arith.constant 0 : i32
    %dma_start3A_151 = tpu.memref_slice %arg10[%dma_start3A_149, %dma_start3A_150] : memref<10240x64xf32, #tpu.memory_space<vmem_shared>> -> memref<10240x64xf32, #tpu.memory_space<vmem_shared>>
    tpu.enqueue_indirect_dma source(%dma_start3A_145 : memref<128x64xf32, #tpu.memory_space<vmem>>) target(%dma_start3A_151 : memref<10240x64xf32, #tpu.memory_space<vmem_shared>>) offsets(%dma_start3A_148 : memref<128xi32, #tpu.memory_space<vmem>>) semaphore(%arg19 : memref<!tpu.dma_semaphore, #tpu.memory_space<semaphore_mem>>) {add = true}
    %dma_wait3A_152 = arith.constant 0 : i32
    %dma_wait3A_153 = arith.constant 0 : i32
    %dma_wait3A_154 = arith.constant 0 : i32
    %dma_wait3A_155 = arith.constant 0 : i32
    %dma_wait3A_156 = tpu.memref_slice %arg9[%dma_wait3A_152, %dma_wait3A_154, %dma_wait3A_155] : memref<6x128x64xf32, #tpu.memory_space<vmem>> -> memref<1x128x64xf32, #tpu.memory_space<vmem>>
    %dma_wait3A_157 = tpu.memref_squeeze %dma_wait3A_156 : memref<1x128x64xf32, #tpu.memory_space<vmem>> -> memref<128x64xf32, #tpu.memory_space<vmem>>
    %dma_wait3A_158 = arith.constant 0 : i32
    %dma_wait3A_159 = tpu.memref_slice %arg8[%dma_wait3A_153, %dma_wait3A_158] : memref<160x128xi32, #tpu.memory_space<vmem>> -> memref<1x128xi32, #tpu.memory_space<vmem>>
    %dma_wait3A_160 = tpu.memref_squeeze %dma_wait3A_159 : memref<1x128xi32, #tpu.memory_space<vmem>> -> memref<128xi32, #tpu.memory_space<vmem>>
    %dma_wait3A_161 = arith.constant 0 : i32
    %dma_wait3A_162 = arith.constant 0 : i32
    %dma_wait3A_163 = tpu.memref_slice %arg10[%dma_wait3A_161, %dma_wait3A_162] : memref<10240x64xf32, #tpu.memory_space<vmem_shared>> -> memref<10240x64xf32, #tpu.memory_space<vmem_shared>>
    tpu.wait_indirect_dma semaphore(%arg17 : memref<!tpu.dma_semaphore, #tpu.memory_space<semaphore_mem>>) src(%dma_wait3A_157 : memref<128x64xf32, #tpu.memory_space<vmem>>) dst(%dma_wait3A_163 : memref<10240x64xf32, #tpu.memory_space<vmem_shared>>)
    %dma_start3A_164 = arith.constant 156 : i32
    %dma_start3A_165 = arith.constant 0 : i32
    %dma_start3A_166 = arith.constant 0 : i32
    %dma_start3A_167 = arith.constant 0 : i32
    %dma_start3A_168 = tpu.memref_slice %arg9[%dma_start3A_165, %dma_start3A_166, %dma_start3A_167] : memref<6x128x64xf32, #tpu.memory_space<vmem>> -> memref<1x128x64xf32, #tpu.memory_space<vmem>>
    %dma_start3A_169 = tpu.memref_squeeze %dma_start3A_168 : memref<1x128x64xf32, #tpu.memory_space<vmem>> -> memref<128x64xf32, #tpu.memory_space<vmem>>
    %dma_start3A_170 = arith.constant 0 : i32
    %dma_start3A_171 = tpu.memref_slice %arg7[%dma_start3A_164, %dma_start3A_170] : memref<160x128xi32, #tpu.memory_space<vmem>> -> memref<1x128xi32, #tpu.memory_space<vmem>>
    %dma_start3A_172 = tpu.memref_squeeze %dma_start3A_171 : memref<1x128xi32, #tpu.memory_space<vmem>> -> memref<128xi32, #tpu.memory_space<vmem>>
    %dma_start3A_173 = arith.constant 0 : i32
    %dma_start3A_174 = arith.constant 0 : i32
    %dma_start3A_175 = tpu.memref_slice %arg2[%dma_start3A_173, %dma_start3A_174] : memref<20480x64xf32, #tpu.memory_space<hbm>> -> memref<20480x64xf32, #tpu.memory_space<hbm>>
    tpu.enqueue_indirect_dma source(%dma_start3A_175 : memref<20480x64xf32, #tpu.memory_space<hbm>>) target(%dma_start3A_169 : memref<128x64xf32, #tpu.memory_space<vmem>>) offsets(%dma_start3A_172 : memref<128xi32, #tpu.memory_space<vmem>>) semaphore(%arg11 : memref<!tpu.dma_semaphore, #tpu.memory_space<semaphore_mem>>)
    %dma_wait3A_176 = arith.constant 0 : i32
    %dma_wait3A_177 = arith.constant 3 : i32
    %dma_wait3A_178 = arith.constant 0 : i32
    %dma_wait3A_179 = arith.constant 0 : i32
    %dma_wait3A_180 = tpu.memref_slice %arg9[%dma_wait3A_177, %dma_wait3A_178, %dma_wait3A_179] : memref<6x128x64xf32, #tpu.memory_space<vmem>> -> memref<1x128x64xf32, #tpu.memory_space<vmem>>
    %dma_wait3A_181 = tpu.memref_squeeze %dma_wait3A_180 : memref<1x128x64xf32, #tpu.memory_space<vmem>> -> memref<128x64xf32, #tpu.memory_space<vmem>>
    %dma_wait3A_182 = arith.constant 0 : i32
    %dma_wait3A_183 = tpu.memref_slice %arg7[%dma_wait3A_176, %dma_wait3A_182] : memref<160x128xi32, #tpu.memory_space<vmem>> -> memref<1x128xi32, #tpu.memory_space<vmem>>
    %dma_wait3A_184 = tpu.memref_squeeze %dma_wait3A_183 : memref<1x128xi32, #tpu.memory_space<vmem>> -> memref<128xi32, #tpu.memory_space<vmem>>
    %dma_wait3A_185 = arith.constant 0 : i32
    %dma_wait3A_186 = arith.constant 0 : i32
    %dma_wait3A_187 = tpu.memref_slice %arg2[%dma_wait3A_185, %dma_wait3A_186] : memref<20480x64xf32, #tpu.memory_space<hbm>> -> memref<20480x64xf32, #tpu.memory_space<hbm>>
    tpu.wait_indirect_dma semaphore(%arg14 : memref<!tpu.dma_semaphore, #tpu.memory_space<semaphore_mem>>) src(%dma_wait3A_187 : memref<20480x64xf32, #tpu.memory_space<hbm>>) dst(%dma_wait3A_181 : memref<128x64xf32, #tpu.memory_space<vmem>>)
    %dma_start3A_188 = arith.constant 3 : i32
    %dma_start3A_189 = arith.constant 153 : i32
    %dma_start3A_190 = arith.constant 0 : i32
    %dma_start3A_191 = arith.constant 0 : i32
    %dma_start3A_192 = tpu.memref_slice %arg9[%dma_start3A_188, %dma_start3A_190, %dma_start3A_191] : memref<6x128x64xf32, #tpu.memory_space<vmem>> -> memref<1x128x64xf32, #tpu.memory_space<vmem>>
    %dma_start3A_193 = tpu.memref_squeeze %dma_start3A_192 : memref<1x128x64xf32, #tpu.memory_space<vmem>> -> memref<128x64xf32, #tpu.memory_space<vmem>>
    %dma_start3A_194 = arith.constant 0 : i32
    %dma_start3A_195 = tpu.memref_slice %arg8[%dma_start3A_189, %dma_start3A_194] : memref<160x128xi32, #tpu.memory_space<vmem>> -> memref<1x128xi32, #tpu.memory_space<vmem>>
    %dma_start3A_196 = tpu.memref_squeeze %dma_start3A_195 : memref<1x128xi32, #tpu.memory_space<vmem>> -> memref<128xi32, #tpu.memory_space<vmem>>
    %dma_start3A_197 = arith.constant 0 : i32
    %dma_start3A_198 = arith.constant 0 : i32
    %dma_start3A_199 = tpu.memref_slice %arg10[%dma_start3A_197, %dma_start3A_198] : memref<10240x64xf32, #tpu.memory_space<vmem_shared>> -> memref<10240x64xf32, #tpu.memory_space<vmem_shared>>
    tpu.enqueue_indirect_dma source(%dma_start3A_193 : memref<128x64xf32, #tpu.memory_space<vmem>>) target(%dma_start3A_199 : memref<10240x64xf32, #tpu.memory_space<vmem_shared>>) offsets(%dma_start3A_196 : memref<128xi32, #tpu.memory_space<vmem>>) semaphore(%arg20 : memref<!tpu.dma_semaphore, #tpu.memory_space<semaphore_mem>>) {add = true}
    %dma_wait3A_200 = arith.constant 1 : i32
    %dma_wait3A_201 = arith.constant 0 : i32
    %dma_wait3A_202 = arith.constant 0 : i32
    %dma_wait3A_203 = arith.constant 0 : i32
    %dma_wait3A_204 = tpu.memref_slice %arg9[%dma_wait3A_200, %dma_wait3A_202, %dma_wait3A_203] : memref<6x128x64xf32, #tpu.memory_space<vmem>> -> memref<1x128x64xf32, #tpu.memory_space<vmem>>
    %dma_wait3A_205 = tpu.memref_squeeze %dma_wait3A_204 : memref<1x128x64xf32, #tpu.memory_space<vmem>> -> memref<128x64xf32, #tpu.memory_space<vmem>>
    %dma_wait3A_206 = arith.constant 0 : i32
    %dma_wait3A_207 = tpu.memref_slice %arg8[%dma_wait3A_201, %dma_wait3A_206] : memref<160x128xi32, #tpu.memory_space<vmem>> -> memref<1x128xi32, #tpu.memory_space<vmem>>
    %dma_wait3A_208 = tpu.memref_squeeze %dma_wait3A_207 : memref<1x128xi32, #tpu.memory_space<vmem>> -> memref<128xi32, #tpu.memory_space<vmem>>
    %dma_wait3A_209 = arith.constant 0 : i32
    %dma_wait3A_210 = arith.constant 0 : i32
    %dma_wait3A_211 = tpu.memref_slice %arg10[%dma_wait3A_209, %dma_wait3A_210] : memref<10240x64xf32, #tpu.memory_space<vmem_shared>> -> memref<10240x64xf32, #tpu.memory_space<vmem_shared>>
    tpu.wait_indirect_dma semaphore(%arg18 : memref<!tpu.dma_semaphore, #tpu.memory_space<semaphore_mem>>) src(%dma_wait3A_205 : memref<128x64xf32, #tpu.memory_space<vmem>>) dst(%dma_wait3A_211 : memref<10240x64xf32, #tpu.memory_space<vmem_shared>>)
    %dma_start3A_212 = arith.constant 157 : i32
    %dma_start3A_213 = arith.constant 1 : i32
    %dma_start3A_214 = arith.constant 0 : i32
    %dma_start3A_215 = arith.constant 0 : i32
    %dma_start3A_216 = tpu.memref_slice %arg9[%dma_start3A_213, %dma_start3A_214, %dma_start3A_215] : memref<6x128x64xf32, #tpu.memory_space<vmem>> -> memref<1x128x64xf32, #tpu.memory_space<vmem>>
    %dma_start3A_217 = tpu.memref_squeeze %dma_start3A_216 : memref<1x128x64xf32, #tpu.memory_space<vmem>> -> memref<128x64xf32, #tpu.memory_space<vmem>>
    %dma_start3A_218 = arith.constant 0 : i32
    %dma_start3A_219 = tpu.memref_slice %arg7[%dma_start3A_212, %dma_start3A_218] : memref<160x128xi32, #tpu.memory_space<vmem>> -> memref<1x128xi32, #tpu.memory_space<vmem>>
    %dma_start3A_220 = tpu.memref_squeeze %dma_start3A_219 : memref<1x128xi32, #tpu.memory_space<vmem>> -> memref<128xi32, #tpu.memory_space<vmem>>
    %dma_start3A_221 = arith.constant 0 : i32
    %dma_start3A_222 = arith.constant 0 : i32
    %dma_start3A_223 = tpu.memref_slice %arg2[%dma_start3A_221, %dma_start3A_222] : memref<20480x64xf32, #tpu.memory_space<hbm>> -> memref<20480x64xf32, #tpu.memory_space<hbm>>
    tpu.enqueue_indirect_dma source(%dma_start3A_223 : memref<20480x64xf32, #tpu.memory_space<hbm>>) target(%dma_start3A_217 : memref<128x64xf32, #tpu.memory_space<vmem>>) offsets(%dma_start3A_220 : memref<128xi32, #tpu.memory_space<vmem>>) semaphore(%arg12 : memref<!tpu.dma_semaphore, #tpu.memory_space<semaphore_mem>>)
    %dma_wait3A_224 = arith.constant 0 : i32
    %dma_wait3A_225 = arith.constant 4 : i32
    %dma_wait3A_226 = arith.constant 0 : i32
    %dma_wait3A_227 = arith.constant 0 : i32
    %dma_wait3A_228 = tpu.memref_slice %arg9[%dma_wait3A_225, %dma_wait3A_226, %dma_wait3A_227] : memref<6x128x64xf32, #tpu.memory_space<vmem>> -> memref<1x128x64xf32, #tpu.memory_space<vmem>>
    %dma_wait3A_229 = tpu.memref_squeeze %dma_wait3A_228 : memref<1x128x64xf32, #tpu.memory_space<vmem>> -> memref<128x64xf32, #tpu.memory_space<vmem>>
    %dma_wait3A_230 = arith.constant 0 : i32
    %dma_wait3A_231 = tpu.memref_slice %arg7[%dma_wait3A_224, %dma_wait3A_230] : memref<160x128xi32, #tpu.memory_space<vmem>> -> memref<1x128xi32, #tpu.memory_space<vmem>>
    %dma_wait3A_232 = tpu.memref_squeeze %dma_wait3A_231 : memref<1x128xi32, #tpu.memory_space<vmem>> -> memref<128xi32, #tpu.memory_space<vmem>>
    %dma_wait3A_233 = arith.constant 0 : i32
    %dma_wait3A_234 = arith.constant 0 : i32
    %dma_wait3A_235 = tpu.memref_slice %arg2[%dma_wait3A_233, %dma_wait3A_234] : memref<20480x64xf32, #tpu.memory_space<hbm>> -> memref<20480x64xf32, #tpu.memory_space<hbm>>
    tpu.wait_indirect_dma semaphore(%arg15 : memref<!tpu.dma_semaphore, #tpu.memory_space<semaphore_mem>>) src(%dma_wait3A_235 : memref<20480x64xf32, #tpu.memory_space<hbm>>) dst(%dma_wait3A_229 : memref<128x64xf32, #tpu.memory_space<vmem>>)
    %dma_start3A_236 = arith.constant 4 : i32
    %dma_start3A_237 = arith.constant 154 : i32
    %dma_start3A_238 = arith.constant 0 : i32
    %dma_start3A_239 = arith.constant 0 : i32
    %dma_start3A_240 = tpu.memref_slice %arg9[%dma_start3A_236, %dma_start3A_238, %dma_start3A_239] : memref<6x128x64xf32, #tpu.memory_space<vmem>> -> memref<1x128x64xf32, #tpu.memory_space<vmem>>
    %dma_start3A_241 = tpu.memref_squeeze %dma_start3A_240 : memref<1x128x64xf32, #tpu.memory_space<vmem>> -> memref<128x64xf32, #tpu.memory_space<vmem>>
    %dma_start3A_242 = arith.constant 0 : i32
    %dma_start3A_243 = tpu.memref_slice %arg8[%dma_start3A_237, %dma_start3A_242] : memref<160x128xi32, #tpu.memory_space<vmem>> -> memref<1x128xi32, #tpu.memory_space<vmem>>
    %dma_start3A_244 = tpu.memref_squeeze %dma_start3A_243 : memref<1x128xi32, #tpu.memory_space<vmem>> -> memref<128xi32, #tpu.memory_space<vmem>>
    %dma_start3A_245 = arith.constant 0 : i32
    %dma_start3A_246 = arith.constant 0 : i32
    %dma_start3A_247 = tpu.memref_slice %arg10[%dma_start3A_245, %dma_start3A_246] : memref<10240x64xf32, #tpu.memory_space<vmem_shared>> -> memref<10240x64xf32, #tpu.memory_space<vmem_shared>>
    tpu.enqueue_indirect_dma source(%dma_start3A_241 : memref<128x64xf32, #tpu.memory_space<vmem>>) target(%dma_start3A_247 : memref<10240x64xf32, #tpu.memory_space<vmem_shared>>) offsets(%dma_start3A_244 : memref<128xi32, #tpu.memory_space<vmem>>) semaphore(%arg21 : memref<!tpu.dma_semaphore, #tpu.memory_space<semaphore_mem>>) {add = true}
    %dma_wait3A_248 = arith.constant 2 : i32
    %dma_wait3A_249 = arith.constant 0 : i32
    %dma_wait3A_250 = arith.constant 0 : i32
    %dma_wait3A_251 = arith.constant 0 : i32
    %dma_wait3A_252 = tpu.memref_slice %arg9[%dma_wait3A_248, %dma_wait3A_250, %dma_wait3A_251] : memref<6x128x64xf32, #tpu.memory_space<vmem>> -> memref<1x128x64xf32, #tpu.memory_space<vmem>>
    %dma_wait3A_253 = tpu.memref_squeeze %dma_wait3A_252 : memref<1x128x64xf32, #tpu.memory_space<vmem>> -> memref<128x64xf32, #tpu.memory_space<vmem>>
    %dma_wait3A_254 = arith.constant 0 : i32
    %dma_wait3A_255 = tpu.memref_slice %arg8[%dma_wait3A_249, %dma_wait3A_254] : memref<160x128xi32, #tpu.memory_space<vmem>> -> memref<1x128xi32, #tpu.memory_space<vmem>>
    %dma_wait3A_256 = tpu.memref_squeeze %dma_wait3A_255 : memref<1x128xi32, #tpu.memory_space<vmem>> -> memref<128xi32, #tpu.memory_space<vmem>>
    %dma_wait3A_257 = arith.constant 0 : i32
    %dma_wait3A_258 = arith.constant 0 : i32
    %dma_wait3A_259 = tpu.memref_slice %arg10[%dma_wait3A_257, %dma_wait3A_258] : memref<10240x64xf32, #tpu.memory_space<vmem_shared>> -> memref<10240x64xf32, #tpu.memory_space<vmem_shared>>
    tpu.wait_indirect_dma semaphore(%arg19 : memref<!tpu.dma_semaphore, #tpu.memory_space<semaphore_mem>>) src(%dma_wait3A_253 : memref<128x64xf32, #tpu.memory_space<vmem>>) dst(%dma_wait3A_259 : memref<10240x64xf32, #tpu.memory_space<vmem_shared>>)
    %dma_start3A_260 = arith.constant 158 : i32
    %dma_start3A_261 = arith.constant 2 : i32
    %dma_start3A_262 = arith.constant 0 : i32
    %dma_start3A_263 = arith.constant 0 : i32
    %dma_start3A_264 = tpu.memref_slice %arg9[%dma_start3A_261, %dma_start3A_262, %dma_start3A_263] : memref<6x128x64xf32, #tpu.memory_space<vmem>> -> memref<1x128x64xf32, #tpu.memory_space<vmem>>
    %dma_start3A_265 = tpu.memref_squeeze %dma_start3A_264 : memref<1x128x64xf32, #tpu.memory_space<vmem>> -> memref<128x64xf32, #tpu.memory_space<vmem>>
    %dma_start3A_266 = arith.constant 0 : i32
    %dma_start3A_267 = tpu.memref_slice %arg7[%dma_start3A_260, %dma_start3A_266] : memref<160x128xi32, #tpu.memory_space<vmem>> -> memref<1x128xi32, #tpu.memory_space<vmem>>
    %dma_start3A_268 = tpu.memref_squeeze %dma_start3A_267 : memref<1x128xi32, #tpu.memory_space<vmem>> -> memref<128xi32, #tpu.memory_space<vmem>>
    %dma_start3A_269 = arith.constant 0 : i32
    %dma_start3A_270 = arith.constant 0 : i32
    %dma_start3A_271 = tpu.memref_slice %arg2[%dma_start3A_269, %dma_start3A_270] : memref<20480x64xf32, #tpu.memory_space<hbm>> -> memref<20480x64xf32, #tpu.memory_space<hbm>>
    tpu.enqueue_indirect_dma source(%dma_start3A_271 : memref<20480x64xf32, #tpu.memory_space<hbm>>) target(%dma_start3A_265 : memref<128x64xf32, #tpu.memory_space<vmem>>) offsets(%dma_start3A_268 : memref<128xi32, #tpu.memory_space<vmem>>) semaphore(%arg13 : memref<!tpu.dma_semaphore, #tpu.memory_space<semaphore_mem>>)
    %dma_wait3A_272 = arith.constant 0 : i32
    %dma_wait3A_273 = arith.constant 5 : i32
    %dma_wait3A_274 = arith.constant 0 : i32
    %dma_wait3A_275 = arith.constant 0 : i32
    %dma_wait3A_276 = tpu.memref_slice %arg9[%dma_wait3A_273, %dma_wait3A_274, %dma_wait3A_275] : memref<6x128x64xf32, #tpu.memory_space<vmem>> -> memref<1x128x64xf32, #tpu.memory_space<vmem>>
    %dma_wait3A_277 = tpu.memref_squeeze %dma_wait3A_276 : memref<1x128x64xf32, #tpu.memory_space<vmem>> -> memref<128x64xf32, #tpu.memory_space<vmem>>
    %dma_wait3A_278 = arith.constant 0 : i32
    %dma_wait3A_279 = tpu.memref_slice %arg7[%dma_wait3A_272, %dma_wait3A_278] : memref<160x128xi32, #tpu.memory_space<vmem>> -> memref<1x128xi32, #tpu.memory_space<vmem>>
    %dma_wait3A_280 = tpu.memref_squeeze %dma_wait3A_279 : memref<1x128xi32, #tpu.memory_space<vmem>> -> memref<128xi32, #tpu.memory_space<vmem>>
    %dma_wait3A_281 = arith.constant 0 : i32
    %dma_wait3A_282 = arith.constant 0 : i32
    %dma_wait3A_283 = tpu.memref_slice %arg2[%dma_wait3A_281, %dma_wait3A_282] : memref<20480x64xf32, #tpu.memory_space<hbm>> -> memref<20480x64xf32, #tpu.memory_space<hbm>>
    tpu.wait_indirect_dma semaphore(%arg16 : memref<!tpu.dma_semaphore, #tpu.memory_space<semaphore_mem>>) src(%dma_wait3A_283 : memref<20480x64xf32, #tpu.memory_space<hbm>>) dst(%dma_wait3A_277 : memref<128x64xf32, #tpu.memory_space<vmem>>)
    %dma_start3A_284 = arith.constant 5 : i32
    %dma_start3A_285 = arith.constant 155 : i32
    %dma_start3A_286 = arith.constant 0 : i32
    %dma_start3A_287 = arith.constant 0 : i32
    %dma_start3A_288 = tpu.memref_slice %arg9[%dma_start3A_284, %dma_start3A_286, %dma_start3A_287] : memref<6x128x64xf32, #tpu.memory_space<vmem>> -> memref<1x128x64xf32, #tpu.memory_space<vmem>>
    %dma_start3A_289 = tpu.memref_squeeze %dma_start3A_288 : memref<1x128x64xf32, #tpu.memory_space<vmem>> -> memref<128x64xf32, #tpu.memory_space<vmem>>
    %dma_start3A_290 = arith.constant 0 : i32
    %dma_start3A_291 = tpu.memref_slice %arg8[%dma_start3A_285, %dma_start3A_290] : memref<160x128xi32, #tpu.memory_space<vmem>> -> memref<1x128xi32, #tpu.memory_space<vmem>>
    %dma_start3A_292 = tpu.memref_squeeze %dma_start3A_291 : memref<1x128xi32, #tpu.memory_space<vmem>> -> memref<128xi32, #tpu.memory_space<vmem>>
    %dma_start3A_293 = arith.constant 0 : i32
    %dma_start3A_294 = arith.constant 0 : i32
    %dma_start3A_295 = tpu.memref_slice %arg10[%dma_start3A_293, %dma_start3A_294] : memref<10240x64xf32, #tpu.memory_space<vmem_shared>> -> memref<10240x64xf32, #tpu.memory_space<vmem_shared>>
    tpu.enqueue_indirect_dma source(%dma_start3A_289 : memref<128x64xf32, #tpu.memory_space<vmem>>) target(%dma_start3A_295 : memref<10240x64xf32, #tpu.memory_space<vmem_shared>>) offsets(%dma_start3A_292 : memref<128xi32, #tpu.memory_space<vmem>>) semaphore(%arg22 : memref<!tpu.dma_semaphore, #tpu.memory_space<semaphore_mem>>) {add = true}
    %dma_wait3A_296 = arith.constant 3 : i32
    %dma_wait3A_297 = arith.constant 0 : i32
    %dma_wait3A_298 = arith.constant 0 : i32
    %dma_wait3A_299 = arith.constant 0 : i32
    %dma_wait3A_300 = tpu.memref_slice %arg9[%dma_wait3A_296, %dma_wait3A_298, %dma_wait3A_299] : memref<6x128x64xf32, #tpu.memory_space<vmem>> -> memref<1x128x64xf32, #tpu.memory_space<vmem>>
    %dma_wait3A_301 = tpu.memref_squeeze %dma_wait3A_300 : memref<1x128x64xf32, #tpu.memory_space<vmem>> -> memref<128x64xf32, #tpu.memory_space<vmem>>
    %dma_wait3A_302 = arith.constant 0 : i32
    %dma_wait3A_303 = tpu.memref_slice %arg8[%dma_wait3A_297, %dma_wait3A_302] : memref<160x128xi32, #tpu.memory_space<vmem>> -> memref<1x128xi32, #tpu.memory_space<vmem>>
    %dma_wait3A_304 = tpu.memref_squeeze %dma_wait3A_303 : memref<1x128xi32, #tpu.memory_space<vmem>> -> memref<128xi32, #tpu.memory_space<vmem>>
    %dma_wait3A_305 = arith.constant 0 : i32
    %dma_wait3A_306 = arith.constant 0 : i32
    %dma_wait3A_307 = tpu.memref_slice %arg10[%dma_wait3A_305, %dma_wait3A_306] : memref<10240x64xf32, #tpu.memory_space<vmem_shared>> -> memref<10240x64xf32, #tpu.memory_space<vmem_shared>>
    tpu.wait_indirect_dma semaphore(%arg20 : memref<!tpu.dma_semaphore, #tpu.memory_space<semaphore_mem>>) src(%dma_wait3A_301 : memref<128x64xf32, #tpu.memory_space<vmem>>) dst(%dma_wait3A_307 : memref<10240x64xf32, #tpu.memory_space<vmem_shared>>)
    %dma_start3A_308 = arith.constant 159 : i32
    %dma_start3A_309 = arith.constant 3 : i32
    %dma_start3A_310 = arith.constant 0 : i32
    %dma_start3A_311 = arith.constant 0 : i32
    %dma_start3A_312 = tpu.memref_slice %arg9[%dma_start3A_309, %dma_start3A_310, %dma_start3A_311] : memref<6x128x64xf32, #tpu.memory_space<vmem>> -> memref<1x128x64xf32, #tpu.memory_space<vmem>>
    %dma_start3A_313 = tpu.memref_squeeze %dma_start3A_312 : memref<1x128x64xf32, #tpu.memory_space<vmem>> -> memref<128x64xf32, #tpu.memory_space<vmem>>
    %dma_start3A_314 = arith.constant 0 : i32
    %dma_start3A_315 = tpu.memref_slice %arg7[%dma_start3A_308, %dma_start3A_314] : memref<160x128xi32, #tpu.memory_space<vmem>> -> memref<1x128xi32, #tpu.memory_space<vmem>>
    %dma_start3A_316 = tpu.memref_squeeze %dma_start3A_315 : memref<1x128xi32, #tpu.memory_space<vmem>> -> memref<128xi32, #tpu.memory_space<vmem>>
    %dma_start3A_317 = arith.constant 0 : i32
    %dma_start3A_318 = arith.constant 0 : i32
    %dma_start3A_319 = tpu.memref_slice %arg2[%dma_start3A_317, %dma_start3A_318] : memref<20480x64xf32, #tpu.memory_space<hbm>> -> memref<20480x64xf32, #tpu.memory_space<hbm>>
    tpu.enqueue_indirect_dma source(%dma_start3A_319 : memref<20480x64xf32, #tpu.memory_space<hbm>>) target(%dma_start3A_313 : memref<128x64xf32, #tpu.memory_space<vmem>>) offsets(%dma_start3A_316 : memref<128xi32, #tpu.memory_space<vmem>>) semaphore(%arg14 : memref<!tpu.dma_semaphore, #tpu.memory_space<semaphore_mem>>)
    %dma_wait3A_320 = arith.constant 0 : i32
    %dma_wait3A_321 = arith.constant 0 : i32
    %dma_wait3A_322 = arith.constant 0 : i32
    %dma_wait3A_323 = arith.constant 0 : i32
    %dma_wait3A_324 = tpu.memref_slice %arg9[%dma_wait3A_321, %dma_wait3A_322, %dma_wait3A_323] : memref<6x128x64xf32, #tpu.memory_space<vmem>> -> memref<1x128x64xf32, #tpu.memory_space<vmem>>
    %dma_wait3A_325 = tpu.memref_squeeze %dma_wait3A_324 : memref<1x128x64xf32, #tpu.memory_space<vmem>> -> memref<128x64xf32, #tpu.memory_space<vmem>>
    %dma_wait3A_326 = arith.constant 0 : i32
    %dma_wait3A_327 = tpu.memref_slice %arg7[%dma_wait3A_320, %dma_wait3A_326] : memref<160x128xi32, #tpu.memory_space<vmem>> -> memref<1x128xi32, #tpu.memory_space<vmem>>
    %dma_wait3A_328 = tpu.memref_squeeze %dma_wait3A_327 : memref<1x128xi32, #tpu.memory_space<vmem>> -> memref<128xi32, #tpu.memory_space<vmem>>
    %dma_wait3A_329 = arith.constant 0 : i32
    %dma_wait3A_330 = arith.constant 0 : i32
    %dma_wait3A_331 = tpu.memref_slice %arg2[%dma_wait3A_329, %dma_wait3A_330] : memref<20480x64xf32, #tpu.memory_space<hbm>> -> memref<20480x64xf32, #tpu.memory_space<hbm>>
    tpu.wait_indirect_dma semaphore(%arg11 : memref<!tpu.dma_semaphore, #tpu.memory_space<semaphore_mem>>) src(%dma_wait3A_331 : memref<20480x64xf32, #tpu.memory_space<hbm>>) dst(%dma_wait3A_325 : memref<128x64xf32, #tpu.memory_space<vmem>>)
    %dma_start3A_332 = arith.constant 0 : i32
    %dma_start3A_333 = arith.constant 156 : i32
    %dma_start3A_334 = arith.constant 0 : i32
    %dma_start3A_335 = arith.constant 0 : i32
    %dma_start3A_336 = tpu.memref_slice %arg9[%dma_start3A_332, %dma_start3A_334, %dma_start3A_335] : memref<6x128x64xf32, #tpu.memory_space<vmem>> -> memref<1x128x64xf32, #tpu.memory_space<vmem>>
    %dma_start3A_337 = tpu.memref_squeeze %dma_start3A_336 : memref<1x128x64xf32, #tpu.memory_space<vmem>> -> memref<128x64xf32, #tpu.memory_space<vmem>>
    %dma_start3A_338 = arith.constant 0 : i32
    %dma_start3A_339 = tpu.memref_slice %arg8[%dma_start3A_333, %dma_start3A_338] : memref<160x128xi32, #tpu.memory_space<vmem>> -> memref<1x128xi32, #tpu.memory_space<vmem>>
    %dma_start3A_340 = tpu.memref_squeeze %dma_start3A_339 : memref<1x128xi32, #tpu.memory_space<vmem>> -> memref<128xi32, #tpu.memory_space<vmem>>
    %dma_start3A_341 = arith.constant 0 : i32
    %dma_start3A_342 = arith.constant 0 : i32
    %dma_start3A_343 = tpu.memref_slice %arg10[%dma_start3A_341, %dma_start3A_342] : memref<10240x64xf32, #tpu.memory_space<vmem_shared>> -> memref<10240x64xf32, #tpu.memory_space<vmem_shared>>
    tpu.enqueue_indirect_dma source(%dma_start3A_337 : memref<128x64xf32, #tpu.memory_space<vmem>>) target(%dma_start3A_343 : memref<10240x64xf32, #tpu.memory_space<vmem_shared>>) offsets(%dma_start3A_340 : memref<128xi32, #tpu.memory_space<vmem>>) semaphore(%arg17 : memref<!tpu.dma_semaphore, #tpu.memory_space<semaphore_mem>>) {add = true}
    %dma_wait3A_344 = arith.constant 4 : i32
    %dma_wait3A_345 = arith.constant 0 : i32
    %dma_wait3A_346 = arith.constant 0 : i32
    %dma_wait3A_347 = arith.constant 0 : i32
    %dma_wait3A_348 = tpu.memref_slice %arg9[%dma_wait3A_344, %dma_wait3A_346, %dma_wait3A_347] : memref<6x128x64xf32, #tpu.memory_space<vmem>> -> memref<1x128x64xf32, #tpu.memory_space<vmem>>
    %dma_wait3A_349 = tpu.memref_squeeze %dma_wait3A_348 : memref<1x128x64xf32, #tpu.memory_space<vmem>> -> memref<128x64xf32, #tpu.memory_space<vmem>>
    %dma_wait3A_350 = arith.constant 0 : i32
    %dma_wait3A_351 = tpu.memref_slice %arg8[%dma_wait3A_345, %dma_wait3A_350] : memref<160x128xi32, #tpu.memory_space<vmem>> -> memref<1x128xi32, #tpu.memory_space<vmem>>
    %dma_wait3A_352 = tpu.memref_squeeze %dma_wait3A_351 : memref<1x128xi32, #tpu.memory_space<vmem>> -> memref<128xi32, #tpu.memory_space<vmem>>
    %dma_wait3A_353 = arith.constant 0 : i32
    %dma_wait3A_354 = arith.constant 0 : i32
    %dma_wait3A_355 = tpu.memref_slice %arg10[%dma_wait3A_353, %dma_wait3A_354] : memref<10240x64xf32, #tpu.memory_space<vmem_shared>> -> memref<10240x64xf32, #tpu.memory_space<vmem_shared>>
    tpu.wait_indirect_dma semaphore(%arg21 : memref<!tpu.dma_semaphore, #tpu.memory_space<semaphore_mem>>) src(%dma_wait3A_349 : memref<128x64xf32, #tpu.memory_space<vmem>>) dst(%dma_wait3A_355 : memref<10240x64xf32, #tpu.memory_space<vmem_shared>>)
    %dma_wait3A_356 = arith.constant 0 : i32
    %dma_wait3A_357 = arith.constant 1 : i32
    %dma_wait3A_358 = arith.constant 0 : i32
    %dma_wait3A_359 = arith.constant 0 : i32
    %dma_wait3A_360 = tpu.memref_slice %arg9[%dma_wait3A_357, %dma_wait3A_358, %dma_wait3A_359] : memref<6x128x64xf32, #tpu.memory_space<vmem>> -> memref<1x128x64xf32, #tpu.memory_space<vmem>>
    %dma_wait3A_361 = tpu.memref_squeeze %dma_wait3A_360 : memref<1x128x64xf32, #tpu.memory_space<vmem>> -> memref<128x64xf32, #tpu.memory_space<vmem>>
    %dma_wait3A_362 = arith.constant 0 : i32
    %dma_wait3A_363 = tpu.memref_slice %arg7[%dma_wait3A_356, %dma_wait3A_362] : memref<160x128xi32, #tpu.memory_space<vmem>> -> memref<1x128xi32, #tpu.memory_space<vmem>>
    %dma_wait3A_364 = tpu.memref_squeeze %dma_wait3A_363 : memref<1x128xi32, #tpu.memory_space<vmem>> -> memref<128xi32, #tpu.memory_space<vmem>>
    %dma_wait3A_365 = arith.constant 0 : i32
    %dma_wait3A_366 = arith.constant 0 : i32
    %dma_wait3A_367 = tpu.memref_slice %arg2[%dma_wait3A_365, %dma_wait3A_366] : memref<20480x64xf32, #tpu.memory_space<hbm>> -> memref<20480x64xf32, #tpu.memory_space<hbm>>
    tpu.wait_indirect_dma semaphore(%arg12 : memref<!tpu.dma_semaphore, #tpu.memory_space<semaphore_mem>>) src(%dma_wait3A_367 : memref<20480x64xf32, #tpu.memory_space<hbm>>) dst(%dma_wait3A_361 : memref<128x64xf32, #tpu.memory_space<vmem>>)
    %dma_start3A_368 = arith.constant 1 : i32
    %dma_start3A_369 = arith.constant 157 : i32
    %dma_start3A_370 = arith.constant 0 : i32
    %dma_start3A_371 = arith.constant 0 : i32
    %dma_start3A_372 = tpu.memref_slice %arg9[%dma_start3A_368, %dma_start3A_370, %dma_start3A_371] : memref<6x128x64xf32, #tpu.memory_space<vmem>> -> memref<1x128x64xf32, #tpu.memory_space<vmem>>
    %dma_start3A_373 = tpu.memref_squeeze %dma_start3A_372 : memref<1x128x64xf32, #tpu.memory_space<vmem>> -> memref<128x64xf32, #tpu.memory_space<vmem>>
    %dma_start3A_374 = arith.constant 0 : i32
    %dma_start3A_375 = tpu.memref_slice %arg8[%dma_start3A_369, %dma_start3A_374] : memref<160x128xi32, #tpu.memory_space<vmem>> -> memref<1x128xi32, #tpu.memory_space<vmem>>
    %dma_start3A_376 = tpu.memref_squeeze %dma_start3A_375 : memref<1x128xi32, #tpu.memory_space<vmem>> -> memref<128xi32, #tpu.memory_space<vmem>>
    %dma_start3A_377 = arith.constant 0 : i32
    %dma_start3A_378 = arith.constant 0 : i32
    %dma_start3A_379 = tpu.memref_slice %arg10[%dma_start3A_377, %dma_start3A_378] : memref<10240x64xf32, #tpu.memory_space<vmem_shared>> -> memref<10240x64xf32, #tpu.memory_space<vmem_shared>>
    tpu.enqueue_indirect_dma source(%dma_start3A_373 : memref<128x64xf32, #tpu.memory_space<vmem>>) target(%dma_start3A_379 : memref<10240x64xf32, #tpu.memory_space<vmem_shared>>) offsets(%dma_start3A_376 : memref<128xi32, #tpu.memory_space<vmem>>) semaphore(%arg18 : memref<!tpu.dma_semaphore, #tpu.memory_space<semaphore_mem>>) {add = true}
    %dma_wait3A_380 = arith.constant 5 : i32
    %dma_wait3A_381 = arith.constant 0 : i32
    %dma_wait3A_382 = arith.constant 0 : i32
    %dma_wait3A_383 = arith.constant 0 : i32
    %dma_wait3A_384 = tpu.memref_slice %arg9[%dma_wait3A_380, %dma_wait3A_382, %dma_wait3A_383] : memref<6x128x64xf32, #tpu.memory_space<vmem>> -> memref<1x128x64xf32, #tpu.memory_space<vmem>>
    %dma_wait3A_385 = tpu.memref_squeeze %dma_wait3A_384 : memref<1x128x64xf32, #tpu.memory_space<vmem>> -> memref<128x64xf32, #tpu.memory_space<vmem>>
    %dma_wait3A_386 = arith.constant 0 : i32
    %dma_wait3A_387 = tpu.memref_slice %arg8[%dma_wait3A_381, %dma_wait3A_386] : memref<160x128xi32, #tpu.memory_space<vmem>> -> memref<1x128xi32, #tpu.memory_space<vmem>>
    %dma_wait3A_388 = tpu.memref_squeeze %dma_wait3A_387 : memref<1x128xi32, #tpu.memory_space<vmem>> -> memref<128xi32, #tpu.memory_space<vmem>>
    %dma_wait3A_389 = arith.constant 0 : i32
    %dma_wait3A_390 = arith.constant 0 : i32
    %dma_wait3A_391 = tpu.memref_slice %arg10[%dma_wait3A_389, %dma_wait3A_390] : memref<10240x64xf32, #tpu.memory_space<vmem_shared>> -> memref<10240x64xf32, #tpu.memory_space<vmem_shared>>
    tpu.wait_indirect_dma semaphore(%arg22 : memref<!tpu.dma_semaphore, #tpu.memory_space<semaphore_mem>>) src(%dma_wait3A_385 : memref<128x64xf32, #tpu.memory_space<vmem>>) dst(%dma_wait3A_391 : memref<10240x64xf32, #tpu.memory_space<vmem_shared>>)
    %dma_wait3A_392 = arith.constant 0 : i32
    %dma_wait3A_393 = arith.constant 2 : i32
    %dma_wait3A_394 = arith.constant 0 : i32
    %dma_wait3A_395 = arith.constant 0 : i32
    %dma_wait3A_396 = tpu.memref_slice %arg9[%dma_wait3A_393, %dma_wait3A_394, %dma_wait3A_395] : memref<6x128x64xf32, #tpu.memory_space<vmem>> -> memref<1x128x64xf32, #tpu.memory_space<vmem>>
    %dma_wait3A_397 = tpu.memref_squeeze %dma_wait3A_396 : memref<1x128x64xf32, #tpu.memory_space<vmem>> -> memref<128x64xf32, #tpu.memory_space<vmem>>
    %dma_wait3A_398 = arith.constant 0 : i32
    %dma_wait3A_399 = tpu.memref_slice %arg7[%dma_wait3A_392, %dma_wait3A_398] : memref<160x128xi32, #tpu.memory_space<vmem>> -> memref<1x128xi32, #tpu.memory_space<vmem>>
    %dma_wait3A_400 = tpu.memref_squeeze %dma_wait3A_399 : memref<1x128xi32, #tpu.memory_space<vmem>> -> memref<128xi32, #tpu.memory_space<vmem>>
    %dma_wait3A_401 = arith.constant 0 : i32
    %dma_wait3A_402 = arith.constant 0 : i32
    %dma_wait3A_403 = tpu.memref_slice %arg2[%dma_wait3A_401, %dma_wait3A_402] : memref<20480x64xf32, #tpu.memory_space<hbm>> -> memref<20480x64xf32, #tpu.memory_space<hbm>>
    tpu.wait_indirect_dma semaphore(%arg13 : memref<!tpu.dma_semaphore, #tpu.memory_space<semaphore_mem>>) src(%dma_wait3A_403 : memref<20480x64xf32, #tpu.memory_space<hbm>>) dst(%dma_wait3A_397 : memref<128x64xf32, #tpu.memory_space<vmem>>)
    %dma_start3A_404 = arith.constant 2 : i32
    %dma_start3A_405 = arith.constant 158 : i32
    %dma_start3A_406 = arith.constant 0 : i32
    %dma_start3A_407 = arith.constant 0 : i32
    %dma_start3A_408 = tpu.memref_slice %arg9[%dma_start3A_404, %dma_start3A_406, %dma_start3A_407] : memref<6x128x64xf32, #tpu.memory_space<vmem>> -> memref<1x128x64xf32, #tpu.memory_space<vmem>>
    %dma_start3A_409 = tpu.memref_squeeze %dma_start3A_408 : memref<1x128x64xf32, #tpu.memory_space<vmem>> -> memref<128x64xf32, #tpu.memory_space<vmem>>
    %dma_start3A_410 = arith.constant 0 : i32
    %dma_start3A_411 = tpu.memref_slice %arg8[%dma_start3A_405, %dma_start3A_410] : memref<160x128xi32, #tpu.memory_space<vmem>> -> memref<1x128xi32, #tpu.memory_space<vmem>>
    %dma_start3A_412 = tpu.memref_squeeze %dma_start3A_411 : memref<1x128xi32, #tpu.memory_space<vmem>> -> memref<128xi32, #tpu.memory_space<vmem>>
    %dma_start3A_413 = arith.constant 0 : i32
    %dma_start3A_414 = arith.constant 0 : i32
    %dma_start3A_415 = tpu.memref_slice %arg10[%dma_start3A_413, %dma_start3A_414] : memref<10240x64xf32, #tpu.memory_space<vmem_shared>> -> memref<10240x64xf32, #tpu.memory_space<vmem_shared>>
    tpu.enqueue_indirect_dma source(%dma_start3A_409 : memref<128x64xf32, #tpu.memory_space<vmem>>) target(%dma_start3A_415 : memref<10240x64xf32, #tpu.memory_space<vmem_shared>>) offsets(%dma_start3A_412 : memref<128xi32, #tpu.memory_space<vmem>>) semaphore(%arg19 : memref<!tpu.dma_semaphore, #tpu.memory_space<semaphore_mem>>) {add = true}
    %dma_wait3A_416 = arith.constant 0 : i32
    %dma_wait3A_417 = arith.constant 0 : i32
    %dma_wait3A_418 = arith.constant 0 : i32
    %dma_wait3A_419 = arith.constant 0 : i32
    %dma_wait3A_420 = tpu.memref_slice %arg9[%dma_wait3A_416, %dma_wait3A_418, %dma_wait3A_419] : memref<6x128x64xf32, #tpu.memory_space<vmem>> -> memref<1x128x64xf32, #tpu.memory_space<vmem>>
    %dma_wait3A_421 = tpu.memref_squeeze %dma_wait3A_420 : memref<1x128x64xf32, #tpu.memory_space<vmem>> -> memref<128x64xf32, #tpu.memory_space<vmem>>
    %dma_wait3A_422 = arith.constant 0 : i32
    %dma_wait3A_423 = tpu.memref_slice %arg8[%dma_wait3A_417, %dma_wait3A_422] : memref<160x128xi32, #tpu.memory_space<vmem>> -> memref<1x128xi32, #tpu.memory_space<vmem>>
    %dma_wait3A_424 = tpu.memref_squeeze %dma_wait3A_423 : memref<1x128xi32, #tpu.memory_space<vmem>> -> memref<128xi32, #tpu.memory_space<vmem>>
    %dma_wait3A_425 = arith.constant 0 : i32
    %dma_wait3A_426 = arith.constant 0 : i32
    %dma_wait3A_427 = tpu.memref_slice %arg10[%dma_wait3A_425, %dma_wait3A_426] : memref<10240x64xf32, #tpu.memory_space<vmem_shared>> -> memref<10240x64xf32, #tpu.memory_space<vmem_shared>>
    tpu.wait_indirect_dma semaphore(%arg17 : memref<!tpu.dma_semaphore, #tpu.memory_space<semaphore_mem>>) src(%dma_wait3A_421 : memref<128x64xf32, #tpu.memory_space<vmem>>) dst(%dma_wait3A_427 : memref<10240x64xf32, #tpu.memory_space<vmem_shared>>)
    %dma_wait3A_428 = arith.constant 0 : i32
    %dma_wait3A_429 = arith.constant 3 : i32
    %dma_wait3A_430 = arith.constant 0 : i32
    %dma_wait3A_431 = arith.constant 0 : i32
    %dma_wait3A_432 = tpu.memref_slice %arg9[%dma_wait3A_429, %dma_wait3A_430, %dma_wait3A_431] : memref<6x128x64xf32, #tpu.memory_space<vmem>> -> memref<1x128x64xf32, #tpu.memory_space<vmem>>
    %dma_wait3A_433 = tpu.memref_squeeze %dma_wait3A_432 : memref<1x128x64xf32, #tpu.memory_space<vmem>> -> memref<128x64xf32, #tpu.memory_space<vmem>>
    %dma_wait3A_434 = arith.constant 0 : i32
    %dma_wait3A_435 = tpu.memref_slice %arg7[%dma_wait3A_428, %dma_wait3A_434] : memref<160x128xi32, #tpu.memory_space<vmem>> -> memref<1x128xi32, #tpu.memory_space<vmem>>
    %dma_wait3A_436 = tpu.memref_squeeze %dma_wait3A_435 : memref<1x128xi32, #tpu.memory_space<vmem>> -> memref<128xi32, #tpu.memory_space<vmem>>
    %dma_wait3A_437 = arith.constant 0 : i32
    %dma_wait3A_438 = arith.constant 0 : i32
    %dma_wait3A_439 = tpu.memref_slice %arg2[%dma_wait3A_437, %dma_wait3A_438] : memref<20480x64xf32, #tpu.memory_space<hbm>> -> memref<20480x64xf32, #tpu.memory_space<hbm>>
    tpu.wait_indirect_dma semaphore(%arg14 : memref<!tpu.dma_semaphore, #tpu.memory_space<semaphore_mem>>) src(%dma_wait3A_439 : memref<20480x64xf32, #tpu.memory_space<hbm>>) dst(%dma_wait3A_433 : memref<128x64xf32, #tpu.memory_space<vmem>>)
    %dma_start3A_440 = arith.constant 3 : i32
    %dma_start3A_441 = arith.constant 159 : i32
    %dma_start3A_442 = arith.constant 0 : i32
    %dma_start3A_443 = arith.constant 0 : i32
    %dma_start3A_444 = tpu.memref_slice %arg9[%dma_start3A_440, %dma_start3A_442, %dma_start3A_443] : memref<6x128x64xf32, #tpu.memory_space<vmem>> -> memref<1x128x64xf32, #tpu.memory_space<vmem>>
    %dma_start3A_445 = tpu.memref_squeeze %dma_start3A_444 : memref<1x128x64xf32, #tpu.memory_space<vmem>> -> memref<128x64xf32, #tpu.memory_space<vmem>>
    %dma_start3A_446 = arith.constant 0 : i32
    %dma_start3A_447 = tpu.memref_slice %arg8[%dma_start3A_441, %dma_start3A_446] : memref<160x128xi32, #tpu.memory_space<vmem>> -> memref<1x128xi32, #tpu.memory_space<vmem>>
    %dma_start3A_448 = tpu.memref_squeeze %dma_start3A_447 : memref<1x128xi32, #tpu.memory_space<vmem>> -> memref<128xi32, #tpu.memory_space<vmem>>
    %dma_start3A_449 = arith.constant 0 : i32
    %dma_start3A_450 = arith.constant 0 : i32
    %dma_start3A_451 = tpu.memref_slice %arg10[%dma_start3A_449, %dma_start3A_450] : memref<10240x64xf32, #tpu.memory_space<vmem_shared>> -> memref<10240x64xf32, #tpu.memory_space<vmem_shared>>
    tpu.enqueue_indirect_dma source(%dma_start3A_445 : memref<128x64xf32, #tpu.memory_space<vmem>>) target(%dma_start3A_451 : memref<10240x64xf32, #tpu.memory_space<vmem_shared>>) offsets(%dma_start3A_448 : memref<128xi32, #tpu.memory_space<vmem>>) semaphore(%arg20 : memref<!tpu.dma_semaphore, #tpu.memory_space<semaphore_mem>>) {add = true}
    %dma_wait3A_452 = arith.constant 1 : i32
    %dma_wait3A_453 = arith.constant 0 : i32
    %dma_wait3A_454 = arith.constant 0 : i32
    %dma_wait3A_455 = arith.constant 0 : i32
    %dma_wait3A_456 = tpu.memref_slice %arg9[%dma_wait3A_452, %dma_wait3A_454, %dma_wait3A_455] : memref<6x128x64xf32, #tpu.memory_space<vmem>> -> memref<1x128x64xf32, #tpu.memory_space<vmem>>
    %dma_wait3A_457 = tpu.memref_squeeze %dma_wait3A_456 : memref<1x128x64xf32, #tpu.memory_space<vmem>> -> memref<128x64xf32, #tpu.memory_space<vmem>>
    %dma_wait3A_458 = arith.constant 0 : i32
    %dma_wait3A_459 = tpu.memref_slice %arg8[%dma_wait3A_453, %dma_wait3A_458] : memref<160x128xi32, #tpu.memory_space<vmem>> -> memref<1x128xi32, #tpu.memory_space<vmem>>
    %dma_wait3A_460 = tpu.memref_squeeze %dma_wait3A_459 : memref<1x128xi32, #tpu.memory_space<vmem>> -> memref<128xi32, #tpu.memory_space<vmem>>
    %dma_wait3A_461 = arith.constant 0 : i32
    %dma_wait3A_462 = arith.constant 0 : i32
    %dma_wait3A_463 = tpu.memref_slice %arg10[%dma_wait3A_461, %dma_wait3A_462] : memref<10240x64xf32, #tpu.memory_space<vmem_shared>> -> memref<10240x64xf32, #tpu.memory_space<vmem_shared>>
    tpu.wait_indirect_dma semaphore(%arg18 : memref<!tpu.dma_semaphore, #tpu.memory_space<semaphore_mem>>) src(%dma_wait3A_457 : memref<128x64xf32, #tpu.memory_space<vmem>>) dst(%dma_wait3A_463 : memref<10240x64xf32, #tpu.memory_space<vmem_shared>>)
    %dma_wait3A_464 = arith.constant 2 : i32
    %dma_wait3A_465 = arith.constant 0 : i32
    %dma_wait3A_466 = arith.constant 0 : i32
    %dma_wait3A_467 = arith.constant 0 : i32
    %dma_wait3A_468 = tpu.memref_slice %arg9[%dma_wait3A_464, %dma_wait3A_466, %dma_wait3A_467] : memref<6x128x64xf32, #tpu.memory_space<vmem>> -> memref<1x128x64xf32, #tpu.memory_space<vmem>>
    %dma_wait3A_469 = tpu.memref_squeeze %dma_wait3A_468 : memref<1x128x64xf32, #tpu.memory_space<vmem>> -> memref<128x64xf32, #tpu.memory_space<vmem>>
    %dma_wait3A_470 = arith.constant 0 : i32
    %dma_wait3A_471 = tpu.memref_slice %arg8[%dma_wait3A_465, %dma_wait3A_470] : memref<160x128xi32, #tpu.memory_space<vmem>> -> memref<1x128xi32, #tpu.memory_space<vmem>>
    %dma_wait3A_472 = tpu.memref_squeeze %dma_wait3A_471 : memref<1x128xi32, #tpu.memory_space<vmem>> -> memref<128xi32, #tpu.memory_space<vmem>>
    %dma_wait3A_473 = arith.constant 0 : i32
    %dma_wait3A_474 = arith.constant 0 : i32
    %dma_wait3A_475 = tpu.memref_slice %arg10[%dma_wait3A_473, %dma_wait3A_474] : memref<10240x64xf32, #tpu.memory_space<vmem_shared>> -> memref<10240x64xf32, #tpu.memory_space<vmem_shared>>
    tpu.wait_indirect_dma semaphore(%arg19 : memref<!tpu.dma_semaphore, #tpu.memory_space<semaphore_mem>>) src(%dma_wait3A_469 : memref<128x64xf32, #tpu.memory_space<vmem>>) dst(%dma_wait3A_475 : memref<10240x64xf32, #tpu.memory_space<vmem_shared>>)
    %dma_wait3A_476 = arith.constant 3 : i32
    %dma_wait3A_477 = arith.constant 0 : i32
    %dma_wait3A_478 = arith.constant 0 : i32
    %dma_wait3A_479 = arith.constant 0 : i32
    %dma_wait3A_480 = tpu.memref_slice %arg9[%dma_wait3A_476, %dma_wait3A_478, %dma_wait3A_479] : memref<6x128x64xf32, #tpu.memory_space<vmem>> -> memref<1x128x64xf32, #tpu.memory_space<vmem>>
    %dma_wait3A_481 = tpu.memref_squeeze %dma_wait3A_480 : memref<1x128x64xf32, #tpu.memory_space<vmem>> -> memref<128x64xf32, #tpu.memory_space<vmem>>
    %dma_wait3A_482 = arith.constant 0 : i32
    %dma_wait3A_483 = tpu.memref_slice %arg8[%dma_wait3A_477, %dma_wait3A_482] : memref<160x128xi32, #tpu.memory_space<vmem>> -> memref<1x128xi32, #tpu.memory_space<vmem>>
    %dma_wait3A_484 = tpu.memref_squeeze %dma_wait3A_483 : memref<1x128xi32, #tpu.memory_space<vmem>> -> memref<128xi32, #tpu.memory_space<vmem>>
    %dma_wait3A_485 = arith.constant 0 : i32
    %dma_wait3A_486 = arith.constant 0 : i32
    %dma_wait3A_487 = tpu.memref_slice %arg10[%dma_wait3A_485, %dma_wait3A_486] : memref<10240x64xf32, #tpu.memory_space<vmem_shared>> -> memref<10240x64xf32, #tpu.memory_space<vmem_shared>>
    tpu.wait_indirect_dma semaphore(%arg20 : memref<!tpu.dma_semaphore, #tpu.memory_space<semaphore_mem>>) src(%dma_wait3A_481 : memref<128x64xf32, #tpu.memory_space<vmem>>) dst(%dma_wait3A_487 : memref<10240x64xf32, #tpu.memory_space<vmem_shared>>)
    %barrier3A_488 = arith.constant 0 : index
    tpu.barrier barrier_id(%barrier3A_488)
    "tpu.region"() ({
      %run_scoped3A = tpu.sem_alloc : memref<!tpu.dma_semaphore, #tpu.memory_space<semaphore_mem>>
      %dma_start3A_489 = arith.constant 0 : i32
      %dma_start3A_490 = tpu.memref_slice %arg6[%arg0, %mul3A_0, %dma_start3A_489] : memref<2x10240x64xf32, #tpu.memory_space<hbm>> -> memref<1x640x64xf32, #tpu.memory_space<hbm>>
      %dma_start3A_491 = tpu.memref_squeeze %dma_start3A_490 : memref<1x640x64xf32, #tpu.memory_space<hbm>> -> memref<640x64xf32, #tpu.memory_space<hbm>>
      %dma_start3A_492 = arith.constant 0 : i32
      %dma_start3A_493 = tpu.memref_slice %arg10[%mul3A_0, %dma_start3A_492] : memref<10240x64xf32, #tpu.memory_space<vmem_shared>> -> memref<640x64xf32, #tpu.memory_space<vmem_shared>>
      tpu.enqueue_dma source(%dma_start3A_493 : memref<640x64xf32, #tpu.memory_space<vmem_shared>>) target(%dma_start3A_491 : memref<640x64xf32, #tpu.memory_space<hbm>>) target_semaphore(%run_scoped3A : memref<!tpu.dma_semaphore, #tpu.memory_space<semaphore_mem>>)
      %dma_wait3A_494 = arith.constant 0 : i32
      %dma_wait3A_495 = tpu.memref_slice %arg6[%arg0, %mul3A_0, %dma_wait3A_494] : memref<2x10240x64xf32, #tpu.memory_space<hbm>> -> memref<1x640x64xf32, #tpu.memory_space<hbm>>
      %dma_wait3A_496 = tpu.memref_squeeze %dma_wait3A_495 : memref<1x640x64xf32, #tpu.memory_space<hbm>> -> memref<640x64xf32, #tpu.memory_space<hbm>>
      %dma_wait3A_497 = arith.constant 0 : i32
      %dma_wait3A_498 = tpu.memref_slice %arg10[%mul3A_0, %dma_wait3A_497] : memref<10240x64xf32, #tpu.memory_space<vmem_shared>> -> memref<640x64xf32, #tpu.memory_space<vmem_shared>>
      tpu.wait_dma2 semaphore(%run_scoped3A : memref<!tpu.dma_semaphore, #tpu.memory_space<semaphore_mem>>) src(%dma_wait3A_498 : memref<640x64xf32, #tpu.memory_space<vmem_shared>>) dst(%dma_wait3A_496 : memref<640x64xf32, #tpu.memory_space<hbm>>)
      tpu.yield
    }) : () -> ()
    return
  }
}

#map = affine_map<(d0, d1) -> (0, 0)>
#map1 = affine_map<(d0, d1) -> (0, 0, 0)>
module attributes {stable_mosaic.version = 14 : i64} {
  func.func @_agg_kernel(%arg0: i32, %arg1: i32, %arg2: memref<20480x64xf32, #tpu.memory_space<hbm>>, %arg3: memref<2x2560x128xi32, #tpu.memory_space<hbm>>, %arg4: memref<2560x128xi32, #tpu.memory_space<hbm>>, %arg5: memref<640x64xf32, #tpu.memory_space<hbm>>, %arg6: memref<2x10240x64xf32, #tpu.memory_space<hbm>>, %arg7: memref<160x128xi32, #tpu.memory_space<vmem>>, %arg8: memref<160x128xi32, #tpu.memory_space<vmem>>, %arg9: memref<6x128x64xf32, #tpu.memory_space<vmem>>, %arg10: memref<10240x64xf32, #tpu.memory_space<vmem_shared>>, %arg11: memref<!tpu.dma_semaphore, #tpu.memory_space<semaphore_mem>>, %arg12: memref<!tpu.dma_semaphore, #tpu.memory_space<semaphore_mem>>, %arg13: memref<!tpu.dma_semaphore, #tpu.memory_space<semaphore_mem>>, %arg14: memref<!tpu.dma_semaphore, #tpu.memory_space<semaphore_mem>>, %arg15: memref<!tpu.dma_semaphore, #tpu.memory_space<semaphore_mem>>, %arg16: memref<!tpu.dma_semaphore, #tpu.memory_space<semaphore_mem>>, %arg17: memref<!tpu.dma_semaphore, #tpu.memory_space<semaphore_mem>>, %arg18: memref<!tpu.dma_semaphore, #tpu.memory_space<semaphore_mem>>, %arg19: memref<!tpu.dma_semaphore, #tpu.memory_space<semaphore_mem>>, %arg20: memref<!tpu.dma_semaphore, #tpu.memory_space<semaphore_mem>>, %arg21: memref<!tpu.dma_semaphore, #tpu.memory_space<semaphore_mem>>, %arg22: memref<!tpu.dma_semaphore, #tpu.memory_space<semaphore_mem>>) attributes {dimension_semantics = [#tpu.dimension_semantics<core_parallel>, #tpu.dimension_semantics<subcore_parallel>], iteration_bounds = array<i64: 2, 16>, scalar_prefetch = 0 : i64, scratch_operands = 16 : i64, tpu.core_type = #tpu.core_type<sc_vector_subcore>, window_params = [{transform_indices = #map}, {transform_indices = #map1}, {transform_indices = #map}, {transform_indices = #map}, {transform_indices = #map1}]} {
    %mul3A = arith.constant 640 : i32
    %mul3A_0 = arith.muli %arg1, %mul3A : i32
    "tpu.region"() ({
      %run_scoped3A = tpu.sem_alloc : memref<!tpu.dma_semaphore, #tpu.memory_space<semaphore_mem>>
      %dma_start3A_489 = arith.constant 0 : i32
      %dma_start3A_490 = tpu.memref_slice %arg10[%mul3A_0, %dma_start3A_489] : memref<10240x64xf32, #tpu.memory_space<vmem_shared>> -> memref<640x64xf32, #tpu.memory_space<vmem_shared>>
      tpu.enqueue_dma source(%arg5 : memref<640x64xf32, #tpu.memory_space<hbm>>) target(%dma_start3A_490 : memref<640x64xf32, #tpu.memory_space<vmem_shared>>) target_semaphore(%run_scoped3A : memref<!tpu.dma_semaphore, #tpu.memory_space<semaphore_mem>>)
      %dma_wait3A_491 = arith.constant 0 : i32
      %dma_wait3A_492 = tpu.memref_slice %arg10[%mul3A_0, %dma_wait3A_491] : memref<10240x64xf32, #tpu.memory_space<vmem_shared>> -> memref<640x64xf32, #tpu.memory_space<vmem_shared>>
      tpu.wait_dma2 semaphore(%run_scoped3A : memref<!tpu.dma_semaphore, #tpu.memory_space<semaphore_mem>>) src(%arg5 : memref<640x64xf32, #tpu.memory_space<hbm>>) dst(%dma_wait3A_492 : memref<640x64xf32, #tpu.memory_space<vmem_shared>>)
      tpu.yield
    }) : () -> ()
    %mul3A_1 = arith.constant 160 : i32
    %mul3A_2 = arith.muli %arg1, %mul3A_1 : i32
    "tpu.region"() ({
      %run_scoped3A = tpu.sem_alloc : memref<!tpu.dma_semaphore, #tpu.memory_space<semaphore_mem>>
      %dma_start3A_489 = arith.constant 0 : i32
      %dma_start3A_490 = tpu.memref_slice %arg3[%arg0, %mul3A_2, %dma_start3A_489] : memref<2x2560x128xi32, #tpu.memory_space<hbm>> -> memref<1x160x128xi32, #tpu.memory_space<hbm>>
      %dma_start3A_491 = tpu.memref_squeeze %dma_start3A_490 : memref<1x160x128xi32, #tpu.memory_space<hbm>> -> memref<160x128xi32, #tpu.memory_space<hbm>>
      %dma_start3A_492 = arith.constant 0 : i32
      %dma_start3A_493 = tpu.memref_slice %arg3[%arg0, %mul3A_2, %dma_start3A_492] : memref<2x2560x128xi32, #tpu.memory_space<hbm>> -> memref<1x160x128xi32, #tpu.memory_space<hbm>>
      %dma_start3A_494 = tpu.memref_squeeze %dma_start3A_493 : memref<1x160x128xi32, #tpu.memory_space<hbm>> -> memref<160x128xi32, #tpu.memory_space<hbm>>
      tpu.enqueue_dma source(%dma_start3A_494 : memref<160x128xi32, #tpu.memory_space<hbm>>) target(%arg7 : memref<160x128xi32, #tpu.memory_space<vmem>>) target_semaphore(%run_scoped3A : memref<!tpu.dma_semaphore, #tpu.memory_space<semaphore_mem>>)
      %dma_wait3A_495 = arith.constant 0 : i32
      %dma_wait3A_496 = tpu.memref_slice %arg3[%arg0, %mul3A_2, %dma_wait3A_495] : memref<2x2560x128xi32, #tpu.memory_space<hbm>> -> memref<1x160x128xi32, #tpu.memory_space<hbm>>
      %dma_wait3A_497 = tpu.memref_squeeze %dma_wait3A_496 : memref<1x160x128xi32, #tpu.memory_space<hbm>> -> memref<160x128xi32, #tpu.memory_space<hbm>>
      %dma_wait3A_498 = arith.constant 0 : i32
      %dma_wait3A_499 = tpu.memref_slice %arg3[%arg0, %mul3A_2, %dma_wait3A_498] : memref<2x2560x128xi32, #tpu.memory_space<hbm>> -> memref<1x160x128xi32, #tpu.memory_space<hbm>>
      %dma_wait3A_500 = tpu.memref_squeeze %dma_wait3A_499 : memref<1x160x128xi32, #tpu.memory_space<hbm>> -> memref<160x128xi32, #tpu.memory_space<hbm>>
      tpu.wait_dma2 semaphore(%run_scoped3A : memref<!tpu.dma_semaphore, #tpu.memory_space<semaphore_mem>>) src(%dma_wait3A_500 : memref<160x128xi32, #tpu.memory_space<hbm>>) dst(%arg7 : memref<160x128xi32, #tpu.memory_space<vmem>>)
      tpu.yield
    }) : () -> ()
    %mul3A_3 = arith.constant 160 : i32
    %mul3A_4 = arith.muli %arg1, %mul3A_3 : i32
    "tpu.region"() ({
      %run_scoped3A = tpu.sem_alloc : memref<!tpu.dma_semaphore, #tpu.memory_space<semaphore_mem>>
      %dma_start3A_489 = arith.constant 0 : i32
      %dma_start3A_490 = tpu.memref_slice %arg4[%mul3A_4, %dma_start3A_489] : memref<2560x128xi32, #tpu.memory_space<hbm>> -> memref<160x128xi32, #tpu.memory_space<hbm>>
      %dma_start3A_491 = arith.constant 0 : i32
      %dma_start3A_492 = tpu.memref_slice %arg4[%mul3A_4, %dma_start3A_491] : memref<2560x128xi32, #tpu.memory_space<hbm>> -> memref<160x128xi32, #tpu.memory_space<hbm>>
      tpu.enqueue_dma source(%dma_start3A_492 : memref<160x128xi32, #tpu.memory_space<hbm>>) target(%arg8 : memref<160x128xi32, #tpu.memory_space<vmem>>) target_semaphore(%run_scoped3A : memref<!tpu.dma_semaphore, #tpu.memory_space<semaphore_mem>>)
      %dma_wait3A_493 = arith.constant 0 : i32
      %dma_wait3A_494 = tpu.memref_slice %arg4[%mul3A_4, %dma_wait3A_493] : memref<2560x128xi32, #tpu.memory_space<hbm>> -> memref<160x128xi32, #tpu.memory_space<hbm>>
      %dma_wait3A_495 = arith.constant 0 : i32
      %dma_wait3A_496 = tpu.memref_slice %arg4[%mul3A_4, %dma_wait3A_495] : memref<2560x128xi32, #tpu.memory_space<hbm>> -> memref<160x128xi32, #tpu.memory_space<hbm>>
      tpu.wait_dma2 semaphore(%run_scoped3A : memref<!tpu.dma_semaphore, #tpu.memory_space<semaphore_mem>>) src(%dma_wait3A_496 : memref<160x128xi32, #tpu.memory_space<hbm>>) dst(%arg8 : memref<160x128xi32, #tpu.memory_space<vmem>>)
      tpu.yield
    }) : () -> ()
    %barrier3A = arith.constant 0 : index
    tpu.barrier barrier_id(%barrier3A)
    %dma_start3A = arith.constant 0 : i32
    %dma_start3A_5 = arith.constant 0 : i32
    %dma_start3A_6 = arith.constant 0 : i32
    %dma_start3A_7 = arith.constant 0 : i32
    %dma_start3A_8 = tpu.memref_slice %arg9[%dma_start3A_5, %dma_start3A_6, %dma_start3A_7] : memref<6x128x64xf32, #tpu.memory_space<vmem>> -> memref<1x128x64xf32, #tpu.memory_space<vmem>>
    %dma_start3A_9 = tpu.memref_squeeze %dma_start3A_8 : memref<1x128x64xf32, #tpu.memory_space<vmem>> -> memref<128x64xf32, #tpu.memory_space<vmem>>
    %dma_start3A_10 = arith.constant 0 : i32
    %dma_start3A_11 = tpu.memref_slice %arg7[%dma_start3A, %dma_start3A_10] : memref<160x128xi32, #tpu.memory_space<vmem>> -> memref<1x128xi32, #tpu.memory_space<vmem>>
    %dma_start3A_12 = tpu.memref_squeeze %dma_start3A_11 : memref<1x128xi32, #tpu.memory_space<vmem>> -> memref<128xi32, #tpu.memory_space<vmem>>
    %dma_start3A_13 = arith.constant 0 : i32
    %dma_start3A_14 = arith.constant 0 : i32
    %dma_start3A_15 = tpu.memref_slice %arg2[%dma_start3A_13, %dma_start3A_14] : memref<20480x64xf32, #tpu.memory_space<hbm>> -> memref<20480x64xf32, #tpu.memory_space<hbm>>
    tpu.enqueue_indirect_dma source(%dma_start3A_15 : memref<20480x64xf32, #tpu.memory_space<hbm>>) target(%dma_start3A_9 : memref<128x64xf32, #tpu.memory_space<vmem>>) offsets(%dma_start3A_12 : memref<128xi32, #tpu.memory_space<vmem>>) semaphore(%arg11 : memref<!tpu.dma_semaphore, #tpu.memory_space<semaphore_mem>>)
    %dma_start3A_16 = arith.constant 1 : i32
    %dma_start3A_17 = arith.constant 1 : i32
    %dma_start3A_18 = arith.constant 0 : i32
    %dma_start3A_19 = arith.constant 0 : i32
    %dma_start3A_20 = tpu.memref_slice %arg9[%dma_start3A_17, %dma_start3A_18, %dma_start3A_19] : memref<6x128x64xf32, #tpu.memory_space<vmem>> -> memref<1x128x64xf32, #tpu.memory_space<vmem>>
    %dma_start3A_21 = tpu.memref_squeeze %dma_start3A_20 : memref<1x128x64xf32, #tpu.memory_space<vmem>> -> memref<128x64xf32, #tpu.memory_space<vmem>>
    %dma_start3A_22 = arith.constant 0 : i32
    %dma_start3A_23 = tpu.memref_slice %arg7[%dma_start3A_16, %dma_start3A_22] : memref<160x128xi32, #tpu.memory_space<vmem>> -> memref<1x128xi32, #tpu.memory_space<vmem>>
    %dma_start3A_24 = tpu.memref_squeeze %dma_start3A_23 : memref<1x128xi32, #tpu.memory_space<vmem>> -> memref<128xi32, #tpu.memory_space<vmem>>
    %dma_start3A_25 = arith.constant 0 : i32
    %dma_start3A_26 = arith.constant 0 : i32
    %dma_start3A_27 = tpu.memref_slice %arg2[%dma_start3A_25, %dma_start3A_26] : memref<20480x64xf32, #tpu.memory_space<hbm>> -> memref<20480x64xf32, #tpu.memory_space<hbm>>
    tpu.enqueue_indirect_dma source(%dma_start3A_27 : memref<20480x64xf32, #tpu.memory_space<hbm>>) target(%dma_start3A_21 : memref<128x64xf32, #tpu.memory_space<vmem>>) offsets(%dma_start3A_24 : memref<128xi32, #tpu.memory_space<vmem>>) semaphore(%arg12 : memref<!tpu.dma_semaphore, #tpu.memory_space<semaphore_mem>>)
    %dma_start3A_28 = arith.constant 2 : i32
    %dma_start3A_29 = arith.constant 2 : i32
    %dma_start3A_30 = arith.constant 0 : i32
    %dma_start3A_31 = arith.constant 0 : i32
    %dma_start3A_32 = tpu.memref_slice %arg9[%dma_start3A_29, %dma_start3A_30, %dma_start3A_31] : memref<6x128x64xf32, #tpu.memory_space<vmem>> -> memref<1x128x64xf32, #tpu.memory_space<vmem>>
    %dma_start3A_33 = tpu.memref_squeeze %dma_start3A_32 : memref<1x128x64xf32, #tpu.memory_space<vmem>> -> memref<128x64xf32, #tpu.memory_space<vmem>>
    %dma_start3A_34 = arith.constant 0 : i32
    %dma_start3A_35 = tpu.memref_slice %arg7[%dma_start3A_28, %dma_start3A_34] : memref<160x128xi32, #tpu.memory_space<vmem>> -> memref<1x128xi32, #tpu.memory_space<vmem>>
    %dma_start3A_36 = tpu.memref_squeeze %dma_start3A_35 : memref<1x128xi32, #tpu.memory_space<vmem>> -> memref<128xi32, #tpu.memory_space<vmem>>
    %dma_start3A_37 = arith.constant 0 : i32
    %dma_start3A_38 = arith.constant 0 : i32
    %dma_start3A_39 = tpu.memref_slice %arg2[%dma_start3A_37, %dma_start3A_38] : memref<20480x64xf32, #tpu.memory_space<hbm>> -> memref<20480x64xf32, #tpu.memory_space<hbm>>
    tpu.enqueue_indirect_dma source(%dma_start3A_39 : memref<20480x64xf32, #tpu.memory_space<hbm>>) target(%dma_start3A_33 : memref<128x64xf32, #tpu.memory_space<vmem>>) offsets(%dma_start3A_36 : memref<128xi32, #tpu.memory_space<vmem>>) semaphore(%arg13 : memref<!tpu.dma_semaphore, #tpu.memory_space<semaphore_mem>>)
    %dma_start3A_40 = arith.constant 3 : i32
    %dma_start3A_41 = arith.constant 3 : i32
    %dma_start3A_42 = arith.constant 0 : i32
    %dma_start3A_43 = arith.constant 0 : i32
    %dma_start3A_44 = tpu.memref_slice %arg9[%dma_start3A_41, %dma_start3A_42, %dma_start3A_43] : memref<6x128x64xf32, #tpu.memory_space<vmem>> -> memref<1x128x64xf32, #tpu.memory_space<vmem>>
    %dma_start3A_45 = tpu.memref_squeeze %dma_start3A_44 : memref<1x128x64xf32, #tpu.memory_space<vmem>> -> memref<128x64xf32, #tpu.memory_space<vmem>>
    %dma_start3A_46 = arith.constant 0 : i32
    %dma_start3A_47 = tpu.memref_slice %arg7[%dma_start3A_40, %dma_start3A_46] : memref<160x128xi32, #tpu.memory_space<vmem>> -> memref<1x128xi32, #tpu.memory_space<vmem>>
    %dma_start3A_48 = tpu.memref_squeeze %dma_start3A_47 : memref<1x128xi32, #tpu.memory_space<vmem>> -> memref<128xi32, #tpu.memory_space<vmem>>
    %dma_start3A_49 = arith.constant 0 : i32
    %dma_start3A_50 = arith.constant 0 : i32
    %dma_start3A_51 = tpu.memref_slice %arg2[%dma_start3A_49, %dma_start3A_50] : memref<20480x64xf32, #tpu.memory_space<hbm>> -> memref<20480x64xf32, #tpu.memory_space<hbm>>
    tpu.enqueue_indirect_dma source(%dma_start3A_51 : memref<20480x64xf32, #tpu.memory_space<hbm>>) target(%dma_start3A_45 : memref<128x64xf32, #tpu.memory_space<vmem>>) offsets(%dma_start3A_48 : memref<128xi32, #tpu.memory_space<vmem>>) semaphore(%arg14 : memref<!tpu.dma_semaphore, #tpu.memory_space<semaphore_mem>>)
    %dma_wait3A = arith.constant 0 : i32
    %dma_wait3A_52 = arith.constant 0 : i32
    %dma_wait3A_53 = arith.constant 0 : i32
    %dma_wait3A_54 = arith.constant 0 : i32
    %dma_wait3A_55 = tpu.memref_slice %arg9[%dma_wait3A_52, %dma_wait3A_53, %dma_wait3A_54] : memref<6x128x64xf32, #tpu.memory_space<vmem>> -> memref<1x128x64xf32, #tpu.memory_space<vmem>>
    %dma_wait3A_56 = tpu.memref_squeeze %dma_wait3A_55 : memref<1x128x64xf32, #tpu.memory_space<vmem>> -> memref<128x64xf32, #tpu.memory_space<vmem>>
    %dma_wait3A_57 = arith.constant 0 : i32
    %dma_wait3A_58 = tpu.memref_slice %arg7[%dma_wait3A, %dma_wait3A_57] : memref<160x128xi32, #tpu.memory_space<vmem>> -> memref<1x128xi32, #tpu.memory_space<vmem>>
    %dma_wait3A_59 = tpu.memref_squeeze %dma_wait3A_58 : memref<1x128xi32, #tpu.memory_space<vmem>> -> memref<128xi32, #tpu.memory_space<vmem>>
    %dma_wait3A_60 = arith.constant 0 : i32
    %dma_wait3A_61 = arith.constant 0 : i32
    %dma_wait3A_62 = tpu.memref_slice %arg2[%dma_wait3A_60, %dma_wait3A_61] : memref<20480x64xf32, #tpu.memory_space<hbm>> -> memref<20480x64xf32, #tpu.memory_space<hbm>>
    tpu.wait_indirect_dma semaphore(%arg11 : memref<!tpu.dma_semaphore, #tpu.memory_space<semaphore_mem>>) src(%dma_wait3A_62 : memref<20480x64xf32, #tpu.memory_space<hbm>>) dst(%dma_wait3A_56 : memref<128x64xf32, #tpu.memory_space<vmem>>)
    %dma_start3A_63 = arith.constant 0 : i32
    %dma_start3A_64 = arith.constant 0 : i32
    %dma_start3A_65 = arith.constant 0 : i32
    %dma_start3A_66 = arith.constant 0 : i32
    %dma_start3A_67 = tpu.memref_slice %arg9[%dma_start3A_63, %dma_start3A_65, %dma_start3A_66] : memref<6x128x64xf32, #tpu.memory_space<vmem>> -> memref<1x128x64xf32, #tpu.memory_space<vmem>>
    %dma_start3A_68 = tpu.memref_squeeze %dma_start3A_67 : memref<1x128x64xf32, #tpu.memory_space<vmem>> -> memref<128x64xf32, #tpu.memory_space<vmem>>
    %dma_start3A_69 = arith.constant 0 : i32
    %dma_start3A_70 = tpu.memref_slice %arg8[%dma_start3A_64, %dma_start3A_69] : memref<160x128xi32, #tpu.memory_space<vmem>> -> memref<1x128xi32, #tpu.memory_space<vmem>>
    %dma_start3A_71 = tpu.memref_squeeze %dma_start3A_70 : memref<1x128xi32, #tpu.memory_space<vmem>> -> memref<128xi32, #tpu.memory_space<vmem>>
    %dma_start3A_72 = arith.constant 0 : i32
    %dma_start3A_73 = arith.constant 0 : i32
    %dma_start3A_74 = tpu.memref_slice %arg10[%dma_start3A_72, %dma_start3A_73] : memref<10240x64xf32, #tpu.memory_space<vmem_shared>> -> memref<10240x64xf32, #tpu.memory_space<vmem_shared>>
    tpu.enqueue_indirect_dma source(%dma_start3A_68 : memref<128x64xf32, #tpu.memory_space<vmem>>) target(%dma_start3A_74 : memref<10240x64xf32, #tpu.memory_space<vmem_shared>>) offsets(%dma_start3A_71 : memref<128xi32, #tpu.memory_space<vmem>>) semaphore(%arg17 : memref<!tpu.dma_semaphore, #tpu.memory_space<semaphore_mem>>) {add = true}
    %dma_start3A_75 = arith.constant 4 : i32
    %dma_start3A_76 = arith.constant 4 : i32
    %dma_start3A_77 = arith.constant 0 : i32
    %dma_start3A_78 = arith.constant 0 : i32
    %dma_start3A_79 = tpu.memref_slice %arg9[%dma_start3A_76, %dma_start3A_77, %dma_start3A_78] : memref<6x128x64xf32, #tpu.memory_space<vmem>> -> memref<1x128x64xf32, #tpu.memory_space<vmem>>
    %dma_start3A_80 = tpu.memref_squeeze %dma_start3A_79 : memref<1x128x64xf32, #tpu.memory_space<vmem>> -> memref<128x64xf32, #tpu.memory_space<vmem>>
    %dma_start3A_81 = arith.constant 0 : i32
    %dma_start3A_82 = tpu.memref_slice %arg7[%dma_start3A_75, %dma_start3A_81] : memref<160x128xi32, #tpu.memory_space<vmem>> -> memref<1x128xi32, #tpu.memory_space<vmem>>
    %dma_start3A_83 = tpu.memref_squeeze %dma_start3A_82 : memref<1x128xi32, #tpu.memory_space<vmem>> -> memref<128xi32, #tpu.memory_space<vmem>>
    %dma_start3A_84 = arith.constant 0 : i32
    %dma_start3A_85 = arith.constant 0 : i32
    %dma_start3A_86 = tpu.memref_slice %arg2[%dma_start3A_84, %dma_start3A_85] : memref<20480x64xf32, #tpu.memory_space<hbm>> -> memref<20480x64xf32, #tpu.memory_space<hbm>>
    tpu.enqueue_indirect_dma source(%dma_start3A_86 : memref<20480x64xf32, #tpu.memory_space<hbm>>) target(%dma_start3A_80 : memref<128x64xf32, #tpu.memory_space<vmem>>) offsets(%dma_start3A_83 : memref<128xi32, #tpu.memory_space<vmem>>) semaphore(%arg15 : memref<!tpu.dma_semaphore, #tpu.memory_space<semaphore_mem>>)
    %dma_wait3A_87 = arith.constant 0 : i32
    %dma_wait3A_88 = arith.constant 1 : i32
    %dma_wait3A_89 = arith.constant 0 : i32
    %dma_wait3A_90 = arith.constant 0 : i32
    %dma_wait3A_91 = tpu.memref_slice %arg9[%dma_wait3A_88, %dma_wait3A_89, %dma_wait3A_90] : memref<6x128x64xf32, #tpu.memory_space<vmem>> -> memref<1x128x64xf32, #tpu.memory_space<vmem>>
    %dma_wait3A_92 = tpu.memref_squeeze %dma_wait3A_91 : memref<1x128x64xf32, #tpu.memory_space<vmem>> -> memref<128x64xf32, #tpu.memory_space<vmem>>
    %dma_wait3A_93 = arith.constant 0 : i32
    %dma_wait3A_94 = tpu.memref_slice %arg7[%dma_wait3A_87, %dma_wait3A_93] : memref<160x128xi32, #tpu.memory_space<vmem>> -> memref<1x128xi32, #tpu.memory_space<vmem>>
    %dma_wait3A_95 = tpu.memref_squeeze %dma_wait3A_94 : memref<1x128xi32, #tpu.memory_space<vmem>> -> memref<128xi32, #tpu.memory_space<vmem>>
    %dma_wait3A_96 = arith.constant 0 : i32
    %dma_wait3A_97 = arith.constant 0 : i32
    %dma_wait3A_98 = tpu.memref_slice %arg2[%dma_wait3A_96, %dma_wait3A_97] : memref<20480x64xf32, #tpu.memory_space<hbm>> -> memref<20480x64xf32, #tpu.memory_space<hbm>>
    tpu.wait_indirect_dma semaphore(%arg12 : memref<!tpu.dma_semaphore, #tpu.memory_space<semaphore_mem>>) src(%dma_wait3A_98 : memref<20480x64xf32, #tpu.memory_space<hbm>>) dst(%dma_wait3A_92 : memref<128x64xf32, #tpu.memory_space<vmem>>)
    %dma_start3A_99 = arith.constant 1 : i32
    %dma_start3A_100 = arith.constant 1 : i32
    %dma_start3A_101 = arith.constant 0 : i32
    %dma_start3A_102 = arith.constant 0 : i32
    %dma_start3A_103 = tpu.memref_slice %arg9[%dma_start3A_99, %dma_start3A_101, %dma_start3A_102] : memref<6x128x64xf32, #tpu.memory_space<vmem>> -> memref<1x128x64xf32, #tpu.memory_space<vmem>>
    %dma_start3A_104 = tpu.memref_squeeze %dma_start3A_103 : memref<1x128x64xf32, #tpu.memory_space<vmem>> -> memref<128x64xf32, #tpu.memory_space<vmem>>
    %dma_start3A_105 = arith.constant 0 : i32
    %dma_start3A_106 = tpu.memref_slice %arg8[%dma_start3A_100, %dma_start3A_105] : memref<160x128xi32, #tpu.memory_space<vmem>> -> memref<1x128xi32, #tpu.memory_space<vmem>>
    %dma_start3A_107 = tpu.memref_squeeze %dma_start3A_106 : memref<1x128xi32, #tpu.memory_space<vmem>> -> memref<128xi32, #tpu.memory_space<vmem>>
    %dma_start3A_108 = arith.constant 0 : i32
    %dma_start3A_109 = arith.constant 0 : i32
    %dma_start3A_110 = tpu.memref_slice %arg10[%dma_start3A_108, %dma_start3A_109] : memref<10240x64xf32, #tpu.memory_space<vmem_shared>> -> memref<10240x64xf32, #tpu.memory_space<vmem_shared>>
    tpu.enqueue_indirect_dma source(%dma_start3A_104 : memref<128x64xf32, #tpu.memory_space<vmem>>) target(%dma_start3A_110 : memref<10240x64xf32, #tpu.memory_space<vmem_shared>>) offsets(%dma_start3A_107 : memref<128xi32, #tpu.memory_space<vmem>>) semaphore(%arg18 : memref<!tpu.dma_semaphore, #tpu.memory_space<semaphore_mem>>) {add = true}
    %dma_start3A_111 = arith.constant 5 : i32
    %dma_start3A_112 = arith.constant 5 : i32
    %dma_start3A_113 = arith.constant 0 : i32
    %dma_start3A_114 = arith.constant 0 : i32
    %dma_start3A_115 = tpu.memref_slice %arg9[%dma_start3A_112, %dma_start3A_113, %dma_start3A_114] : memref<6x128x64xf32, #tpu.memory_space<vmem>> -> memref<1x128x64xf32, #tpu.memory_space<vmem>>
    %dma_start3A_116 = tpu.memref_squeeze %dma_start3A_115 : memref<1x128x64xf32, #tpu.memory_space<vmem>> -> memref<128x64xf32, #tpu.memory_space<vmem>>
    %dma_start3A_117 = arith.constant 0 : i32
    %dma_start3A_118 = tpu.memref_slice %arg7[%dma_start3A_111, %dma_start3A_117] : memref<160x128xi32, #tpu.memory_space<vmem>> -> memref<1x128xi32, #tpu.memory_space<vmem>>
    %dma_start3A_119 = tpu.memref_squeeze %dma_start3A_118 : memref<1x128xi32, #tpu.memory_space<vmem>> -> memref<128xi32, #tpu.memory_space<vmem>>
    %dma_start3A_120 = arith.constant 0 : i32
    %dma_start3A_121 = arith.constant 0 : i32
    %dma_start3A_122 = tpu.memref_slice %arg2[%dma_start3A_120, %dma_start3A_121] : memref<20480x64xf32, #tpu.memory_space<hbm>> -> memref<20480x64xf32, #tpu.memory_space<hbm>>
    tpu.enqueue_indirect_dma source(%dma_start3A_122 : memref<20480x64xf32, #tpu.memory_space<hbm>>) target(%dma_start3A_116 : memref<128x64xf32, #tpu.memory_space<vmem>>) offsets(%dma_start3A_119 : memref<128xi32, #tpu.memory_space<vmem>>) semaphore(%arg16 : memref<!tpu.dma_semaphore, #tpu.memory_space<semaphore_mem>>)
    %scan3A = arith.constant 0 : i32
    %scan3A_123 = arith.constant 0 : i32
    %scan3A_124 = arith.constant 25 : i32
    %scan3A_125 = arith.addi %scan3A_123, %scan3A_124 : i32
    %scan3A_126 = arith.constant 1 : i32
    scf.for %scan3A_489 = %scan3A_123 to %scan3A_125 step %scan3A_126  : i32 {
      %mul3A_490 = arith.constant 6 : i32
      %mul3A_491 = arith.muli %mul3A_490, %scan3A_489 : i32
      %add3A = arith.constant 2 : i32
      %add3A_492 = arith.addi %mul3A_491, %add3A : i32
      %add3A_493 = arith.constant 0 : i32
      %add3A_494 = arith.addi %add3A_492, %add3A_493 : i32
      %dma_wait3A_495 = arith.constant 0 : i32
      %dma_wait3A_496 = arith.constant 2 : i32
      %dma_wait3A_497 = arith.constant 0 : i32
      %dma_wait3A_498 = arith.constant 0 : i32
      %dma_wait3A_499 = tpu.memref_slice %arg9[%dma_wait3A_496, %dma_wait3A_497, %dma_wait3A_498] : memref<6x128x64xf32, #tpu.memory_space<vmem>> -> memref<1x128x64xf32, #tpu.memory_space<vmem>>
      %dma_wait3A_500 = tpu.memref_squeeze %dma_wait3A_499 : memref<1x128x64xf32, #tpu.memory_space<vmem>> -> memref<128x64xf32, #tpu.memory_space<vmem>>
      %dma_wait3A_501 = arith.constant 0 : i32
      %dma_wait3A_502 = tpu.memref_slice %arg7[%dma_wait3A_495, %dma_wait3A_501] : memref<160x128xi32, #tpu.memory_space<vmem>> -> memref<1x128xi32, #tpu.memory_space<vmem>>
      %dma_wait3A_503 = tpu.memref_squeeze %dma_wait3A_502 : memref<1x128xi32, #tpu.memory_space<vmem>> -> memref<128xi32, #tpu.memory_space<vmem>>
      %dma_wait3A_504 = arith.constant 0 : i32
      %dma_wait3A_505 = arith.constant 0 : i32
      %dma_wait3A_506 = tpu.memref_slice %arg2[%dma_wait3A_504, %dma_wait3A_505] : memref<20480x64xf32, #tpu.memory_space<hbm>> -> memref<20480x64xf32, #tpu.memory_space<hbm>>
      tpu.wait_indirect_dma semaphore(%arg13 : memref<!tpu.dma_semaphore, #tpu.memory_space<semaphore_mem>>) src(%dma_wait3A_506 : memref<20480x64xf32, #tpu.memory_space<hbm>>) dst(%dma_wait3A_500 : memref<128x64xf32, #tpu.memory_space<vmem>>)
      %dma_start3A_507 = arith.constant 2 : i32
      %dma_start3A_508 = arith.constant 0 : i32
      %dma_start3A_509 = arith.constant 0 : i32
      %dma_start3A_510 = tpu.memref_slice %arg9[%dma_start3A_507, %dma_start3A_508, %dma_start3A_509] : memref<6x128x64xf32, #tpu.memory_space<vmem>> -> memref<1x128x64xf32, #tpu.memory_space<vmem>>
      %dma_start3A_511 = tpu.memref_squeeze %dma_start3A_510 : memref<1x128x64xf32, #tpu.memory_space<vmem>> -> memref<128x64xf32, #tpu.memory_space<vmem>>
      %dma_start3A_512 = arith.constant 0 : i32
      %dma_start3A_513 = tpu.memref_slice %arg8[%add3A_494, %dma_start3A_512] : memref<160x128xi32, #tpu.memory_space<vmem>> -> memref<1x128xi32, #tpu.memory_space<vmem>>
      %dma_start3A_514 = tpu.memref_squeeze %dma_start3A_513 : memref<1x128xi32, #tpu.memory_space<vmem>> -> memref<128xi32, #tpu.memory_space<vmem>>
      %dma_start3A_515 = arith.constant 0 : i32
      %dma_start3A_516 = arith.constant 0 : i32
      %dma_start3A_517 = tpu.memref_slice %arg10[%dma_start3A_515, %dma_start3A_516] : memref<10240x64xf32, #tpu.memory_space<vmem_shared>> -> memref<10240x64xf32, #tpu.memory_space<vmem_shared>>
      tpu.enqueue_indirect_dma source(%dma_start3A_511 : memref<128x64xf32, #tpu.memory_space<vmem>>) target(%dma_start3A_517 : memref<10240x64xf32, #tpu.memory_space<vmem_shared>>) offsets(%dma_start3A_514 : memref<128xi32, #tpu.memory_space<vmem>>) semaphore(%arg19 : memref<!tpu.dma_semaphore, #tpu.memory_space<semaphore_mem>>) {add = true}
      %dma_wait3A_518 = arith.constant 0 : i32
      %dma_wait3A_519 = arith.constant 0 : i32
      %dma_wait3A_520 = arith.constant 0 : i32
      %dma_wait3A_521 = arith.constant 0 : i32
      %dma_wait3A_522 = tpu.memref_slice %arg9[%dma_wait3A_518, %dma_wait3A_520, %dma_wait3A_521] : memref<6x128x64xf32, #tpu.memory_space<vmem>> -> memref<1x128x64xf32, #tpu.memory_space<vmem>>
      %dma_wait3A_523 = tpu.memref_squeeze %dma_wait3A_522 : memref<1x128x64xf32, #tpu.memory_space<vmem>> -> memref<128x64xf32, #tpu.memory_space<vmem>>
      %dma_wait3A_524 = arith.constant 0 : i32
      %dma_wait3A_525 = tpu.memref_slice %arg8[%dma_wait3A_519, %dma_wait3A_524] : memref<160x128xi32, #tpu.memory_space<vmem>> -> memref<1x128xi32, #tpu.memory_space<vmem>>
      %dma_wait3A_526 = tpu.memref_squeeze %dma_wait3A_525 : memref<1x128xi32, #tpu.memory_space<vmem>> -> memref<128xi32, #tpu.memory_space<vmem>>
      %dma_wait3A_527 = arith.constant 0 : i32
      %dma_wait3A_528 = arith.constant 0 : i32
      %dma_wait3A_529 = tpu.memref_slice %arg10[%dma_wait3A_527, %dma_wait3A_528] : memref<10240x64xf32, #tpu.memory_space<vmem_shared>> -> memref<10240x64xf32, #tpu.memory_space<vmem_shared>>
      tpu.wait_indirect_dma semaphore(%arg17 : memref<!tpu.dma_semaphore, #tpu.memory_space<semaphore_mem>>) src(%dma_wait3A_523 : memref<128x64xf32, #tpu.memory_space<vmem>>) dst(%dma_wait3A_529 : memref<10240x64xf32, #tpu.memory_space<vmem_shared>>)
      %add3A_530 = arith.constant 4 : i32
      %add3A_531 = arith.addi %add3A_494, %add3A_530 : i32
      %dma_start3A_532 = arith.constant 0 : i32
      %dma_start3A_533 = arith.constant 0 : i32
      %dma_start3A_534 = arith.constant 0 : i32
      %dma_start3A_535 = tpu.memref_slice %arg9[%dma_start3A_532, %dma_start3A_533, %dma_start3A_534] : memref<6x128x64xf32, #tpu.memory_space<vmem>> -> memref<1x128x64xf32, #tpu.memory_space<vmem>>
      %dma_start3A_536 = tpu.memref_squeeze %dma_start3A_535 : memref<1x128x64xf32, #tpu.memory_space<vmem>> -> memref<128x64xf32, #tpu.memory_space<vmem>>
      %dma_start3A_537 = arith.constant 0 : i32
      %dma_start3A_538 = tpu.memref_slice %arg7[%add3A_531, %dma_start3A_537] : memref<160x128xi32, #tpu.memory_space<vmem>> -> memref<1x128xi32, #tpu.memory_space<vmem>>
      %dma_start3A_539 = tpu.memref_squeeze %dma_start3A_538 : memref<1x128xi32, #tpu.memory_space<vmem>> -> memref<128xi32, #tpu.memory_space<vmem>>
      %dma_start3A_540 = arith.constant 0 : i32
      %dma_start3A_541 = arith.constant 0 : i32
      %dma_start3A_542 = tpu.memref_slice %arg2[%dma_start3A_540, %dma_start3A_541] : memref<20480x64xf32, #tpu.memory_space<hbm>> -> memref<20480x64xf32, #tpu.memory_space<hbm>>
      tpu.enqueue_indirect_dma source(%dma_start3A_542 : memref<20480x64xf32, #tpu.memory_space<hbm>>) target(%dma_start3A_536 : memref<128x64xf32, #tpu.memory_space<vmem>>) offsets(%dma_start3A_539 : memref<128xi32, #tpu.memory_space<vmem>>) semaphore(%arg11 : memref<!tpu.dma_semaphore, #tpu.memory_space<semaphore_mem>>)
      %mul3A_543 = arith.constant 6 : i32
      %mul3A_544 = arith.muli %mul3A_543, %scan3A_489 : i32
      %add3A_545 = arith.constant 2 : i32
      %add3A_546 = arith.addi %mul3A_544, %add3A_545 : i32
      %add3A_547 = arith.constant 1 : i32
      %add3A_548 = arith.addi %add3A_546, %add3A_547 : i32
      %dma_wait3A_549 = arith.constant 0 : i32
      %dma_wait3A_550 = arith.constant 3 : i32
      %dma_wait3A_551 = arith.constant 0 : i32
      %dma_wait3A_552 = arith.constant 0 : i32
      %dma_wait3A_553 = tpu.memref_slice %arg9[%dma_wait3A_550, %dma_wait3A_551, %dma_wait3A_552] : memref<6x128x64xf32, #tpu.memory_space<vmem>> -> memref<1x128x64xf32, #tpu.memory_space<vmem>>
      %dma_wait3A_554 = tpu.memref_squeeze %dma_wait3A_553 : memref<1x128x64xf32, #tpu.memory_space<vmem>> -> memref<128x64xf32, #tpu.memory_space<vmem>>
      %dma_wait3A_555 = arith.constant 0 : i32
      %dma_wait3A_556 = tpu.memref_slice %arg7[%dma_wait3A_549, %dma_wait3A_555] : memref<160x128xi32, #tpu.memory_space<vmem>> -> memref<1x128xi32, #tpu.memory_space<vmem>>
      %dma_wait3A_557 = tpu.memref_squeeze %dma_wait3A_556 : memref<1x128xi32, #tpu.memory_space<vmem>> -> memref<128xi32, #tpu.memory_space<vmem>>
      %dma_wait3A_558 = arith.constant 0 : i32
      %dma_wait3A_559 = arith.constant 0 : i32
      %dma_wait3A_560 = tpu.memref_slice %arg2[%dma_wait3A_558, %dma_wait3A_559] : memref<20480x64xf32, #tpu.memory_space<hbm>> -> memref<20480x64xf32, #tpu.memory_space<hbm>>
      tpu.wait_indirect_dma semaphore(%arg14 : memref<!tpu.dma_semaphore, #tpu.memory_space<semaphore_mem>>) src(%dma_wait3A_560 : memref<20480x64xf32, #tpu.memory_space<hbm>>) dst(%dma_wait3A_554 : memref<128x64xf32, #tpu.memory_space<vmem>>)
      %dma_start3A_561 = arith.constant 3 : i32
      %dma_start3A_562 = arith.constant 0 : i32
      %dma_start3A_563 = arith.constant 0 : i32
      %dma_start3A_564 = tpu.memref_slice %arg9[%dma_start3A_561, %dma_start3A_562, %dma_start3A_563] : memref<6x128x64xf32, #tpu.memory_space<vmem>> -> memref<1x128x64xf32, #tpu.memory_space<vmem>>
      %dma_start3A_565 = tpu.memref_squeeze %dma_start3A_564 : memref<1x128x64xf32, #tpu.memory_space<vmem>> -> memref<128x64xf32, #tpu.memory_space<vmem>>
      %dma_start3A_566 = arith.constant 0 : i32
      %dma_start3A_567 = tpu.memref_slice %arg8[%add3A_548, %dma_start3A_566] : memref<160x128xi32, #tpu.memory_space<vmem>> -> memref<1x128xi32, #tpu.memory_space<vmem>>
      %dma_start3A_568 = tpu.memref_squeeze %dma_start3A_567 : memref<1x128xi32, #tpu.memory_space<vmem>> -> memref<128xi32, #tpu.memory_space<vmem>>
      %dma_start3A_569 = arith.constant 0 : i32
      %dma_start3A_570 = arith.constant 0 : i32
      %dma_start3A_571 = tpu.memref_slice %arg10[%dma_start3A_569, %dma_start3A_570] : memref<10240x64xf32, #tpu.memory_space<vmem_shared>> -> memref<10240x64xf32, #tpu.memory_space<vmem_shared>>
      tpu.enqueue_indirect_dma source(%dma_start3A_565 : memref<128x64xf32, #tpu.memory_space<vmem>>) target(%dma_start3A_571 : memref<10240x64xf32, #tpu.memory_space<vmem_shared>>) offsets(%dma_start3A_568 : memref<128xi32, #tpu.memory_space<vmem>>) semaphore(%arg20 : memref<!tpu.dma_semaphore, #tpu.memory_space<semaphore_mem>>) {add = true}
      %dma_wait3A_572 = arith.constant 1 : i32
      %dma_wait3A_573 = arith.constant 0 : i32
      %dma_wait3A_574 = arith.constant 0 : i32
      %dma_wait3A_575 = arith.constant 0 : i32
      %dma_wait3A_576 = tpu.memref_slice %arg9[%dma_wait3A_572, %dma_wait3A_574, %dma_wait3A_575] : memref<6x128x64xf32, #tpu.memory_space<vmem>> -> memref<1x128x64xf32, #tpu.memory_space<vmem>>
      %dma_wait3A_577 = tpu.memref_squeeze %dma_wait3A_576 : memref<1x128x64xf32, #tpu.memory_space<vmem>> -> memref<128x64xf32, #tpu.memory_space<vmem>>
      %dma_wait3A_578 = arith.constant 0 : i32
      %dma_wait3A_579 = tpu.memref_slice %arg8[%dma_wait3A_573, %dma_wait3A_578] : memref<160x128xi32, #tpu.memory_space<vmem>> -> memref<1x128xi32, #tpu.memory_space<vmem>>
      %dma_wait3A_580 = tpu.memref_squeeze %dma_wait3A_579 : memref<1x128xi32, #tpu.memory_space<vmem>> -> memref<128xi32, #tpu.memory_space<vmem>>
      %dma_wait3A_581 = arith.constant 0 : i32
      %dma_wait3A_582 = arith.constant 0 : i32
      %dma_wait3A_583 = tpu.memref_slice %arg10[%dma_wait3A_581, %dma_wait3A_582] : memref<10240x64xf32, #tpu.memory_space<vmem_shared>> -> memref<10240x64xf32, #tpu.memory_space<vmem_shared>>
      tpu.wait_indirect_dma semaphore(%arg18 : memref<!tpu.dma_semaphore, #tpu.memory_space<semaphore_mem>>) src(%dma_wait3A_577 : memref<128x64xf32, #tpu.memory_space<vmem>>) dst(%dma_wait3A_583 : memref<10240x64xf32, #tpu.memory_space<vmem_shared>>)
      %add3A_584 = arith.constant 4 : i32
      %add3A_585 = arith.addi %add3A_548, %add3A_584 : i32
      %dma_start3A_586 = arith.constant 1 : i32
      %dma_start3A_587 = arith.constant 0 : i32
      %dma_start3A_588 = arith.constant 0 : i32
      %dma_start3A_589 = tpu.memref_slice %arg9[%dma_start3A_586, %dma_start3A_587, %dma_start3A_588] : memref<6x128x64xf32, #tpu.memory_space<vmem>> -> memref<1x128x64xf32, #tpu.memory_space<vmem>>
      %dma_start3A_590 = tpu.memref_squeeze %dma_start3A_589 : memref<1x128x64xf32, #tpu.memory_space<vmem>> -> memref<128x64xf32, #tpu.memory_space<vmem>>
      %dma_start3A_591 = arith.constant 0 : i32
      %dma_start3A_592 = tpu.memref_slice %arg7[%add3A_585, %dma_start3A_591] : memref<160x128xi32, #tpu.memory_space<vmem>> -> memref<1x128xi32, #tpu.memory_space<vmem>>
      %dma_start3A_593 = tpu.memref_squeeze %dma_start3A_592 : memref<1x128xi32, #tpu.memory_space<vmem>> -> memref<128xi32, #tpu.memory_space<vmem>>
      %dma_start3A_594 = arith.constant 0 : i32
      %dma_start3A_595 = arith.constant 0 : i32
      %dma_start3A_596 = tpu.memref_slice %arg2[%dma_start3A_594, %dma_start3A_595] : memref<20480x64xf32, #tpu.memory_space<hbm>> -> memref<20480x64xf32, #tpu.memory_space<hbm>>
      tpu.enqueue_indirect_dma source(%dma_start3A_596 : memref<20480x64xf32, #tpu.memory_space<hbm>>) target(%dma_start3A_590 : memref<128x64xf32, #tpu.memory_space<vmem>>) offsets(%dma_start3A_593 : memref<128xi32, #tpu.memory_space<vmem>>) semaphore(%arg12 : memref<!tpu.dma_semaphore, #tpu.memory_space<semaphore_mem>>)
      %mul3A_597 = arith.constant 6 : i32
      %mul3A_598 = arith.muli %mul3A_597, %scan3A_489 : i32
      %add3A_599 = arith.constant 2 : i32
      %add3A_600 = arith.addi %mul3A_598, %add3A_599 : i32
      %add3A_601 = arith.constant 2 : i32
      %add3A_602 = arith.addi %add3A_600, %add3A_601 : i32
      %dma_wait3A_603 = arith.constant 0 : i32
      %dma_wait3A_604 = arith.constant 4 : i32
      %dma_wait3A_605 = arith.constant 0 : i32
      %dma_wait3A_606 = arith.constant 0 : i32
      %dma_wait3A_607 = tpu.memref_slice %arg9[%dma_wait3A_604, %dma_wait3A_605, %dma_wait3A_606] : memref<6x128x64xf32, #tpu.memory_space<vmem>> -> memref<1x128x64xf32, #tpu.memory_space<vmem>>
      %dma_wait3A_608 = tpu.memref_squeeze %dma_wait3A_607 : memref<1x128x64xf32, #tpu.memory_space<vmem>> -> memref<128x64xf32, #tpu.memory_space<vmem>>
      %dma_wait3A_609 = arith.constant 0 : i32
      %dma_wait3A_610 = tpu.memref_slice %arg7[%dma_wait3A_603, %dma_wait3A_609] : memref<160x128xi32, #tpu.memory_space<vmem>> -> memref<1x128xi32, #tpu.memory_space<vmem>>
      %dma_wait3A_611 = tpu.memref_squeeze %dma_wait3A_610 : memref<1x128xi32, #tpu.memory_space<vmem>> -> memref<128xi32, #tpu.memory_space<vmem>>
      %dma_wait3A_612 = arith.constant 0 : i32
      %dma_wait3A_613 = arith.constant 0 : i32
      %dma_wait3A_614 = tpu.memref_slice %arg2[%dma_wait3A_612, %dma_wait3A_613] : memref<20480x64xf32, #tpu.memory_space<hbm>> -> memref<20480x64xf32, #tpu.memory_space<hbm>>
      tpu.wait_indirect_dma semaphore(%arg15 : memref<!tpu.dma_semaphore, #tpu.memory_space<semaphore_mem>>) src(%dma_wait3A_614 : memref<20480x64xf32, #tpu.memory_space<hbm>>) dst(%dma_wait3A_608 : memref<128x64xf32, #tpu.memory_space<vmem>>)
      %dma_start3A_615 = arith.constant 4 : i32
      %dma_start3A_616 = arith.constant 0 : i32
      %dma_start3A_617 = arith.constant 0 : i32
      %dma_start3A_618 = tpu.memref_slice %arg9[%dma_start3A_615, %dma_start3A_616, %dma_start3A_617] : memref<6x128x64xf32, #tpu.memory_space<vmem>> -> memref<1x128x64xf32, #tpu.memory_space<vmem>>
      %dma_start3A_619 = tpu.memref_squeeze %dma_start3A_618 : memref<1x128x64xf32, #tpu.memory_space<vmem>> -> memref<128x64xf32, #tpu.memory_space<vmem>>
      %dma_start3A_620 = arith.constant 0 : i32
      %dma_start3A_621 = tpu.memref_slice %arg8[%add3A_602, %dma_start3A_620] : memref<160x128xi32, #tpu.memory_space<vmem>> -> memref<1x128xi32, #tpu.memory_space<vmem>>
      %dma_start3A_622 = tpu.memref_squeeze %dma_start3A_621 : memref<1x128xi32, #tpu.memory_space<vmem>> -> memref<128xi32, #tpu.memory_space<vmem>>
      %dma_start3A_623 = arith.constant 0 : i32
      %dma_start3A_624 = arith.constant 0 : i32
      %dma_start3A_625 = tpu.memref_slice %arg10[%dma_start3A_623, %dma_start3A_624] : memref<10240x64xf32, #tpu.memory_space<vmem_shared>> -> memref<10240x64xf32, #tpu.memory_space<vmem_shared>>
      tpu.enqueue_indirect_dma source(%dma_start3A_619 : memref<128x64xf32, #tpu.memory_space<vmem>>) target(%dma_start3A_625 : memref<10240x64xf32, #tpu.memory_space<vmem_shared>>) offsets(%dma_start3A_622 : memref<128xi32, #tpu.memory_space<vmem>>) semaphore(%arg21 : memref<!tpu.dma_semaphore, #tpu.memory_space<semaphore_mem>>) {add = true}
      %dma_wait3A_626 = arith.constant 2 : i32
      %dma_wait3A_627 = arith.constant 0 : i32
      %dma_wait3A_628 = arith.constant 0 : i32
      %dma_wait3A_629 = arith.constant 0 : i32
      %dma_wait3A_630 = tpu.memref_slice %arg9[%dma_wait3A_626, %dma_wait3A_628, %dma_wait3A_629] : memref<6x128x64xf32, #tpu.memory_space<vmem>> -> memref<1x128x64xf32, #tpu.memory_space<vmem>>
      %dma_wait3A_631 = tpu.memref_squeeze %dma_wait3A_630 : memref<1x128x64xf32, #tpu.memory_space<vmem>> -> memref<128x64xf32, #tpu.memory_space<vmem>>
      %dma_wait3A_632 = arith.constant 0 : i32
      %dma_wait3A_633 = tpu.memref_slice %arg8[%dma_wait3A_627, %dma_wait3A_632] : memref<160x128xi32, #tpu.memory_space<vmem>> -> memref<1x128xi32, #tpu.memory_space<vmem>>
      %dma_wait3A_634 = tpu.memref_squeeze %dma_wait3A_633 : memref<1x128xi32, #tpu.memory_space<vmem>> -> memref<128xi32, #tpu.memory_space<vmem>>
      %dma_wait3A_635 = arith.constant 0 : i32
      %dma_wait3A_636 = arith.constant 0 : i32
      %dma_wait3A_637 = tpu.memref_slice %arg10[%dma_wait3A_635, %dma_wait3A_636] : memref<10240x64xf32, #tpu.memory_space<vmem_shared>> -> memref<10240x64xf32, #tpu.memory_space<vmem_shared>>
      tpu.wait_indirect_dma semaphore(%arg19 : memref<!tpu.dma_semaphore, #tpu.memory_space<semaphore_mem>>) src(%dma_wait3A_631 : memref<128x64xf32, #tpu.memory_space<vmem>>) dst(%dma_wait3A_637 : memref<10240x64xf32, #tpu.memory_space<vmem_shared>>)
      %add3A_638 = arith.constant 4 : i32
      %add3A_639 = arith.addi %add3A_602, %add3A_638 : i32
      %dma_start3A_640 = arith.constant 2 : i32
      %dma_start3A_641 = arith.constant 0 : i32
      %dma_start3A_642 = arith.constant 0 : i32
      %dma_start3A_643 = tpu.memref_slice %arg9[%dma_start3A_640, %dma_start3A_641, %dma_start3A_642] : memref<6x128x64xf32, #tpu.memory_space<vmem>> -> memref<1x128x64xf32, #tpu.memory_space<vmem>>
      %dma_start3A_644 = tpu.memref_squeeze %dma_start3A_643 : memref<1x128x64xf32, #tpu.memory_space<vmem>> -> memref<128x64xf32, #tpu.memory_space<vmem>>
      %dma_start3A_645 = arith.constant 0 : i32
      %dma_start3A_646 = tpu.memref_slice %arg7[%add3A_639, %dma_start3A_645] : memref<160x128xi32, #tpu.memory_space<vmem>> -> memref<1x128xi32, #tpu.memory_space<vmem>>
      %dma_start3A_647 = tpu.memref_squeeze %dma_start3A_646 : memref<1x128xi32, #tpu.memory_space<vmem>> -> memref<128xi32, #tpu.memory_space<vmem>>
      %dma_start3A_648 = arith.constant 0 : i32
      %dma_start3A_649 = arith.constant 0 : i32
      %dma_start3A_650 = tpu.memref_slice %arg2[%dma_start3A_648, %dma_start3A_649] : memref<20480x64xf32, #tpu.memory_space<hbm>> -> memref<20480x64xf32, #tpu.memory_space<hbm>>
      tpu.enqueue_indirect_dma source(%dma_start3A_650 : memref<20480x64xf32, #tpu.memory_space<hbm>>) target(%dma_start3A_644 : memref<128x64xf32, #tpu.memory_space<vmem>>) offsets(%dma_start3A_647 : memref<128xi32, #tpu.memory_space<vmem>>) semaphore(%arg13 : memref<!tpu.dma_semaphore, #tpu.memory_space<semaphore_mem>>)
      %mul3A_651 = arith.constant 6 : i32
      %mul3A_652 = arith.muli %mul3A_651, %scan3A_489 : i32
      %add3A_653 = arith.constant 2 : i32
      %add3A_654 = arith.addi %mul3A_652, %add3A_653 : i32
      %add3A_655 = arith.constant 3 : i32
      %add3A_656 = arith.addi %add3A_654, %add3A_655 : i32
      %dma_wait3A_657 = arith.constant 0 : i32
      %dma_wait3A_658 = arith.constant 5 : i32
      %dma_wait3A_659 = arith.constant 0 : i32
      %dma_wait3A_660 = arith.constant 0 : i32
      %dma_wait3A_661 = tpu.memref_slice %arg9[%dma_wait3A_658, %dma_wait3A_659, %dma_wait3A_660] : memref<6x128x64xf32, #tpu.memory_space<vmem>> -> memref<1x128x64xf32, #tpu.memory_space<vmem>>
      %dma_wait3A_662 = tpu.memref_squeeze %dma_wait3A_661 : memref<1x128x64xf32, #tpu.memory_space<vmem>> -> memref<128x64xf32, #tpu.memory_space<vmem>>
      %dma_wait3A_663 = arith.constant 0 : i32
      %dma_wait3A_664 = tpu.memref_slice %arg7[%dma_wait3A_657, %dma_wait3A_663] : memref<160x128xi32, #tpu.memory_space<vmem>> -> memref<1x128xi32, #tpu.memory_space<vmem>>
      %dma_wait3A_665 = tpu.memref_squeeze %dma_wait3A_664 : memref<1x128xi32, #tpu.memory_space<vmem>> -> memref<128xi32, #tpu.memory_space<vmem>>
      %dma_wait3A_666 = arith.constant 0 : i32
      %dma_wait3A_667 = arith.constant 0 : i32
      %dma_wait3A_668 = tpu.memref_slice %arg2[%dma_wait3A_666, %dma_wait3A_667] : memref<20480x64xf32, #tpu.memory_space<hbm>> -> memref<20480x64xf32, #tpu.memory_space<hbm>>
      tpu.wait_indirect_dma semaphore(%arg16 : memref<!tpu.dma_semaphore, #tpu.memory_space<semaphore_mem>>) src(%dma_wait3A_668 : memref<20480x64xf32, #tpu.memory_space<hbm>>) dst(%dma_wait3A_662 : memref<128x64xf32, #tpu.memory_space<vmem>>)
      %dma_start3A_669 = arith.constant 5 : i32
      %dma_start3A_670 = arith.constant 0 : i32
      %dma_start3A_671 = arith.constant 0 : i32
      %dma_start3A_672 = tpu.memref_slice %arg9[%dma_start3A_669, %dma_start3A_670, %dma_start3A_671] : memref<6x128x64xf32, #tpu.memory_space<vmem>> -> memref<1x128x64xf32, #tpu.memory_space<vmem>>
      %dma_start3A_673 = tpu.memref_squeeze %dma_start3A_672 : memref<1x128x64xf32, #tpu.memory_space<vmem>> -> memref<128x64xf32, #tpu.memory_space<vmem>>
      %dma_start3A_674 = arith.constant 0 : i32
      %dma_start3A_675 = tpu.memref_slice %arg8[%add3A_656, %dma_start3A_674] : memref<160x128xi32, #tpu.memory_space<vmem>> -> memref<1x128xi32, #tpu.memory_space<vmem>>
      %dma_start3A_676 = tpu.memref_squeeze %dma_start3A_675 : memref<1x128xi32, #tpu.memory_space<vmem>> -> memref<128xi32, #tpu.memory_space<vmem>>
      %dma_start3A_677 = arith.constant 0 : i32
      %dma_start3A_678 = arith.constant 0 : i32
      %dma_start3A_679 = tpu.memref_slice %arg10[%dma_start3A_677, %dma_start3A_678] : memref<10240x64xf32, #tpu.memory_space<vmem_shared>> -> memref<10240x64xf32, #tpu.memory_space<vmem_shared>>
      tpu.enqueue_indirect_dma source(%dma_start3A_673 : memref<128x64xf32, #tpu.memory_space<vmem>>) target(%dma_start3A_679 : memref<10240x64xf32, #tpu.memory_space<vmem_shared>>) offsets(%dma_start3A_676 : memref<128xi32, #tpu.memory_space<vmem>>) semaphore(%arg22 : memref<!tpu.dma_semaphore, #tpu.memory_space<semaphore_mem>>) {add = true}
      %dma_wait3A_680 = arith.constant 3 : i32
      %dma_wait3A_681 = arith.constant 0 : i32
      %dma_wait3A_682 = arith.constant 0 : i32
      %dma_wait3A_683 = arith.constant 0 : i32
      %dma_wait3A_684 = tpu.memref_slice %arg9[%dma_wait3A_680, %dma_wait3A_682, %dma_wait3A_683] : memref<6x128x64xf32, #tpu.memory_space<vmem>> -> memref<1x128x64xf32, #tpu.memory_space<vmem>>
      %dma_wait3A_685 = tpu.memref_squeeze %dma_wait3A_684 : memref<1x128x64xf32, #tpu.memory_space<vmem>> -> memref<128x64xf32, #tpu.memory_space<vmem>>
      %dma_wait3A_686 = arith.constant 0 : i32
      %dma_wait3A_687 = tpu.memref_slice %arg8[%dma_wait3A_681, %dma_wait3A_686] : memref<160x128xi32, #tpu.memory_space<vmem>> -> memref<1x128xi32, #tpu.memory_space<vmem>>
      %dma_wait3A_688 = tpu.memref_squeeze %dma_wait3A_687 : memref<1x128xi32, #tpu.memory_space<vmem>> -> memref<128xi32, #tpu.memory_space<vmem>>
      %dma_wait3A_689 = arith.constant 0 : i32
      %dma_wait3A_690 = arith.constant 0 : i32
      %dma_wait3A_691 = tpu.memref_slice %arg10[%dma_wait3A_689, %dma_wait3A_690] : memref<10240x64xf32, #tpu.memory_space<vmem_shared>> -> memref<10240x64xf32, #tpu.memory_space<vmem_shared>>
      tpu.wait_indirect_dma semaphore(%arg20 : memref<!tpu.dma_semaphore, #tpu.memory_space<semaphore_mem>>) src(%dma_wait3A_685 : memref<128x64xf32, #tpu.memory_space<vmem>>) dst(%dma_wait3A_691 : memref<10240x64xf32, #tpu.memory_space<vmem_shared>>)
      %add3A_692 = arith.constant 4 : i32
      %add3A_693 = arith.addi %add3A_656, %add3A_692 : i32
      %dma_start3A_694 = arith.constant 3 : i32
      %dma_start3A_695 = arith.constant 0 : i32
      %dma_start3A_696 = arith.constant 0 : i32
      %dma_start3A_697 = tpu.memref_slice %arg9[%dma_start3A_694, %dma_start3A_695, %dma_start3A_696] : memref<6x128x64xf32, #tpu.memory_space<vmem>> -> memref<1x128x64xf32, #tpu.memory_space<vmem>>
      %dma_start3A_698 = tpu.memref_squeeze %dma_start3A_697 : memref<1x128x64xf32, #tpu.memory_space<vmem>> -> memref<128x64xf32, #tpu.memory_space<vmem>>
      %dma_start3A_699 = arith.constant 0 : i32
      %dma_start3A_700 = tpu.memref_slice %arg7[%add3A_693, %dma_start3A_699] : memref<160x128xi32, #tpu.memory_space<vmem>> -> memref<1x128xi32, #tpu.memory_space<vmem>>
      %dma_start3A_701 = tpu.memref_squeeze %dma_start3A_700 : memref<1x128xi32, #tpu.memory_space<vmem>> -> memref<128xi32, #tpu.memory_space<vmem>>
      %dma_start3A_702 = arith.constant 0 : i32
      %dma_start3A_703 = arith.constant 0 : i32
      %dma_start3A_704 = tpu.memref_slice %arg2[%dma_start3A_702, %dma_start3A_703] : memref<20480x64xf32, #tpu.memory_space<hbm>> -> memref<20480x64xf32, #tpu.memory_space<hbm>>
      tpu.enqueue_indirect_dma source(%dma_start3A_704 : memref<20480x64xf32, #tpu.memory_space<hbm>>) target(%dma_start3A_698 : memref<128x64xf32, #tpu.memory_space<vmem>>) offsets(%dma_start3A_701 : memref<128xi32, #tpu.memory_space<vmem>>) semaphore(%arg14 : memref<!tpu.dma_semaphore, #tpu.memory_space<semaphore_mem>>)
      %mul3A_705 = arith.constant 6 : i32
      %mul3A_706 = arith.muli %mul3A_705, %scan3A_489 : i32
      %add3A_707 = arith.constant 2 : i32
      %add3A_708 = arith.addi %mul3A_706, %add3A_707 : i32
      %add3A_709 = arith.constant 4 : i32
      %add3A_710 = arith.addi %add3A_708, %add3A_709 : i32
      %dma_wait3A_711 = arith.constant 0 : i32
      %dma_wait3A_712 = arith.constant 0 : i32
      %dma_wait3A_713 = arith.constant 0 : i32
      %dma_wait3A_714 = arith.constant 0 : i32
      %dma_wait3A_715 = tpu.memref_slice %arg9[%dma_wait3A_712, %dma_wait3A_713, %dma_wait3A_714] : memref<6x128x64xf32, #tpu.memory_space<vmem>> -> memref<1x128x64xf32, #tpu.memory_space<vmem>>
      %dma_wait3A_716 = tpu.memref_squeeze %dma_wait3A_715 : memref<1x128x64xf32, #tpu.memory_space<vmem>> -> memref<128x64xf32, #tpu.memory_space<vmem>>
      %dma_wait3A_717 = arith.constant 0 : i32
      %dma_wait3A_718 = tpu.memref_slice %arg7[%dma_wait3A_711, %dma_wait3A_717] : memref<160x128xi32, #tpu.memory_space<vmem>> -> memref<1x128xi32, #tpu.memory_space<vmem>>
      %dma_wait3A_719 = tpu.memref_squeeze %dma_wait3A_718 : memref<1x128xi32, #tpu.memory_space<vmem>> -> memref<128xi32, #tpu.memory_space<vmem>>
      %dma_wait3A_720 = arith.constant 0 : i32
      %dma_wait3A_721 = arith.constant 0 : i32
      %dma_wait3A_722 = tpu.memref_slice %arg2[%dma_wait3A_720, %dma_wait3A_721] : memref<20480x64xf32, #tpu.memory_space<hbm>> -> memref<20480x64xf32, #tpu.memory_space<hbm>>
      tpu.wait_indirect_dma semaphore(%arg11 : memref<!tpu.dma_semaphore, #tpu.memory_space<semaphore_mem>>) src(%dma_wait3A_722 : memref<20480x64xf32, #tpu.memory_space<hbm>>) dst(%dma_wait3A_716 : memref<128x64xf32, #tpu.memory_space<vmem>>)
      %dma_start3A_723 = arith.constant 0 : i32
      %dma_start3A_724 = arith.constant 0 : i32
      %dma_start3A_725 = arith.constant 0 : i32
      %dma_start3A_726 = tpu.memref_slice %arg9[%dma_start3A_723, %dma_start3A_724, %dma_start3A_725] : memref<6x128x64xf32, #tpu.memory_space<vmem>> -> memref<1x128x64xf32, #tpu.memory_space<vmem>>
      %dma_start3A_727 = tpu.memref_squeeze %dma_start3A_726 : memref<1x128x64xf32, #tpu.memory_space<vmem>> -> memref<128x64xf32, #tpu.memory_space<vmem>>
      %dma_start3A_728 = arith.constant 0 : i32
      %dma_start3A_729 = tpu.memref_slice %arg8[%add3A_710, %dma_start3A_728] : memref<160x128xi32, #tpu.memory_space<vmem>> -> memref<1x128xi32, #tpu.memory_space<vmem>>
      %dma_start3A_730 = tpu.memref_squeeze %dma_start3A_729 : memref<1x128xi32, #tpu.memory_space<vmem>> -> memref<128xi32, #tpu.memory_space<vmem>>
      %dma_start3A_731 = arith.constant 0 : i32
      %dma_start3A_732 = arith.constant 0 : i32
      %dma_start3A_733 = tpu.memref_slice %arg10[%dma_start3A_731, %dma_start3A_732] : memref<10240x64xf32, #tpu.memory_space<vmem_shared>> -> memref<10240x64xf32, #tpu.memory_space<vmem_shared>>
      tpu.enqueue_indirect_dma source(%dma_start3A_727 : memref<128x64xf32, #tpu.memory_space<vmem>>) target(%dma_start3A_733 : memref<10240x64xf32, #tpu.memory_space<vmem_shared>>) offsets(%dma_start3A_730 : memref<128xi32, #tpu.memory_space<vmem>>) semaphore(%arg17 : memref<!tpu.dma_semaphore, #tpu.memory_space<semaphore_mem>>) {add = true}
      %dma_wait3A_734 = arith.constant 4 : i32
      %dma_wait3A_735 = arith.constant 0 : i32
      %dma_wait3A_736 = arith.constant 0 : i32
      %dma_wait3A_737 = arith.constant 0 : i32
      %dma_wait3A_738 = tpu.memref_slice %arg9[%dma_wait3A_734, %dma_wait3A_736, %dma_wait3A_737] : memref<6x128x64xf32, #tpu.memory_space<vmem>> -> memref<1x128x64xf32, #tpu.memory_space<vmem>>
      %dma_wait3A_739 = tpu.memref_squeeze %dma_wait3A_738 : memref<1x128x64xf32, #tpu.memory_space<vmem>> -> memref<128x64xf32, #tpu.memory_space<vmem>>
      %dma_wait3A_740 = arith.constant 0 : i32
      %dma_wait3A_741 = tpu.memref_slice %arg8[%dma_wait3A_735, %dma_wait3A_740] : memref<160x128xi32, #tpu.memory_space<vmem>> -> memref<1x128xi32, #tpu.memory_space<vmem>>
      %dma_wait3A_742 = tpu.memref_squeeze %dma_wait3A_741 : memref<1x128xi32, #tpu.memory_space<vmem>> -> memref<128xi32, #tpu.memory_space<vmem>>
      %dma_wait3A_743 = arith.constant 0 : i32
      %dma_wait3A_744 = arith.constant 0 : i32
      %dma_wait3A_745 = tpu.memref_slice %arg10[%dma_wait3A_743, %dma_wait3A_744] : memref<10240x64xf32, #tpu.memory_space<vmem_shared>> -> memref<10240x64xf32, #tpu.memory_space<vmem_shared>>
      tpu.wait_indirect_dma semaphore(%arg21 : memref<!tpu.dma_semaphore, #tpu.memory_space<semaphore_mem>>) src(%dma_wait3A_739 : memref<128x64xf32, #tpu.memory_space<vmem>>) dst(%dma_wait3A_745 : memref<10240x64xf32, #tpu.memory_space<vmem_shared>>)
      %add3A_746 = arith.constant 4 : i32
      %add3A_747 = arith.addi %add3A_710, %add3A_746 : i32
      %dma_start3A_748 = arith.constant 4 : i32
      %dma_start3A_749 = arith.constant 0 : i32
      %dma_start3A_750 = arith.constant 0 : i32
      %dma_start3A_751 = tpu.memref_slice %arg9[%dma_start3A_748, %dma_start3A_749, %dma_start3A_750] : memref<6x128x64xf32, #tpu.memory_space<vmem>> -> memref<1x128x64xf32, #tpu.memory_space<vmem>>
      %dma_start3A_752 = tpu.memref_squeeze %dma_start3A_751 : memref<1x128x64xf32, #tpu.memory_space<vmem>> -> memref<128x64xf32, #tpu.memory_space<vmem>>
      %dma_start3A_753 = arith.constant 0 : i32
      %dma_start3A_754 = tpu.memref_slice %arg7[%add3A_747, %dma_start3A_753] : memref<160x128xi32, #tpu.memory_space<vmem>> -> memref<1x128xi32, #tpu.memory_space<vmem>>
      %dma_start3A_755 = tpu.memref_squeeze %dma_start3A_754 : memref<1x128xi32, #tpu.memory_space<vmem>> -> memref<128xi32, #tpu.memory_space<vmem>>
      %dma_start3A_756 = arith.constant 0 : i32
      %dma_start3A_757 = arith.constant 0 : i32
      %dma_start3A_758 = tpu.memref_slice %arg2[%dma_start3A_756, %dma_start3A_757] : memref<20480x64xf32, #tpu.memory_space<hbm>> -> memref<20480x64xf32, #tpu.memory_space<hbm>>
      tpu.enqueue_indirect_dma source(%dma_start3A_758 : memref<20480x64xf32, #tpu.memory_space<hbm>>) target(%dma_start3A_752 : memref<128x64xf32, #tpu.memory_space<vmem>>) offsets(%dma_start3A_755 : memref<128xi32, #tpu.memory_space<vmem>>) semaphore(%arg15 : memref<!tpu.dma_semaphore, #tpu.memory_space<semaphore_mem>>)
      %mul3A_759 = arith.constant 6 : i32
      %mul3A_760 = arith.muli %mul3A_759, %scan3A_489 : i32
      %add3A_761 = arith.constant 2 : i32
      %add3A_762 = arith.addi %mul3A_760, %add3A_761 : i32
      %add3A_763 = arith.constant 5 : i32
      %add3A_764 = arith.addi %add3A_762, %add3A_763 : i32
      %dma_wait3A_765 = arith.constant 0 : i32
      %dma_wait3A_766 = arith.constant 1 : i32
      %dma_wait3A_767 = arith.constant 0 : i32
      %dma_wait3A_768 = arith.constant 0 : i32
      %dma_wait3A_769 = tpu.memref_slice %arg9[%dma_wait3A_766, %dma_wait3A_767, %dma_wait3A_768] : memref<6x128x64xf32, #tpu.memory_space<vmem>> -> memref<1x128x64xf32, #tpu.memory_space<vmem>>
      %dma_wait3A_770 = tpu.memref_squeeze %dma_wait3A_769 : memref<1x128x64xf32, #tpu.memory_space<vmem>> -> memref<128x64xf32, #tpu.memory_space<vmem>>
      %dma_wait3A_771 = arith.constant 0 : i32
      %dma_wait3A_772 = tpu.memref_slice %arg7[%dma_wait3A_765, %dma_wait3A_771] : memref<160x128xi32, #tpu.memory_space<vmem>> -> memref<1x128xi32, #tpu.memory_space<vmem>>
      %dma_wait3A_773 = tpu.memref_squeeze %dma_wait3A_772 : memref<1x128xi32, #tpu.memory_space<vmem>> -> memref<128xi32, #tpu.memory_space<vmem>>
      %dma_wait3A_774 = arith.constant 0 : i32
      %dma_wait3A_775 = arith.constant 0 : i32
      %dma_wait3A_776 = tpu.memref_slice %arg2[%dma_wait3A_774, %dma_wait3A_775] : memref<20480x64xf32, #tpu.memory_space<hbm>> -> memref<20480x64xf32, #tpu.memory_space<hbm>>
      tpu.wait_indirect_dma semaphore(%arg12 : memref<!tpu.dma_semaphore, #tpu.memory_space<semaphore_mem>>) src(%dma_wait3A_776 : memref<20480x64xf32, #tpu.memory_space<hbm>>) dst(%dma_wait3A_770 : memref<128x64xf32, #tpu.memory_space<vmem>>)
      %dma_start3A_777 = arith.constant 1 : i32
      %dma_start3A_778 = arith.constant 0 : i32
      %dma_start3A_779 = arith.constant 0 : i32
      %dma_start3A_780 = tpu.memref_slice %arg9[%dma_start3A_777, %dma_start3A_778, %dma_start3A_779] : memref<6x128x64xf32, #tpu.memory_space<vmem>> -> memref<1x128x64xf32, #tpu.memory_space<vmem>>
      %dma_start3A_781 = tpu.memref_squeeze %dma_start3A_780 : memref<1x128x64xf32, #tpu.memory_space<vmem>> -> memref<128x64xf32, #tpu.memory_space<vmem>>
      %dma_start3A_782 = arith.constant 0 : i32
      %dma_start3A_783 = tpu.memref_slice %arg8[%add3A_764, %dma_start3A_782] : memref<160x128xi32, #tpu.memory_space<vmem>> -> memref<1x128xi32, #tpu.memory_space<vmem>>
      %dma_start3A_784 = tpu.memref_squeeze %dma_start3A_783 : memref<1x128xi32, #tpu.memory_space<vmem>> -> memref<128xi32, #tpu.memory_space<vmem>>
      %dma_start3A_785 = arith.constant 0 : i32
      %dma_start3A_786 = arith.constant 0 : i32
      %dma_start3A_787 = tpu.memref_slice %arg10[%dma_start3A_785, %dma_start3A_786] : memref<10240x64xf32, #tpu.memory_space<vmem_shared>> -> memref<10240x64xf32, #tpu.memory_space<vmem_shared>>
      tpu.enqueue_indirect_dma source(%dma_start3A_781 : memref<128x64xf32, #tpu.memory_space<vmem>>) target(%dma_start3A_787 : memref<10240x64xf32, #tpu.memory_space<vmem_shared>>) offsets(%dma_start3A_784 : memref<128xi32, #tpu.memory_space<vmem>>) semaphore(%arg18 : memref<!tpu.dma_semaphore, #tpu.memory_space<semaphore_mem>>) {add = true}
      %dma_wait3A_788 = arith.constant 5 : i32
      %dma_wait3A_789 = arith.constant 0 : i32
      %dma_wait3A_790 = arith.constant 0 : i32
      %dma_wait3A_791 = arith.constant 0 : i32
      %dma_wait3A_792 = tpu.memref_slice %arg9[%dma_wait3A_788, %dma_wait3A_790, %dma_wait3A_791] : memref<6x128x64xf32, #tpu.memory_space<vmem>> -> memref<1x128x64xf32, #tpu.memory_space<vmem>>
      %dma_wait3A_793 = tpu.memref_squeeze %dma_wait3A_792 : memref<1x128x64xf32, #tpu.memory_space<vmem>> -> memref<128x64xf32, #tpu.memory_space<vmem>>
      %dma_wait3A_794 = arith.constant 0 : i32
      %dma_wait3A_795 = tpu.memref_slice %arg8[%dma_wait3A_789, %dma_wait3A_794] : memref<160x128xi32, #tpu.memory_space<vmem>> -> memref<1x128xi32, #tpu.memory_space<vmem>>
      %dma_wait3A_796 = tpu.memref_squeeze %dma_wait3A_795 : memref<1x128xi32, #tpu.memory_space<vmem>> -> memref<128xi32, #tpu.memory_space<vmem>>
      %dma_wait3A_797 = arith.constant 0 : i32
      %dma_wait3A_798 = arith.constant 0 : i32
      %dma_wait3A_799 = tpu.memref_slice %arg10[%dma_wait3A_797, %dma_wait3A_798] : memref<10240x64xf32, #tpu.memory_space<vmem_shared>> -> memref<10240x64xf32, #tpu.memory_space<vmem_shared>>
      tpu.wait_indirect_dma semaphore(%arg22 : memref<!tpu.dma_semaphore, #tpu.memory_space<semaphore_mem>>) src(%dma_wait3A_793 : memref<128x64xf32, #tpu.memory_space<vmem>>) dst(%dma_wait3A_799 : memref<10240x64xf32, #tpu.memory_space<vmem_shared>>)
      %add3A_800 = arith.constant 4 : i32
      %add3A_801 = arith.addi %add3A_764, %add3A_800 : i32
      %dma_start3A_802 = arith.constant 5 : i32
      %dma_start3A_803 = arith.constant 0 : i32
      %dma_start3A_804 = arith.constant 0 : i32
      %dma_start3A_805 = tpu.memref_slice %arg9[%dma_start3A_802, %dma_start3A_803, %dma_start3A_804] : memref<6x128x64xf32, #tpu.memory_space<vmem>> -> memref<1x128x64xf32, #tpu.memory_space<vmem>>
      %dma_start3A_806 = tpu.memref_squeeze %dma_start3A_805 : memref<1x128x64xf32, #tpu.memory_space<vmem>> -> memref<128x64xf32, #tpu.memory_space<vmem>>
      %dma_start3A_807 = arith.constant 0 : i32
      %dma_start3A_808 = tpu.memref_slice %arg7[%add3A_801, %dma_start3A_807] : memref<160x128xi32, #tpu.memory_space<vmem>> -> memref<1x128xi32, #tpu.memory_space<vmem>>
      %dma_start3A_809 = tpu.memref_squeeze %dma_start3A_808 : memref<1x128xi32, #tpu.memory_space<vmem>> -> memref<128xi32, #tpu.memory_space<vmem>>
      %dma_start3A_810 = arith.constant 0 : i32
      %dma_start3A_811 = arith.constant 0 : i32
      %dma_start3A_812 = tpu.memref_slice %arg2[%dma_start3A_810, %dma_start3A_811] : memref<20480x64xf32, #tpu.memory_space<hbm>> -> memref<20480x64xf32, #tpu.memory_space<hbm>>
      tpu.enqueue_indirect_dma source(%dma_start3A_812 : memref<20480x64xf32, #tpu.memory_space<hbm>>) target(%dma_start3A_806 : memref<128x64xf32, #tpu.memory_space<vmem>>) offsets(%dma_start3A_809 : memref<128xi32, #tpu.memory_space<vmem>>) semaphore(%arg16 : memref<!tpu.dma_semaphore, #tpu.memory_space<semaphore_mem>>)
    }
    %scan3A_127 = arith.constant 25 : i32
    %dma_wait3A_128 = arith.constant 0 : i32
    %dma_wait3A_129 = arith.constant 2 : i32
    %dma_wait3A_130 = arith.constant 0 : i32
    %dma_wait3A_131 = arith.constant 0 : i32
    %dma_wait3A_132 = tpu.memref_slice %arg9[%dma_wait3A_129, %dma_wait3A_130, %dma_wait3A_131] : memref<6x128x64xf32, #tpu.memory_space<vmem>> -> memref<1x128x64xf32, #tpu.memory_space<vmem>>
    %dma_wait3A_133 = tpu.memref_squeeze %dma_wait3A_132 : memref<1x128x64xf32, #tpu.memory_space<vmem>> -> memref<128x64xf32, #tpu.memory_space<vmem>>
    %dma_wait3A_134 = arith.constant 0 : i32
    %dma_wait3A_135 = tpu.memref_slice %arg7[%dma_wait3A_128, %dma_wait3A_134] : memref<160x128xi32, #tpu.memory_space<vmem>> -> memref<1x128xi32, #tpu.memory_space<vmem>>
    %dma_wait3A_136 = tpu.memref_squeeze %dma_wait3A_135 : memref<1x128xi32, #tpu.memory_space<vmem>> -> memref<128xi32, #tpu.memory_space<vmem>>
    %dma_wait3A_137 = arith.constant 0 : i32
    %dma_wait3A_138 = arith.constant 0 : i32
    %dma_wait3A_139 = tpu.memref_slice %arg2[%dma_wait3A_137, %dma_wait3A_138] : memref<20480x64xf32, #tpu.memory_space<hbm>> -> memref<20480x64xf32, #tpu.memory_space<hbm>>
    tpu.wait_indirect_dma semaphore(%arg13 : memref<!tpu.dma_semaphore, #tpu.memory_space<semaphore_mem>>) src(%dma_wait3A_139 : memref<20480x64xf32, #tpu.memory_space<hbm>>) dst(%dma_wait3A_133 : memref<128x64xf32, #tpu.memory_space<vmem>>)
    %dma_start3A_140 = arith.constant 2 : i32
    %dma_start3A_141 = arith.constant 152 : i32
    %dma_start3A_142 = arith.constant 0 : i32
    %dma_start3A_143 = arith.constant 0 : i32
    %dma_start3A_144 = tpu.memref_slice %arg9[%dma_start3A_140, %dma_start3A_142, %dma_start3A_143] : memref<6x128x64xf32, #tpu.memory_space<vmem>> -> memref<1x128x64xf32, #tpu.memory_space<vmem>>
    %dma_start3A_145 = tpu.memref_squeeze %dma_start3A_144 : memref<1x128x64xf32, #tpu.memory_space<vmem>> -> memref<128x64xf32, #tpu.memory_space<vmem>>
    %dma_start3A_146 = arith.constant 0 : i32
    %dma_start3A_147 = tpu.memref_slice %arg8[%dma_start3A_141, %dma_start3A_146] : memref<160x128xi32, #tpu.memory_space<vmem>> -> memref<1x128xi32, #tpu.memory_space<vmem>>
    %dma_start3A_148 = tpu.memref_squeeze %dma_start3A_147 : memref<1x128xi32, #tpu.memory_space<vmem>> -> memref<128xi32, #tpu.memory_space<vmem>>
    %dma_start3A_149 = arith.constant 0 : i32
    %dma_start3A_150 = arith.constant 0 : i32
    %dma_start3A_151 = tpu.memref_slice %arg10[%dma_start3A_149, %dma_start3A_150] : memref<10240x64xf32, #tpu.memory_space<vmem_shared>> -> memref<10240x64xf32, #tpu.memory_space<vmem_shared>>
    tpu.enqueue_indirect_dma source(%dma_start3A_145 : memref<128x64xf32, #tpu.memory_space<vmem>>) target(%dma_start3A_151 : memref<10240x64xf32, #tpu.memory_space<vmem_shared>>) offsets(%dma_start3A_148 : memref<128xi32, #tpu.memory_space<vmem>>) semaphore(%arg19 : memref<!tpu.dma_semaphore, #tpu.memory_space<semaphore_mem>>) {add = true}
    %dma_wait3A_152 = arith.constant 0 : i32
    %dma_wait3A_153 = arith.constant 0 : i32
    %dma_wait3A_154 = arith.constant 0 : i32
    %dma_wait3A_155 = arith.constant 0 : i32
    %dma_wait3A_156 = tpu.memref_slice %arg9[%dma_wait3A_152, %dma_wait3A_154, %dma_wait3A_155] : memref<6x128x64xf32, #tpu.memory_space<vmem>> -> memref<1x128x64xf32, #tpu.memory_space<vmem>>
    %dma_wait3A_157 = tpu.memref_squeeze %dma_wait3A_156 : memref<1x128x64xf32, #tpu.memory_space<vmem>> -> memref<128x64xf32, #tpu.memory_space<vmem>>
    %dma_wait3A_158 = arith.constant 0 : i32
    %dma_wait3A_159 = tpu.memref_slice %arg8[%dma_wait3A_153, %dma_wait3A_158] : memref<160x128xi32, #tpu.memory_space<vmem>> -> memref<1x128xi32, #tpu.memory_space<vmem>>
    %dma_wait3A_160 = tpu.memref_squeeze %dma_wait3A_159 : memref<1x128xi32, #tpu.memory_space<vmem>> -> memref<128xi32, #tpu.memory_space<vmem>>
    %dma_wait3A_161 = arith.constant 0 : i32
    %dma_wait3A_162 = arith.constant 0 : i32
    %dma_wait3A_163 = tpu.memref_slice %arg10[%dma_wait3A_161, %dma_wait3A_162] : memref<10240x64xf32, #tpu.memory_space<vmem_shared>> -> memref<10240x64xf32, #tpu.memory_space<vmem_shared>>
    tpu.wait_indirect_dma semaphore(%arg17 : memref<!tpu.dma_semaphore, #tpu.memory_space<semaphore_mem>>) src(%dma_wait3A_157 : memref<128x64xf32, #tpu.memory_space<vmem>>) dst(%dma_wait3A_163 : memref<10240x64xf32, #tpu.memory_space<vmem_shared>>)
    %dma_start3A_164 = arith.constant 156 : i32
    %dma_start3A_165 = arith.constant 0 : i32
    %dma_start3A_166 = arith.constant 0 : i32
    %dma_start3A_167 = arith.constant 0 : i32
    %dma_start3A_168 = tpu.memref_slice %arg9[%dma_start3A_165, %dma_start3A_166, %dma_start3A_167] : memref<6x128x64xf32, #tpu.memory_space<vmem>> -> memref<1x128x64xf32, #tpu.memory_space<vmem>>
    %dma_start3A_169 = tpu.memref_squeeze %dma_start3A_168 : memref<1x128x64xf32, #tpu.memory_space<vmem>> -> memref<128x64xf32, #tpu.memory_space<vmem>>
    %dma_start3A_170 = arith.constant 0 : i32
    %dma_start3A_171 = tpu.memref_slice %arg7[%dma_start3A_164, %dma_start3A_170] : memref<160x128xi32, #tpu.memory_space<vmem>> -> memref<1x128xi32, #tpu.memory_space<vmem>>
    %dma_start3A_172 = tpu.memref_squeeze %dma_start3A_171 : memref<1x128xi32, #tpu.memory_space<vmem>> -> memref<128xi32, #tpu.memory_space<vmem>>
    %dma_start3A_173 = arith.constant 0 : i32
    %dma_start3A_174 = arith.constant 0 : i32
    %dma_start3A_175 = tpu.memref_slice %arg2[%dma_start3A_173, %dma_start3A_174] : memref<20480x64xf32, #tpu.memory_space<hbm>> -> memref<20480x64xf32, #tpu.memory_space<hbm>>
    tpu.enqueue_indirect_dma source(%dma_start3A_175 : memref<20480x64xf32, #tpu.memory_space<hbm>>) target(%dma_start3A_169 : memref<128x64xf32, #tpu.memory_space<vmem>>) offsets(%dma_start3A_172 : memref<128xi32, #tpu.memory_space<vmem>>) semaphore(%arg11 : memref<!tpu.dma_semaphore, #tpu.memory_space<semaphore_mem>>)
    %dma_wait3A_176 = arith.constant 0 : i32
    %dma_wait3A_177 = arith.constant 3 : i32
    %dma_wait3A_178 = arith.constant 0 : i32
    %dma_wait3A_179 = arith.constant 0 : i32
    %dma_wait3A_180 = tpu.memref_slice %arg9[%dma_wait3A_177, %dma_wait3A_178, %dma_wait3A_179] : memref<6x128x64xf32, #tpu.memory_space<vmem>> -> memref<1x128x64xf32, #tpu.memory_space<vmem>>
    %dma_wait3A_181 = tpu.memref_squeeze %dma_wait3A_180 : memref<1x128x64xf32, #tpu.memory_space<vmem>> -> memref<128x64xf32, #tpu.memory_space<vmem>>
    %dma_wait3A_182 = arith.constant 0 : i32
    %dma_wait3A_183 = tpu.memref_slice %arg7[%dma_wait3A_176, %dma_wait3A_182] : memref<160x128xi32, #tpu.memory_space<vmem>> -> memref<1x128xi32, #tpu.memory_space<vmem>>
    %dma_wait3A_184 = tpu.memref_squeeze %dma_wait3A_183 : memref<1x128xi32, #tpu.memory_space<vmem>> -> memref<128xi32, #tpu.memory_space<vmem>>
    %dma_wait3A_185 = arith.constant 0 : i32
    %dma_wait3A_186 = arith.constant 0 : i32
    %dma_wait3A_187 = tpu.memref_slice %arg2[%dma_wait3A_185, %dma_wait3A_186] : memref<20480x64xf32, #tpu.memory_space<hbm>> -> memref<20480x64xf32, #tpu.memory_space<hbm>>
    tpu.wait_indirect_dma semaphore(%arg14 : memref<!tpu.dma_semaphore, #tpu.memory_space<semaphore_mem>>) src(%dma_wait3A_187 : memref<20480x64xf32, #tpu.memory_space<hbm>>) dst(%dma_wait3A_181 : memref<128x64xf32, #tpu.memory_space<vmem>>)
    %dma_start3A_188 = arith.constant 3 : i32
    %dma_start3A_189 = arith.constant 153 : i32
    %dma_start3A_190 = arith.constant 0 : i32
    %dma_start3A_191 = arith.constant 0 : i32
    %dma_start3A_192 = tpu.memref_slice %arg9[%dma_start3A_188, %dma_start3A_190, %dma_start3A_191] : memref<6x128x64xf32, #tpu.memory_space<vmem>> -> memref<1x128x64xf32, #tpu.memory_space<vmem>>
    %dma_start3A_193 = tpu.memref_squeeze %dma_start3A_192 : memref<1x128x64xf32, #tpu.memory_space<vmem>> -> memref<128x64xf32, #tpu.memory_space<vmem>>
    %dma_start3A_194 = arith.constant 0 : i32
    %dma_start3A_195 = tpu.memref_slice %arg8[%dma_start3A_189, %dma_start3A_194] : memref<160x128xi32, #tpu.memory_space<vmem>> -> memref<1x128xi32, #tpu.memory_space<vmem>>
    %dma_start3A_196 = tpu.memref_squeeze %dma_start3A_195 : memref<1x128xi32, #tpu.memory_space<vmem>> -> memref<128xi32, #tpu.memory_space<vmem>>
    %dma_start3A_197 = arith.constant 0 : i32
    %dma_start3A_198 = arith.constant 0 : i32
    %dma_start3A_199 = tpu.memref_slice %arg10[%dma_start3A_197, %dma_start3A_198] : memref<10240x64xf32, #tpu.memory_space<vmem_shared>> -> memref<10240x64xf32, #tpu.memory_space<vmem_shared>>
    tpu.enqueue_indirect_dma source(%dma_start3A_193 : memref<128x64xf32, #tpu.memory_space<vmem>>) target(%dma_start3A_199 : memref<10240x64xf32, #tpu.memory_space<vmem_shared>>) offsets(%dma_start3A_196 : memref<128xi32, #tpu.memory_space<vmem>>) semaphore(%arg20 : memref<!tpu.dma_semaphore, #tpu.memory_space<semaphore_mem>>) {add = true}
    %dma_wait3A_200 = arith.constant 1 : i32
    %dma_wait3A_201 = arith.constant 0 : i32
    %dma_wait3A_202 = arith.constant 0 : i32
    %dma_wait3A_203 = arith.constant 0 : i32
    %dma_wait3A_204 = tpu.memref_slice %arg9[%dma_wait3A_200, %dma_wait3A_202, %dma_wait3A_203] : memref<6x128x64xf32, #tpu.memory_space<vmem>> -> memref<1x128x64xf32, #tpu.memory_space<vmem>>
    %dma_wait3A_205 = tpu.memref_squeeze %dma_wait3A_204 : memref<1x128x64xf32, #tpu.memory_space<vmem>> -> memref<128x64xf32, #tpu.memory_space<vmem>>
    %dma_wait3A_206 = arith.constant 0 : i32
    %dma_wait3A_207 = tpu.memref_slice %arg8[%dma_wait3A_201, %dma_wait3A_206] : memref<160x128xi32, #tpu.memory_space<vmem>> -> memref<1x128xi32, #tpu.memory_space<vmem>>
    %dma_wait3A_208 = tpu.memref_squeeze %dma_wait3A_207 : memref<1x128xi32, #tpu.memory_space<vmem>> -> memref<128xi32, #tpu.memory_space<vmem>>
    %dma_wait3A_209 = arith.constant 0 : i32
    %dma_wait3A_210 = arith.constant 0 : i32
    %dma_wait3A_211 = tpu.memref_slice %arg10[%dma_wait3A_209, %dma_wait3A_210] : memref<10240x64xf32, #tpu.memory_space<vmem_shared>> -> memref<10240x64xf32, #tpu.memory_space<vmem_shared>>
    tpu.wait_indirect_dma semaphore(%arg18 : memref<!tpu.dma_semaphore, #tpu.memory_space<semaphore_mem>>) src(%dma_wait3A_205 : memref<128x64xf32, #tpu.memory_space<vmem>>) dst(%dma_wait3A_211 : memref<10240x64xf32, #tpu.memory_space<vmem_shared>>)
    %dma_start3A_212 = arith.constant 157 : i32
    %dma_start3A_213 = arith.constant 1 : i32
    %dma_start3A_214 = arith.constant 0 : i32
    %dma_start3A_215 = arith.constant 0 : i32
    %dma_start3A_216 = tpu.memref_slice %arg9[%dma_start3A_213, %dma_start3A_214, %dma_start3A_215] : memref<6x128x64xf32, #tpu.memory_space<vmem>> -> memref<1x128x64xf32, #tpu.memory_space<vmem>>
    %dma_start3A_217 = tpu.memref_squeeze %dma_start3A_216 : memref<1x128x64xf32, #tpu.memory_space<vmem>> -> memref<128x64xf32, #tpu.memory_space<vmem>>
    %dma_start3A_218 = arith.constant 0 : i32
    %dma_start3A_219 = tpu.memref_slice %arg7[%dma_start3A_212, %dma_start3A_218] : memref<160x128xi32, #tpu.memory_space<vmem>> -> memref<1x128xi32, #tpu.memory_space<vmem>>
    %dma_start3A_220 = tpu.memref_squeeze %dma_start3A_219 : memref<1x128xi32, #tpu.memory_space<vmem>> -> memref<128xi32, #tpu.memory_space<vmem>>
    %dma_start3A_221 = arith.constant 0 : i32
    %dma_start3A_222 = arith.constant 0 : i32
    %dma_start3A_223 = tpu.memref_slice %arg2[%dma_start3A_221, %dma_start3A_222] : memref<20480x64xf32, #tpu.memory_space<hbm>> -> memref<20480x64xf32, #tpu.memory_space<hbm>>
    tpu.enqueue_indirect_dma source(%dma_start3A_223 : memref<20480x64xf32, #tpu.memory_space<hbm>>) target(%dma_start3A_217 : memref<128x64xf32, #tpu.memory_space<vmem>>) offsets(%dma_start3A_220 : memref<128xi32, #tpu.memory_space<vmem>>) semaphore(%arg12 : memref<!tpu.dma_semaphore, #tpu.memory_space<semaphore_mem>>)
    %dma_wait3A_224 = arith.constant 0 : i32
    %dma_wait3A_225 = arith.constant 4 : i32
    %dma_wait3A_226 = arith.constant 0 : i32
    %dma_wait3A_227 = arith.constant 0 : i32
    %dma_wait3A_228 = tpu.memref_slice %arg9[%dma_wait3A_225, %dma_wait3A_226, %dma_wait3A_227] : memref<6x128x64xf32, #tpu.memory_space<vmem>> -> memref<1x128x64xf32, #tpu.memory_space<vmem>>
    %dma_wait3A_229 = tpu.memref_squeeze %dma_wait3A_228 : memref<1x128x64xf32, #tpu.memory_space<vmem>> -> memref<128x64xf32, #tpu.memory_space<vmem>>
    %dma_wait3A_230 = arith.constant 0 : i32
    %dma_wait3A_231 = tpu.memref_slice %arg7[%dma_wait3A_224, %dma_wait3A_230] : memref<160x128xi32, #tpu.memory_space<vmem>> -> memref<1x128xi32, #tpu.memory_space<vmem>>
    %dma_wait3A_232 = tpu.memref_squeeze %dma_wait3A_231 : memref<1x128xi32, #tpu.memory_space<vmem>> -> memref<128xi32, #tpu.memory_space<vmem>>
    %dma_wait3A_233 = arith.constant 0 : i32
    %dma_wait3A_234 = arith.constant 0 : i32
    %dma_wait3A_235 = tpu.memref_slice %arg2[%dma_wait3A_233, %dma_wait3A_234] : memref<20480x64xf32, #tpu.memory_space<hbm>> -> memref<20480x64xf32, #tpu.memory_space<hbm>>
    tpu.wait_indirect_dma semaphore(%arg15 : memref<!tpu.dma_semaphore, #tpu.memory_space<semaphore_mem>>) src(%dma_wait3A_235 : memref<20480x64xf32, #tpu.memory_space<hbm>>) dst(%dma_wait3A_229 : memref<128x64xf32, #tpu.memory_space<vmem>>)
    %dma_start3A_236 = arith.constant 4 : i32
    %dma_start3A_237 = arith.constant 154 : i32
    %dma_start3A_238 = arith.constant 0 : i32
    %dma_start3A_239 = arith.constant 0 : i32
    %dma_start3A_240 = tpu.memref_slice %arg9[%dma_start3A_236, %dma_start3A_238, %dma_start3A_239] : memref<6x128x64xf32, #tpu.memory_space<vmem>> -> memref<1x128x64xf32, #tpu.memory_space<vmem>>
    %dma_start3A_241 = tpu.memref_squeeze %dma_start3A_240 : memref<1x128x64xf32, #tpu.memory_space<vmem>> -> memref<128x64xf32, #tpu.memory_space<vmem>>
    %dma_start3A_242 = arith.constant 0 : i32
    %dma_start3A_243 = tpu.memref_slice %arg8[%dma_start3A_237, %dma_start3A_242] : memref<160x128xi32, #tpu.memory_space<vmem>> -> memref<1x128xi32, #tpu.memory_space<vmem>>
    %dma_start3A_244 = tpu.memref_squeeze %dma_start3A_243 : memref<1x128xi32, #tpu.memory_space<vmem>> -> memref<128xi32, #tpu.memory_space<vmem>>
    %dma_start3A_245 = arith.constant 0 : i32
    %dma_start3A_246 = arith.constant 0 : i32
    %dma_start3A_247 = tpu.memref_slice %arg10[%dma_start3A_245, %dma_start3A_246] : memref<10240x64xf32, #tpu.memory_space<vmem_shared>> -> memref<10240x64xf32, #tpu.memory_space<vmem_shared>>
    tpu.enqueue_indirect_dma source(%dma_start3A_241 : memref<128x64xf32, #tpu.memory_space<vmem>>) target(%dma_start3A_247 : memref<10240x64xf32, #tpu.memory_space<vmem_shared>>) offsets(%dma_start3A_244 : memref<128xi32, #tpu.memory_space<vmem>>) semaphore(%arg21 : memref<!tpu.dma_semaphore, #tpu.memory_space<semaphore_mem>>) {add = true}
    %dma_wait3A_248 = arith.constant 2 : i32
    %dma_wait3A_249 = arith.constant 0 : i32
    %dma_wait3A_250 = arith.constant 0 : i32
    %dma_wait3A_251 = arith.constant 0 : i32
    %dma_wait3A_252 = tpu.memref_slice %arg9[%dma_wait3A_248, %dma_wait3A_250, %dma_wait3A_251] : memref<6x128x64xf32, #tpu.memory_space<vmem>> -> memref<1x128x64xf32, #tpu.memory_space<vmem>>
    %dma_wait3A_253 = tpu.memref_squeeze %dma_wait3A_252 : memref<1x128x64xf32, #tpu.memory_space<vmem>> -> memref<128x64xf32, #tpu.memory_space<vmem>>
    %dma_wait3A_254 = arith.constant 0 : i32
    %dma_wait3A_255 = tpu.memref_slice %arg8[%dma_wait3A_249, %dma_wait3A_254] : memref<160x128xi32, #tpu.memory_space<vmem>> -> memref<1x128xi32, #tpu.memory_space<vmem>>
    %dma_wait3A_256 = tpu.memref_squeeze %dma_wait3A_255 : memref<1x128xi32, #tpu.memory_space<vmem>> -> memref<128xi32, #tpu.memory_space<vmem>>
    %dma_wait3A_257 = arith.constant 0 : i32
    %dma_wait3A_258 = arith.constant 0 : i32
    %dma_wait3A_259 = tpu.memref_slice %arg10[%dma_wait3A_257, %dma_wait3A_258] : memref<10240x64xf32, #tpu.memory_space<vmem_shared>> -> memref<10240x64xf32, #tpu.memory_space<vmem_shared>>
    tpu.wait_indirect_dma semaphore(%arg19 : memref<!tpu.dma_semaphore, #tpu.memory_space<semaphore_mem>>) src(%dma_wait3A_253 : memref<128x64xf32, #tpu.memory_space<vmem>>) dst(%dma_wait3A_259 : memref<10240x64xf32, #tpu.memory_space<vmem_shared>>)
    %dma_start3A_260 = arith.constant 158 : i32
    %dma_start3A_261 = arith.constant 2 : i32
    %dma_start3A_262 = arith.constant 0 : i32
    %dma_start3A_263 = arith.constant 0 : i32
    %dma_start3A_264 = tpu.memref_slice %arg9[%dma_start3A_261, %dma_start3A_262, %dma_start3A_263] : memref<6x128x64xf32, #tpu.memory_space<vmem>> -> memref<1x128x64xf32, #tpu.memory_space<vmem>>
    %dma_start3A_265 = tpu.memref_squeeze %dma_start3A_264 : memref<1x128x64xf32, #tpu.memory_space<vmem>> -> memref<128x64xf32, #tpu.memory_space<vmem>>
    %dma_start3A_266 = arith.constant 0 : i32
    %dma_start3A_267 = tpu.memref_slice %arg7[%dma_start3A_260, %dma_start3A_266] : memref<160x128xi32, #tpu.memory_space<vmem>> -> memref<1x128xi32, #tpu.memory_space<vmem>>
    %dma_start3A_268 = tpu.memref_squeeze %dma_start3A_267 : memref<1x128xi32, #tpu.memory_space<vmem>> -> memref<128xi32, #tpu.memory_space<vmem>>
    %dma_start3A_269 = arith.constant 0 : i32
    %dma_start3A_270 = arith.constant 0 : i32
    %dma_start3A_271 = tpu.memref_slice %arg2[%dma_start3A_269, %dma_start3A_270] : memref<20480x64xf32, #tpu.memory_space<hbm>> -> memref<20480x64xf32, #tpu.memory_space<hbm>>
    tpu.enqueue_indirect_dma source(%dma_start3A_271 : memref<20480x64xf32, #tpu.memory_space<hbm>>) target(%dma_start3A_265 : memref<128x64xf32, #tpu.memory_space<vmem>>) offsets(%dma_start3A_268 : memref<128xi32, #tpu.memory_space<vmem>>) semaphore(%arg13 : memref<!tpu.dma_semaphore, #tpu.memory_space<semaphore_mem>>)
    %dma_wait3A_272 = arith.constant 0 : i32
    %dma_wait3A_273 = arith.constant 5 : i32
    %dma_wait3A_274 = arith.constant 0 : i32
    %dma_wait3A_275 = arith.constant 0 : i32
    %dma_wait3A_276 = tpu.memref_slice %arg9[%dma_wait3A_273, %dma_wait3A_274, %dma_wait3A_275] : memref<6x128x64xf32, #tpu.memory_space<vmem>> -> memref<1x128x64xf32, #tpu.memory_space<vmem>>
    %dma_wait3A_277 = tpu.memref_squeeze %dma_wait3A_276 : memref<1x128x64xf32, #tpu.memory_space<vmem>> -> memref<128x64xf32, #tpu.memory_space<vmem>>
    %dma_wait3A_278 = arith.constant 0 : i32
    %dma_wait3A_279 = tpu.memref_slice %arg7[%dma_wait3A_272, %dma_wait3A_278] : memref<160x128xi32, #tpu.memory_space<vmem>> -> memref<1x128xi32, #tpu.memory_space<vmem>>
    %dma_wait3A_280 = tpu.memref_squeeze %dma_wait3A_279 : memref<1x128xi32, #tpu.memory_space<vmem>> -> memref<128xi32, #tpu.memory_space<vmem>>
    %dma_wait3A_281 = arith.constant 0 : i32
    %dma_wait3A_282 = arith.constant 0 : i32
    %dma_wait3A_283 = tpu.memref_slice %arg2[%dma_wait3A_281, %dma_wait3A_282] : memref<20480x64xf32, #tpu.memory_space<hbm>> -> memref<20480x64xf32, #tpu.memory_space<hbm>>
    tpu.wait_indirect_dma semaphore(%arg16 : memref<!tpu.dma_semaphore, #tpu.memory_space<semaphore_mem>>) src(%dma_wait3A_283 : memref<20480x64xf32, #tpu.memory_space<hbm>>) dst(%dma_wait3A_277 : memref<128x64xf32, #tpu.memory_space<vmem>>)
    %dma_start3A_284 = arith.constant 5 : i32
    %dma_start3A_285 = arith.constant 155 : i32
    %dma_start3A_286 = arith.constant 0 : i32
    %dma_start3A_287 = arith.constant 0 : i32
    %dma_start3A_288 = tpu.memref_slice %arg9[%dma_start3A_284, %dma_start3A_286, %dma_start3A_287] : memref<6x128x64xf32, #tpu.memory_space<vmem>> -> memref<1x128x64xf32, #tpu.memory_space<vmem>>
    %dma_start3A_289 = tpu.memref_squeeze %dma_start3A_288 : memref<1x128x64xf32, #tpu.memory_space<vmem>> -> memref<128x64xf32, #tpu.memory_space<vmem>>
    %dma_start3A_290 = arith.constant 0 : i32
    %dma_start3A_291 = tpu.memref_slice %arg8[%dma_start3A_285, %dma_start3A_290] : memref<160x128xi32, #tpu.memory_space<vmem>> -> memref<1x128xi32, #tpu.memory_space<vmem>>
    %dma_start3A_292 = tpu.memref_squeeze %dma_start3A_291 : memref<1x128xi32, #tpu.memory_space<vmem>> -> memref<128xi32, #tpu.memory_space<vmem>>
    %dma_start3A_293 = arith.constant 0 : i32
    %dma_start3A_294 = arith.constant 0 : i32
    %dma_start3A_295 = tpu.memref_slice %arg10[%dma_start3A_293, %dma_start3A_294] : memref<10240x64xf32, #tpu.memory_space<vmem_shared>> -> memref<10240x64xf32, #tpu.memory_space<vmem_shared>>
    tpu.enqueue_indirect_dma source(%dma_start3A_289 : memref<128x64xf32, #tpu.memory_space<vmem>>) target(%dma_start3A_295 : memref<10240x64xf32, #tpu.memory_space<vmem_shared>>) offsets(%dma_start3A_292 : memref<128xi32, #tpu.memory_space<vmem>>) semaphore(%arg22 : memref<!tpu.dma_semaphore, #tpu.memory_space<semaphore_mem>>) {add = true}
    %dma_wait3A_296 = arith.constant 3 : i32
    %dma_wait3A_297 = arith.constant 0 : i32
    %dma_wait3A_298 = arith.constant 0 : i32
    %dma_wait3A_299 = arith.constant 0 : i32
    %dma_wait3A_300 = tpu.memref_slice %arg9[%dma_wait3A_296, %dma_wait3A_298, %dma_wait3A_299] : memref<6x128x64xf32, #tpu.memory_space<vmem>> -> memref<1x128x64xf32, #tpu.memory_space<vmem>>
    %dma_wait3A_301 = tpu.memref_squeeze %dma_wait3A_300 : memref<1x128x64xf32, #tpu.memory_space<vmem>> -> memref<128x64xf32, #tpu.memory_space<vmem>>
    %dma_wait3A_302 = arith.constant 0 : i32
    %dma_wait3A_303 = tpu.memref_slice %arg8[%dma_wait3A_297, %dma_wait3A_302] : memref<160x128xi32, #tpu.memory_space<vmem>> -> memref<1x128xi32, #tpu.memory_space<vmem>>
    %dma_wait3A_304 = tpu.memref_squeeze %dma_wait3A_303 : memref<1x128xi32, #tpu.memory_space<vmem>> -> memref<128xi32, #tpu.memory_space<vmem>>
    %dma_wait3A_305 = arith.constant 0 : i32
    %dma_wait3A_306 = arith.constant 0 : i32
    %dma_wait3A_307 = tpu.memref_slice %arg10[%dma_wait3A_305, %dma_wait3A_306] : memref<10240x64xf32, #tpu.memory_space<vmem_shared>> -> memref<10240x64xf32, #tpu.memory_space<vmem_shared>>
    tpu.wait_indirect_dma semaphore(%arg20 : memref<!tpu.dma_semaphore, #tpu.memory_space<semaphore_mem>>) src(%dma_wait3A_301 : memref<128x64xf32, #tpu.memory_space<vmem>>) dst(%dma_wait3A_307 : memref<10240x64xf32, #tpu.memory_space<vmem_shared>>)
    %dma_start3A_308 = arith.constant 159 : i32
    %dma_start3A_309 = arith.constant 3 : i32
    %dma_start3A_310 = arith.constant 0 : i32
    %dma_start3A_311 = arith.constant 0 : i32
    %dma_start3A_312 = tpu.memref_slice %arg9[%dma_start3A_309, %dma_start3A_310, %dma_start3A_311] : memref<6x128x64xf32, #tpu.memory_space<vmem>> -> memref<1x128x64xf32, #tpu.memory_space<vmem>>
    %dma_start3A_313 = tpu.memref_squeeze %dma_start3A_312 : memref<1x128x64xf32, #tpu.memory_space<vmem>> -> memref<128x64xf32, #tpu.memory_space<vmem>>
    %dma_start3A_314 = arith.constant 0 : i32
    %dma_start3A_315 = tpu.memref_slice %arg7[%dma_start3A_308, %dma_start3A_314] : memref<160x128xi32, #tpu.memory_space<vmem>> -> memref<1x128xi32, #tpu.memory_space<vmem>>
    %dma_start3A_316 = tpu.memref_squeeze %dma_start3A_315 : memref<1x128xi32, #tpu.memory_space<vmem>> -> memref<128xi32, #tpu.memory_space<vmem>>
    %dma_start3A_317 = arith.constant 0 : i32
    %dma_start3A_318 = arith.constant 0 : i32
    %dma_start3A_319 = tpu.memref_slice %arg2[%dma_start3A_317, %dma_start3A_318] : memref<20480x64xf32, #tpu.memory_space<hbm>> -> memref<20480x64xf32, #tpu.memory_space<hbm>>
    tpu.enqueue_indirect_dma source(%dma_start3A_319 : memref<20480x64xf32, #tpu.memory_space<hbm>>) target(%dma_start3A_313 : memref<128x64xf32, #tpu.memory_space<vmem>>) offsets(%dma_start3A_316 : memref<128xi32, #tpu.memory_space<vmem>>) semaphore(%arg14 : memref<!tpu.dma_semaphore, #tpu.memory_space<semaphore_mem>>)
    %dma_wait3A_320 = arith.constant 0 : i32
    %dma_wait3A_321 = arith.constant 0 : i32
    %dma_wait3A_322 = arith.constant 0 : i32
    %dma_wait3A_323 = arith.constant 0 : i32
    %dma_wait3A_324 = tpu.memref_slice %arg9[%dma_wait3A_321, %dma_wait3A_322, %dma_wait3A_323] : memref<6x128x64xf32, #tpu.memory_space<vmem>> -> memref<1x128x64xf32, #tpu.memory_space<vmem>>
    %dma_wait3A_325 = tpu.memref_squeeze %dma_wait3A_324 : memref<1x128x64xf32, #tpu.memory_space<vmem>> -> memref<128x64xf32, #tpu.memory_space<vmem>>
    %dma_wait3A_326 = arith.constant 0 : i32
    %dma_wait3A_327 = tpu.memref_slice %arg7[%dma_wait3A_320, %dma_wait3A_326] : memref<160x128xi32, #tpu.memory_space<vmem>> -> memref<1x128xi32, #tpu.memory_space<vmem>>
    %dma_wait3A_328 = tpu.memref_squeeze %dma_wait3A_327 : memref<1x128xi32, #tpu.memory_space<vmem>> -> memref<128xi32, #tpu.memory_space<vmem>>
    %dma_wait3A_329 = arith.constant 0 : i32
    %dma_wait3A_330 = arith.constant 0 : i32
    %dma_wait3A_331 = tpu.memref_slice %arg2[%dma_wait3A_329, %dma_wait3A_330] : memref<20480x64xf32, #tpu.memory_space<hbm>> -> memref<20480x64xf32, #tpu.memory_space<hbm>>
    tpu.wait_indirect_dma semaphore(%arg11 : memref<!tpu.dma_semaphore, #tpu.memory_space<semaphore_mem>>) src(%dma_wait3A_331 : memref<20480x64xf32, #tpu.memory_space<hbm>>) dst(%dma_wait3A_325 : memref<128x64xf32, #tpu.memory_space<vmem>>)
    %dma_start3A_332 = arith.constant 0 : i32
    %dma_start3A_333 = arith.constant 156 : i32
    %dma_start3A_334 = arith.constant 0 : i32
    %dma_start3A_335 = arith.constant 0 : i32
    %dma_start3A_336 = tpu.memref_slice %arg9[%dma_start3A_332, %dma_start3A_334, %dma_start3A_335] : memref<6x128x64xf32, #tpu.memory_space<vmem>> -> memref<1x128x64xf32, #tpu.memory_space<vmem>>
    %dma_start3A_337 = tpu.memref_squeeze %dma_start3A_336 : memref<1x128x64xf32, #tpu.memory_space<vmem>> -> memref<128x64xf32, #tpu.memory_space<vmem>>
    %dma_start3A_338 = arith.constant 0 : i32
    %dma_start3A_339 = tpu.memref_slice %arg8[%dma_start3A_333, %dma_start3A_338] : memref<160x128xi32, #tpu.memory_space<vmem>> -> memref<1x128xi32, #tpu.memory_space<vmem>>
    %dma_start3A_340 = tpu.memref_squeeze %dma_start3A_339 : memref<1x128xi32, #tpu.memory_space<vmem>> -> memref<128xi32, #tpu.memory_space<vmem>>
    %dma_start3A_341 = arith.constant 0 : i32
    %dma_start3A_342 = arith.constant 0 : i32
    %dma_start3A_343 = tpu.memref_slice %arg10[%dma_start3A_341, %dma_start3A_342] : memref<10240x64xf32, #tpu.memory_space<vmem_shared>> -> memref<10240x64xf32, #tpu.memory_space<vmem_shared>>
    tpu.enqueue_indirect_dma source(%dma_start3A_337 : memref<128x64xf32, #tpu.memory_space<vmem>>) target(%dma_start3A_343 : memref<10240x64xf32, #tpu.memory_space<vmem_shared>>) offsets(%dma_start3A_340 : memref<128xi32, #tpu.memory_space<vmem>>) semaphore(%arg17 : memref<!tpu.dma_semaphore, #tpu.memory_space<semaphore_mem>>) {add = true}
    %dma_wait3A_344 = arith.constant 4 : i32
    %dma_wait3A_345 = arith.constant 0 : i32
    %dma_wait3A_346 = arith.constant 0 : i32
    %dma_wait3A_347 = arith.constant 0 : i32
    %dma_wait3A_348 = tpu.memref_slice %arg9[%dma_wait3A_344, %dma_wait3A_346, %dma_wait3A_347] : memref<6x128x64xf32, #tpu.memory_space<vmem>> -> memref<1x128x64xf32, #tpu.memory_space<vmem>>
    %dma_wait3A_349 = tpu.memref_squeeze %dma_wait3A_348 : memref<1x128x64xf32, #tpu.memory_space<vmem>> -> memref<128x64xf32, #tpu.memory_space<vmem>>
    %dma_wait3A_350 = arith.constant 0 : i32
    %dma_wait3A_351 = tpu.memref_slice %arg8[%dma_wait3A_345, %dma_wait3A_350] : memref<160x128xi32, #tpu.memory_space<vmem>> -> memref<1x128xi32, #tpu.memory_space<vmem>>
    %dma_wait3A_352 = tpu.memref_squeeze %dma_wait3A_351 : memref<1x128xi32, #tpu.memory_space<vmem>> -> memref<128xi32, #tpu.memory_space<vmem>>
    %dma_wait3A_353 = arith.constant 0 : i32
    %dma_wait3A_354 = arith.constant 0 : i32
    %dma_wait3A_355 = tpu.memref_slice %arg10[%dma_wait3A_353, %dma_wait3A_354] : memref<10240x64xf32, #tpu.memory_space<vmem_shared>> -> memref<10240x64xf32, #tpu.memory_space<vmem_shared>>
    tpu.wait_indirect_dma semaphore(%arg21 : memref<!tpu.dma_semaphore, #tpu.memory_space<semaphore_mem>>) src(%dma_wait3A_349 : memref<128x64xf32, #tpu.memory_space<vmem>>) dst(%dma_wait3A_355 : memref<10240x64xf32, #tpu.memory_space<vmem_shared>>)
    %dma_wait3A_356 = arith.constant 0 : i32
    %dma_wait3A_357 = arith.constant 1 : i32
    %dma_wait3A_358 = arith.constant 0 : i32
    %dma_wait3A_359 = arith.constant 0 : i32
    %dma_wait3A_360 = tpu.memref_slice %arg9[%dma_wait3A_357, %dma_wait3A_358, %dma_wait3A_359] : memref<6x128x64xf32, #tpu.memory_space<vmem>> -> memref<1x128x64xf32, #tpu.memory_space<vmem>>
    %dma_wait3A_361 = tpu.memref_squeeze %dma_wait3A_360 : memref<1x128x64xf32, #tpu.memory_space<vmem>> -> memref<128x64xf32, #tpu.memory_space<vmem>>
    %dma_wait3A_362 = arith.constant 0 : i32
    %dma_wait3A_363 = tpu.memref_slice %arg7[%dma_wait3A_356, %dma_wait3A_362] : memref<160x128xi32, #tpu.memory_space<vmem>> -> memref<1x128xi32, #tpu.memory_space<vmem>>
    %dma_wait3A_364 = tpu.memref_squeeze %dma_wait3A_363 : memref<1x128xi32, #tpu.memory_space<vmem>> -> memref<128xi32, #tpu.memory_space<vmem>>
    %dma_wait3A_365 = arith.constant 0 : i32
    %dma_wait3A_366 = arith.constant 0 : i32
    %dma_wait3A_367 = tpu.memref_slice %arg2[%dma_wait3A_365, %dma_wait3A_366] : memref<20480x64xf32, #tpu.memory_space<hbm>> -> memref<20480x64xf32, #tpu.memory_space<hbm>>
    tpu.wait_indirect_dma semaphore(%arg12 : memref<!tpu.dma_semaphore, #tpu.memory_space<semaphore_mem>>) src(%dma_wait3A_367 : memref<20480x64xf32, #tpu.memory_space<hbm>>) dst(%dma_wait3A_361 : memref<128x64xf32, #tpu.memory_space<vmem>>)
    %dma_start3A_368 = arith.constant 1 : i32
    %dma_start3A_369 = arith.constant 157 : i32
    %dma_start3A_370 = arith.constant 0 : i32
    %dma_start3A_371 = arith.constant 0 : i32
    %dma_start3A_372 = tpu.memref_slice %arg9[%dma_start3A_368, %dma_start3A_370, %dma_start3A_371] : memref<6x128x64xf32, #tpu.memory_space<vmem>> -> memref<1x128x64xf32, #tpu.memory_space<vmem>>
    %dma_start3A_373 = tpu.memref_squeeze %dma_start3A_372 : memref<1x128x64xf32, #tpu.memory_space<vmem>> -> memref<128x64xf32, #tpu.memory_space<vmem>>
    %dma_start3A_374 = arith.constant 0 : i32
    %dma_start3A_375 = tpu.memref_slice %arg8[%dma_start3A_369, %dma_start3A_374] : memref<160x128xi32, #tpu.memory_space<vmem>> -> memref<1x128xi32, #tpu.memory_space<vmem>>
    %dma_start3A_376 = tpu.memref_squeeze %dma_start3A_375 : memref<1x128xi32, #tpu.memory_space<vmem>> -> memref<128xi32, #tpu.memory_space<vmem>>
    %dma_start3A_377 = arith.constant 0 : i32
    %dma_start3A_378 = arith.constant 0 : i32
    %dma_start3A_379 = tpu.memref_slice %arg10[%dma_start3A_377, %dma_start3A_378] : memref<10240x64xf32, #tpu.memory_space<vmem_shared>> -> memref<10240x64xf32, #tpu.memory_space<vmem_shared>>
    tpu.enqueue_indirect_dma source(%dma_start3A_373 : memref<128x64xf32, #tpu.memory_space<vmem>>) target(%dma_start3A_379 : memref<10240x64xf32, #tpu.memory_space<vmem_shared>>) offsets(%dma_start3A_376 : memref<128xi32, #tpu.memory_space<vmem>>) semaphore(%arg18 : memref<!tpu.dma_semaphore, #tpu.memory_space<semaphore_mem>>) {add = true}
    %dma_wait3A_380 = arith.constant 5 : i32
    %dma_wait3A_381 = arith.constant 0 : i32
    %dma_wait3A_382 = arith.constant 0 : i32
    %dma_wait3A_383 = arith.constant 0 : i32
    %dma_wait3A_384 = tpu.memref_slice %arg9[%dma_wait3A_380, %dma_wait3A_382, %dma_wait3A_383] : memref<6x128x64xf32, #tpu.memory_space<vmem>> -> memref<1x128x64xf32, #tpu.memory_space<vmem>>
    %dma_wait3A_385 = tpu.memref_squeeze %dma_wait3A_384 : memref<1x128x64xf32, #tpu.memory_space<vmem>> -> memref<128x64xf32, #tpu.memory_space<vmem>>
    %dma_wait3A_386 = arith.constant 0 : i32
    %dma_wait3A_387 = tpu.memref_slice %arg8[%dma_wait3A_381, %dma_wait3A_386] : memref<160x128xi32, #tpu.memory_space<vmem>> -> memref<1x128xi32, #tpu.memory_space<vmem>>
    %dma_wait3A_388 = tpu.memref_squeeze %dma_wait3A_387 : memref<1x128xi32, #tpu.memory_space<vmem>> -> memref<128xi32, #tpu.memory_space<vmem>>
    %dma_wait3A_389 = arith.constant 0 : i32
    %dma_wait3A_390 = arith.constant 0 : i32
    %dma_wait3A_391 = tpu.memref_slice %arg10[%dma_wait3A_389, %dma_wait3A_390] : memref<10240x64xf32, #tpu.memory_space<vmem_shared>> -> memref<10240x64xf32, #tpu.memory_space<vmem_shared>>
    tpu.wait_indirect_dma semaphore(%arg22 : memref<!tpu.dma_semaphore, #tpu.memory_space<semaphore_mem>>) src(%dma_wait3A_385 : memref<128x64xf32, #tpu.memory_space<vmem>>) dst(%dma_wait3A_391 : memref<10240x64xf32, #tpu.memory_space<vmem_shared>>)
    %dma_wait3A_392 = arith.constant 0 : i32
    %dma_wait3A_393 = arith.constant 2 : i32
    %dma_wait3A_394 = arith.constant 0 : i32
    %dma_wait3A_395 = arith.constant 0 : i32
    %dma_wait3A_396 = tpu.memref_slice %arg9[%dma_wait3A_393, %dma_wait3A_394, %dma_wait3A_395] : memref<6x128x64xf32, #tpu.memory_space<vmem>> -> memref<1x128x64xf32, #tpu.memory_space<vmem>>
    %dma_wait3A_397 = tpu.memref_squeeze %dma_wait3A_396 : memref<1x128x64xf32, #tpu.memory_space<vmem>> -> memref<128x64xf32, #tpu.memory_space<vmem>>
    %dma_wait3A_398 = arith.constant 0 : i32
    %dma_wait3A_399 = tpu.memref_slice %arg7[%dma_wait3A_392, %dma_wait3A_398] : memref<160x128xi32, #tpu.memory_space<vmem>> -> memref<1x128xi32, #tpu.memory_space<vmem>>
    %dma_wait3A_400 = tpu.memref_squeeze %dma_wait3A_399 : memref<1x128xi32, #tpu.memory_space<vmem>> -> memref<128xi32, #tpu.memory_space<vmem>>
    %dma_wait3A_401 = arith.constant 0 : i32
    %dma_wait3A_402 = arith.constant 0 : i32
    %dma_wait3A_403 = tpu.memref_slice %arg2[%dma_wait3A_401, %dma_wait3A_402] : memref<20480x64xf32, #tpu.memory_space<hbm>> -> memref<20480x64xf32, #tpu.memory_space<hbm>>
    tpu.wait_indirect_dma semaphore(%arg13 : memref<!tpu.dma_semaphore, #tpu.memory_space<semaphore_mem>>) src(%dma_wait3A_403 : memref<20480x64xf32, #tpu.memory_space<hbm>>) dst(%dma_wait3A_397 : memref<128x64xf32, #tpu.memory_space<vmem>>)
    %dma_start3A_404 = arith.constant 2 : i32
    %dma_start3A_405 = arith.constant 158 : i32
    %dma_start3A_406 = arith.constant 0 : i32
    %dma_start3A_407 = arith.constant 0 : i32
    %dma_start3A_408 = tpu.memref_slice %arg9[%dma_start3A_404, %dma_start3A_406, %dma_start3A_407] : memref<6x128x64xf32, #tpu.memory_space<vmem>> -> memref<1x128x64xf32, #tpu.memory_space<vmem>>
    %dma_start3A_409 = tpu.memref_squeeze %dma_start3A_408 : memref<1x128x64xf32, #tpu.memory_space<vmem>> -> memref<128x64xf32, #tpu.memory_space<vmem>>
    %dma_start3A_410 = arith.constant 0 : i32
    %dma_start3A_411 = tpu.memref_slice %arg8[%dma_start3A_405, %dma_start3A_410] : memref<160x128xi32, #tpu.memory_space<vmem>> -> memref<1x128xi32, #tpu.memory_space<vmem>>
    %dma_start3A_412 = tpu.memref_squeeze %dma_start3A_411 : memref<1x128xi32, #tpu.memory_space<vmem>> -> memref<128xi32, #tpu.memory_space<vmem>>
    %dma_start3A_413 = arith.constant 0 : i32
    %dma_start3A_414 = arith.constant 0 : i32
    %dma_start3A_415 = tpu.memref_slice %arg10[%dma_start3A_413, %dma_start3A_414] : memref<10240x64xf32, #tpu.memory_space<vmem_shared>> -> memref<10240x64xf32, #tpu.memory_space<vmem_shared>>
    tpu.enqueue_indirect_dma source(%dma_start3A_409 : memref<128x64xf32, #tpu.memory_space<vmem>>) target(%dma_start3A_415 : memref<10240x64xf32, #tpu.memory_space<vmem_shared>>) offsets(%dma_start3A_412 : memref<128xi32, #tpu.memory_space<vmem>>) semaphore(%arg19 : memref<!tpu.dma_semaphore, #tpu.memory_space<semaphore_mem>>) {add = true}
    %dma_wait3A_416 = arith.constant 0 : i32
    %dma_wait3A_417 = arith.constant 0 : i32
    %dma_wait3A_418 = arith.constant 0 : i32
    %dma_wait3A_419 = arith.constant 0 : i32
    %dma_wait3A_420 = tpu.memref_slice %arg9[%dma_wait3A_416, %dma_wait3A_418, %dma_wait3A_419] : memref<6x128x64xf32, #tpu.memory_space<vmem>> -> memref<1x128x64xf32, #tpu.memory_space<vmem>>
    %dma_wait3A_421 = tpu.memref_squeeze %dma_wait3A_420 : memref<1x128x64xf32, #tpu.memory_space<vmem>> -> memref<128x64xf32, #tpu.memory_space<vmem>>
    %dma_wait3A_422 = arith.constant 0 : i32
    %dma_wait3A_423 = tpu.memref_slice %arg8[%dma_wait3A_417, %dma_wait3A_422] : memref<160x128xi32, #tpu.memory_space<vmem>> -> memref<1x128xi32, #tpu.memory_space<vmem>>
    %dma_wait3A_424 = tpu.memref_squeeze %dma_wait3A_423 : memref<1x128xi32, #tpu.memory_space<vmem>> -> memref<128xi32, #tpu.memory_space<vmem>>
    %dma_wait3A_425 = arith.constant 0 : i32
    %dma_wait3A_426 = arith.constant 0 : i32
    %dma_wait3A_427 = tpu.memref_slice %arg10[%dma_wait3A_425, %dma_wait3A_426] : memref<10240x64xf32, #tpu.memory_space<vmem_shared>> -> memref<10240x64xf32, #tpu.memory_space<vmem_shared>>
    tpu.wait_indirect_dma semaphore(%arg17 : memref<!tpu.dma_semaphore, #tpu.memory_space<semaphore_mem>>) src(%dma_wait3A_421 : memref<128x64xf32, #tpu.memory_space<vmem>>) dst(%dma_wait3A_427 : memref<10240x64xf32, #tpu.memory_space<vmem_shared>>)
    %dma_wait3A_428 = arith.constant 0 : i32
    %dma_wait3A_429 = arith.constant 3 : i32
    %dma_wait3A_430 = arith.constant 0 : i32
    %dma_wait3A_431 = arith.constant 0 : i32
    %dma_wait3A_432 = tpu.memref_slice %arg9[%dma_wait3A_429, %dma_wait3A_430, %dma_wait3A_431] : memref<6x128x64xf32, #tpu.memory_space<vmem>> -> memref<1x128x64xf32, #tpu.memory_space<vmem>>
    %dma_wait3A_433 = tpu.memref_squeeze %dma_wait3A_432 : memref<1x128x64xf32, #tpu.memory_space<vmem>> -> memref<128x64xf32, #tpu.memory_space<vmem>>
    %dma_wait3A_434 = arith.constant 0 : i32
    %dma_wait3A_435 = tpu.memref_slice %arg7[%dma_wait3A_428, %dma_wait3A_434] : memref<160x128xi32, #tpu.memory_space<vmem>> -> memref<1x128xi32, #tpu.memory_space<vmem>>
    %dma_wait3A_436 = tpu.memref_squeeze %dma_wait3A_435 : memref<1x128xi32, #tpu.memory_space<vmem>> -> memref<128xi32, #tpu.memory_space<vmem>>
    %dma_wait3A_437 = arith.constant 0 : i32
    %dma_wait3A_438 = arith.constant 0 : i32
    %dma_wait3A_439 = tpu.memref_slice %arg2[%dma_wait3A_437, %dma_wait3A_438] : memref<20480x64xf32, #tpu.memory_space<hbm>> -> memref<20480x64xf32, #tpu.memory_space<hbm>>
    tpu.wait_indirect_dma semaphore(%arg14 : memref<!tpu.dma_semaphore, #tpu.memory_space<semaphore_mem>>) src(%dma_wait3A_439 : memref<20480x64xf32, #tpu.memory_space<hbm>>) dst(%dma_wait3A_433 : memref<128x64xf32, #tpu.memory_space<vmem>>)
    %dma_start3A_440 = arith.constant 3 : i32
    %dma_start3A_441 = arith.constant 159 : i32
    %dma_start3A_442 = arith.constant 0 : i32
    %dma_start3A_443 = arith.constant 0 : i32
    %dma_start3A_444 = tpu.memref_slice %arg9[%dma_start3A_440, %dma_start3A_442, %dma_start3A_443] : memref<6x128x64xf32, #tpu.memory_space<vmem>> -> memref<1x128x64xf32, #tpu.memory_space<vmem>>
    %dma_start3A_445 = tpu.memref_squeeze %dma_start3A_444 : memref<1x128x64xf32, #tpu.memory_space<vmem>> -> memref<128x64xf32, #tpu.memory_space<vmem>>
    %dma_start3A_446 = arith.constant 0 : i32
    %dma_start3A_447 = tpu.memref_slice %arg8[%dma_start3A_441, %dma_start3A_446] : memref<160x128xi32, #tpu.memory_space<vmem>> -> memref<1x128xi32, #tpu.memory_space<vmem>>
    %dma_start3A_448 = tpu.memref_squeeze %dma_start3A_447 : memref<1x128xi32, #tpu.memory_space<vmem>> -> memref<128xi32, #tpu.memory_space<vmem>>
    %dma_start3A_449 = arith.constant 0 : i32
    %dma_start3A_450 = arith.constant 0 : i32
    %dma_start3A_451 = tpu.memref_slice %arg10[%dma_start3A_449, %dma_start3A_450] : memref<10240x64xf32, #tpu.memory_space<vmem_shared>> -> memref<10240x64xf32, #tpu.memory_space<vmem_shared>>
    tpu.enqueue_indirect_dma source(%dma_start3A_445 : memref<128x64xf32, #tpu.memory_space<vmem>>) target(%dma_start3A_451 : memref<10240x64xf32, #tpu.memory_space<vmem_shared>>) offsets(%dma_start3A_448 : memref<128xi32, #tpu.memory_space<vmem>>) semaphore(%arg20 : memref<!tpu.dma_semaphore, #tpu.memory_space<semaphore_mem>>) {add = true}
    %dma_wait3A_452 = arith.constant 1 : i32
    %dma_wait3A_453 = arith.constant 0 : i32
    %dma_wait3A_454 = arith.constant 0 : i32
    %dma_wait3A_455 = arith.constant 0 : i32
    %dma_wait3A_456 = tpu.memref_slice %arg9[%dma_wait3A_452, %dma_wait3A_454, %dma_wait3A_455] : memref<6x128x64xf32, #tpu.memory_space<vmem>> -> memref<1x128x64xf32, #tpu.memory_space<vmem>>
    %dma_wait3A_457 = tpu.memref_squeeze %dma_wait3A_456 : memref<1x128x64xf32, #tpu.memory_space<vmem>> -> memref<128x64xf32, #tpu.memory_space<vmem>>
    %dma_wait3A_458 = arith.constant 0 : i32
    %dma_wait3A_459 = tpu.memref_slice %arg8[%dma_wait3A_453, %dma_wait3A_458] : memref<160x128xi32, #tpu.memory_space<vmem>> -> memref<1x128xi32, #tpu.memory_space<vmem>>
    %dma_wait3A_460 = tpu.memref_squeeze %dma_wait3A_459 : memref<1x128xi32, #tpu.memory_space<vmem>> -> memref<128xi32, #tpu.memory_space<vmem>>
    %dma_wait3A_461 = arith.constant 0 : i32
    %dma_wait3A_462 = arith.constant 0 : i32
    %dma_wait3A_463 = tpu.memref_slice %arg10[%dma_wait3A_461, %dma_wait3A_462] : memref<10240x64xf32, #tpu.memory_space<vmem_shared>> -> memref<10240x64xf32, #tpu.memory_space<vmem_shared>>
    tpu.wait_indirect_dma semaphore(%arg18 : memref<!tpu.dma_semaphore, #tpu.memory_space<semaphore_mem>>) src(%dma_wait3A_457 : memref<128x64xf32, #tpu.memory_space<vmem>>) dst(%dma_wait3A_463 : memref<10240x64xf32, #tpu.memory_space<vmem_shared>>)
    %dma_wait3A_464 = arith.constant 2 : i32
    %dma_wait3A_465 = arith.constant 0 : i32
    %dma_wait3A_466 = arith.constant 0 : i32
    %dma_wait3A_467 = arith.constant 0 : i32
    %dma_wait3A_468 = tpu.memref_slice %arg9[%dma_wait3A_464, %dma_wait3A_466, %dma_wait3A_467] : memref<6x128x64xf32, #tpu.memory_space<vmem>> -> memref<1x128x64xf32, #tpu.memory_space<vmem>>
    %dma_wait3A_469 = tpu.memref_squeeze %dma_wait3A_468 : memref<1x128x64xf32, #tpu.memory_space<vmem>> -> memref<128x64xf32, #tpu.memory_space<vmem>>
    %dma_wait3A_470 = arith.constant 0 : i32
    %dma_wait3A_471 = tpu.memref_slice %arg8[%dma_wait3A_465, %dma_wait3A_470] : memref<160x128xi32, #tpu.memory_space<vmem>> -> memref<1x128xi32, #tpu.memory_space<vmem>>
    %dma_wait3A_472 = tpu.memref_squeeze %dma_wait3A_471 : memref<1x128xi32, #tpu.memory_space<vmem>> -> memref<128xi32, #tpu.memory_space<vmem>>
    %dma_wait3A_473 = arith.constant 0 : i32
    %dma_wait3A_474 = arith.constant 0 : i32
    %dma_wait3A_475 = tpu.memref_slice %arg10[%dma_wait3A_473, %dma_wait3A_474] : memref<10240x64xf32, #tpu.memory_space<vmem_shared>> -> memref<10240x64xf32, #tpu.memory_space<vmem_shared>>
    tpu.wait_indirect_dma semaphore(%arg19 : memref<!tpu.dma_semaphore, #tpu.memory_space<semaphore_mem>>) src(%dma_wait3A_469 : memref<128x64xf32, #tpu.memory_space<vmem>>) dst(%dma_wait3A_475 : memref<10240x64xf32, #tpu.memory_space<vmem_shared>>)
    %dma_wait3A_476 = arith.constant 3 : i32
    %dma_wait3A_477 = arith.constant 0 : i32
    %dma_wait3A_478 = arith.constant 0 : i32
    %dma_wait3A_479 = arith.constant 0 : i32
    %dma_wait3A_480 = tpu.memref_slice %arg9[%dma_wait3A_476, %dma_wait3A_478, %dma_wait3A_479] : memref<6x128x64xf32, #tpu.memory_space<vmem>> -> memref<1x128x64xf32, #tpu.memory_space<vmem>>
    %dma_wait3A_481 = tpu.memref_squeeze %dma_wait3A_480 : memref<1x128x64xf32, #tpu.memory_space<vmem>> -> memref<128x64xf32, #tpu.memory_space<vmem>>
    %dma_wait3A_482 = arith.constant 0 : i32
    %dma_wait3A_483 = tpu.memref_slice %arg8[%dma_wait3A_477, %dma_wait3A_482] : memref<160x128xi32, #tpu.memory_space<vmem>> -> memref<1x128xi32, #tpu.memory_space<vmem>>
    %dma_wait3A_484 = tpu.memref_squeeze %dma_wait3A_483 : memref<1x128xi32, #tpu.memory_space<vmem>> -> memref<128xi32, #tpu.memory_space<vmem>>
    %dma_wait3A_485 = arith.constant 0 : i32
    %dma_wait3A_486 = arith.constant 0 : i32
    %dma_wait3A_487 = tpu.memref_slice %arg10[%dma_wait3A_485, %dma_wait3A_486] : memref<10240x64xf32, #tpu.memory_space<vmem_shared>> -> memref<10240x64xf32, #tpu.memory_space<vmem_shared>>
    tpu.wait_indirect_dma semaphore(%arg20 : memref<!tpu.dma_semaphore, #tpu.memory_space<semaphore_mem>>) src(%dma_wait3A_481 : memref<128x64xf32, #tpu.memory_space<vmem>>) dst(%dma_wait3A_487 : memref<10240x64xf32, #tpu.memory_space<vmem_shared>>)
    %barrier3A_488 = arith.constant 0 : index
    tpu.barrier barrier_id(%barrier3A_488)
    "tpu.region"() ({
      %run_scoped3A = tpu.sem_alloc : memref<!tpu.dma_semaphore, #tpu.memory_space<semaphore_mem>>
      %dma_start3A_489 = arith.constant 0 : i32
      %dma_start3A_490 = tpu.memref_slice %arg6[%arg0, %mul3A_0, %dma_start3A_489] : memref<2x10240x64xf32, #tpu.memory_space<hbm>> -> memref<1x640x64xf32, #tpu.memory_space<hbm>>
      %dma_start3A_491 = tpu.memref_squeeze %dma_start3A_490 : memref<1x640x64xf32, #tpu.memory_space<hbm>> -> memref<640x64xf32, #tpu.memory_space<hbm>>
      %dma_start3A_492 = arith.constant 0 : i32
      %dma_start3A_493 = tpu.memref_slice %arg10[%mul3A_0, %dma_start3A_492] : memref<10240x64xf32, #tpu.memory_space<vmem_shared>> -> memref<640x64xf32, #tpu.memory_space<vmem_shared>>
      tpu.enqueue_dma source(%dma_start3A_493 : memref<640x64xf32, #tpu.memory_space<vmem_shared>>) target(%dma_start3A_491 : memref<640x64xf32, #tpu.memory_space<hbm>>) target_semaphore(%run_scoped3A : memref<!tpu.dma_semaphore, #tpu.memory_space<semaphore_mem>>)
      %dma_wait3A_494 = arith.constant 0 : i32
      %dma_wait3A_495 = tpu.memref_slice %arg6[%arg0, %mul3A_0, %dma_wait3A_494] : memref<2x10240x64xf32, #tpu.memory_space<hbm>> -> memref<1x640x64xf32, #tpu.memory_space<hbm>>
      %dma_wait3A_496 = tpu.memref_squeeze %dma_wait3A_495 : memref<1x640x64xf32, #tpu.memory_space<hbm>> -> memref<640x64xf32, #tpu.memory_space<hbm>>
      %dma_wait3A_497 = arith.constant 0 : i32
      %dma_wait3A_498 = tpu.memref_slice %arg10[%mul3A_0, %dma_wait3A_497] : memref<10240x64xf32, #tpu.memory_space<vmem_shared>> -> memref<640x64xf32, #tpu.memory_space<vmem_shared>>
      tpu.wait_dma2 semaphore(%run_scoped3A : memref<!tpu.dma_semaphore, #tpu.memory_space<semaphore_mem>>) src(%dma_wait3A_498 : memref<640x64xf32, #tpu.memory_space<vmem_shared>>) dst(%dma_wait3A_496 : memref<640x64xf32, #tpu.memory_space<hbm>>)
      tpu.yield
    }) : () -> ()
    return
  }
}

#map = affine_map<(d0, d1) -> (0, 0)>
#map1 = affine_map<(d0, d1) -> (0, 0, 0)>
module attributes {stable_mosaic.version = 14 : i64} {
  func.func @_deg_kernel(%arg0: i32, %arg1: i32, %arg2: memref<2560x128xi32, #tpu.memory_space<hbm>>, %arg3: memref<2560x128xi32, #tpu.memory_space<hbm>>, %arg4: memref<128x16xf32, #tpu.memory_space<hbm>>, %arg5: memref<640x16xf32, #tpu.memory_space<hbm>>, %arg6: memref<2x10240x16xf32, #tpu.memory_space<hbm>>, %arg7: memref<2x10240x16xf32, #tpu.memory_space<hbm>>, %arg8: memref<80x128xi32, #tpu.memory_space<vmem>>, %arg9: memref<80x128xi32, #tpu.memory_space<vmem>>, %arg10: memref<128x16xf32, #tpu.memory_space<vmem>>, %arg11: memref<10240x16xf32, #tpu.memory_space<vmem_shared>>, %arg12: memref<10240x16xf32, #tpu.memory_space<vmem_shared>>, %arg13: memref<!tpu.dma_semaphore, #tpu.memory_space<semaphore_mem>>, %arg14: memref<!tpu.dma_semaphore, #tpu.memory_space<semaphore_mem>>) attributes {dimension_semantics = [#tpu.dimension_semantics<core_parallel>, #tpu.dimension_semantics<subcore_parallel>], iteration_bounds = array<i64: 2, 16>, scalar_prefetch = 0 : i64, scratch_operands = 7 : i64, tpu.core_type = #tpu.core_type<sc_vector_subcore>, window_params = [{transform_indices = #map}, {transform_indices = #map}, {transform_indices = #map}, {transform_indices = #map}, {transform_indices = #map1}, {transform_indices = #map1}]} {
    %mul3A = arith.constant 16 : i32
    %mul3A_0 = arith.muli %arg0, %mul3A : i32
    %add3A = arith.addi %mul3A_0, %arg1 : i32
    "tpu.region"() ({
      %run_scoped3A = tpu.sem_alloc : memref<!tpu.dma_semaphore, #tpu.memory_space<semaphore_mem>>
      tpu.enqueue_dma source(%arg4 : memref<128x16xf32, #tpu.memory_space<hbm>>) target(%arg10 : memref<128x16xf32, #tpu.memory_space<vmem>>) target_semaphore(%run_scoped3A : memref<!tpu.dma_semaphore, #tpu.memory_space<semaphore_mem>>)
      tpu.wait_dma2 semaphore(%run_scoped3A : memref<!tpu.dma_semaphore, #tpu.memory_space<semaphore_mem>>) src(%arg4 : memref<128x16xf32, #tpu.memory_space<hbm>>) dst(%arg10 : memref<128x16xf32, #tpu.memory_space<vmem>>)
      tpu.yield
    }) : () -> ()
    %mul3A_1 = arith.constant 640 : i32
    %mul3A_2 = arith.muli %arg1, %mul3A_1 : i32
    "tpu.region"() ({
      %run_scoped3A = tpu.sem_alloc : memref<!tpu.dma_semaphore, #tpu.memory_space<semaphore_mem>>
      %dma_start3A_133 = arith.constant 0 : i32
      %dma_start3A_134 = tpu.memref_slice %arg11[%mul3A_2, %dma_start3A_133] : memref<10240x16xf32, #tpu.memory_space<vmem_shared>> -> memref<640x16xf32, #tpu.memory_space<vmem_shared>>
      tpu.enqueue_dma source(%arg5 : memref<640x16xf32, #tpu.memory_space<hbm>>) target(%dma_start3A_134 : memref<640x16xf32, #tpu.memory_space<vmem_shared>>) target_semaphore(%run_scoped3A : memref<!tpu.dma_semaphore, #tpu.memory_space<semaphore_mem>>)
      %dma_wait3A_135 = arith.constant 0 : i32
      %dma_wait3A_136 = tpu.memref_slice %arg11[%mul3A_2, %dma_wait3A_135] : memref<10240x16xf32, #tpu.memory_space<vmem_shared>> -> memref<640x16xf32, #tpu.memory_space<vmem_shared>>
      tpu.wait_dma2 semaphore(%run_scoped3A : memref<!tpu.dma_semaphore, #tpu.memory_space<semaphore_mem>>) src(%arg5 : memref<640x16xf32, #tpu.memory_space<hbm>>) dst(%dma_wait3A_136 : memref<640x16xf32, #tpu.memory_space<vmem_shared>>)
      tpu.yield
    }) : () -> ()
    %mul3A_3 = arith.constant 640 : i32
    %mul3A_4 = arith.muli %arg1, %mul3A_3 : i32
    "tpu.region"() ({
      %run_scoped3A = tpu.sem_alloc : memref<!tpu.dma_semaphore, #tpu.memory_space<semaphore_mem>>
      %dma_start3A_133 = arith.constant 0 : i32
      %dma_start3A_134 = tpu.memref_slice %arg12[%mul3A_4, %dma_start3A_133] : memref<10240x16xf32, #tpu.memory_space<vmem_shared>> -> memref<640x16xf32, #tpu.memory_space<vmem_shared>>
      tpu.enqueue_dma source(%arg5 : memref<640x16xf32, #tpu.memory_space<hbm>>) target(%dma_start3A_134 : memref<640x16xf32, #tpu.memory_space<vmem_shared>>) target_semaphore(%run_scoped3A : memref<!tpu.dma_semaphore, #tpu.memory_space<semaphore_mem>>)
      %dma_wait3A_135 = arith.constant 0 : i32
      %dma_wait3A_136 = tpu.memref_slice %arg12[%mul3A_4, %dma_wait3A_135] : memref<10240x16xf32, #tpu.memory_space<vmem_shared>> -> memref<640x16xf32, #tpu.memory_space<vmem_shared>>
      tpu.wait_dma2 semaphore(%run_scoped3A : memref<!tpu.dma_semaphore, #tpu.memory_space<semaphore_mem>>) src(%arg5 : memref<640x16xf32, #tpu.memory_space<hbm>>) dst(%dma_wait3A_136 : memref<640x16xf32, #tpu.memory_space<vmem_shared>>)
      tpu.yield
    }) : () -> ()
    %mul3A_5 = arith.constant 80 : i32
    %mul3A_6 = arith.muli %add3A, %mul3A_5 : i32
    "tpu.region"() ({
      %run_scoped3A = tpu.sem_alloc : memref<!tpu.dma_semaphore, #tpu.memory_space<semaphore_mem>>
      %dma_start3A_133 = arith.constant 0 : i32
      %dma_start3A_134 = tpu.memref_slice %arg2[%mul3A_6, %dma_start3A_133] : memref<2560x128xi32, #tpu.memory_space<hbm>> -> memref<80x128xi32, #tpu.memory_space<hbm>>
      %dma_start3A_135 = arith.constant 0 : i32
      %dma_start3A_136 = tpu.memref_slice %arg2[%mul3A_6, %dma_start3A_135] : memref<2560x128xi32, #tpu.memory_space<hbm>> -> memref<80x128xi32, #tpu.memory_space<hbm>>
      tpu.enqueue_dma source(%dma_start3A_136 : memref<80x128xi32, #tpu.memory_space<hbm>>) target(%arg8 : memref<80x128xi32, #tpu.memory_space<vmem>>) target_semaphore(%run_scoped3A : memref<!tpu.dma_semaphore, #tpu.memory_space<semaphore_mem>>)
      %dma_wait3A_137 = arith.constant 0 : i32
      %dma_wait3A_138 = tpu.memref_slice %arg2[%mul3A_6, %dma_wait3A_137] : memref<2560x128xi32, #tpu.memory_space<hbm>> -> memref<80x128xi32, #tpu.memory_space<hbm>>
      %dma_wait3A_139 = arith.constant 0 : i32
      %dma_wait3A_140 = tpu.memref_slice %arg2[%mul3A_6, %dma_wait3A_139] : memref<2560x128xi32, #tpu.memory_space<hbm>> -> memref<80x128xi32, #tpu.memory_space<hbm>>
      tpu.wait_dma2 semaphore(%run_scoped3A : memref<!tpu.dma_semaphore, #tpu.memory_space<semaphore_mem>>) src(%dma_wait3A_140 : memref<80x128xi32, #tpu.memory_space<hbm>>) dst(%arg8 : memref<80x128xi32, #tpu.memory_space<vmem>>)
      tpu.yield
    }) : () -> ()
    %mul3A_7 = arith.constant 80 : i32
    %mul3A_8 = arith.muli %add3A, %mul3A_7 : i32
    "tpu.region"() ({
      %run_scoped3A = tpu.sem_alloc : memref<!tpu.dma_semaphore, #tpu.memory_space<semaphore_mem>>
      %dma_start3A_133 = arith.constant 0 : i32
      %dma_start3A_134 = tpu.memref_slice %arg3[%mul3A_8, %dma_start3A_133] : memref<2560x128xi32, #tpu.memory_space<hbm>> -> memref<80x128xi32, #tpu.memory_space<hbm>>
      %dma_start3A_135 = arith.constant 0 : i32
      %dma_start3A_136 = tpu.memref_slice %arg3[%mul3A_8, %dma_start3A_135] : memref<2560x128xi32, #tpu.memory_space<hbm>> -> memref<80x128xi32, #tpu.memory_space<hbm>>
      tpu.enqueue_dma source(%dma_start3A_136 : memref<80x128xi32, #tpu.memory_space<hbm>>) target(%arg9 : memref<80x128xi32, #tpu.memory_space<vmem>>) target_semaphore(%run_scoped3A : memref<!tpu.dma_semaphore, #tpu.memory_space<semaphore_mem>>)
      %dma_wait3A_137 = arith.constant 0 : i32
      %dma_wait3A_138 = tpu.memref_slice %arg3[%mul3A_8, %dma_wait3A_137] : memref<2560x128xi32, #tpu.memory_space<hbm>> -> memref<80x128xi32, #tpu.memory_space<hbm>>
      %dma_wait3A_139 = arith.constant 0 : i32
      %dma_wait3A_140 = tpu.memref_slice %arg3[%mul3A_8, %dma_wait3A_139] : memref<2560x128xi32, #tpu.memory_space<hbm>> -> memref<80x128xi32, #tpu.memory_space<hbm>>
      tpu.wait_dma2 semaphore(%run_scoped3A : memref<!tpu.dma_semaphore, #tpu.memory_space<semaphore_mem>>) src(%dma_wait3A_140 : memref<80x128xi32, #tpu.memory_space<hbm>>) dst(%arg9 : memref<80x128xi32, #tpu.memory_space<vmem>>)
      tpu.yield
    }) : () -> ()
    %barrier3A = arith.constant 0 : index
    tpu.barrier barrier_id(%barrier3A)
    %dma_start3A = arith.constant 0 : i32
    %dma_start3A_9 = arith.constant 0 : i32
    %dma_start3A_10 = tpu.memref_slice %arg8[%dma_start3A, %dma_start3A_9] : memref<80x128xi32, #tpu.memory_space<vmem>> -> memref<1x128xi32, #tpu.memory_space<vmem>>
    %dma_start3A_11 = tpu.memref_squeeze %dma_start3A_10 : memref<1x128xi32, #tpu.memory_space<vmem>> -> memref<128xi32, #tpu.memory_space<vmem>>
    %dma_start3A_12 = arith.constant 0 : i32
    %dma_start3A_13 = arith.constant 0 : i32
    %dma_start3A_14 = tpu.memref_slice %arg11[%dma_start3A_12, %dma_start3A_13] : memref<10240x16xf32, #tpu.memory_space<vmem_shared>> -> memref<10240x16xf32, #tpu.memory_space<vmem_shared>>
    tpu.enqueue_indirect_dma source(%arg10 : memref<128x16xf32, #tpu.memory_space<vmem>>) target(%dma_start3A_14 : memref<10240x16xf32, #tpu.memory_space<vmem_shared>>) offsets(%dma_start3A_11 : memref<128xi32, #tpu.memory_space<vmem>>) semaphore(%arg13 : memref<!tpu.dma_semaphore, #tpu.memory_space<semaphore_mem>>) {add = true}
    %dma_start3A_15 = arith.constant 0 : i32
    %dma_start3A_16 = arith.constant 0 : i32
    %dma_start3A_17 = tpu.memref_slice %arg9[%dma_start3A_15, %dma_start3A_16] : memref<80x128xi32, #tpu.memory_space<vmem>> -> memref<1x128xi32, #tpu.memory_space<vmem>>
    %dma_start3A_18 = tpu.memref_squeeze %dma_start3A_17 : memref<1x128xi32, #tpu.memory_space<vmem>> -> memref<128xi32, #tpu.memory_space<vmem>>
    %dma_start3A_19 = arith.constant 0 : i32
    %dma_start3A_20 = arith.constant 0 : i32
    %dma_start3A_21 = tpu.memref_slice %arg12[%dma_start3A_19, %dma_start3A_20] : memref<10240x16xf32, #tpu.memory_space<vmem_shared>> -> memref<10240x16xf32, #tpu.memory_space<vmem_shared>>
    tpu.enqueue_indirect_dma source(%arg10 : memref<128x16xf32, #tpu.memory_space<vmem>>) target(%dma_start3A_21 : memref<10240x16xf32, #tpu.memory_space<vmem_shared>>) offsets(%dma_start3A_18 : memref<128xi32, #tpu.memory_space<vmem>>) semaphore(%arg14 : memref<!tpu.dma_semaphore, #tpu.memory_space<semaphore_mem>>) {add = true}
    %dma_start3A_22 = arith.constant 1 : i32
    %dma_start3A_23 = arith.constant 0 : i32
    %dma_start3A_24 = tpu.memref_slice %arg8[%dma_start3A_22, %dma_start3A_23] : memref<80x128xi32, #tpu.memory_space<vmem>> -> memref<1x128xi32, #tpu.memory_space<vmem>>
    %dma_start3A_25 = tpu.memref_squeeze %dma_start3A_24 : memref<1x128xi32, #tpu.memory_space<vmem>> -> memref<128xi32, #tpu.memory_space<vmem>>
    %dma_start3A_26 = arith.constant 0 : i32
    %dma_start3A_27 = arith.constant 0 : i32
    %dma_start3A_28 = tpu.memref_slice %arg11[%dma_start3A_26, %dma_start3A_27] : memref<10240x16xf32, #tpu.memory_space<vmem_shared>> -> memref<10240x16xf32, #tpu.memory_space<vmem_shared>>
    tpu.enqueue_indirect_dma source(%arg10 : memref<128x16xf32, #tpu.memory_space<vmem>>) target(%dma_start3A_28 : memref<10240x16xf32, #tpu.memory_space<vmem_shared>>) offsets(%dma_start3A_25 : memref<128xi32, #tpu.memory_space<vmem>>) semaphore(%arg13 : memref<!tpu.dma_semaphore, #tpu.memory_space<semaphore_mem>>) {add = true}
    %dma_start3A_29 = arith.constant 1 : i32
    %dma_start3A_30 = arith.constant 0 : i32
    %dma_start3A_31 = tpu.memref_slice %arg9[%dma_start3A_29, %dma_start3A_30] : memref<80x128xi32, #tpu.memory_space<vmem>> -> memref<1x128xi32, #tpu.memory_space<vmem>>
    %dma_start3A_32 = tpu.memref_squeeze %dma_start3A_31 : memref<1x128xi32, #tpu.memory_space<vmem>> -> memref<128xi32, #tpu.memory_space<vmem>>
    %dma_start3A_33 = arith.constant 0 : i32
    %dma_start3A_34 = arith.constant 0 : i32
    %dma_start3A_35 = tpu.memref_slice %arg12[%dma_start3A_33, %dma_start3A_34] : memref<10240x16xf32, #tpu.memory_space<vmem_shared>> -> memref<10240x16xf32, #tpu.memory_space<vmem_shared>>
    tpu.enqueue_indirect_dma source(%arg10 : memref<128x16xf32, #tpu.memory_space<vmem>>) target(%dma_start3A_35 : memref<10240x16xf32, #tpu.memory_space<vmem_shared>>) offsets(%dma_start3A_32 : memref<128xi32, #tpu.memory_space<vmem>>) semaphore(%arg14 : memref<!tpu.dma_semaphore, #tpu.memory_space<semaphore_mem>>) {add = true}
    %dma_start3A_36 = arith.constant 2 : i32
    %dma_start3A_37 = arith.constant 0 : i32
    %dma_start3A_38 = tpu.memref_slice %arg8[%dma_start3A_36, %dma_start3A_37] : memref<80x128xi32, #tpu.memory_space<vmem>> -> memref<1x128xi32, #tpu.memory_space<vmem>>
    %dma_start3A_39 = tpu.memref_squeeze %dma_start3A_38 : memref<1x128xi32, #tpu.memory_space<vmem>> -> memref<128xi32, #tpu.memory_space<vmem>>
    %dma_start3A_40 = arith.constant 0 : i32
    %dma_start3A_41 = arith.constant 0 : i32
    %dma_start3A_42 = tpu.memref_slice %arg11[%dma_start3A_40, %dma_start3A_41] : memref<10240x16xf32, #tpu.memory_space<vmem_shared>> -> memref<10240x16xf32, #tpu.memory_space<vmem_shared>>
    tpu.enqueue_indirect_dma source(%arg10 : memref<128x16xf32, #tpu.memory_space<vmem>>) target(%dma_start3A_42 : memref<10240x16xf32, #tpu.memory_space<vmem_shared>>) offsets(%dma_start3A_39 : memref<128xi32, #tpu.memory_space<vmem>>) semaphore(%arg13 : memref<!tpu.dma_semaphore, #tpu.memory_space<semaphore_mem>>) {add = true}
    %dma_start3A_43 = arith.constant 2 : i32
    %dma_start3A_44 = arith.constant 0 : i32
    %dma_start3A_45 = tpu.memref_slice %arg9[%dma_start3A_43, %dma_start3A_44] : memref<80x128xi32, #tpu.memory_space<vmem>> -> memref<1x128xi32, #tpu.memory_space<vmem>>
    %dma_start3A_46 = tpu.memref_squeeze %dma_start3A_45 : memref<1x128xi32, #tpu.memory_space<vmem>> -> memref<128xi32, #tpu.memory_space<vmem>>
    %dma_start3A_47 = arith.constant 0 : i32
    %dma_start3A_48 = arith.constant 0 : i32
    %dma_start3A_49 = tpu.memref_slice %arg12[%dma_start3A_47, %dma_start3A_48] : memref<10240x16xf32, #tpu.memory_space<vmem_shared>> -> memref<10240x16xf32, #tpu.memory_space<vmem_shared>>
    tpu.enqueue_indirect_dma source(%arg10 : memref<128x16xf32, #tpu.memory_space<vmem>>) target(%dma_start3A_49 : memref<10240x16xf32, #tpu.memory_space<vmem_shared>>) offsets(%dma_start3A_46 : memref<128xi32, #tpu.memory_space<vmem>>) semaphore(%arg14 : memref<!tpu.dma_semaphore, #tpu.memory_space<semaphore_mem>>) {add = true}
    %dma_start3A_50 = arith.constant 3 : i32
    %dma_start3A_51 = arith.constant 0 : i32
    %dma_start3A_52 = tpu.memref_slice %arg8[%dma_start3A_50, %dma_start3A_51] : memref<80x128xi32, #tpu.memory_space<vmem>> -> memref<1x128xi32, #tpu.memory_space<vmem>>
    %dma_start3A_53 = tpu.memref_squeeze %dma_start3A_52 : memref<1x128xi32, #tpu.memory_space<vmem>> -> memref<128xi32, #tpu.memory_space<vmem>>
    %dma_start3A_54 = arith.constant 0 : i32
    %dma_start3A_55 = arith.constant 0 : i32
    %dma_start3A_56 = tpu.memref_slice %arg11[%dma_start3A_54, %dma_start3A_55] : memref<10240x16xf32, #tpu.memory_space<vmem_shared>> -> memref<10240x16xf32, #tpu.memory_space<vmem_shared>>
    tpu.enqueue_indirect_dma source(%arg10 : memref<128x16xf32, #tpu.memory_space<vmem>>) target(%dma_start3A_56 : memref<10240x16xf32, #tpu.memory_space<vmem_shared>>) offsets(%dma_start3A_53 : memref<128xi32, #tpu.memory_space<vmem>>) semaphore(%arg13 : memref<!tpu.dma_semaphore, #tpu.memory_space<semaphore_mem>>) {add = true}
    %dma_start3A_57 = arith.constant 3 : i32
    %dma_start3A_58 = arith.constant 0 : i32
    %dma_start3A_59 = tpu.memref_slice %arg9[%dma_start3A_57, %dma_start3A_58] : memref<80x128xi32, #tpu.memory_space<vmem>> -> memref<1x128xi32, #tpu.memory_space<vmem>>
    %dma_start3A_60 = tpu.memref_squeeze %dma_start3A_59 : memref<1x128xi32, #tpu.memory_space<vmem>> -> memref<128xi32, #tpu.memory_space<vmem>>
    %dma_start3A_61 = arith.constant 0 : i32
    %dma_start3A_62 = arith.constant 0 : i32
    %dma_start3A_63 = tpu.memref_slice %arg12[%dma_start3A_61, %dma_start3A_62] : memref<10240x16xf32, #tpu.memory_space<vmem_shared>> -> memref<10240x16xf32, #tpu.memory_space<vmem_shared>>
    tpu.enqueue_indirect_dma source(%arg10 : memref<128x16xf32, #tpu.memory_space<vmem>>) target(%dma_start3A_63 : memref<10240x16xf32, #tpu.memory_space<vmem_shared>>) offsets(%dma_start3A_60 : memref<128xi32, #tpu.memory_space<vmem>>) semaphore(%arg14 : memref<!tpu.dma_semaphore, #tpu.memory_space<semaphore_mem>>) {add = true}
    %scan3A = arith.constant 0 : i32
    %scan3A_64 = arith.constant 4 : i32
    %scan3A_65 = arith.constant 76 : i32
    %scan3A_66 = arith.addi %scan3A_64, %scan3A_65 : i32
    %scan3A_67 = arith.constant 1 : i32
    scf.for %scan3A_133 = %scan3A_64 to %scan3A_66 step %scan3A_67  : i32 {
      %dma_wait3A_134 = arith.constant 0 : i32
      %dma_wait3A_135 = arith.constant 0 : i32
      %dma_wait3A_136 = tpu.memref_slice %arg8[%dma_wait3A_134, %dma_wait3A_135] : memref<80x128xi32, #tpu.memory_space<vmem>> -> memref<1x128xi32, #tpu.memory_space<vmem>>
      %dma_wait3A_137 = tpu.memref_squeeze %dma_wait3A_136 : memref<1x128xi32, #tpu.memory_space<vmem>> -> memref<128xi32, #tpu.memory_space<vmem>>
      %dma_wait3A_138 = arith.constant 0 : i32
      %dma_wait3A_139 = arith.constant 0 : i32
      %dma_wait3A_140 = tpu.memref_slice %arg11[%dma_wait3A_138, %dma_wait3A_139] : memref<10240x16xf32, #tpu.memory_space<vmem_shared>> -> memref<10240x16xf32, #tpu.memory_space<vmem_shared>>
      tpu.wait_indirect_dma semaphore(%arg13 : memref<!tpu.dma_semaphore, #tpu.memory_space<semaphore_mem>>) src(%arg10 : memref<128x16xf32, #tpu.memory_space<vmem>>) dst(%dma_wait3A_140 : memref<10240x16xf32, #tpu.memory_space<vmem_shared>>)
      %dma_wait3A_141 = arith.constant 0 : i32
      %dma_wait3A_142 = arith.constant 0 : i32
      %dma_wait3A_143 = tpu.memref_slice %arg9[%dma_wait3A_141, %dma_wait3A_142] : memref<80x128xi32, #tpu.memory_space<vmem>> -> memref<1x128xi32, #tpu.memory_space<vmem>>
      %dma_wait3A_144 = tpu.memref_squeeze %dma_wait3A_143 : memref<1x128xi32, #tpu.memory_space<vmem>> -> memref<128xi32, #tpu.memory_space<vmem>>
      %dma_wait3A_145 = arith.constant 0 : i32
      %dma_wait3A_146 = arith.constant 0 : i32
      %dma_wait3A_147 = tpu.memref_slice %arg12[%dma_wait3A_145, %dma_wait3A_146] : memref<10240x16xf32, #tpu.memory_space<vmem_shared>> -> memref<10240x16xf32, #tpu.memory_space<vmem_shared>>
      tpu.wait_indirect_dma semaphore(%arg14 : memref<!tpu.dma_semaphore, #tpu.memory_space<semaphore_mem>>) src(%arg10 : memref<128x16xf32, #tpu.memory_space<vmem>>) dst(%dma_wait3A_147 : memref<10240x16xf32, #tpu.memory_space<vmem_shared>>)
      %dma_start3A_148 = arith.constant 0 : i32
      %dma_start3A_149 = tpu.memref_slice %arg8[%scan3A_133, %dma_start3A_148] : memref<80x128xi32, #tpu.memory_space<vmem>> -> memref<1x128xi32, #tpu.memory_space<vmem>>
      %dma_start3A_150 = tpu.memref_squeeze %dma_start3A_149 : memref<1x128xi32, #tpu.memory_space<vmem>> -> memref<128xi32, #tpu.memory_space<vmem>>
      %dma_start3A_151 = arith.constant 0 : i32
      %dma_start3A_152 = arith.constant 0 : i32
      %dma_start3A_153 = tpu.memref_slice %arg11[%dma_start3A_151, %dma_start3A_152] : memref<10240x16xf32, #tpu.memory_space<vmem_shared>> -> memref<10240x16xf32, #tpu.memory_space<vmem_shared>>
      tpu.enqueue_indirect_dma source(%arg10 : memref<128x16xf32, #tpu.memory_space<vmem>>) target(%dma_start3A_153 : memref<10240x16xf32, #tpu.memory_space<vmem_shared>>) offsets(%dma_start3A_150 : memref<128xi32, #tpu.memory_space<vmem>>) semaphore(%arg13 : memref<!tpu.dma_semaphore, #tpu.memory_space<semaphore_mem>>) {add = true}
      %dma_start3A_154 = arith.constant 0 : i32
      %dma_start3A_155 = tpu.memref_slice %arg9[%scan3A_133, %dma_start3A_154] : memref<80x128xi32, #tpu.memory_space<vmem>> -> memref<1x128xi32, #tpu.memory_space<vmem>>
      %dma_start3A_156 = tpu.memref_squeeze %dma_start3A_155 : memref<1x128xi32, #tpu.memory_space<vmem>> -> memref<128xi32, #tpu.memory_space<vmem>>
      %dma_start3A_157 = arith.constant 0 : i32
      %dma_start3A_158 = arith.constant 0 : i32
      %dma_start3A_159 = tpu.memref_slice %arg12[%dma_start3A_157, %dma_start3A_158] : memref<10240x16xf32, #tpu.memory_space<vmem_shared>> -> memref<10240x16xf32, #tpu.memory_space<vmem_shared>>
      tpu.enqueue_indirect_dma source(%arg10 : memref<128x16xf32, #tpu.memory_space<vmem>>) target(%dma_start3A_159 : memref<10240x16xf32, #tpu.memory_space<vmem_shared>>) offsets(%dma_start3A_156 : memref<128xi32, #tpu.memory_space<vmem>>) semaphore(%arg14 : memref<!tpu.dma_semaphore, #tpu.memory_space<semaphore_mem>>) {add = true}
    }
    %scan3A_68 = arith.constant 76 : i32
    %dma_wait3A = arith.constant 0 : i32
    %dma_wait3A_69 = arith.constant 0 : i32
    %dma_wait3A_70 = tpu.memref_slice %arg8[%dma_wait3A, %dma_wait3A_69] : memref<80x128xi32, #tpu.memory_space<vmem>> -> memref<1x128xi32, #tpu.memory_space<vmem>>
    %dma_wait3A_71 = tpu.memref_squeeze %dma_wait3A_70 : memref<1x128xi32, #tpu.memory_space<vmem>> -> memref<128xi32, #tpu.memory_space<vmem>>
    %dma_wait3A_72 = arith.constant 0 : i32
    %dma_wait3A_73 = arith.constant 0 : i32
    %dma_wait3A_74 = tpu.memref_slice %arg11[%dma_wait3A_72, %dma_wait3A_73] : memref<10240x16xf32, #tpu.memory_space<vmem_shared>> -> memref<10240x16xf32, #tpu.memory_space<vmem_shared>>
    tpu.wait_indirect_dma semaphore(%arg13 : memref<!tpu.dma_semaphore, #tpu.memory_space<semaphore_mem>>) src(%arg10 : memref<128x16xf32, #tpu.memory_space<vmem>>) dst(%dma_wait3A_74 : memref<10240x16xf32, #tpu.memory_space<vmem_shared>>)
    %dma_wait3A_75 = arith.constant 0 : i32
    %dma_wait3A_76 = arith.constant 0 : i32
    %dma_wait3A_77 = tpu.memref_slice %arg9[%dma_wait3A_75, %dma_wait3A_76] : memref<80x128xi32, #tpu.memory_space<vmem>> -> memref<1x128xi32, #tpu.memory_space<vmem>>
    %dma_wait3A_78 = tpu.memref_squeeze %dma_wait3A_77 : memref<1x128xi32, #tpu.memory_space<vmem>> -> memref<128xi32, #tpu.memory_space<vmem>>
    %dma_wait3A_79 = arith.constant 0 : i32
    %dma_wait3A_80 = arith.constant 0 : i32
    %dma_wait3A_81 = tpu.memref_slice %arg12[%dma_wait3A_79, %dma_wait3A_80] : memref<10240x16xf32, #tpu.memory_space<vmem_shared>> -> memref<10240x16xf32, #tpu.memory_space<vmem_shared>>
    tpu.wait_indirect_dma semaphore(%arg14 : memref<!tpu.dma_semaphore, #tpu.memory_space<semaphore_mem>>) src(%arg10 : memref<128x16xf32, #tpu.memory_space<vmem>>) dst(%dma_wait3A_81 : memref<10240x16xf32, #tpu.memory_space<vmem_shared>>)
    %dma_wait3A_82 = arith.constant 0 : i32
    %dma_wait3A_83 = arith.constant 0 : i32
    %dma_wait3A_84 = tpu.memref_slice %arg8[%dma_wait3A_82, %dma_wait3A_83] : memref<80x128xi32, #tpu.memory_space<vmem>> -> memref<1x128xi32, #tpu.memory_space<vmem>>
    %dma_wait3A_85 = tpu.memref_squeeze %dma_wait3A_84 : memref<1x128xi32, #tpu.memory_space<vmem>> -> memref<128xi32, #tpu.memory_space<vmem>>
    %dma_wait3A_86 = arith.constant 0 : i32
    %dma_wait3A_87 = arith.constant 0 : i32
    %dma_wait3A_88 = tpu.memref_slice %arg11[%dma_wait3A_86, %dma_wait3A_87] : memref<10240x16xf32, #tpu.memory_space<vmem_shared>> -> memref<10240x16xf32, #tpu.memory_space<vmem_shared>>
    tpu.wait_indirect_dma semaphore(%arg13 : memref<!tpu.dma_semaphore, #tpu.memory_space<semaphore_mem>>) src(%arg10 : memref<128x16xf32, #tpu.memory_space<vmem>>) dst(%dma_wait3A_88 : memref<10240x16xf32, #tpu.memory_space<vmem_shared>>)
    %dma_wait3A_89 = arith.constant 0 : i32
    %dma_wait3A_90 = arith.constant 0 : i32
    %dma_wait3A_91 = tpu.memref_slice %arg9[%dma_wait3A_89, %dma_wait3A_90] : memref<80x128xi32, #tpu.memory_space<vmem>> -> memref<1x128xi32, #tpu.memory_space<vmem>>
    %dma_wait3A_92 = tpu.memref_squeeze %dma_wait3A_91 : memref<1x128xi32, #tpu.memory_space<vmem>> -> memref<128xi32, #tpu.memory_space<vmem>>
    %dma_wait3A_93 = arith.constant 0 : i32
    %dma_wait3A_94 = arith.constant 0 : i32
    %dma_wait3A_95 = tpu.memref_slice %arg12[%dma_wait3A_93, %dma_wait3A_94] : memref<10240x16xf32, #tpu.memory_space<vmem_shared>> -> memref<10240x16xf32, #tpu.memory_space<vmem_shared>>
    tpu.wait_indirect_dma semaphore(%arg14 : memref<!tpu.dma_semaphore, #tpu.memory_space<semaphore_mem>>) src(%arg10 : memref<128x16xf32, #tpu.memory_space<vmem>>) dst(%dma_wait3A_95 : memref<10240x16xf32, #tpu.memory_space<vmem_shared>>)
    %dma_wait3A_96 = arith.constant 0 : i32
    %dma_wait3A_97 = arith.constant 0 : i32
    %dma_wait3A_98 = tpu.memref_slice %arg8[%dma_wait3A_96, %dma_wait3A_97] : memref<80x128xi32, #tpu.memory_space<vmem>> -> memref<1x128xi32, #tpu.memory_space<vmem>>
    %dma_wait3A_99 = tpu.memref_squeeze %dma_wait3A_98 : memref<1x128xi32, #tpu.memory_space<vmem>> -> memref<128xi32, #tpu.memory_space<vmem>>
    %dma_wait3A_100 = arith.constant 0 : i32
    %dma_wait3A_101 = arith.constant 0 : i32
    %dma_wait3A_102 = tpu.memref_slice %arg11[%dma_wait3A_100, %dma_wait3A_101] : memref<10240x16xf32, #tpu.memory_space<vmem_shared>> -> memref<10240x16xf32, #tpu.memory_space<vmem_shared>>
    tpu.wait_indirect_dma semaphore(%arg13 : memref<!tpu.dma_semaphore, #tpu.memory_space<semaphore_mem>>) src(%arg10 : memref<128x16xf32, #tpu.memory_space<vmem>>) dst(%dma_wait3A_102 : memref<10240x16xf32, #tpu.memory_space<vmem_shared>>)
    %dma_wait3A_103 = arith.constant 0 : i32
    %dma_wait3A_104 = arith.constant 0 : i32
    %dma_wait3A_105 = tpu.memref_slice %arg9[%dma_wait3A_103, %dma_wait3A_104] : memref<80x128xi32, #tpu.memory_space<vmem>> -> memref<1x128xi32, #tpu.memory_space<vmem>>
    %dma_wait3A_106 = tpu.memref_squeeze %dma_wait3A_105 : memref<1x128xi32, #tpu.memory_space<vmem>> -> memref<128xi32, #tpu.memory_space<vmem>>
    %dma_wait3A_107 = arith.constant 0 : i32
    %dma_wait3A_108 = arith.constant 0 : i32
    %dma_wait3A_109 = tpu.memref_slice %arg12[%dma_wait3A_107, %dma_wait3A_108] : memref<10240x16xf32, #tpu.memory_space<vmem_shared>> -> memref<10240x16xf32, #tpu.memory_space<vmem_shared>>
    tpu.wait_indirect_dma semaphore(%arg14 : memref<!tpu.dma_semaphore, #tpu.memory_space<semaphore_mem>>) src(%arg10 : memref<128x16xf32, #tpu.memory_space<vmem>>) dst(%dma_wait3A_109 : memref<10240x16xf32, #tpu.memory_space<vmem_shared>>)
    %dma_wait3A_110 = arith.constant 0 : i32
    %dma_wait3A_111 = arith.constant 0 : i32
    %dma_wait3A_112 = tpu.memref_slice %arg8[%dma_wait3A_110, %dma_wait3A_111] : memref<80x128xi32, #tpu.memory_space<vmem>> -> memref<1x128xi32, #tpu.memory_space<vmem>>
    %dma_wait3A_113 = tpu.memref_squeeze %dma_wait3A_112 : memref<1x128xi32, #tpu.memory_space<vmem>> -> memref<128xi32, #tpu.memory_space<vmem>>
    %dma_wait3A_114 = arith.constant 0 : i32
    %dma_wait3A_115 = arith.constant 0 : i32
    %dma_wait3A_116 = tpu.memref_slice %arg11[%dma_wait3A_114, %dma_wait3A_115] : memref<10240x16xf32, #tpu.memory_space<vmem_shared>> -> memref<10240x16xf32, #tpu.memory_space<vmem_shared>>
    tpu.wait_indirect_dma semaphore(%arg13 : memref<!tpu.dma_semaphore, #tpu.memory_space<semaphore_mem>>) src(%arg10 : memref<128x16xf32, #tpu.memory_space<vmem>>) dst(%dma_wait3A_116 : memref<10240x16xf32, #tpu.memory_space<vmem_shared>>)
    %dma_wait3A_117 = arith.constant 0 : i32
    %dma_wait3A_118 = arith.constant 0 : i32
    %dma_wait3A_119 = tpu.memref_slice %arg9[%dma_wait3A_117, %dma_wait3A_118] : memref<80x128xi32, #tpu.memory_space<vmem>> -> memref<1x128xi32, #tpu.memory_space<vmem>>
    %dma_wait3A_120 = tpu.memref_squeeze %dma_wait3A_119 : memref<1x128xi32, #tpu.memory_space<vmem>> -> memref<128xi32, #tpu.memory_space<vmem>>
    %dma_wait3A_121 = arith.constant 0 : i32
    %dma_wait3A_122 = arith.constant 0 : i32
    %dma_wait3A_123 = tpu.memref_slice %arg12[%dma_wait3A_121, %dma_wait3A_122] : memref<10240x16xf32, #tpu.memory_space<vmem_shared>> -> memref<10240x16xf32, #tpu.memory_space<vmem_shared>>
    tpu.wait_indirect_dma semaphore(%arg14 : memref<!tpu.dma_semaphore, #tpu.memory_space<semaphore_mem>>) src(%arg10 : memref<128x16xf32, #tpu.memory_space<vmem>>) dst(%dma_wait3A_123 : memref<10240x16xf32, #tpu.memory_space<vmem_shared>>)
    %barrier3A_124 = arith.constant 0 : index
    tpu.barrier barrier_id(%barrier3A_124)
    %mul3A_125 = arith.constant 640 : i32
    %mul3A_126 = arith.muli %arg1, %mul3A_125 : i32
    %mul3A_127 = arith.constant 640 : i32
    %mul3A_128 = arith.muli %arg1, %mul3A_127 : i32
    "tpu.region"() ({
      %run_scoped3A = tpu.sem_alloc : memref<!tpu.dma_semaphore, #tpu.memory_space<semaphore_mem>>
      %dma_start3A_133 = arith.constant 0 : i32
      %dma_start3A_134 = tpu.memref_slice %arg6[%arg0, %mul3A_128, %dma_start3A_133] : memref<2x10240x16xf32, #tpu.memory_space<hbm>> -> memref<1x640x16xf32, #tpu.memory_space<hbm>>
      %dma_start3A_135 = tpu.memref_squeeze %dma_start3A_134 : memref<1x640x16xf32, #tpu.memory_space<hbm>> -> memref<640x16xf32, #tpu.memory_space<hbm>>
      %dma_start3A_136 = arith.constant 0 : i32
      %dma_start3A_137 = tpu.memref_slice %arg11[%mul3A_126, %dma_start3A_136] : memref<10240x16xf32, #tpu.memory_space<vmem_shared>> -> memref<640x16xf32, #tpu.memory_space<vmem_shared>>
      tpu.enqueue_dma source(%dma_start3A_137 : memref<640x16xf32, #tpu.memory_space<vmem_shared>>) target(%dma_start3A_135 : memref<640x16xf32, #tpu.memory_space<hbm>>) target_semaphore(%run_scoped3A : memref<!tpu.dma_semaphore, #tpu.memory_space<semaphore_mem>>)
      %dma_wait3A_138 = arith.constant 0 : i32
      %dma_wait3A_139 = tpu.memref_slice %arg6[%arg0, %mul3A_128, %dma_wait3A_138] : memref<2x10240x16xf32, #tpu.memory_space<hbm>> -> memref<1x640x16xf32, #tpu.memory_space<hbm>>
      %dma_wait3A_140 = tpu.memref_squeeze %dma_wait3A_139 : memref<1x640x16xf32, #tpu.memory_space<hbm>> -> memref<640x16xf32, #tpu.memory_space<hbm>>
      %dma_wait3A_141 = arith.constant 0 : i32
      %dma_wait3A_142 = tpu.memref_slice %arg11[%mul3A_126, %dma_wait3A_141] : memref<10240x16xf32, #tpu.memory_space<vmem_shared>> -> memref<640x16xf32, #tpu.memory_space<vmem_shared>>
      tpu.wait_dma2 semaphore(%run_scoped3A : memref<!tpu.dma_semaphore, #tpu.memory_space<semaphore_mem>>) src(%dma_wait3A_142 : memref<640x16xf32, #tpu.memory_space<vmem_shared>>) dst(%dma_wait3A_140 : memref<640x16xf32, #tpu.memory_space<hbm>>)
      tpu.yield
    }) : () -> ()
    %mul3A_129 = arith.constant 640 : i32
    %mul3A_130 = arith.muli %arg1, %mul3A_129 : i32
    %mul3A_131 = arith.constant 640 : i32
    %mul3A_132 = arith.muli %arg1, %mul3A_131 : i32
    "tpu.region"() ({
      %run_scoped3A = tpu.sem_alloc : memref<!tpu.dma_semaphore, #tpu.memory_space<semaphore_mem>>
      %dma_start3A_133 = arith.constant 0 : i32
      %dma_start3A_134 = tpu.memref_slice %arg7[%arg0, %mul3A_132, %dma_start3A_133] : memref<2x10240x16xf32, #tpu.memory_space<hbm>> -> memref<1x640x16xf32, #tpu.memory_space<hbm>>
      %dma_start3A_135 = tpu.memref_squeeze %dma_start3A_134 : memref<1x640x16xf32, #tpu.memory_space<hbm>> -> memref<640x16xf32, #tpu.memory_space<hbm>>
      %dma_start3A_136 = arith.constant 0 : i32
      %dma_start3A_137 = tpu.memref_slice %arg12[%mul3A_130, %dma_start3A_136] : memref<10240x16xf32, #tpu.memory_space<vmem_shared>> -> memref<640x16xf32, #tpu.memory_space<vmem_shared>>
      tpu.enqueue_dma source(%dma_start3A_137 : memref<640x16xf32, #tpu.memory_space<vmem_shared>>) target(%dma_start3A_135 : memref<640x16xf32, #tpu.memory_space<hbm>>) target_semaphore(%run_scoped3A : memref<!tpu.dma_semaphore, #tpu.memory_space<semaphore_mem>>)
      %dma_wait3A_138 = arith.constant 0 : i32
      %dma_wait3A_139 = tpu.memref_slice %arg7[%arg0, %mul3A_132, %dma_wait3A_138] : memref<2x10240x16xf32, #tpu.memory_space<hbm>> -> memref<1x640x16xf32, #tpu.memory_space<hbm>>
      %dma_wait3A_140 = tpu.memref_squeeze %dma_wait3A_139 : memref<1x640x16xf32, #tpu.memory_space<hbm>> -> memref<640x16xf32, #tpu.memory_space<hbm>>
      %dma_wait3A_141 = arith.constant 0 : i32
      %dma_wait3A_142 = tpu.memref_slice %arg12[%mul3A_130, %dma_wait3A_141] : memref<10240x16xf32, #tpu.memory_space<vmem_shared>> -> memref<640x16xf32, #tpu.memory_space<vmem_shared>>
      tpu.wait_dma2 semaphore(%run_scoped3A : memref<!tpu.dma_semaphore, #tpu.memory_space<semaphore_mem>>) src(%dma_wait3A_142 : memref<640x16xf32, #tpu.memory_space<vmem_shared>>) dst(%dma_wait3A_140 : memref<640x16xf32, #tpu.memory_space<hbm>>)
      tpu.yield
    }) : () -> ()
    return
  }
}

module attributes {stable_mosaic.version = 14 : i64} {
  func.func @_prep_body(%arg0: i32, %arg1: memref<512x128xf32, #tpu.memory_space<vmem>>, %arg2: memref<2x512x16xf32, #tpu.memory_space<vmem>>, %arg3: memref<2x512x16xf32, #tpu.memory_space<vmem>>, %arg4: memref<2x512x64xf32, #tpu.memory_space<vmem>>, %arg5: memref<512x1xf32, #tpu.memory_space<vmem>>, %arg6: memref<512x1xf32, #tpu.memory_space<vmem>>) attributes {dimension_semantics = [#tpu.dimension_semantics<arbitrary>], iteration_bounds = array<i64: 20>, scalar_prefetch = 0 : i64, scratch_operands = 0 : i64, tpu.core_type = #tpu.core_type<tc>, window_params = [{transform_indices = @transform_0, window_bounds = array<i64: 512, 128>}, {transform_indices = @transform_1, window_bounds = array<i64: 2, 512, 16>}, {transform_indices = @transform_2, window_bounds = array<i64: 2, 512, 16>}, {transform_indices = @transform_3, window_bounds = array<i64: 2, 512, 64>}, {transform_indices = @transform_4, window_bounds = array<i64: 512, 1>}, {transform_indices = @transform_5, window_bounds = array<i64: 512, 1>}]} {
    %get3A = arith.constant 0 : index
    %get3A_0 = arith.constant 0 : index
    %get3A_1 = arith.constant 0 : index
    %get3A_2 = vector.load %arg2[%get3A, %get3A_0, %get3A_1] : memref<2x512x16xf32, #tpu.memory_space<vmem>>, vector<2x512x16xf32>
    %get3A_3 = arith.constant 0 : index
    %get3A_4 = arith.constant 0 : index
    %get3A_5 = arith.constant 0 : index
    %get3A_6 = vector.load %arg3[%get3A_3, %get3A_4, %get3A_5] : memref<2x512x16xf32, #tpu.memory_space<vmem>>, vector<2x512x16xf32>
    %slice3A = vector.extract_strided_slice %get3A_2 {offsets = [0, 0, 0], sizes = [1, 512, 1], strides = [1, 1, 1]} : vector<2x512x16xf32> to vector<1x512x1xf32>
    %squeeze3A = vector.shape_cast %slice3A : vector<1x512x1xf32> to vector<512x1xf32>
    %slice3A_7 = vector.extract_strided_slice %get3A_2 {offsets = [1, 0, 0], sizes = [1, 512, 1], strides = [1, 1, 1]} : vector<2x512x16xf32> to vector<1x512x1xf32>
    %squeeze3A_8 = vector.shape_cast %slice3A_7 : vector<1x512x1xf32> to vector<512x1xf32>
    %add3A = arith.addf %squeeze3A, %squeeze3A_8 : vector<512x1xf32>
    %slice3A_9 = vector.extract_strided_slice %get3A_6 {offsets = [0, 0, 0], sizes = [1, 512, 1], strides = [1, 1, 1]} : vector<2x512x16xf32> to vector<1x512x1xf32>
    %squeeze3A_10 = vector.shape_cast %slice3A_9 : vector<1x512x1xf32> to vector<512x1xf32>
    %slice3A_11 = vector.extract_strided_slice %get3A_6 {offsets = [1, 0, 0], sizes = [1, 512, 1], strides = [1, 1, 1]} : vector<2x512x16xf32> to vector<1x512x1xf32>
    %squeeze3A_12 = vector.shape_cast %slice3A_11 : vector<1x512x1xf32> to vector<512x1xf32>
    %add3A_13 = arith.addf %squeeze3A_10, %squeeze3A_12 : vector<512x1xf32>
    %gt3A = arith.constant 0.000000e+00 : f32
    %gt3A_14 = vector.broadcast %gt3A : f32 to vector<512x1xf32>
    %gt3A_15 = arith.cmpf ogt, %add3A, %gt3A_14 : vector<512x1xf32>
    %rsqrt3A = math.rsqrt %add3A : vector<512x1xf32>
    %jit3A = arith.constant 0.000000e+00 : f32
    %broadcast_in_dim3A = vector.broadcast %jit3A : f32 to vector<512x1xf32>
    %select_n3A = arith.select %gt3A_15, %rsqrt3A, %broadcast_in_dim3A : vector<512x1xi1>, vector<512x1xf32>
    %gt3A_16 = arith.constant 0.000000e+00 : f32
    %gt3A_17 = vector.broadcast %gt3A_16 : f32 to vector<512x1xf32>
    %gt3A_18 = arith.cmpf ogt, %add3A_13, %gt3A_17 : vector<512x1xf32>
    %rsqrt3A_19 = math.rsqrt %add3A_13 : vector<512x1xf32>
    %jit3A_20 = arith.constant 0.000000e+00 : f32
    %broadcast_in_dim3A_21 = vector.broadcast %jit3A_20 : f32 to vector<512x1xf32>
    %select_n3A_22 = arith.select %gt3A_18, %rsqrt3A_19, %broadcast_in_dim3A_21 : vector<512x1xi1>, vector<512x1xf32>
    %get3A_23 = arith.constant 0 : index
    %get3A_24 = arith.constant 0 : index
    %get3A_25 = vector.load %arg1[%get3A_23, %get3A_24] : memref<512x128xf32, #tpu.memory_space<vmem>>, vector<512x128xf32>
    %mul3A = vector.broadcast %select_n3A : vector<512x1xf32> to vector<512x128xf32>
    %mul3A_26 = arith.mulf %get3A_25, %mul3A : vector<512x128xf32>
    %slice3A_27 = vector.extract_strided_slice %mul3A_26 {offsets = [0, 0], sizes = [512, 64], strides = [1, 1]} : vector<512x128xf32> to vector<512x64xf32>
    %swap3A = arith.constant 0 : index
    %swap3A_28 = arith.constant 0 : index
    %swap3A_29 = arith.constant 0 : index
    %swap3A_30 = vector.load %arg4[%swap3A, %swap3A_28, %swap3A_29] : memref<2x512x64xf32, #tpu.memory_space<vmem>>, vector<1x512x64xf32>
    %swap3A_31 = vector.shape_cast %swap3A_30 : vector<1x512x64xf32> to vector<512x64xf32>
    %swap3A_32 = vector.shape_cast %slice3A_27 : vector<512x64xf32> to vector<1x512x64xf32>
    tpu.vector_store %arg4[%swap3A, %swap3A_28, %swap3A_29], %swap3A_32 {strides = array<i32>} : memref<2x512x64xf32, #tpu.memory_space<vmem>>, vector<1x512x64xf32>,
    %slice3A_33 = vector.extract_strided_slice %mul3A_26 {offsets = [0, 64], sizes = [512, 64], strides = [1, 1]} : vector<512x128xf32> to vector<512x64xf32>
    %swap3A_34 = arith.constant 1 : index
    %swap3A_35 = arith.constant 0 : index
    %swap3A_36 = arith.constant 0 : index
    %swap3A_37 = vector.load %arg4[%swap3A_34, %swap3A_35, %swap3A_36] : memref<2x512x64xf32, #tpu.memory_space<vmem>>, vector<1x512x64xf32>
    %swap3A_38 = vector.shape_cast %swap3A_37 : vector<1x512x64xf32> to vector<512x64xf32>
    %swap3A_39 = vector.shape_cast %slice3A_33 : vector<512x64xf32> to vector<1x512x64xf32>
    tpu.vector_store %arg4[%swap3A_34, %swap3A_35, %swap3A_36], %swap3A_39 {strides = array<i32>} : memref<2x512x64xf32, #tpu.memory_space<vmem>>, vector<1x512x64xf32>,
    %swap3A_40 = arith.constant 0 : index
    %swap3A_41 = arith.constant 0 : index
    %swap3A_42 = vector.load %arg5[%swap3A_40, %swap3A_41] : memref<512x1xf32, #tpu.memory_space<vmem>>, vector<512x1xf32>
    tpu.vector_store %arg5[%swap3A_40, %swap3A_41], %select_n3A {strides = array<i32>} : memref<512x1xf32, #tpu.memory_space<vmem>>, vector<512x1xf32>,
    %swap3A_43 = arith.constant 0 : index
    %swap3A_44 = arith.constant 0 : index
    %swap3A_45 = vector.load %arg6[%swap3A_43, %swap3A_44] : memref<512x1xf32, #tpu.memory_space<vmem>>, vector<512x1xf32>
    tpu.vector_store %arg6[%swap3A_43, %swap3A_44], %select_n3A_22 {strides = array<i32>} : memref<512x1xf32, #tpu.memory_space<vmem>>, vector<512x1xf32>,
    return
  }
  func.func @transform_0(%arg0: i32) -> (i32, i32) {
    %c0_i32 = arith.constant 0 : i32
    %c0_i32_0 = arith.constant 0 : i32
    return %arg0, %c0_i32 : i32, i32
  }
  func.func @transform_1(%arg0: i32) -> (i32, i32, i32) {
    %c0_i32 = arith.constant 0 : i32
    %c0_i32_0 = arith.constant 0 : i32
    %c0_i32_1 = arith.constant 0 : i32
    return %c0_i32, %arg0, %c0_i32_0 : i32, i32, i32
  }
  func.func @transform_2(%arg0: i32) -> (i32, i32, i32) {
    %c0_i32 = arith.constant 0 : i32
    %c0_i32_0 = arith.constant 0 : i32
    %c0_i32_1 = arith.constant 0 : i32
    return %c0_i32, %arg0, %c0_i32_0 : i32, i32, i32
  }
  func.func @transform_3(%arg0: i32) -> (i32, i32, i32) {
    %c0_i32 = arith.constant 0 : i32
    %c0_i32_0 = arith.constant 0 : i32
    %c0_i32_1 = arith.constant 0 : i32
    return %c0_i32, %arg0, %c0_i32_0 : i32, i32, i32
  }
  func.func @transform_4(%arg0: i32) -> (i32, i32) {
    %c0_i32 = arith.constant 0 : i32
    %c0_i32_0 = arith.constant 0 : i32
    return %arg0, %c0_i32 : i32, i32
  }
  func.func @transform_5(%arg0: i32) -> (i32, i32) {
    %c0_i32 = arith.constant 0 : i32
    %c0_i32_0 = arith.constant 0 : i32
    return %arg0, %c0_i32 : i32, i32
  }
}

module attributes {stable_mosaic.version = 14 : i64} {
  func.func @_dense_body(%arg0: i32, %arg1: memref<2x512x64xf32, #tpu.memory_space<vmem>>, %arg2: memref<512x1xf32, #tpu.memory_space<vmem>>, %arg3: memref<128x128xf32, #tpu.memory_space<vmem>>, %arg4: memref<1x128xf32, #tpu.memory_space<vmem>>, %arg5: memref<512x1xf32, #tpu.memory_space<vmem>>, %arg6: memref<2x512x64xf32, #tpu.memory_space<vmem>>) attributes {dimension_semantics = [#tpu.dimension_semantics<arbitrary>], iteration_bounds = array<i64: 20>, scalar_prefetch = 0 : i64, scratch_operands = 0 : i64, tpu.core_type = #tpu.core_type<tc>, window_params = [{transform_indices = @transform_0, window_bounds = array<i64: 2, 512, 64>}, {transform_indices = @transform_1, window_bounds = array<i64: 512, 1>}, {pipeline_mode = #tpu.pipeline_mode<synchronous>, transform_indices = @transform_2, window_bounds = array<i64: 128, 128>}, {pipeline_mode = #tpu.pipeline_mode<synchronous>, transform_indices = @transform_3, window_bounds = array<i64: 1, 128>}, {transform_indices = @transform_4, window_bounds = array<i64: 512, 1>}, {transform_indices = @transform_5, window_bounds = array<i64: 2, 512, 64>}]} {
    %get3A = arith.constant 0 : index
    %get3A_0 = arith.constant 0 : index
    %get3A_1 = arith.constant 0 : index
    %get3A_2 = vector.load %arg1[%get3A, %get3A_0, %get3A_1] : memref<2x512x64xf32, #tpu.memory_space<vmem>>, vector<2x512x64xf32>
    %slice3A = vector.extract_strided_slice %get3A_2 {offsets = [0, 0, 0], sizes = [1, 512, 64], strides = [1, 1, 1]} : vector<2x512x64xf32> to vector<1x512x64xf32>
    %squeeze3A = vector.shape_cast %slice3A : vector<1x512x64xf32> to vector<512x64xf32>
    %slice3A_3 = vector.extract_strided_slice %get3A_2 {offsets = [1, 0, 0], sizes = [1, 512, 64], strides = [1, 1, 1]} : vector<2x512x64xf32> to vector<1x512x64xf32>
    %squeeze3A_4 = vector.shape_cast %slice3A_3 : vector<1x512x64xf32> to vector<512x64xf32>
    %concatenate3A = tpu.concatenate %squeeze3A, %squeeze3A_4 in 1 : vector<512x64xf32>, vector<512x64xf32> -> vector<512x128xf32>
    %get3A_5 = arith.constant 0 : index
    %get3A_6 = arith.constant 0 : index
    %get3A_7 = vector.load %arg2[%get3A_5, %get3A_6] : memref<512x1xf32, #tpu.memory_space<vmem>>, vector<512x1xf32>
    %mul3A = vector.broadcast %get3A_7 : vector<512x1xf32> to vector<512x128xf32>
    %mul3A_8 = arith.mulf %concatenate3A, %mul3A : vector<512x128xf32>
    %get3A_9 = arith.constant 0 : index
    %get3A_10 = arith.constant 0 : index
    %get3A_11 = vector.load %arg3[%get3A_9, %get3A_10] : memref<128x128xf32, #tpu.memory_space<vmem>>, vector<128x128xf32>
    %dot_general3A = arith.constant dense<0.000000e+00> : vector<512x128xf32>
    %dot_general3A_12 = tpu.matmul %mul3A_8, %get3A_11, %dot_general3A {dimension_numbers = #tpu.dot_dimension_numbers<[1], [0], [0], [1], [0, 0, 1, 1], [], []>, transpose_lhs_hint = false} : vector<512x128xf32>, vector<128x128xf32>, vector<512x128xf32> -> vector<512x128xf32>
    %get3A_13 = arith.constant 0 : index
    %get3A_14 = arith.constant 0 : index
    %get3A_15 = vector.load %arg4[%get3A_13, %get3A_14] : memref<1x128xf32, #tpu.memory_space<vmem>>, vector<1x128xf32>
    %add3A = vector.broadcast %get3A_15 : vector<1x128xf32> to vector<512x128xf32>
    %add3A_16 = arith.addf %dot_general3A_12, %add3A : vector<512x128xf32>
    %max3A = arith.constant 0.000000e+00 : f32
    %max3A_17 = vector.broadcast %max3A : f32 to vector<512x128xf32>
    %max3A_18 = arith.maximumf %add3A_16, %max3A_17 : vector<512x128xf32>
    %get3A_19 = arith.constant 0 : index
    %get3A_20 = arith.constant 0 : index
    %get3A_21 = vector.load %arg5[%get3A_19, %get3A_20] : memref<512x1xf32, #tpu.memory_space<vmem>>, vector<512x1xf32>
    %mul3A_22 = vector.broadcast %get3A_21 : vector<512x1xf32> to vector<512x128xf32>
    %mul3A_23 = arith.mulf %max3A_18, %mul3A_22 : vector<512x128xf32>
    %slice3A_24 = vector.extract_strided_slice %mul3A_23 {offsets = [0, 0], sizes = [512, 64], strides = [1, 1]} : vector<512x128xf32> to vector<512x64xf32>
    %swap3A = arith.constant 0 : index
    %swap3A_25 = arith.constant 0 : index
    %swap3A_26 = arith.constant 0 : index
    %swap3A_27 = vector.load %arg6[%swap3A, %swap3A_25, %swap3A_26] : memref<2x512x64xf32, #tpu.memory_space<vmem>>, vector<1x512x64xf32>
    %swap3A_28 = vector.shape_cast %swap3A_27 : vector<1x512x64xf32> to vector<512x64xf32>
    %swap3A_29 = vector.shape_cast %slice3A_24 : vector<512x64xf32> to vector<1x512x64xf32>
    tpu.vector_store %arg6[%swap3A, %swap3A_25, %swap3A_26], %swap3A_29 {strides = array<i32>} : memref<2x512x64xf32, #tpu.memory_space<vmem>>, vector<1x512x64xf32>,
    %slice3A_30 = vector.extract_strided_slice %mul3A_23 {offsets = [0, 64], sizes = [512, 64], strides = [1, 1]} : vector<512x128xf32> to vector<512x64xf32>
    %swap3A_31 = arith.constant 1 : index
    %swap3A_32 = arith.constant 0 : index
    %swap3A_33 = arith.constant 0 : index
    %swap3A_34 = vector.load %arg6[%swap3A_31, %swap3A_32, %swap3A_33] : memref<2x512x64xf32, #tpu.memory_space<vmem>>, vector<1x512x64xf32>
    %swap3A_35 = vector.shape_cast %swap3A_34 : vector<1x512x64xf32> to vector<512x64xf32>
    %swap3A_36 = vector.shape_cast %slice3A_30 : vector<512x64xf32> to vector<1x512x64xf32>
    tpu.vector_store %arg6[%swap3A_31, %swap3A_32, %swap3A_33], %swap3A_36 {strides = array<i32>} : memref<2x512x64xf32, #tpu.memory_space<vmem>>, vector<1x512x64xf32>,
    return
  }
  func.func @transform_0(%arg0: i32) -> (i32, i32, i32) {
    %c0_i32 = arith.constant 0 : i32
    %c0_i32_0 = arith.constant 0 : i32
    %c0_i32_1 = arith.constant 0 : i32
    return %c0_i32, %arg0, %c0_i32_0 : i32, i32, i32
  }
  func.func @transform_1(%arg0: i32) -> (i32, i32) {
    %c0_i32 = arith.constant 0 : i32
    %c0_i32_0 = arith.constant 0 : i32
    return %arg0, %c0_i32 : i32, i32
  }
  func.func @transform_2(%arg0: i32) -> (i32, i32) {
    %c0_i32 = arith.constant 0 : i32
    %c0_i32_0 = arith.constant 0 : i32
    %c0_i32_1 = arith.constant 0 : i32
    return %c0_i32, %c0_i32_0 : i32, i32
  }
  func.func @transform_3(%arg0: i32) -> (i32, i32) {
    %c0_i32 = arith.constant 0 : i32
    %c0_i32_0 = arith.constant 0 : i32
    %c0_i32_1 = arith.constant 0 : i32
    return %c0_i32, %c0_i32_0 : i32, i32
  }
  func.func @transform_4(%arg0: i32) -> (i32, i32) {
    %c0_i32 = arith.constant 0 : i32
    %c0_i32_0 = arith.constant 0 : i32
    return %arg0, %c0_i32 : i32, i32
  }
  func.func @transform_5(%arg0: i32) -> (i32, i32, i32) {
    %c0_i32 = arith.constant 0 : i32
    %c0_i32_0 = arith.constant 0 : i32
    %c0_i32_1 = arith.constant 0 : i32
    return %c0_i32, %arg0, %c0_i32_0 : i32, i32, i32
  }
}

module attributes {stable_mosaic.version = 14 : i64} {
  func.func @_dense_body(%arg0: i32, %arg1: memref<2x512x64xf32, #tpu.memory_space<vmem>>, %arg2: memref<512x1xf32, #tpu.memory_space<vmem>>, %arg3: memref<128x128xf32, #tpu.memory_space<vmem>>, %arg4: memref<1x128xf32, #tpu.memory_space<vmem>>, %arg5: memref<512x128xf32, #tpu.memory_space<vmem>>) attributes {dimension_semantics = [#tpu.dimension_semantics<arbitrary>], iteration_bounds = array<i64: 20>, scalar_prefetch = 0 : i64, scratch_operands = 0 : i64, tpu.core_type = #tpu.core_type<tc>, window_params = [{transform_indices = @transform_0, window_bounds = array<i64: 2, 512, 64>}, {transform_indices = @transform_1, window_bounds = array<i64: 512, 1>}, {pipeline_mode = #tpu.pipeline_mode<synchronous>, transform_indices = @transform_2, window_bounds = array<i64: 128, 128>}, {pipeline_mode = #tpu.pipeline_mode<synchronous>, transform_indices = @transform_3, window_bounds = array<i64: 1, 128>}, {transform_indices = @transform_4, window_bounds = array<i64: 512, 128>}]} {
    %get3A = arith.constant 0 : index
    %get3A_0 = arith.constant 0 : index
    %get3A_1 = arith.constant 0 : index
    %get3A_2 = vector.load %arg1[%get3A, %get3A_0, %get3A_1] : memref<2x512x64xf32, #tpu.memory_space<vmem>>, vector<2x512x64xf32>
    %slice3A = vector.extract_strided_slice %get3A_2 {offsets = [0, 0, 0], sizes = [1, 512, 64], strides = [1, 1, 1]} : vector<2x512x64xf32> to vector<1x512x64xf32>
    %squeeze3A = vector.shape_cast %slice3A : vector<1x512x64xf32> to vector<512x64xf32>
    %slice3A_3 = vector.extract_strided_slice %get3A_2 {offsets = [1, 0, 0], sizes = [1, 512, 64], strides = [1, 1, 1]} : vector<2x512x64xf32> to vector<1x512x64xf32>
    %squeeze3A_4 = vector.shape_cast %slice3A_3 : vector<1x512x64xf32> to vector<512x64xf32>
    %concatenate3A = tpu.concatenate %squeeze3A, %squeeze3A_4 in 1 : vector<512x64xf32>, vector<512x64xf32> -> vector<512x128xf32>
    %get3A_5 = arith.constant 0 : index
    %get3A_6 = arith.constant 0 : index
    %get3A_7 = vector.load %arg2[%get3A_5, %get3A_6] : memref<512x1xf32, #tpu.memory_space<vmem>>, vector<512x1xf32>
    %mul3A = vector.broadcast %get3A_7 : vector<512x1xf32> to vector<512x128xf32>
    %mul3A_8 = arith.mulf %concatenate3A, %mul3A : vector<512x128xf32>
    %get3A_9 = arith.constant 0 : index
    %get3A_10 = arith.constant 0 : index
    %get3A_11 = vector.load %arg3[%get3A_9, %get3A_10] : memref<128x128xf32, #tpu.memory_space<vmem>>, vector<128x128xf32>
    %dot_general3A = arith.constant dense<0.000000e+00> : vector<512x128xf32>
    %dot_general3A_12 = tpu.matmul %mul3A_8, %get3A_11, %dot_general3A {dimension_numbers = #tpu.dot_dimension_numbers<[1], [0], [0], [1], [0, 0, 1, 1], [], []>, transpose_lhs_hint = false} : vector<512x128xf32>, vector<128x128xf32>, vector<512x128xf32> -> vector<512x128xf32>
    %get3A_13 = arith.constant 0 : index
    %get3A_14 = arith.constant 0 : index
    %get3A_15 = vector.load %arg4[%get3A_13, %get3A_14] : memref<1x128xf32, #tpu.memory_space<vmem>>, vector<1x128xf32>
    %add3A = vector.broadcast %get3A_15 : vector<1x128xf32> to vector<512x128xf32>
    %add3A_16 = arith.addf %dot_general3A_12, %add3A : vector<512x128xf32>
    %swap3A = arith.constant 0 : index
    %swap3A_17 = arith.constant 0 : index
    %swap3A_18 = vector.load %arg5[%swap3A, %swap3A_17] : memref<512x128xf32, #tpu.memory_space<vmem>>, vector<512x128xf32>
    tpu.vector_store %arg5[%swap3A, %swap3A_17], %add3A_16 {strides = array<i32>} : memref<512x128xf32, #tpu.memory_space<vmem>>, vector<512x128xf32>,
    return
  }
  func.func @transform_0(%arg0: i32) -> (i32, i32, i32) {
    %c0_i32 = arith.constant 0 : i32
    %c0_i32_0 = arith.constant 0 : i32
    %c0_i32_1 = arith.constant 0 : i32
    return %c0_i32, %arg0, %c0_i32_0 : i32, i32, i32
  }
  func.func @transform_1(%arg0: i32) -> (i32, i32) {
    %c0_i32 = arith.constant 0 : i32
    %c0_i32_0 = arith.constant 0 : i32
    return %arg0, %c0_i32 : i32, i32
  }
  func.func @transform_2(%arg0: i32) -> (i32, i32) {
    %c0_i32 = arith.constant 0 : i32
    %c0_i32_0 = arith.constant 0 : i32
    %c0_i32_1 = arith.constant 0 : i32
    return %c0_i32, %c0_i32_0 : i32, i32
  }
  func.func @transform_3(%arg0: i32) -> (i32, i32) {
    %c0_i32 = arith.constant 0 : i32
    %c0_i32_0 = arith.constant 0 : i32
    %c0_i32_1 = arith.constant 0 : i32
    return %c0_i32, %c0_i32_0 : i32, i32
  }
  func.func @transform_4(%arg0: i32) -> (i32, i32) {
    %c0_i32 = arith.constant 0 : i32
    %c0_i32_0 = arith.constant 0 : i32
    return %arg0, %c0_i32 : i32, i32
  }
}

</mosaic_0001>

<sc_bundles>
// kernel: kernel.11.cloned.1.call-start
scs
__scs_entry_jumppad:
0x0: {  	(pc) =	sbr.rel $0x88, $3  }
0x1: {  	(tag) =	ssettag $0x0;
	lr =	simm.s32 $0x1  }
0x2: {  	[smem:$0x3F9B] =	sst lr;
	_ =	strace $0xD0000000  }
0x3: {  	_ = 	snop  }
0x4: {  	_ = 	snop  }
0x5: {  	_ = 	snop  }
0x6: {  	_ = 	snop  }
0x7: {  	_ = 	snop  }
__scs_overlays_trampoline_lowered:
0x8: {  	[smem:$0x3FAA] =	sst s0  }
0x9: {  	[smem:$0x3FAB] =	sst s1  }
0xa: {  	[smem:$0x3FAC] =	sst s2  }
0xb: {  	[smem:$0x3FAD] =	sst s3  }
0xc: {  	[smem:$0x3FAE] =	sst s4  }
0xd: {  	[smem:$0x3FAF] =	sst s5  }
0xe: {  	[smem:$0x3FB0] =	sst s6  }
0xf: {  	[smem:$0x3FB1] =	sst s7  }
0x10: {  	[smem:$0x3FB2] =	sst s8  }
0x11: {  	[smem:$0x3FB3] =	sst s9;
	s0 =	simm.s32 @!p0 $0x0  }
0x12: {  	s1 =	sld [smem:$0x3F99];
	s0 =	simm.s32 @p0 $0x1  }
0x13: {  	[smem:$0x3FB4] =	sst s0;
	s0 =	simm.s32 @!p1 $0x0  }
0x14: {  	s2 =	sld [smem:$0x3F98];
	s0 =	simm.s32 @p1 $0x1  }
0x15: {  	[smem:$0x3FB5] =	sst s0;
	s0 =	simm.s32 @!p2 $0x0  }
0x16: {  	s3 =	sld [smem:$0x3FDB];
	s0 =	simm.s32 @p2 $0x1  }
0x17: {  	s4 =	simm.s32 $0x1BF5;
	[smem:$0x3FB7] =	sst s0  }
0x18: {  	s0 =	sld [smem:$0x3F9A];
	_ =	swait.ge [sflag:s4], $0x0  }
0x19: {  	s7 =	sld [smem:$0x3F9B]  }
0x1a: {  	s8 =	sadd.s32 $0xFFFFE003, lr  }
0x1b: {  	s9 =	sadd.s32 $0xFFFFFEF7, lr;
	s5 =	simm.s32 $0xFFFFFFFF;
	p2 =	slt.u32 s8, $0xFFFFF086  }
0x1c: {  	p1 =	slt.u32 s9, $0xF7A;
	s5 =	simm.s32 @!p2 $0x0  }
0x1d: {  	s5 =	simm.s32 @p1 $0x1;
	p0 =	seq.s32 s7, s2  }
0x1e: {  	s7 =	smul.u32 @!p0 $0xF7A, s2;
	p2 =	seq.s32 @!p0 s5, $0x0  }
0x1f: {  	s9 =	smul.u32 $0xF7A, s1;
	s8 =	simm.s32 @!p0 $0x1BF5;
	p2 =	por !p2, p0  }
0x20: {  	[sflag:s8] =	ssyncset.s32 @!p0 $0xFFFFF086;
	s6 =	sadd.s32 @!p0 s3, s7;
	s7 =	simm.s32 @!p0 $0x108  }
0x21: {  	s3 =	sadd.s32 s3, s9;
	s6 =	sadd.s32 @!p0 $0x88, s6;
	s7 =	simm.s32 @p2 $0x1082  }
0x22: {  	[simem:s7], [sflag:s8] =	dma.local @!p0 [hbm:s6], $0xF7A  }
0x23: {  	s9 =	sor.u32 $0xD0000000, s2;
	s6 =	simm.s32 $0x108;
	_ =	swait.ge @!p0 [sflag:s8], $0x0  }
0x24: {  	s3 =	sadd.s32 $0x88, s3;
	s6 =	simm.s32 @!p1 $0x1082;
	[sflag:s4] =	ssyncset.s32 $0xFFFFF086  }
0x25: {  	[simem:s6], [sflag:s4] =	dma.local [hbm:s3], $0xF7A  }
0x26: {  	[smem:$0x3F9B] =	sst s1;
	(tag) =	ssettag s2;
	_ =	strace s9  }
0x27: {  	s1 =	sld [smem:$0x3FAB]  }
0x28: {  	s2 =	sld [smem:$0x3FAC]  }
0x29: {  	s4 =	sld [smem:$0x3FAE]  }
0x2a: {  	p0 =	seq.s32 s5, $0x0;
	s5 =	sld [smem:$0x3FAF]  }
0x2b: {  	s6 =	sld [smem:$0x3FB0]  }
0x2c: {  	s7 =	sld [smem:$0x3FB1]  }
0x2d: {  	s3 =	simm.s32 $0x108;
	s8 =	sld [smem:$0x3FB2]  }
0x2e: {  	s3 =	simm.s32 @!p0 $0x1082;
	s9 =	sld [smem:$0x3FB3]  }
0x2f: {  	lr =	sadd.s32 s0, s3;
	s0 =	sld [smem:$0x3FAA]  }
0x30: {  	s3 =	sld [smem:$0x3FAD]  }
0x31: {  	[smem:$0x3FB6] =	sst s10  }
0x32: {  	s10 =	sld [smem:$0x3FB4];
	_ =	sdelay $0x3  }
0x33: {  	p0 =	seq.s32 s10, $0x1;
	s10 =	sld [smem:$0x3FB6];
	_ =	sdelay $0x3  }
0x34: {  	[smem:$0x3FB6] =	sst s10  }
0x35: {  	s10 =	sld [smem:$0x3FB5];
	_ =	sdelay $0x3  }
0x36: {  	p1 =	seq.s32 s10, $0x1;
	s10 =	sld [smem:$0x3FB6];
	_ =	sdelay $0x3  }
0x37: {  	[smem:$0x3FB6] =	sst s10  }
0x38: {  	s10 =	sld [smem:$0x3FB7]  }
0x39: {  	_ = 	snop;
	(pc) =	sbr.ind lr, $3  }
0x3a: {  	_ = 	snop  }
0x3b: {  	_ = 	snop  }
0x3c: {  	p2 =	seq.s32 s10, $0x1;
	s10 =	sld [smem:$0x3FB6]  }
0x3d: {  	_ =	shalt  }
0x3e: {  	_ =	shalt  }
0x3f: {  	_ =	shalt  }
0x40: {  	_ =	shalt  }
0x41: {  	_ =	shalt  }
0x42: {  	_ =	shalt  }
0x43: {  	_ =	shalt  }
0x44: {  	_ =	shalt  }
0x45: {  	_ =	shalt  }
0x46: {  	_ =	shalt  }
0x47: {  	_ =	shalt  }
0x48: {  	_ =	shalt  }
0x49: {  	_ =	shalt  }
0x4a: {  	_ =	shalt  }
0x4b: {  	_ =	shalt  }
0x4c: {  	_ =	shalt  }
0x4d: {  	_ =	shalt  }
0x4e: {  	_ =	shalt  }
0x4f: {  	_ =	shalt  }
0x50: {  	_ =	shalt  }
0x51: {  	_ =	shalt  }
0x52: {  	_ =	shalt  }
0x53: {  	_ =	shalt  }
0x54: {  	_ =	shalt  }
0x55: {  	_ =	shalt  }
0x56: {  	_ =	shalt  }
0x57: {  	_ =	shalt  }
0x58: {  	_ =	shalt  }
0x59: {  	_ =	shalt  }
0x5a: {  	_ =	shalt  }
0x5b: {  	_ =	shalt  }
0x5c: {  	_ =	shalt  }
0x5d: {  	_ =	shalt  }
0x5e: {  	_ =	shalt  }
0x5f: {  	_ =	shalt  }
0x60: {  	_ =	shalt  }
0x61: {  	_ =	shalt  }
0x62: {  	_ =	shalt  }
0x63: {  	_ =	shalt  }
0x64: {  	_ =	shalt  }
0x65: {  	_ =	shalt  }
0x66: {  	_ =	shalt  }
0x67: {  	_ =	shalt  }
0x68: {  	_ =	shalt  }
0x69: {  	_ =	shalt  }
0x6a: {  	_ =	shalt  }
0x6b: {  	_ =	shalt  }
0x6c: {  	_ =	shalt  }
0x6d: {  	_ =	shalt  }
0x6e: {  	_ =	shalt  }
0x6f: {  	_ =	shalt  }
0x70: {  	_ =	shalt  }
0x71: {  	_ =	shalt  }
0x72: {  	_ =	shalt  }
0x73: {  	_ =	shalt  }
0x74: {  	_ =	shalt  }
0x75: {  	_ =	shalt  }
0x76: {  	_ =	shalt  }
0x77: {  	_ =	shalt  }
0x78: {  	_ =	shalt  }
0x79: {  	_ =	shalt  }
0x7a: {  	_ =	shalt  }
0x7b: {  	_ =	shalt  }
0x7c: {  	_ =	shalt  }
0x7d: {  	_ =	shalt  }
0x7e: {  	_ =	shalt  }
0x7f: {  	_ =	shalt  }
0x80: {  	_ =	shalt  }
0x81: {  	_ =	shalt  }
0x82: {  	_ =	shalt  }
0x83: {  	_ =	shalt  }
0x84: {  	_ =	shalt  }
0x85: {  	_ =	shalt  }
0x86: {  	_ =	shalt  }
0x87: {  	_ =	shalt  }
.Lfunc_end0:
.L_simem_size_0:
called_computation.1_lowered:
.L_overlay_start_0:
0x88: {  	s2 =	sld [smem:$0x3FD9]  }
0x89: {  	s3 =	sld [smem:$0x3FFE];
	_ =	sdelay $0x1  }
0x8a: {  	s1 =	srdreg.scid  }
0x8b: {  	s0 =	sand.u32 $0x1, s1  }
0x8c: {  	s17 =	sshll.u32 s0, $0xA;
	s2 =	sadd.s32 s3, s2  }
0x8d: {  	s2 =	sadd.s32 s2, s17  }
0x8e: {  	[smem:$0x3FC2] =	sst s2  }
0x8f: {  	_ = 	snop  }
0x90: {  	s2 =	sld [smem:$0x3FD0];
	(tm) =	ssettm $0x1  }
0x91: {  	s18 =	sld [smem:$0x3FFB];
	_ =	sdelay $0x3  }
0x92: {  	_ =	strace s18  }
0x93: {  	s3 =	sld [smem:$0x3FFC];
	_ =	sdelay $0x3  }
0x94: {  	_ =	strace s3  }
0x95: {  	s3 =	sld [smem:$0x3FFD];
	_ =	sdelay $0x3  }
0x96: {  	_ =	strace s3  }
0x97: {  	_ =	strace $0x8FFFFFFF  }
0x98: {  	s19 =	sld [smem:$0x3FDB];
	_ =	sdelay $0x1  }
0x99: {  	s4 =	simm.s32 $_scs_section_size  }
0x9a: {  	s5 =	simm.s32 $_size__tile_overlayer_lowered;
	s6 =	simm.s32 $_tile_overlayer_lowered  }
0x9b: {  	s22 =	simm.s32 $0x1BFF;
	s21 =	sshll.u32 s6, $0x1;
	s3 =	sadd.s32 s4, s19  }
0x9c: {  	s7 =	simm.s32 $0x0;
	s20 =	sshll.u32 s5, $0x1;
	s5 =	sadd.s32 s21, s3  }
0x9d: {  	[timem:s7], [sflag:s22] =	dma.local [hbm:s5], s20  }
0x9e: {  	_ =	swait.ge [sflag:s22], s20  }
0x9f: {  	s4 =	ssub.s32 $0x0, s20;
	[sflag:s22] =	ssyncset.done $0x0  }
0xa0: {  	[sflag:s22] =	ssyncadd.s32 s4;
	_ =	sdelay $0x1  }
0xa1: {  	s23 =	simm.s32 $0x1B8B  }
0xa2: {  	_ =	swait.ge [sflag:s23], $0x1  }
0xa3: {  	[sflag:s23] =	ssyncset.done $0x0  }
0xa4: {  	s25 =	simm.s32 $0x1B8E;
	s24 =	sld [smem:$0x3FFE];
	[sflag:s23] =	ssyncadd.s32 $0xFFFFFFFF  }
0xa5: {  	s26 =	simm.s32 $execute0_lowered;
	[smem:$0x3FD2] =	sst s25  }
0xa6: {  	s5 =	sshll.u32 s26, $0x1;
	_ =	strace $0x80000049;
	[dreg:$0x1] =	wrdreg $0xFFFFFFFF  }
0xa7: {  	s28 =	simm.s32 $_size_execute0_lowered;
	s3 =	sadd.s32 s3, s5;
	[dreg:$0x0] =	wrdreg $0x0  }
0xa8: {  	s5 =	sshll.u32 s28, $0x1;
	[dreg:$0x2] =	wrdreg s3  }
0xa9: {  	[dreg:$0x3] =	wrdreg s5  }
0xaa: {  	[dreg:$0x4] =	wrdreg $0xC0  }
0xab: {  	_ =	task [dreg:s7], $0x5FFFF  }
0xac: {  	[dreg:$0x1] =	wrdreg $0xFFFFFFFF  }
0xad: {  	[dreg:$0x0] =	wrdreg $0x60  }
0xae: {  	[dreg:$0x2] =	wrdreg s24  }
0xaf: {  	[dreg:$0x3] =	wrdreg s2  }
0xb0: {  	[dreg:$0x4] =	wrdreg $0x160000  }
0xb1: {  	[dreg:$0x5] =	wrdreg $0x9  }
0xb2: {  	_ =	task.clear_ibuf [dreg:s7], $0x6FFFF;
	_ =	strace $0x90000049  }
0xb3: {  	s29 =	simm.s32 $0x9;
	_ =	strace $0x8000004B  }
0xb4: {  	_ =	swait.ge [sflag:s29], $0x1  }
0xb5: {  	[sflag:s29] =	ssyncadd.s32 $0xFFFFFFFF  }
0xb6: {  	_ =	strace $0x9000004B  }
0xb7: {  	_ =	sfence  }
0xb8: {  	s30 =	sld [smem:$0x0];
	_ =	sdelay $0x2  }
0xb9: {  	s31 =	sshll.u32 s1, $0xD;
	s1 =	sshrl.u32 s1, $0x2  }
0xba: {  	s3 =	sand.u32 $0x4000, s31;
	s1 =	sadd.s32 s1, s30  }
0xbb: {  	s0 =	sor.u32 s3, s0;
	s1 =	sshll.u32 s1, $0x11  }
0xbc: {  	s0 =	sor.u32 s1, s0  }
0xbd: {  	s0 =	sadd.s32 $0x8F2B, s0  }
0xbe: {  	[sflag:s0] =	ssyncadd.remote.s32 $0x1  }
0xbf: {  	_ =	sfence.sel $0xFFFF  }
0xc0: {  	[dreg:$0x0] =	wrdreg $0xFFFFFFFF;
	(pc) =	sbr.abs _section_cstart, $3  }
0xc1: {  	[dreg:$0x1] =	wrdreg $0xFFFFFFFF  }
0xc2: {  	_ =	task.clear_ibuf [dreg:s7], $0x2FFFF;
	_ =	strace $0x9FFFFFFF  }
0xc3: {  	(tm) =	ssettm $0x7FFFFFFF  }
tec
execute0_lowered:
.L_overlay_start_1:
0x0: {  	(tag) =	ssettag $0x1  }
0x1: {  	s0 =	rddreg [dreg:$0x0]  }
0x2: {  	s1 =	rddreg [dreg:$0x1]  }
0x3: {  	s2 =	rddreg [dreg:$0x2]  }
0x4: {  	s12 =	stileid.u32;
	s4 =	srdreg.scid;
	s3 =	simm.s32 $0x0  }
0x5: {  	s14 =	simm.s32 $0x80;
	s15 =	simm.s32 $0xA000;
	s16 =	simm.s32 $0xC000  }
0x6: {  	s18 =	simm.s32 $0xE000;
	s20 =	simm.s32 $0x10000;
	s21 =	simm.s32 $0x1  }
0x7: {  	s23 =	simm.s32 $0x12000;
	s28 =	simm.s32 $0x14000;
	s29 =	simm.s32 $0x3  }
0x8: {  	s30 =	simm.s32 $0x7;
	s31 =	simm.s32 $0x4;
	s17 =	simm.s32 $0x9  }
0x9: {  	s19 =	simm.s32 $0x6;
	s22 =	simm.s32 $0xA;
	s5 =	smul.u32 $0x5000, s12  }
0xa: {  	s6 =	sand.u32 $0x1, s4;
	s7 =	smul.u32 $0xA000, s12;
	[smem:$0x7FF] =	sst s3  }
0xb: {  	s4 =	sadd.s32 $0x16000, s0;
	s11 =	sadd.s32 $0x2000, s0;
	s25 =	sshll.u32 s12, $0x6  }
0xc: {  	s12 =	simm.s32 $0xD;
	s9 =	smul.u32 $0xA0000, s6;
	_ =	strace $0x8000004A  }
0xd: {  	s10 =	ssub.s32 $0x2, s6;
	s6 =	smul.u32 $0x50000, s6;
	s8 =	sshrl.u32 s5, $0x3  }
0xe: {  	[dreg:$0x4] =	wrdreg s11;
	s24 =	sshrl.u32 s10, $0x1;
	s8 =	sadd.s32 s8, s0  }
0xf: {  	s9 =	sadd.s32 s7, s9;
	s10 =	ssub.s32 s10, s24;
	s5 =	sadd.s32 s5, s6  }
0x10: {  	s7 =	sadd.s32 s7, s2;
	s6 =	sor.u32 $0x1C0D, s25;
	s24 =	simm.s32 $0x2  }
0x11: {  	s25 =	simm.s32 $0xB;
	s9 =	sshrl.u32 s9, $0x3;
	s5 =	sshrl.u32 s5, $0x3  }
0x12: {  	s26 =	sadd.s32 $0xC000, s8;
	s10 =	smax.u32 s10, $0x1;
	s11 =	sshrl.u32 s7, $0x3  }
0x13: {  	s0 =	sadd.s32 s9, s0;
	s1 =	sadd.s32 s1, s5;
	[dreg:$0x6] =	wrdreg s26  }
0x14: {  	s26 =	simm.s32 $0xC;
	s5 =	simm.s32 $0x0;
	[dreg:$0x5] =	wrdreg s1  }
0x15: {  	s9 =	sadd.s32 $0x3E000, s0;
	s0 =	simm.s32 $0x8;
	s1 =	simm.s32 $0x5  }
.LBB2_1:
0x16: {  	s7 =	rddreg [dreg:$0x4]  }
0x17: {  	[spmem:s11], [sflag:s6] =	dma.local [hbm:s7], $0x1400  }
0x18: {  	_ =	swait.ge [sflag:s12], $0x1400  }
0x19: {  	[sflag:s12] =	ssyncset.done $0x0  }
0x1a: {  	s8 =	rddreg [dreg:$0x5];
	[sflag:s12] =	ssyncadd.s32 $0xFFFFEC00  }
0x1b: {  	[tilespmem:s3], [sflag:$0xD] =	stream.linear.gather [hbm4b:s8+s3], $0x5000, $0x38;
	v63 =	vld [tilespmem:$0x0]  }
0x1c: {  	_ =	swait.ge [sflag:s12], $0x5000  }
0x1d: {  	[sflag:s12] =	ssyncset.done $0x0  }
0x1e: {  	s8 =	simm.s32 $0x5000;
	s13 =	rddreg [dreg:$0x6];
	[sflag:s12] =	ssyncadd.s32 $0xFFFFB000  }
0x1f: {  	[tilespmem:s8], [sflag:$0xD] =	stream.linear.gather [hbm4b:s13+s3], $0x5000, $0x38;
	v63 =	vld [tilespmem:$0x0]  }
0x20: {  	_ =	swait.ge [sflag:s12], $0x5000  }
0x21: {  	[sflag:s12] =	ssyncset.done $0x0  }
0x22: {  	[sflag:s12] =	ssyncadd.s32 $0xFFFFB000  }
0x23: {  	[bflag:$0x0] =	sbarrier.arrive $0xFFFF  }
0x24: {  	[tilespmem:s15], [sflag:$0x1] =	stream.indirect.gather [hbm4b:s4+s14], $0x40, s3, s14, $0xb8;
	v63 =	vld [tilespmem:$0x0]  }
0x25: {  	_ = 	snop  }
0x26: {  	[tilespmem:s16], [sflag:$0x2] =	stream.indirect.gather [hbm4b:s4+s14], $0x40, s14, s14, $0xb8;
	v63 =	vld [tilespmem:$0x0]  }
0x27: {  	s13 =	simm.s32 $0x100  }
0x28: {  	[tilespmem:s18], [sflag:$0x3] =	stream.indirect.gather [hbm4b:s4+s14], $0x40, s13, s14, $0xb8;
	v63 =	vld [tilespmem:$0x0]  }
0x29: {  	s13 =	simm.s32 $0x180  }
0x2a: {  	[tilespmem:s20], [sflag:$0x4] =	stream.indirect.gather [hbm4b:s4+s14], $0x40, s13, s14, $0xb8;
	v63 =	vld [tilespmem:$0x0]  }
0x2b: {  	_ =	swait.ge [sflag:s21], $0x2000  }
0x2c: {  	[sflag:s21] =	ssyncset.done $0x0  }
0x2d: {  	[sflag:s21] =	ssyncadd.s32 $0xFFFFE000  }
0x2e: {  	[spmem:s2] =	stream.indirect.scatter.add.f32 [tilespmem:s15], [sflag:$0x7], $0x40, s8, s14, $0xb8;
	v63 =	vld [tilespmem:$0x0]  }
0x2f: {  	s8 =	simm.s32 $0x200  }
0x30: {  	[tilespmem:s23], [sflag:$0x5] =	stream.indirect.gather [hbm4b:s4+s14], $0x40, s8, s14, $0xb8;
	v63 =	vld [tilespmem:$0x0]  }
0x31: {  	_ =	swait.ge [sflag:s24], $0x2000  }
0x32: {  	[sflag:s24] =	ssyncset.done $0x0  }
0x33: {  	s13 =	simm.s32 $0x5080;
	[sflag:s24] =	ssyncadd.s32 $0xFFFFE000  }
0x34: {  	[spmem:s2] =	stream.indirect.scatter.add.f32 [tilespmem:s16], [sflag:$0x8], $0x40, s13, s14, $0xb8;
	v63 =	vld [tilespmem:$0x0]  }
0x35: {  	s8 =	simm.s32 $0x280  }
0x36: {  	[tilespmem:s28], [sflag:$0x6] =	stream.indirect.gather [hbm4b:s4+s14], $0x40, s8, s14, $0xb8;
	v63 =	vld [tilespmem:$0x0]  }
0x37: {  	_ =	swait.ge [sflag:s29], $0x2000  }
0x38: {  	[sflag:s29] =	ssyncset.done $0x0  }
0x39: {  	s13 =	simm.s32 $0x5100;
	[sflag:s29] =	ssyncadd.s32 $0xFFFFE000  }
0x3a: {  	[spmem:s2] =	stream.indirect.scatter.add.f32 [tilespmem:s18], [sflag:$0x9], $0x40, s13, s14, $0xb8;
	v63 =	vld [tilespmem:$0x0]  }
0x3b: {  	_ =	swait.ge [sflag:s30], $0x2000  }
0x3c: {  	[sflag:s30] =	ssyncset.done $0x0  }
0x3d: {  	s8 =	simm.s32 $0x300;
	[sflag:s30] =	ssyncadd.s32 $0xFFFFE000  }
0x3e: {  	[tilespmem:s15], [sflag:$0x1] =	stream.indirect.gather [hbm4b:s4+s14], $0x40, s8, s14, $0xb8;
	v63 =	vld [tilespmem:$0x0]  }
0x3f: {  	_ =	swait.ge [sflag:s31], $0x2000  }
0x40: {  	[sflag:s31] =	ssyncset.done $0x0  }
0x41: {  	s13 =	simm.s32 $0x5180;
	[sflag:s31] =	ssyncadd.s32 $0xFFFFE000  }
0x42: {  	[spmem:s2] =	stream.indirect.scatter.add.f32 [tilespmem:s20], [sflag:$0xA], $0x40, s13, s14, $0xb8;
	v63 =	vld [tilespmem:$0x0]  }
0x43: {  	_ =	swait.ge [sflag:s0], $0x2000  }
0x44: {  	[sflag:s0] =	ssyncset.done $0x0  }
0x45: {  	s8 =	simm.s32 $0x380;
	[sflag:s0] =	ssyncadd.s32 $0xFFFFE000  }
0x46: {  	[tilespmem:s16], [sflag:$0x2] =	stream.indirect.gather [hbm4b:s4+s14], $0x40, s8, s14, $0xb8;
	v63 =	vld [tilespmem:$0x0]  }
0x47: {  	_ =	swait.ge [sflag:s1], $0x2000  }
0x48: {  	[sflag:s1] =	ssyncset.done $0x0  }
0x49: {  	s13 =	simm.s32 $0x5200;
	[sflag:s1] =	ssyncadd.s32 $0xFFFFE000  }
0x4a: {  	[spmem:s2] =	stream.indirect.scatter.add.f32 [tilespmem:s23], [sflag:$0xB], $0x40, s13, s14, $0xb8;
	v63 =	vld [tilespmem:$0x0]  }
0x4b: {  	_ =	swait.ge [sflag:s17], $0x2000  }
0x4c: {  	[sflag:s17] =	ssyncset.done $0x0  }
0x4d: {  	s8 =	simm.s32 $0x400;
	[sflag:s17] =	ssyncadd.s32 $0xFFFFE000  }
0x4e: {  	[tilespmem:s18], [sflag:$0x3] =	stream.indirect.gather [hbm4b:s4+s14], $0x40, s8, s14, $0xb8;
	v63 =	vld [tilespmem:$0x0]  }
0x4f: {  	_ =	swait.ge [sflag:s19], $0x2000  }
0x50: {  	[sflag:s19] =	ssyncset.done $0x0  }
0x51: {  	s13 =	simm.s32 $0x5280;
	[sflag:s19] =	ssyncadd.s32 $0xFFFFE000  }
0x52: {  	[spmem:s2] =	stream.indirect.scatter.add.f32 [tilespmem:s28], [sflag:$0xC], $0x40, s13, s14, $0xb8;
	v63 =	vld [tilespmem:$0x0]  }
0x53: {  	_ =	swait.ge [sflag:s22], $0x2000  }
0x54: {  	[sflag:s22] =	ssyncset.done $0x0  }
0x55: {  	s8 =	simm.s32 $0x480;
	[sflag:s22] =	ssyncadd.s32 $0xFFFFE000  }
0x56: {  	[tilespmem:s20], [sflag:$0x4] =	stream.indirect.gather [hbm4b:s4+s14], $0x40, s8, s14, $0xb8;
	v63 =	vld [tilespmem:$0x0]  }
0x57: {  	_ =	swait.ge [sflag:s21], $0x2000  }
0x58: {  	[sflag:s21] =	ssyncset.done $0x0  }
0x59: {  	s13 =	simm.s32 $0x5300;
	[sflag:s21] =	ssyncadd.s32 $0xFFFFE000  }
0x5a: {  	[spmem:s2] =	stream.indirect.scatter.add.f32 [tilespmem:s15], [sflag:$0x7], $0x40, s13, s14, $0xb8;
	v63 =	vld [tilespmem:$0x0]  }
0x5b: {  	_ =	swait.ge [sflag:s25], $0x2000  }
0x5c: {  	[sflag:s25] =	ssyncset.done $0x0  }
0x5d: {  	s8 =	simm.s32 $0x500;
	[sflag:s25] =	ssyncadd.s32 $0xFFFFE000  }
0x5e: {  	[tilespmem:s23], [sflag:$0x5] =	stream.indirect.gather [hbm4b:s4+s14], $0x40, s8, s14, $0xb8;
	v63 =	vld [tilespmem:$0x0]  }
0x5f: {  	_ =	swait.ge [sflag:s24], $0x2000  }
0x60: {  	[sflag:s24] =	ssyncset.done $0x0  }
0x61: {  	s13 =	simm.s32 $0x5380;
	[sflag:s24] =	ssyncadd.s32 $0xFFFFE000  }
0x62: {  	[spmem:s2] =	stream.indirect.scatter.add.f32 [tilespmem:s16], [sflag:$0x8], $0x40, s13, s14, $0xb8;
	v63 =	vld [tilespmem:$0x0]  }
0x63: {  	_ =	swait.ge [sflag:s26], $0x2000  }
0x64: {  	[sflag:s26] =	ssyncset.done $0x0  }
0x65: {  	s7 =	simm.s32 $0xC00;
	s13 =	simm.s32 $0x580;
	[sflag:s26] =	ssyncadd.s32 $0xFFFFE000  }
.LBB2_2:
0x66: {  	[tilespmem:s28], [sflag:$0x6] =	stream.indirect.gather [hbm4b:s4+s14], $0x40, s13, s14, $0xb8;
	v63 =	vld [tilespmem:$0x0]  }
0x67: {  	s13 =	smov.u32 s7  }
0x68: {  	p0 =	sne.s32 s7, $0x12000;
	s7 =	sadd.s32 $0xC00, s7;
	_ =	swait.ge [sflag:s29], $0x2000  }
0x69: {  	s13 =	sshra.s32 s13, $0x2;
	[sflag:s29] =	ssyncset.done $0x0  }
0x6a: {  	s8 =	sadd.s32 $0x5100, s13;
	[sflag:s29] =	ssyncadd.s32 $0xFFFFE000  }
0x6b: {  	[spmem:s2] =	stream.indirect.scatter.add.f32 [tilespmem:s18], [sflag:$0x9], $0x40, s8, s14, $0xb8;
	v63 =	vld [tilespmem:$0x0]  }
0x6c: {  	_ =	swait.ge [sflag:s30], $0x2000  }
0x6d: {  	[sflag:s30] =	ssyncset.done $0x0  }
0x6e: {  	s8 =	sadd.s32 $0x300, s13;
	[sflag:s30] =	ssyncadd.s32 $0xFFFFE000  }
0x6f: {  	[tilespmem:s15], [sflag:$0x1] =	stream.indirect.gather [hbm4b:s4+s14], $0x40, s8, s14, $0xb8;
	v63 =	vld [tilespmem:$0x0]  }
0x70: {  	_ =	swait.ge [sflag:s31], $0x2000  }
0x71: {  	[sflag:s31] =	ssyncset.done $0x0  }
0x72: {  	s8 =	sadd.s32 $0x5180, s13;
	[sflag:s31] =	ssyncadd.s32 $0xFFFFE000  }
0x73: {  	[spmem:s2] =	stream.indirect.scatter.add.f32 [tilespmem:s20], [sflag:$0xA], $0x40, s8, s14, $0xb8;
	v63 =	vld [tilespmem:$0x0]  }
0x74: {  	_ =	swait.ge [sflag:s0], $0x2000  }
0x75: {  	[sflag:s0] =	ssyncset.done $0x0  }
0x76: {  	s8 =	sadd.s32 $0x380, s13;
	[sflag:s0] =	ssyncadd.s32 $0xFFFFE000  }
0x77: {  	[tilespmem:s16], [sflag:$0x2] =	stream.indirect.gather [hbm4b:s4+s14], $0x40, s8, s14, $0xb8;
	v63 =	vld [tilespmem:$0x0]  }
0x78: {  	_ =	swait.ge [sflag:s1], $0x2000  }
0x79: {  	[sflag:s1] =	ssyncset.done $0x0  }
0x7a: {  	s8 =	sadd.s32 $0x5200, s13;
	[sflag:s1] =	ssyncadd.s32 $0xFFFFE000  }
0x7b: {  	[spmem:s2] =	stream.indirect.scatter.add.f32 [tilespmem:s23], [sflag:$0xB], $0x40, s8, s14, $0xb8;
	v63 =	vld [tilespmem:$0x0]  }
0x7c: {  	_ =	swait.ge [sflag:s17], $0x2000  }
0x7d: {  	[sflag:s17] =	ssyncset.done $0x0  }
0x7e: {  	s8 =	sadd.s32 $0x400, s13;
	[sflag:s17] =	ssyncadd.s32 $0xFFFFE000  }
0x7f: {  	[tilespmem:s18], [sflag:$0x3] =	stream.indirect.gather [hbm4b:s4+s14], $0x40, s8, s14, $0xb8;
	v63 =	vld [tilespmem:$0x0]  }
0x80: {  	_ =	swait.ge [sflag:s19], $0x2000  }
0x81: {  	[sflag:s19] =	ssyncset.done $0x0  }
0x82: {  	s8 =	sadd.s32 $0x5280, s13;
	[sflag:s19] =	ssyncadd.s32 $0xFFFFE000  }
0x83: {  	[spmem:s2] =	stream.indirect.scatter.add.f32 [tilespmem:s28], [sflag:$0xC], $0x40, s8, s14, $0xb8;
	v63 =	vld [tilespmem:$0x0]  }
0x84: {  	_ =	swait.ge [sflag:s22], $0x2000  }
0x85: {  	[sflag:s22] =	ssyncset.done $0x0  }
0x86: {  	s8 =	sadd.s32 $0x480, s13;
	[sflag:s22] =	ssyncadd.s32 $0xFFFFE000  }
0x87: {  	[tilespmem:s20], [sflag:$0x4] =	stream.indirect.gather [hbm4b:s4+s14], $0x40, s8, s14, $0xb8;
	v63 =	vld [tilespmem:$0x0]  }
0x88: {  	_ =	swait.ge [sflag:s21], $0x2000  }
0x89: {  	[sflag:s21] =	ssyncset.done $0x0  }
0x8a: {  	s8 =	sadd.s32 $0x5300, s13;
	[sflag:s21] =	ssyncadd.s32 $0xFFFFE000  }
0x8b: {  	[spmem:s2] =	stream.indirect.scatter.add.f32 [tilespmem:s15], [sflag:$0x7], $0x40, s8, s14, $0xb8;
	v63 =	vld [tilespmem:$0x0]  }
0x8c: {  	_ =	swait.ge [sflag:s25], $0x2000  }
0x8d: {  	[sflag:s25] =	ssyncset.done $0x0  }
0x8e: {  	s8 =	sadd.s32 $0x500, s13;
	[sflag:s25] =	ssyncadd.s32 $0xFFFFE000  }
0x8f: {  	[tilespmem:s23], [sflag:$0x5] =	stream.indirect.gather [hbm4b:s4+s14], $0x40, s8, s14, $0xb8;
	v63 =	vld [tilespmem:$0x0]  }
0x90: {  	_ =	swait.ge [sflag:s24], $0x2000  }
0x91: {  	[sflag:s24] =	ssyncset.done $0x0  }
.Ltmp0:
0x92: {  	s8 =	sadd.s32 $0x5380, s13;
	[sflag:s24] =	ssyncadd.s32 $0xFFFFE000;
	(pc) =	sbr.rel @p0 .LBB2_2-.Ltmp0, $4  }
0x93: {  	[spmem:s2] =	stream.indirect.scatter.add.f32 [tilespmem:s16], [sflag:$0x8], $0x40, s8, s14, $0xb8;
	v63 =	vld [tilespmem:$0x0]  }
0x94: {  	_ =	swait.ge [sflag:s26], $0x2000  }
0x95: {  	[sflag:s26] =	ssyncset.done $0x0  }
0x96: {  	s13 =	sadd.s32 $0x580, s13;
	[sflag:s26] =	ssyncadd.s32 $0xFFFFE000  }
0x97: {  	[tilespmem:s28], [sflag:$0x6] =	stream.indirect.gather [hbm4b:s4+s14], $0x40, s13, s14, $0xb8;
	v63 =	vld [tilespmem:$0x0]  }
0x98: {  	_ =	swait.ge [sflag:s29], $0x2000  }
0x99: {  	[sflag:s29] =	ssyncset.done $0x0  }
0x9a: {  	s7 =	simm.s32 $0x9C00;
	[sflag:s29] =	ssyncadd.s32 $0xFFFFE000  }
0x9b: {  	[spmem:s2] =	stream.indirect.scatter.add.f32 [tilespmem:s18], [sflag:$0x9], $0x40, s7, s14, $0xb8;
	v63 =	vld [tilespmem:$0x0]  }
0x9c: {  	_ =	swait.ge [sflag:s30], $0x2000  }
0x9d: {  	[sflag:s30] =	ssyncset.done $0x0  }
0x9e: {  	s13 =	simm.s32 $0x4E00;
	[sflag:s30] =	ssyncadd.s32 $0xFFFFE000  }
0x9f: {  	[tilespmem:s15], [sflag:$0x1] =	stream.indirect.gather [hbm4b:s4+s14], $0x40, s13, s14, $0xb8;
	v63 =	vld [tilespmem:$0x0]  }
0xa0: {  	_ =	swait.ge [sflag:s31], $0x2000  }
0xa1: {  	[sflag:s31] =	ssyncset.done $0x0  }
0xa2: {  	s8 =	simm.s32 $0x9C80;
	[sflag:s31] =	ssyncadd.s32 $0xFFFFE000  }
0xa3: {  	[spmem:s2] =	stream.indirect.scatter.add.f32 [tilespmem:s20], [sflag:$0xA], $0x40, s8, s14, $0xb8;
	v63 =	vld [tilespmem:$0x0]  }
0xa4: {  	_ =	swait.ge [sflag:s0], $0x2000  }
0xa5: {  	[sflag:s0] =	ssyncset.done $0x0  }
0xa6: {  	s13 =	simm.s32 $0x4E80;
	[sflag:s0] =	ssyncadd.s32 $0xFFFFE000  }
0xa7: {  	[tilespmem:s16], [sflag:$0x2] =	stream.indirect.gather [hbm4b:s4+s14], $0x40, s13, s14, $0xb8;
	v63 =	vld [tilespmem:$0x0]  }
0xa8: {  	_ =	swait.ge [sflag:s1], $0x2000  }
0xa9: {  	[sflag:s1] =	ssyncset.done $0x0  }
0xaa: {  	s8 =	simm.s32 $0x9D00;
	[sflag:s1] =	ssyncadd.s32 $0xFFFFE000  }
0xab: {  	[spmem:s2] =	stream.indirect.scatter.add.f32 [tilespmem:s23], [sflag:$0xB], $0x40, s8, s14, $0xb8;
	v63 =	vld [tilespmem:$0x0]  }
0xac: {  	_ =	swait.ge [sflag:s17], $0x2000  }
0xad: {  	[sflag:s17] =	ssyncset.done $0x0  }
0xae: {  	s13 =	simm.s32 $0x4F00;
	[sflag:s17] =	ssyncadd.s32 $0xFFFFE000  }
0xaf: {  	[tilespmem:s18], [sflag:$0x3] =	stream.indirect.gather [hbm4b:s4+s14], $0x40, s13, s14, $0xb8;
	v63 =	vld [tilespmem:$0x0]  }
0xb0: {  	_ =	swait.ge [sflag:s19], $0x2000  }
0xb1: {  	[sflag:s19] =	ssyncset.done $0x0  }
0xb2: {  	s8 =	simm.s32 $0x9D80;
	[sflag:s19] =	ssyncadd.s32 $0xFFFFE000  }
0xb3: {  	[spmem:s2] =	stream.indirect.scatter.add.f32 [tilespmem:s28], [sflag:$0xC], $0x40, s8, s14, $0xb8;
	v63 =	vld [tilespmem:$0x0]  }
0xb4: {  	_ =	swait.ge [sflag:s22], $0x2000  }
0xb5: {  	[sflag:s22] =	ssyncset.done $0x0  }
0xb6: {  	s13 =	simm.s32 $0x4F80;
	[sflag:s22] =	ssyncadd.s32 $0xFFFFE000  }
0xb7: {  	[tilespmem:s20], [sflag:$0x4] =	stream.indirect.gather [hbm4b:s4+s14], $0x40, s13, s14, $0xb8;
	v63 =	vld [tilespmem:$0x0]  }
0xb8: {  	_ =	swait.ge [sflag:s21], $0x2000  }
0xb9: {  	[sflag:s21] =	ssyncset.done $0x0  }
0xba: {  	s8 =	simm.s32 $0x9E00;
	[sflag:s21] =	ssyncadd.s32 $0xFFFFE000  }
0xbb: {  	[spmem:s2] =	stream.indirect.scatter.add.f32 [tilespmem:s15], [sflag:$0x7], $0x40, s8, s14, $0xb8;
	v63 =	vld [tilespmem:$0x0]  }
0xbc: {  	_ =	swait.ge [sflag:s25], $0x2000  }
0xbd: {  	[sflag:s25] =	ssyncset.done $0x0  }
0xbe: {  	[sflag:s25] =	ssyncadd.s32 $0xFFFFE000  }
0xbf: {  	_ =	swait.ge [sflag:s24], $0x2000  }
0xc0: {  	[sflag:s24] =	ssyncset.done $0x0  }
0xc1: {  	s13 =	simm.s32 $0x9E80;
	[sflag:s24] =	ssyncadd.s32 $0xFFFFE000  }
0xc2: {  	[spmem:s2] =	stream.indirect.scatter.add.f32 [tilespmem:s16], [sflag:$0x8], $0x40, s13, s14, $0xb8;
	v63 =	vld [tilespmem:$0x0]  }
0xc3: {  	_ =	swait.ge [sflag:s26], $0x2000  }
0xc4: {  	[sflag:s26] =	ssyncset.done $0x0  }
0xc5: {  	[sflag:s26] =	ssyncadd.s32 $0xFFFFE000  }
0xc6: {  	_ =	swait.ge [sflag:s29], $0x2000  }
0xc7: {  	[sflag:s29] =	ssyncset.done $0x0  }
0xc8: {  	s8 =	simm.s32 $0x9F00;
	[sflag:s29] =	ssyncadd.s32 $0xFFFFE000  }
0xc9: {  	[spmem:s2] =	stream.indirect.scatter.add.f32 [tilespmem:s18], [sflag:$0x9], $0x40, s8, s14, $0xb8;
	v63 =	vld [tilespmem:$0x0]  }
0xca: {  	_ =	swait.ge [sflag:s30], $0x2000  }
0xcb: {  	[sflag:s30] =	ssyncset.done $0x0  }
0xcc: {  	[sflag:s30] =	ssyncadd.s32 $0xFFFFE000  }
0xcd: {  	_ =	swait.ge [sflag:s31], $0x2000  }
0xce: {  	[sflag:s31] =	ssyncset.done $0x0  }
0xcf: {  	s13 =	simm.s32 $0x9F80;
	[sflag:s31] =	ssyncadd.s32 $0xFFFFE000  }
0xd0: {  	[spmem:s2] =	stream.indirect.scatter.add.f32 [tilespmem:s20], [sflag:$0xA], $0x40, s13, s14, $0xb8;
	v63 =	vld [tilespmem:$0x0]  }
0xd1: {  	_ =	swait.ge [sflag:s0], $0x2000  }
0xd2: {  	[sflag:s0] =	ssyncset.done $0x0  }
0xd3: {  	[sflag:s0] =	ssyncadd.s32 $0xFFFFE000  }
0xd4: {  	_ =	swait.ge [sflag:s17], $0x2000  }
0xd5: {  	[sflag:s17] =	ssyncset.done $0x0  }
0xd6: {  	[sflag:s17] =	ssyncadd.s32 $0xFFFFE000  }
0xd7: {  	_ =	swait.ge [sflag:s22], $0x2000  }
0xd8: {  	s5 =	sadd.s32 $0x1, s5;
	[sflag:s22] =	ssyncset.done $0x0  }
0xd9: {  	p0 =	sne.s32 s5, s10;
	[sflag:s22] =	ssyncadd.s32 $0xFFFFE000  }
.Ltmp1:
0xda: {  	[bflag:$0x0] =	sbarrier.arrive $0xFFFF;
	(pc) =	sbr.rel @p0 .LBB2_1-.Ltmp1, $4  }
0xdb: {  	[hbm:s9], [sflag:s6] =	dma.local [spmem:s11], $0x1400  }
0xdc: {  	_ =	swait.ge [sflag:s12], $0x1400  }
0xdd: {  	[sflag:s12] =	ssyncset.done $0x0  }
0xde: {  	[sflag:s12] =	ssyncadd.s32 $0xFFFFEC00  }
0xdf: {  	_ =	sfence.sel $0x180000  }
0xe0: {  	[bflag:$0x0] =	sbarrier.arrive $0xFFFF  }
0xe1: {  	_ =	strace $0x9000004A  }
0xe2: {  	s0 =	stileid.u32;
	[bflag:$0x2] =	sbarrier.arrive $0xFFFF  }
0xe3: {  	p0 =	sne.s32 s0, $0x0;
	s0 =	rddreg [dreg:$0x3]  }
0xe4: {  	s0 =	sadd.s32 @!p0 $0x100000, s0  }
0xe5: {  	[sflag:s0] =	ssyncadd.tile.s32 @!p0 $0x1;
	_ =	shalt  }
.Lfunc_end2:
_tile_overlayer_lowered:
.L_overlay_start_2:
0xe6: {  	(tag) =	ssettag $0x2  }
0xe7: {  	s0 =	rddreg [dreg:$0x0];
	s2 =	stileid.u32  }
0xe8: {  	s1 =	rddreg [dreg:$0x1];
	p0 =	sne.s32 s2, $0x0  }
0xe9: {  	s3 =	rddreg [dreg:$0x2];
	[bflag:$0x3] =	sbarrier.arrive $0xFFFF;
	s2 =	simm.s32 @!p0 $0x1C0D  }
0xea: {  	[timem:s3], [sflag:s2] =	dma.local @!p0 [hbm:s0], s1  }
0xeb: {  	s0 =	simm.s32 @!p0 $0xD  }
0xec: {  	_ =	swait.ge @!p0 [sflag:s0], s1  }
0xed: {  	s1 =	ssub.s32 @!p0 $0x0, s1;
	[sflag:s0] =	ssyncset.done @!p0 $0x0  }
0xee: {  	[sflag:s0] =	ssyncadd.s32 @!p0 s1  }
0xef: {  	[bflag:$0x3] =	sbarrier.arrive $0xFFFF  }
0xf0: {  	_ =	shalt  }

// kernel: kernel.14.cloned.1.call-start
scs
__scs_entry_jumppad:
0x0: {  	(pc) =	sbr.rel $0x88, $3  }
0x1: {  	(tag) =	ssettag $0x0;
	lr =	simm.s32 $0x1  }
0x2: {  	[smem:$0x3F9B] =	sst lr;
	_ =	strace $0xD0000000  }
0x3: {  	_ = 	snop  }
0x4: {  	_ = 	snop  }
0x5: {  	_ = 	snop  }
0x6: {  	_ = 	snop  }
0x7: {  	_ = 	snop  }
__scs_overlays_trampoline_lowered:
0x8: {  	[smem:$0x3FAA] =	sst s0  }
0x9: {  	[smem:$0x3FAB] =	sst s1  }
0xa: {  	[smem:$0x3FAC] =	sst s2  }
0xb: {  	[smem:$0x3FAD] =	sst s3  }
0xc: {  	[smem:$0x3FAE] =	sst s4  }
0xd: {  	[smem:$0x3FAF] =	sst s5  }
0xe: {  	[smem:$0x3FB0] =	sst s6  }
0xf: {  	[smem:$0x3FB1] =	sst s7  }
0x10: {  	[smem:$0x3FB2] =	sst s8  }
0x11: {  	[smem:$0x3FB3] =	sst s9;
	s0 =	simm.s32 @!p0 $0x0  }
0x12: {  	s1 =	sld [smem:$0x3F99];
	s0 =	simm.s32 @p0 $0x1  }
0x13: {  	[smem:$0x3FB4] =	sst s0;
	s0 =	simm.s32 @!p1 $0x0  }
0x14: {  	s2 =	sld [smem:$0x3F98];
	s0 =	simm.s32 @p1 $0x1  }
0x15: {  	[smem:$0x3FB5] =	sst s0;
	s0 =	simm.s32 @!p2 $0x0  }
0x16: {  	s3 =	sld [smem:$0x3FDB];
	s0 =	simm.s32 @p2 $0x1  }
0x17: {  	s4 =	simm.s32 $0x1BF5;
	[smem:$0x3FB7] =	sst s0  }
0x18: {  	s0 =	sld [smem:$0x3F9A];
	_ =	swait.ge [sflag:s4], $0x0  }
0x19: {  	s7 =	sld [smem:$0x3F9B]  }
0x1a: {  	s8 =	sadd.s32 $0xFFFFE003, lr  }
0x1b: {  	s9 =	sadd.s32 $0xFFFFFEF7, lr;
	s5 =	simm.s32 $0xFFFFFFFF;
	p2 =	slt.u32 s8, $0xFFFFF086  }
0x1c: {  	p1 =	slt.u32 s9, $0xF7A;
	s5 =	simm.s32 @!p2 $0x0  }
0x1d: {  	s5 =	simm.s32 @p1 $0x1;
	p0 =	seq.s32 s7, s2  }
0x1e: {  	s7 =	smul.u32 @!p0 $0xF7A, s2;
	p2 =	seq.s32 @!p0 s5, $0x0  }
0x1f: {  	s9 =	smul.u32 $0xF7A, s1;
	s8 =	simm.s32 @!p0 $0x1BF5;
	p2 =	por !p2, p0  }
0x20: {  	[sflag:s8] =	ssyncset.s32 @!p0 $0xFFFFF086;
	s6 =	sadd.s32 @!p0 s3, s7;
	s7 =	simm.s32 @!p0 $0x108  }
0x21: {  	s3 =	sadd.s32 s3, s9;
	s6 =	sadd.s32 @!p0 $0x88, s6;
	s7 =	simm.s32 @p2 $0x1082  }
0x22: {  	[simem:s7], [sflag:s8] =	dma.local @!p0 [hbm:s6], $0xF7A  }
0x23: {  	s9 =	sor.u32 $0xD0000000, s2;
	s6 =	simm.s32 $0x108;
	_ =	swait.ge @!p0 [sflag:s8], $0x0  }
0x24: {  	s3 =	sadd.s32 $0x88, s3;
	s6 =	simm.s32 @!p1 $0x1082;
	[sflag:s4] =	ssyncset.s32 $0xFFFFF086  }
0x25: {  	[simem:s6], [sflag:s4] =	dma.local [hbm:s3], $0xF7A  }
0x26: {  	[smem:$0x3F9B] =	sst s1;
	(tag) =	ssettag s2;
	_ =	strace s9  }
0x27: {  	s1 =	sld [smem:$0x3FAB]  }
0x28: {  	s2 =	sld [smem:$0x3FAC]  }
0x29: {  	s4 =	sld [smem:$0x3FAE]  }
0x2a: {  	p0 =	seq.s32 s5, $0x0;
	s5 =	sld [smem:$0x3FAF]  }
0x2b: {  	s6 =	sld [smem:$0x3FB0]  }
0x2c: {  	s7 =	sld [smem:$0x3FB1]  }
0x2d: {  	s3 =	simm.s32 $0x108;
	s8 =	sld [smem:$0x3FB2]  }
0x2e: {  	s3 =	simm.s32 @!p0 $0x1082;
	s9 =	sld [smem:$0x3FB3]  }
0x2f: {  	lr =	sadd.s32 s0, s3;
	s0 =	sld [smem:$0x3FAA]  }
0x30: {  	s3 =	sld [smem:$0x3FAD]  }
0x31: {  	[smem:$0x3FB6] =	sst s10  }
0x32: {  	s10 =	sld [smem:$0x3FB4];
	_ =	sdelay $0x3  }
0x33: {  	p0 =	seq.s32 s10, $0x1;
	s10 =	sld [smem:$0x3FB6];
	_ =	sdelay $0x3  }
0x34: {  	[smem:$0x3FB6] =	sst s10  }
0x35: {  	s10 =	sld [smem:$0x3FB5];
	_ =	sdelay $0x3  }
0x36: {  	p1 =	seq.s32 s10, $0x1;
	s10 =	sld [smem:$0x3FB6];
	_ =	sdelay $0x3  }
0x37: {  	[smem:$0x3FB6] =	sst s10  }
0x38: {  	s10 =	sld [smem:$0x3FB7]  }
0x39: {  	_ = 	snop;
	(pc) =	sbr.ind lr, $3  }
0x3a: {  	_ = 	snop  }
0x3b: {  	_ = 	snop  }
0x3c: {  	p2 =	seq.s32 s10, $0x1;
	s10 =	sld [smem:$0x3FB6]  }
0x3d: {  	_ =	shalt  }
0x3e: {  	_ =	shalt  }
0x3f: {  	_ =	shalt  }
0x40: {  	_ =	shalt  }
0x41: {  	_ =	shalt  }
0x42: {  	_ =	shalt  }
0x43: {  	_ =	shalt  }
0x44: {  	_ =	shalt  }
0x45: {  	_ =	shalt  }
0x46: {  	_ =	shalt  }
0x47: {  	_ =	shalt  }
0x48: {  	_ =	shalt  }
0x49: {  	_ =	shalt  }
0x4a: {  	_ =	shalt  }
0x4b: {  	_ =	shalt  }
0x4c: {  	_ =	shalt  }
0x4d: {  	_ =	shalt  }
0x4e: {  	_ =	shalt  }
0x4f: {  	_ =	shalt  }
0x50: {  	_ =	shalt  }
0x51: {  	_ =	shalt  }
0x52: {  	_ =	shalt  }
0x53: {  	_ =	shalt  }
0x54: {  	_ =	shalt  }
0x55: {  	_ =	shalt  }
0x56: {  	_ =	shalt  }
0x57: {  	_ =	shalt  }
0x58: {  	_ =	shalt  }
0x59: {  	_ =	shalt  }
0x5a: {  	_ =	shalt  }
0x5b: {  	_ =	shalt  }
0x5c: {  	_ =	shalt  }
0x5d: {  	_ =	shalt  }
0x5e: {  	_ =	shalt  }
0x5f: {  	_ =	shalt  }
0x60: {  	_ =	shalt  }
0x61: {  	_ =	shalt  }
0x62: {  	_ =	shalt  }
0x63: {  	_ =	shalt  }
0x64: {  	_ =	shalt  }
0x65: {  	_ =	shalt  }
0x66: {  	_ =	shalt  }
0x67: {  	_ =	shalt  }
0x68: {  	_ =	shalt  }
0x69: {  	_ =	shalt  }
0x6a: {  	_ =	shalt  }
0x6b: {  	_ =	shalt  }
0x6c: {  	_ =	shalt  }
0x6d: {  	_ =	shalt  }
0x6e: {  	_ =	shalt  }
0x6f: {  	_ =	shalt  }
0x70: {  	_ =	shalt  }
0x71: {  	_ =	shalt  }
0x72: {  	_ =	shalt  }
0x73: {  	_ =	shalt  }
0x74: {  	_ =	shalt  }
0x75: {  	_ =	shalt  }
0x76: {  	_ =	shalt  }
0x77: {  	_ =	shalt  }
0x78: {  	_ =	shalt  }
0x79: {  	_ =	shalt  }
0x7a: {  	_ =	shalt  }
0x7b: {  	_ =	shalt  }
0x7c: {  	_ =	shalt  }
0x7d: {  	_ =	shalt  }
0x7e: {  	_ =	shalt  }
0x7f: {  	_ =	shalt  }
0x80: {  	_ =	shalt  }
0x81: {  	_ =	shalt  }
0x82: {  	_ =	shalt  }
0x83: {  	_ =	shalt  }
0x84: {  	_ =	shalt  }
0x85: {  	_ =	shalt  }
0x86: {  	_ =	shalt  }
0x87: {  	_ =	shalt  }
.Lfunc_end0:
.L_simem_size_0:
called_computation.2_lowered:
.L_overlay_start_0:
0x88: {  	s2 =	sld [smem:$0x3FD9]  }
0x89: {  	s3 =	sld [smem:$0x3FFE];
	_ =	sdelay $0x1  }
0x8a: {  	s1 =	srdreg.scid  }
0x8b: {  	s0 =	sand.u32 $0x1, s1  }
0x8c: {  	s17 =	sshll.u32 s0, $0xA;
	s2 =	sadd.s32 s3, s2  }
0x8d: {  	s2 =	sadd.s32 s2, s17  }
0x8e: {  	[smem:$0x3FC2] =	sst s2  }
0x8f: {  	_ = 	snop  }
0x90: {  	s2 =	sld [smem:$0x3FD0];
	(tm) =	ssettm $0x1  }
0x91: {  	s18 =	sld [smem:$0x3FFB];
	_ =	sdelay $0x3  }
0x92: {  	_ =	strace s18  }
0x93: {  	s3 =	sld [smem:$0x3FFC];
	_ =	sdelay $0x3  }
0x94: {  	_ =	strace s3  }
0x95: {  	s3 =	sld [smem:$0x3FFD];
	_ =	sdelay $0x3  }
0x96: {  	_ =	strace s3  }
0x97: {  	_ =	strace $0x8FFFFFFF  }
0x98: {  	s19 =	sld [smem:$0x3FDB];
	_ =	sdelay $0x1  }
0x99: {  	s4 =	simm.s32 $_scs_section_size  }
0x9a: {  	s5 =	simm.s32 $_size__tile_overlayer_lowered;
	s6 =	simm.s32 $_tile_overlayer_lowered  }
0x9b: {  	s22 =	simm.s32 $0x1BFF;
	s21 =	sshll.u32 s6, $0x1;
	s3 =	sadd.s32 s4, s19  }
0x9c: {  	s7 =	simm.s32 $0x0;
	s20 =	sshll.u32 s5, $0x1;
	s5 =	sadd.s32 s21, s3  }
0x9d: {  	[timem:s7], [sflag:s22] =	dma.local [hbm:s5], s20  }
0x9e: {  	_ =	swait.ge [sflag:s22], s20  }
0x9f: {  	s4 =	ssub.s32 $0x0, s20;
	[sflag:s22] =	ssyncset.done $0x0  }
0xa0: {  	[sflag:s22] =	ssyncadd.s32 s4;
	_ =	sdelay $0x1  }
0xa1: {  	s23 =	simm.s32 $0x1B8B  }
0xa2: {  	_ =	swait.ge [sflag:s23], $0x1  }
0xa3: {  	[sflag:s23] =	ssyncset.done $0x0  }
0xa4: {  	s25 =	simm.s32 $0x1B8E;
	s24 =	sld [smem:$0x3FFE];
	[sflag:s23] =	ssyncadd.s32 $0xFFFFFFFF  }
0xa5: {  	s26 =	simm.s32 $execute0_lowered;
	[smem:$0x3FD2] =	sst s25  }
0xa6: {  	s5 =	sshll.u32 s26, $0x1;
	_ =	strace $0x8000004C;
	[dreg:$0x1] =	wrdreg $0xFFFFFFFF  }
0xa7: {  	s28 =	simm.s32 $_size_execute0_lowered;
	s3 =	sadd.s32 s3, s5;
	[dreg:$0x0] =	wrdreg $0x0  }
0xa8: {  	s5 =	sshll.u32 s28, $0x1;
	[dreg:$0x2] =	wrdreg s3  }
0xa9: {  	[dreg:$0x3] =	wrdreg s5  }
0xaa: {  	[dreg:$0x4] =	wrdreg $0xC0  }
0xab: {  	_ =	task [dreg:s7], $0x5FFFF  }
0xac: {  	[dreg:$0x1] =	wrdreg $0xFFFFFFFF  }
0xad: {  	[dreg:$0x0] =	wrdreg $0x60  }
0xae: {  	[dreg:$0x2] =	wrdreg s24  }
0xaf: {  	[dreg:$0x3] =	wrdreg s2  }
0xb0: {  	[dreg:$0x4] =	wrdreg $0x160000  }
0xb1: {  	[dreg:$0x5] =	wrdreg $0x9  }
0xb2: {  	_ =	task.clear_ibuf [dreg:s7], $0x6FFFF;
	_ =	strace $0x9000004C  }
0xb3: {  	s29 =	simm.s32 $0x9;
	_ =	strace $0x8000004E  }
0xb4: {  	_ =	swait.ge [sflag:s29], $0x1  }
0xb5: {  	[sflag:s29] =	ssyncadd.s32 $0xFFFFFFFF  }
0xb6: {  	_ =	strace $0x9000004E  }
0xb7: {  	_ =	sfence  }
0xb8: {  	s30 =	sld [smem:$0x0];
	_ =	sdelay $0x2  }
0xb9: {  	s31 =	sshll.u32 s1, $0xD;
	s1 =	sshrl.u32 s1, $0x2  }
0xba: {  	s3 =	sand.u32 $0x4000, s31;
	s1 =	sadd.s32 s1, s30  }
0xbb: {  	s0 =	sor.u32 s3, s0;
	s1 =	sshll.u32 s1, $0x11  }
0xbc: {  	s0 =	sor.u32 s1, s0  }
0xbd: {  	s0 =	sadd.s32 $0x8F2B, s0  }
0xbe: {  	[sflag:s0] =	ssyncadd.remote.s32 $0x1  }
0xbf: {  	_ =	sfence.sel $0xFFFF  }
0xc0: {  	[dreg:$0x0] =	wrdreg $0xFFFFFFFF;
	(pc) =	sbr.abs _section_cstart, $3  }
0xc1: {  	[dreg:$0x1] =	wrdreg $0xFFFFFFFF  }
0xc2: {  	_ =	task.clear_ibuf [dreg:s7], $0x2FFFF;
	_ =	strace $0x9FFFFFFF  }
0xc3: {  	(tm) =	ssettm $0x7FFFFFFF  }
tec
execute0_lowered:
.L_overlay_start_1:
0x0: {  	(tag) =	ssettag $0x1  }
0x1: {  	s0 =	rddreg [dreg:$0x0]  }
0x2: {  	s1 =	rddreg [dreg:$0x1]  }
0x3: {  	s2 =	rddreg [dreg:$0x2]  }
0x4: {  	s12 =	stileid.u32;
	s4 =	srdreg.scid;
	s3 =	simm.s32 $0x0  }
0x5: {  	s14 =	simm.s32 $0x80;
	s15 =	simm.s32 $0xA000;
	s16 =	simm.s32 $0xC000  }
0x6: {  	s18 =	simm.s32 $0xE000;
	s20 =	simm.s32 $0x10000;
	s21 =	simm.s32 $0x1  }
0x7: {  	s23 =	simm.s32 $0x12000;
	s28 =	simm.s32 $0x14000;
	s29 =	simm.s32 $0x3  }
0x8: {  	s30 =	simm.s32 $0x7;
	s31 =	simm.s32 $0x4;
	s17 =	simm.s32 $0x9  }
0x9: {  	s19 =	simm.s32 $0x6;
	s22 =	simm.s32 $0xA;
	s5 =	smul.u32 $0x5000, s12  }
0xa: {  	s6 =	sand.u32 $0x1, s4;
	s7 =	smul.u32 $0xA000, s12;
	[smem:$0x7FF] =	sst s3  }
0xb: {  	s4 =	sadd.s32 $0x16000, s0;
	s11 =	sadd.s32 $0x2000, s0;
	s25 =	sshll.u32 s12, $0x6  }
0xc: {  	s12 =	simm.s32 $0xD;
	s9 =	smul.u32 $0xA0000, s6;
	_ =	strace $0x8000004D  }
0xd: {  	s10 =	ssub.s32 $0x2, s6;
	s6 =	smul.u32 $0x50000, s6;
	s8 =	sshrl.u32 s5, $0x3  }
0xe: {  	[dreg:$0x4] =	wrdreg s11;
	s24 =	sshrl.u32 s10, $0x1;
	s8 =	sadd.s32 s8, s0  }
0xf: {  	s9 =	sadd.s32 s7, s9;
	s10 =	ssub.s32 s10, s24;
	s5 =	sadd.s32 s5, s6  }
0x10: {  	s7 =	sadd.s32 s7, s2;
	s6 =	sor.u32 $0x1C0D, s25;
	s24 =	simm.s32 $0x2  }
0x11: {  	s25 =	simm.s32 $0xB;
	s9 =	sshrl.u32 s9, $0x3;
	s5 =	sshrl.u32 s5, $0x3  }
0x12: {  	s26 =	sadd.s32 $0xC000, s8;
	s10 =	smax.u32 s10, $0x1;
	s11 =	sshrl.u32 s7, $0x3  }
0x13: {  	s0 =	sadd.s32 s9, s0;
	s1 =	sadd.s32 s1, s5;
	[dreg:$0x6] =	wrdreg s26  }
0x14: {  	s26 =	simm.s32 $0xC;
	s5 =	simm.s32 $0x0;
	[dreg:$0x5] =	wrdreg s1  }
0x15: {  	s9 =	sadd.s32 $0x3E000, s0;
	s0 =	simm.s32 $0x8;
	s1 =	simm.s32 $0x5  }
.LBB2_1:
0x16: {  	s7 =	rddreg [dreg:$0x4]  }
0x17: {  	[spmem:s11], [sflag:s6] =	dma.local [hbm:s7], $0x1400  }
0x18: {  	_ =	swait.ge [sflag:s12], $0x1400  }
0x19: {  	[sflag:s12] =	ssyncset.done $0x0  }
0x1a: {  	s8 =	rddreg [dreg:$0x5];
	[sflag:s12] =	ssyncadd.s32 $0xFFFFEC00  }
0x1b: {  	[tilespmem:s3], [sflag:$0xD] =	stream.linear.gather [hbm4b:s8+s3], $0x5000, $0x38;
	v63 =	vld [tilespmem:$0x0]  }
0x1c: {  	_ =	swait.ge [sflag:s12], $0x5000  }
0x1d: {  	[sflag:s12] =	ssyncset.done $0x0  }
0x1e: {  	s8 =	simm.s32 $0x5000;
	s13 =	rddreg [dreg:$0x6];
	[sflag:s12] =	ssyncadd.s32 $0xFFFFB000  }
0x1f: {  	[tilespmem:s8], [sflag:$0xD] =	stream.linear.gather [hbm4b:s13+s3], $0x5000, $0x38;
	v63 =	vld [tilespmem:$0x0]  }
0x20: {  	_ =	swait.ge [sflag:s12], $0x5000  }
0x21: {  	[sflag:s12] =	ssyncset.done $0x0  }
0x22: {  	[sflag:s12] =	ssyncadd.s32 $0xFFFFB000  }
0x23: {  	[bflag:$0x0] =	sbarrier.arrive $0xFFFF  }
0x24: {  	[tilespmem:s15], [sflag:$0x1] =	stream.indirect.gather [hbm4b:s4+s14], $0x40, s3, s14, $0xb8;
	v63 =	vld [tilespmem:$0x0]  }
0x25: {  	_ = 	snop  }
0x26: {  	[tilespmem:s16], [sflag:$0x2] =	stream.indirect.gather [hbm4b:s4+s14], $0x40, s14, s14, $0xb8;
	v63 =	vld [tilespmem:$0x0]  }
0x27: {  	s13 =	simm.s32 $0x100  }
0x28: {  	[tilespmem:s18], [sflag:$0x3] =	stream.indirect.gather [hbm4b:s4+s14], $0x40, s13, s14, $0xb8;
	v63 =	vld [tilespmem:$0x0]  }
0x29: {  	s13 =	simm.s32 $0x180  }
0x2a: {  	[tilespmem:s20], [sflag:$0x4] =	stream.indirect.gather [hbm4b:s4+s14], $0x40, s13, s14, $0xb8;
	v63 =	vld [tilespmem:$0x0]  }
0x2b: {  	_ =	swait.ge [sflag:s21], $0x2000  }
0x2c: {  	[sflag:s21] =	ssyncset.done $0x0  }
0x2d: {  	[sflag:s21] =	ssyncadd.s32 $0xFFFFE000  }
0x2e: {  	[spmem:s2] =	stream.indirect.scatter.add.f32 [tilespmem:s15], [sflag:$0x7], $0x40, s8, s14, $0xb8;
	v63 =	vld [tilespmem:$0x0]  }
0x2f: {  	s8 =	simm.s32 $0x200  }
0x30: {  	[tilespmem:s23], [sflag:$0x5] =	stream.indirect.gather [hbm4b:s4+s14], $0x40, s8, s14, $0xb8;
	v63 =	vld [tilespmem:$0x0]  }
0x31: {  	_ =	swait.ge [sflag:s24], $0x2000  }
0x32: {  	[sflag:s24] =	ssyncset.done $0x0  }
0x33: {  	s13 =	simm.s32 $0x5080;
	[sflag:s24] =	ssyncadd.s32 $0xFFFFE000  }
0x34: {  	[spmem:s2] =	stream.indirect.scatter.add.f32 [tilespmem:s16], [sflag:$0x8], $0x40, s13, s14, $0xb8;
	v63 =	vld [tilespmem:$0x0]  }
0x35: {  	s8 =	simm.s32 $0x280  }
0x36: {  	[tilespmem:s28], [sflag:$0x6] =	stream.indirect.gather [hbm4b:s4+s14], $0x40, s8, s14, $0xb8;
	v63 =	vld [tilespmem:$0x0]  }
0x37: {  	_ =	swait.ge [sflag:s29], $0x2000  }
0x38: {  	[sflag:s29] =	ssyncset.done $0x0  }
0x39: {  	s13 =	simm.s32 $0x5100;
	[sflag:s29] =	ssyncadd.s32 $0xFFFFE000  }
0x3a: {  	[spmem:s2] =	stream.indirect.scatter.add.f32 [tilespmem:s18], [sflag:$0x9], $0x40, s13, s14, $0xb8;
	v63 =	vld [tilespmem:$0x0]  }
0x3b: {  	_ =	swait.ge [sflag:s30], $0x2000  }
0x3c: {  	[sflag:s30] =	ssyncset.done $0x0  }
0x3d: {  	s8 =	simm.s32 $0x300;
	[sflag:s30] =	ssyncadd.s32 $0xFFFFE000  }
0x3e: {  	[tilespmem:s15], [sflag:$0x1] =	stream.indirect.gather [hbm4b:s4+s14], $0x40, s8, s14, $0xb8;
	v63 =	vld [tilespmem:$0x0]  }
0x3f: {  	_ =	swait.ge [sflag:s31], $0x2000  }
0x40: {  	[sflag:s31] =	ssyncset.done $0x0  }
0x41: {  	s13 =	simm.s32 $0x5180;
	[sflag:s31] =	ssyncadd.s32 $0xFFFFE000  }
0x42: {  	[spmem:s2] =	stream.indirect.scatter.add.f32 [tilespmem:s20], [sflag:$0xA], $0x40, s13, s14, $0xb8;
	v63 =	vld [tilespmem:$0x0]  }
0x43: {  	_ =	swait.ge [sflag:s0], $0x2000  }
0x44: {  	[sflag:s0] =	ssyncset.done $0x0  }
0x45: {  	s8 =	simm.s32 $0x380;
	[sflag:s0] =	ssyncadd.s32 $0xFFFFE000  }
0x46: {  	[tilespmem:s16], [sflag:$0x2] =	stream.indirect.gather [hbm4b:s4+s14], $0x40, s8, s14, $0xb8;
	v63 =	vld [tilespmem:$0x0]  }
0x47: {  	_ =	swait.ge [sflag:s1], $0x2000  }
0x48: {  	[sflag:s1] =	ssyncset.done $0x0  }
0x49: {  	s13 =	simm.s32 $0x5200;
	[sflag:s1] =	ssyncadd.s32 $0xFFFFE000  }
0x4a: {  	[spmem:s2] =	stream.indirect.scatter.add.f32 [tilespmem:s23], [sflag:$0xB], $0x40, s13, s14, $0xb8;
	v63 =	vld [tilespmem:$0x0]  }
0x4b: {  	_ =	swait.ge [sflag:s17], $0x2000  }
0x4c: {  	[sflag:s17] =	ssyncset.done $0x0  }
0x4d: {  	s8 =	simm.s32 $0x400;
	[sflag:s17] =	ssyncadd.s32 $0xFFFFE000  }
0x4e: {  	[tilespmem:s18], [sflag:$0x3] =	stream.indirect.gather [hbm4b:s4+s14], $0x40, s8, s14, $0xb8;
	v63 =	vld [tilespmem:$0x0]  }
0x4f: {  	_ =	swait.ge [sflag:s19], $0x2000  }
0x50: {  	[sflag:s19] =	ssyncset.done $0x0  }
0x51: {  	s13 =	simm.s32 $0x5280;
	[sflag:s19] =	ssyncadd.s32 $0xFFFFE000  }
0x52: {  	[spmem:s2] =	stream.indirect.scatter.add.f32 [tilespmem:s28], [sflag:$0xC], $0x40, s13, s14, $0xb8;
	v63 =	vld [tilespmem:$0x0]  }
0x53: {  	_ =	swait.ge [sflag:s22], $0x2000  }
0x54: {  	[sflag:s22] =	ssyncset.done $0x0  }
0x55: {  	s8 =	simm.s32 $0x480;
	[sflag:s22] =	ssyncadd.s32 $0xFFFFE000  }
0x56: {  	[tilespmem:s20], [sflag:$0x4] =	stream.indirect.gather [hbm4b:s4+s14], $0x40, s8, s14, $0xb8;
	v63 =	vld [tilespmem:$0x0]  }
0x57: {  	_ =	swait.ge [sflag:s21], $0x2000  }
0x58: {  	[sflag:s21] =	ssyncset.done $0x0  }
0x59: {  	s13 =	simm.s32 $0x5300;
	[sflag:s21] =	ssyncadd.s32 $0xFFFFE000  }
0x5a: {  	[spmem:s2] =	stream.indirect.scatter.add.f32 [tilespmem:s15], [sflag:$0x7], $0x40, s13, s14, $0xb8;
	v63 =	vld [tilespmem:$0x0]  }
0x5b: {  	_ =	swait.ge [sflag:s25], $0x2000  }
0x5c: {  	[sflag:s25] =	ssyncset.done $0x0  }
0x5d: {  	s8 =	simm.s32 $0x500;
	[sflag:s25] =	ssyncadd.s32 $0xFFFFE000  }
0x5e: {  	[tilespmem:s23], [sflag:$0x5] =	stream.indirect.gather [hbm4b:s4+s14], $0x40, s8, s14, $0xb8;
	v63 =	vld [tilespmem:$0x0]  }
0x5f: {  	_ =	swait.ge [sflag:s24], $0x2000  }
0x60: {  	[sflag:s24] =	ssyncset.done $0x0  }
0x61: {  	s13 =	simm.s32 $0x5380;
	[sflag:s24] =	ssyncadd.s32 $0xFFFFE000  }
0x62: {  	[spmem:s2] =	stream.indirect.scatter.add.f32 [tilespmem:s16], [sflag:$0x8], $0x40, s13, s14, $0xb8;
	v63 =	vld [tilespmem:$0x0]  }
0x63: {  	_ =	swait.ge [sflag:s26], $0x2000  }
0x64: {  	[sflag:s26] =	ssyncset.done $0x0  }
0x65: {  	s7 =	simm.s32 $0xC00;
	s13 =	simm.s32 $0x580;
	[sflag:s26] =	ssyncadd.s32 $0xFFFFE000  }
.LBB2_2:
0x66: {  	[tilespmem:s28], [sflag:$0x6] =	stream.indirect.gather [hbm4b:s4+s14], $0x40, s13, s14, $0xb8;
	v63 =	vld [tilespmem:$0x0]  }
0x67: {  	s13 =	smov.u32 s7  }
0x68: {  	p0 =	sne.s32 s7, $0x12000;
	s7 =	sadd.s32 $0xC00, s7;
	_ =	swait.ge [sflag:s29], $0x2000  }
0x69: {  	s13 =	sshra.s32 s13, $0x2;
	[sflag:s29] =	ssyncset.done $0x0  }
0x6a: {  	s8 =	sadd.s32 $0x5100, s13;
	[sflag:s29] =	ssyncadd.s32 $0xFFFFE000  }
0x6b: {  	[spmem:s2] =	stream.indirect.scatter.add.f32 [tilespmem:s18], [sflag:$0x9], $0x40, s8, s14, $0xb8;
	v63 =	vld [tilespmem:$0x0]  }
0x6c: {  	_ =	swait.ge [sflag:s30], $0x2000  }
0x6d: {  	[sflag:s30] =	ssyncset.done $0x0  }
0x6e: {  	s8 =	sadd.s32 $0x300, s13;
	[sflag:s30] =	ssyncadd.s32 $0xFFFFE000  }
0x6f: {  	[tilespmem:s15], [sflag:$0x1] =	stream.indirect.gather [hbm4b:s4+s14], $0x40, s8, s14, $0xb8;
	v63 =	vld [tilespmem:$0x0]  }
0x70: {  	_ =	swait.ge [sflag:s31], $0x2000  }
0x71: {  	[sflag:s31] =	ssyncset.done $0x0  }
0x72: {  	s8 =	sadd.s32 $0x5180, s13;
	[sflag:s31] =	ssyncadd.s32 $0xFFFFE000  }
0x73: {  	[spmem:s2] =	stream.indirect.scatter.add.f32 [tilespmem:s20], [sflag:$0xA], $0x40, s8, s14, $0xb8;
	v63 =	vld [tilespmem:$0x0]  }
0x74: {  	_ =	swait.ge [sflag:s0], $0x2000  }
0x75: {  	[sflag:s0] =	ssyncset.done $0x0  }
0x76: {  	s8 =	sadd.s32 $0x380, s13;
	[sflag:s0] =	ssyncadd.s32 $0xFFFFE000  }
0x77: {  	[tilespmem:s16], [sflag:$0x2] =	stream.indirect.gather [hbm4b:s4+s14], $0x40, s8, s14, $0xb8;
	v63 =	vld [tilespmem:$0x0]  }
0x78: {  	_ =	swait.ge [sflag:s1], $0x2000  }
0x79: {  	[sflag:s1] =	ssyncset.done $0x0  }
0x7a: {  	s8 =	sadd.s32 $0x5200, s13;
	[sflag:s1] =	ssyncadd.s32 $0xFFFFE000  }
0x7b: {  	[spmem:s2] =	stream.indirect.scatter.add.f32 [tilespmem:s23], [sflag:$0xB], $0x40, s8, s14, $0xb8;
	v63 =	vld [tilespmem:$0x0]  }
0x7c: {  	_ =	swait.ge [sflag:s17], $0x2000  }
0x7d: {  	[sflag:s17] =	ssyncset.done $0x0  }
0x7e: {  	s8 =	sadd.s32 $0x400, s13;
	[sflag:s17] =	ssyncadd.s32 $0xFFFFE000  }
0x7f: {  	[tilespmem:s18], [sflag:$0x3] =	stream.indirect.gather [hbm4b:s4+s14], $0x40, s8, s14, $0xb8;
	v63 =	vld [tilespmem:$0x0]  }
0x80: {  	_ =	swait.ge [sflag:s19], $0x2000  }
0x81: {  	[sflag:s19] =	ssyncset.done $0x0  }
0x82: {  	s8 =	sadd.s32 $0x5280, s13;
	[sflag:s19] =	ssyncadd.s32 $0xFFFFE000  }
0x83: {  	[spmem:s2] =	stream.indirect.scatter.add.f32 [tilespmem:s28], [sflag:$0xC], $0x40, s8, s14, $0xb8;
	v63 =	vld [tilespmem:$0x0]  }
0x84: {  	_ =	swait.ge [sflag:s22], $0x2000  }
0x85: {  	[sflag:s22] =	ssyncset.done $0x0  }
0x86: {  	s8 =	sadd.s32 $0x480, s13;
	[sflag:s22] =	ssyncadd.s32 $0xFFFFE000  }
0x87: {  	[tilespmem:s20], [sflag:$0x4] =	stream.indirect.gather [hbm4b:s4+s14], $0x40, s8, s14, $0xb8;
	v63 =	vld [tilespmem:$0x0]  }
0x88: {  	_ =	swait.ge [sflag:s21], $0x2000  }
0x89: {  	[sflag:s21] =	ssyncset.done $0x0  }
0x8a: {  	s8 =	sadd.s32 $0x5300, s13;
	[sflag:s21] =	ssyncadd.s32 $0xFFFFE000  }
0x8b: {  	[spmem:s2] =	stream.indirect.scatter.add.f32 [tilespmem:s15], [sflag:$0x7], $0x40, s8, s14, $0xb8;
	v63 =	vld [tilespmem:$0x0]  }
0x8c: {  	_ =	swait.ge [sflag:s25], $0x2000  }
0x8d: {  	[sflag:s25] =	ssyncset.done $0x0  }
0x8e: {  	s8 =	sadd.s32 $0x500, s13;
	[sflag:s25] =	ssyncadd.s32 $0xFFFFE000  }
0x8f: {  	[tilespmem:s23], [sflag:$0x5] =	stream.indirect.gather [hbm4b:s4+s14], $0x40, s8, s14, $0xb8;
	v63 =	vld [tilespmem:$0x0]  }
0x90: {  	_ =	swait.ge [sflag:s24], $0x2000  }
0x91: {  	[sflag:s24] =	ssyncset.done $0x0  }
.Ltmp0:
0x92: {  	s8 =	sadd.s32 $0x5380, s13;
	[sflag:s24] =	ssyncadd.s32 $0xFFFFE000;
	(pc) =	sbr.rel @p0 .LBB2_2-.Ltmp0, $4  }
0x93: {  	[spmem:s2] =	stream.indirect.scatter.add.f32 [tilespmem:s16], [sflag:$0x8], $0x40, s8, s14, $0xb8;
	v63 =	vld [tilespmem:$0x0]  }
0x94: {  	_ =	swait.ge [sflag:s26], $0x2000  }
0x95: {  	[sflag:s26] =	ssyncset.done $0x0  }
0x96: {  	s13 =	sadd.s32 $0x580, s13;
	[sflag:s26] =	ssyncadd.s32 $0xFFFFE000  }
0x97: {  	[tilespmem:s28], [sflag:$0x6] =	stream.indirect.gather [hbm4b:s4+s14], $0x40, s13, s14, $0xb8;
	v63 =	vld [tilespmem:$0x0]  }
0x98: {  	_ =	swait.ge [sflag:s29], $0x2000  }
0x99: {  	[sflag:s29] =	ssyncset.done $0x0  }
0x9a: {  	s7 =	simm.s32 $0x9C00;
	[sflag:s29] =	ssyncadd.s32 $0xFFFFE000  }
0x9b: {  	[spmem:s2] =	stream.indirect.scatter.add.f32 [tilespmem:s18], [sflag:$0x9], $0x40, s7, s14, $0xb8;
	v63 =	vld [tilespmem:$0x0]  }
0x9c: {  	_ =	swait.ge [sflag:s30], $0x2000  }
0x9d: {  	[sflag:s30] =	ssyncset.done $0x0  }
0x9e: {  	s13 =	simm.s32 $0x4E00;
	[sflag:s30] =	ssyncadd.s32 $0xFFFFE000  }
0x9f: {  	[tilespmem:s15], [sflag:$0x1] =	stream.indirect.gather [hbm4b:s4+s14], $0x40, s13, s14, $0xb8;
	v63 =	vld [tilespmem:$0x0]  }
0xa0: {  	_ =	swait.ge [sflag:s31], $0x2000  }
0xa1: {  	[sflag:s31] =	ssyncset.done $0x0  }
0xa2: {  	s8 =	simm.s32 $0x9C80;
	[sflag:s31] =	ssyncadd.s32 $0xFFFFE000  }
0xa3: {  	[spmem:s2] =	stream.indirect.scatter.add.f32 [tilespmem:s20], [sflag:$0xA], $0x40, s8, s14, $0xb8;
	v63 =	vld [tilespmem:$0x0]  }
0xa4: {  	_ =	swait.ge [sflag:s0], $0x2000  }
0xa5: {  	[sflag:s0] =	ssyncset.done $0x0  }
0xa6: {  	s13 =	simm.s32 $0x4E80;
	[sflag:s0] =	ssyncadd.s32 $0xFFFFE000  }
0xa7: {  	[tilespmem:s16], [sflag:$0x2] =	stream.indirect.gather [hbm4b:s4+s14], $0x40, s13, s14, $0xb8;
	v63 =	vld [tilespmem:$0x0]  }
0xa8: {  	_ =	swait.ge [sflag:s1], $0x2000  }
0xa9: {  	[sflag:s1] =	ssyncset.done $0x0  }
0xaa: {  	s8 =	simm.s32 $0x9D00;
	[sflag:s1] =	ssyncadd.s32 $0xFFFFE000  }
0xab: {  	[spmem:s2] =	stream.indirect.scatter.add.f32 [tilespmem:s23], [sflag:$0xB], $0x40, s8, s14, $0xb8;
	v63 =	vld [tilespmem:$0x0]  }
0xac: {  	_ =	swait.ge [sflag:s17], $0x2000  }
0xad: {  	[sflag:s17] =	ssyncset.done $0x0  }
0xae: {  	s13 =	simm.s32 $0x4F00;
	[sflag:s17] =	ssyncadd.s32 $0xFFFFE000  }
0xaf: {  	[tilespmem:s18], [sflag:$0x3] =	stream.indirect.gather [hbm4b:s4+s14], $0x40, s13, s14, $0xb8;
	v63 =	vld [tilespmem:$0x0]  }
0xb0: {  	_ =	swait.ge [sflag:s19], $0x2000  }
0xb1: {  	[sflag:s19] =	ssyncset.done $0x0  }
0xb2: {  	s8 =	simm.s32 $0x9D80;
	[sflag:s19] =	ssyncadd.s32 $0xFFFFE000  }
0xb3: {  	[spmem:s2] =	stream.indirect.scatter.add.f32 [tilespmem:s28], [sflag:$0xC], $0x40, s8, s14, $0xb8;
	v63 =	vld [tilespmem:$0x0]  }
0xb4: {  	_ =	swait.ge [sflag:s22], $0x2000  }
0xb5: {  	[sflag:s22] =	ssyncset.done $0x0  }
0xb6: {  	s13 =	simm.s32 $0x4F80;
	[sflag:s22] =	ssyncadd.s32 $0xFFFFE000  }
0xb7: {  	[tilespmem:s20], [sflag:$0x4] =	stream.indirect.gather [hbm4b:s4+s14], $0x40, s13, s14, $0xb8;
	v63 =	vld [tilespmem:$0x0]  }
0xb8: {  	_ =	swait.ge [sflag:s21], $0x2000  }
0xb9: {  	[sflag:s21] =	ssyncset.done $0x0  }
0xba: {  	s8 =	simm.s32 $0x9E00;
	[sflag:s21] =	ssyncadd.s32 $0xFFFFE000  }
0xbb: {  	[spmem:s2] =	stream.indirect.scatter.add.f32 [tilespmem:s15], [sflag:$0x7], $0x40, s8, s14, $0xb8;
	v63 =	vld [tilespmem:$0x0]  }
0xbc: {  	_ =	swait.ge [sflag:s25], $0x2000  }
0xbd: {  	[sflag:s25] =	ssyncset.done $0x0  }
0xbe: {  	[sflag:s25] =	ssyncadd.s32 $0xFFFFE000  }
0xbf: {  	_ =	swait.ge [sflag:s24], $0x2000  }
0xc0: {  	[sflag:s24] =	ssyncset.done $0x0  }
0xc1: {  	s13 =	simm.s32 $0x9E80;
	[sflag:s24] =	ssyncadd.s32 $0xFFFFE000  }
0xc2: {  	[spmem:s2] =	stream.indirect.scatter.add.f32 [tilespmem:s16], [sflag:$0x8], $0x40, s13, s14, $0xb8;
	v63 =	vld [tilespmem:$0x0]  }
0xc3: {  	_ =	swait.ge [sflag:s26], $0x2000  }
0xc4: {  	[sflag:s26] =	ssyncset.done $0x0  }
0xc5: {  	[sflag:s26] =	ssyncadd.s32 $0xFFFFE000  }
0xc6: {  	_ =	swait.ge [sflag:s29], $0x2000  }
0xc7: {  	[sflag:s29] =	ssyncset.done $0x0  }
0xc8: {  	s8 =	simm.s32 $0x9F00;
	[sflag:s29] =	ssyncadd.s32 $0xFFFFE000  }
0xc9: {  	[spmem:s2] =	stream.indirect.scatter.add.f32 [tilespmem:s18], [sflag:$0x9], $0x40, s8, s14, $0xb8;
	v63 =	vld [tilespmem:$0x0]  }
0xca: {  	_ =	swait.ge [sflag:s30], $0x2000  }
0xcb: {  	[sflag:s30] =	ssyncset.done $0x0  }
0xcc: {  	[sflag:s30] =	ssyncadd.s32 $0xFFFFE000  }
0xcd: {  	_ =	swait.ge [sflag:s31], $0x2000  }
0xce: {  	[sflag:s31] =	ssyncset.done $0x0  }
0xcf: {  	s13 =	simm.s32 $0x9F80;
	[sflag:s31] =	ssyncadd.s32 $0xFFFFE000  }
0xd0: {  	[spmem:s2] =	stream.indirect.scatter.add.f32 [tilespmem:s20], [sflag:$0xA], $0x40, s13, s14, $0xb8;
	v63 =	vld [tilespmem:$0x0]  }
0xd1: {  	_ =	swait.ge [sflag:s0], $0x2000  }
0xd2: {  	[sflag:s0] =	ssyncset.done $0x0  }
0xd3: {  	[sflag:s0] =	ssyncadd.s32 $0xFFFFE000  }
0xd4: {  	_ =	swait.ge [sflag:s17], $0x2000  }
0xd5: {  	[sflag:s17] =	ssyncset.done $0x0  }
0xd6: {  	[sflag:s17] =	ssyncadd.s32 $0xFFFFE000  }
0xd7: {  	_ =	swait.ge [sflag:s22], $0x2000  }
0xd8: {  	s5 =	sadd.s32 $0x1, s5;
	[sflag:s22] =	ssyncset.done $0x0  }
0xd9: {  	p0 =	sne.s32 s5, s10;
	[sflag:s22] =	ssyncadd.s32 $0xFFFFE000  }
.Ltmp1:
0xda: {  	[bflag:$0x0] =	sbarrier.arrive $0xFFFF;
	(pc) =	sbr.rel @p0 .LBB2_1-.Ltmp1, $4  }
0xdb: {  	[hbm:s9], [sflag:s6] =	dma.local [spmem:s11], $0x1400  }
0xdc: {  	_ =	swait.ge [sflag:s12], $0x1400  }
0xdd: {  	[sflag:s12] =	ssyncset.done $0x0  }
0xde: {  	[sflag:s12] =	ssyncadd.s32 $0xFFFFEC00  }
0xdf: {  	_ =	sfence.sel $0x180000  }
0xe0: {  	[bflag:$0x0] =	sbarrier.arrive $0xFFFF  }
0xe1: {  	_ =	strace $0x9000004D  }
0xe2: {  	s0 =	stileid.u32;
	[bflag:$0x2] =	sbarrier.arrive $0xFFFF  }
0xe3: {  	p0 =	sne.s32 s0, $0x0;
	s0 =	rddreg [dreg:$0x3]  }
0xe4: {  	s0 =	sadd.s32 @!p0 $0x100000, s0  }
0xe5: {  	[sflag:s0] =	ssyncadd.tile.s32 @!p0 $0x1;
	_ =	shalt  }
.Lfunc_end2:
_tile_overlayer_lowered:
.L_overlay_start_2:
0xe6: {  	(tag) =	ssettag $0x2  }
0xe7: {  	s0 =	rddreg [dreg:$0x0];
	s2 =	stileid.u32  }
0xe8: {  	s1 =	rddreg [dreg:$0x1];
	p0 =	sne.s32 s2, $0x0  }
0xe9: {  	s3 =	rddreg [dreg:$0x2];
	[bflag:$0x3] =	sbarrier.arrive $0xFFFF;
	s2 =	simm.s32 @!p0 $0x1C0D  }
0xea: {  	[timem:s3], [sflag:s2] =	dma.local @!p0 [hbm:s0], s1  }
0xeb: {  	s0 =	simm.s32 @!p0 $0xD  }
0xec: {  	_ =	swait.ge @!p0 [sflag:s0], s1  }
0xed: {  	s1 =	ssub.s32 @!p0 $0x0, s1;
	[sflag:s0] =	ssyncset.done @!p0 $0x0  }
0xee: {  	[sflag:s0] =	ssyncadd.s32 @!p0 s1  }
0xef: {  	[bflag:$0x3] =	sbarrier.arrive $0xFFFF  }
0xf0: {  	_ =	shalt  }

// kernel: kernel.8.cloned.1.call-start
scs
__scs_entry_jumppad:
0x0: {  	(pc) =	sbr.rel $0x88, $3  }
0x1: {  	(tag) =	ssettag $0x0;
	lr =	simm.s32 $0x1  }
0x2: {  	[smem:$0x3F9B] =	sst lr;
	_ =	strace $0xD0000000  }
0x3: {  	_ = 	snop  }
0x4: {  	_ = 	snop  }
0x5: {  	_ = 	snop  }
0x6: {  	_ = 	snop  }
0x7: {  	_ = 	snop  }
__scs_overlays_trampoline_lowered:
0x8: {  	[smem:$0x3FAA] =	sst s0  }
0x9: {  	[smem:$0x3FAB] =	sst s1  }
0xa: {  	[smem:$0x3FAC] =	sst s2  }
0xb: {  	[smem:$0x3FAD] =	sst s3  }
0xc: {  	[smem:$0x3FAE] =	sst s4  }
0xd: {  	[smem:$0x3FAF] =	sst s5  }
0xe: {  	[smem:$0x3FB0] =	sst s6  }
0xf: {  	[smem:$0x3FB1] =	sst s7  }
0x10: {  	[smem:$0x3FB2] =	sst s8  }
0x11: {  	[smem:$0x3FB3] =	sst s9;
	s0 =	simm.s32 @!p0 $0x0  }
0x12: {  	s1 =	sld [smem:$0x3F99];
	s0 =	simm.s32 @p0 $0x1  }
0x13: {  	[smem:$0x3FB4] =	sst s0;
	s0 =	simm.s32 @!p1 $0x0  }
0x14: {  	s2 =	sld [smem:$0x3F98];
	s0 =	simm.s32 @p1 $0x1  }
0x15: {  	[smem:$0x3FB5] =	sst s0;
	s0 =	simm.s32 @!p2 $0x0  }
0x16: {  	s3 =	sld [smem:$0x3FDB];
	s0 =	simm.s32 @p2 $0x1  }
0x17: {  	s4 =	simm.s32 $0x1BF5;
	[smem:$0x3FB7] =	sst s0  }
0x18: {  	s0 =	sld [smem:$0x3F9A];
	_ =	swait.ge [sflag:s4], $0x0  }
0x19: {  	s7 =	sld [smem:$0x3F9B]  }
0x1a: {  	s8 =	sadd.s32 $0xFFFFE003, lr  }
0x1b: {  	s9 =	sadd.s32 $0xFFFFFEF7, lr;
	s5 =	simm.s32 $0xFFFFFFFF;
	p2 =	slt.u32 s8, $0xFFFFF086  }
0x1c: {  	p1 =	slt.u32 s9, $0xF7A;
	s5 =	simm.s32 @!p2 $0x0  }
0x1d: {  	s5 =	simm.s32 @p1 $0x1;
	p0 =	seq.s32 s7, s2  }
0x1e: {  	s7 =	smul.u32 @!p0 $0xF7A, s2;
	p2 =	seq.s32 @!p0 s5, $0x0  }
0x1f: {  	s9 =	smul.u32 $0xF7A, s1;
	s8 =	simm.s32 @!p0 $0x1BF5;
	p2 =	por !p2, p0  }
0x20: {  	[sflag:s8] =	ssyncset.s32 @!p0 $0xFFFFF086;
	s6 =	sadd.s32 @!p0 s3, s7;
	s7 =	simm.s32 @!p0 $0x108  }
0x21: {  	s3 =	sadd.s32 s3, s9;
	s6 =	sadd.s32 @!p0 $0x88, s6;
	s7 =	simm.s32 @p2 $0x1082  }
0x22: {  	[simem:s7], [sflag:s8] =	dma.local @!p0 [hbm:s6], $0xF7A  }
0x23: {  	s9 =	sor.u32 $0xD0000000, s2;
	s6 =	simm.s32 $0x108;
	_ =	swait.ge @!p0 [sflag:s8], $0x0  }
0x24: {  	s3 =	sadd.s32 $0x88, s3;
	s6 =	simm.s32 @!p1 $0x1082;
	[sflag:s4] =	ssyncset.s32 $0xFFFFF086  }
0x25: {  	[simem:s6], [sflag:s4] =	dma.local [hbm:s3], $0xF7A  }
0x26: {  	[smem:$0x3F9B] =	sst s1;
	(tag) =	ssettag s2;
	_ =	strace s9  }
0x27: {  	s1 =	sld [smem:$0x3FAB]  }
0x28: {  	s2 =	sld [smem:$0x3FAC]  }
0x29: {  	s4 =	sld [smem:$0x3FAE]  }
0x2a: {  	p0 =	seq.s32 s5, $0x0;
	s5 =	sld [smem:$0x3FAF]  }
0x2b: {  	s6 =	sld [smem:$0x3FB0]  }
0x2c: {  	s7 =	sld [smem:$0x3FB1]  }
0x2d: {  	s3 =	simm.s32 $0x108;
	s8 =	sld [smem:$0x3FB2]  }
0x2e: {  	s3 =	simm.s32 @!p0 $0x1082;
	s9 =	sld [smem:$0x3FB3]  }
0x2f: {  	lr =	sadd.s32 s0, s3;
	s0 =	sld [smem:$0x3FAA]  }
0x30: {  	s3 =	sld [smem:$0x3FAD]  }
0x31: {  	[smem:$0x3FB6] =	sst s10  }
0x32: {  	s10 =	sld [smem:$0x3FB4];
	_ =	sdelay $0x3  }
0x33: {  	p0 =	seq.s32 s10, $0x1;
	s10 =	sld [smem:$0x3FB6];
	_ =	sdelay $0x3  }
0x34: {  	[smem:$0x3FB6] =	sst s10  }
0x35: {  	s10 =	sld [smem:$0x3FB5];
	_ =	sdelay $0x3  }
0x36: {  	p1 =	seq.s32 s10, $0x1;
	s10 =	sld [smem:$0x3FB6];
	_ =	sdelay $0x3  }
0x37: {  	[smem:$0x3FB6] =	sst s10  }
0x38: {  	s10 =	sld [smem:$0x3FB7]  }
0x39: {  	_ = 	snop;
	(pc) =	sbr.ind lr, $3  }
0x3a: {  	_ = 	snop  }
0x3b: {  	_ = 	snop  }
0x3c: {  	p2 =	seq.s32 s10, $0x1;
	s10 =	sld [smem:$0x3FB6]  }
0x3d: {  	_ =	shalt  }
0x3e: {  	_ =	shalt  }
0x3f: {  	_ =	shalt  }
0x40: {  	_ =	shalt  }
0x41: {  	_ =	shalt  }
0x42: {  	_ =	shalt  }
0x43: {  	_ =	shalt  }
0x44: {  	_ =	shalt  }
0x45: {  	_ =	shalt  }
0x46: {  	_ =	shalt  }
0x47: {  	_ =	shalt  }
0x48: {  	_ =	shalt  }
0x49: {  	_ =	shalt  }
0x4a: {  	_ =	shalt  }
0x4b: {  	_ =	shalt  }
0x4c: {  	_ =	shalt  }
0x4d: {  	_ =	shalt  }
0x4e: {  	_ =	shalt  }
0x4f: {  	_ =	shalt  }
0x50: {  	_ =	shalt  }
0x51: {  	_ =	shalt  }
0x52: {  	_ =	shalt  }
0x53: {  	_ =	shalt  }
0x54: {  	_ =	shalt  }
0x55: {  	_ =	shalt  }
0x56: {  	_ =	shalt  }
0x57: {  	_ =	shalt  }
0x58: {  	_ =	shalt  }
0x59: {  	_ =	shalt  }
0x5a: {  	_ =	shalt  }
0x5b: {  	_ =	shalt  }
0x5c: {  	_ =	shalt  }
0x5d: {  	_ =	shalt  }
0x5e: {  	_ =	shalt  }
0x5f: {  	_ =	shalt  }
0x60: {  	_ =	shalt  }
0x61: {  	_ =	shalt  }
0x62: {  	_ =	shalt  }
0x63: {  	_ =	shalt  }
0x64: {  	_ =	shalt  }
0x65: {  	_ =	shalt  }
0x66: {  	_ =	shalt  }
0x67: {  	_ =	shalt  }
0x68: {  	_ =	shalt  }
0x69: {  	_ =	shalt  }
0x6a: {  	_ =	shalt  }
0x6b: {  	_ =	shalt  }
0x6c: {  	_ =	shalt  }
0x6d: {  	_ =	shalt  }
0x6e: {  	_ =	shalt  }
0x6f: {  	_ =	shalt  }
0x70: {  	_ =	shalt  }
0x71: {  	_ =	shalt  }
0x72: {  	_ =	shalt  }
0x73: {  	_ =	shalt  }
0x74: {  	_ =	shalt  }
0x75: {  	_ =	shalt  }
0x76: {  	_ =	shalt  }
0x77: {  	_ =	shalt  }
0x78: {  	_ =	shalt  }
0x79: {  	_ =	shalt  }
0x7a: {  	_ =	shalt  }
0x7b: {  	_ =	shalt  }
0x7c: {  	_ =	shalt  }
0x7d: {  	_ =	shalt  }
0x7e: {  	_ =	shalt  }
0x7f: {  	_ =	shalt  }
0x80: {  	_ =	shalt  }
0x81: {  	_ =	shalt  }
0x82: {  	_ =	shalt  }
0x83: {  	_ =	shalt  }
0x84: {  	_ =	shalt  }
0x85: {  	_ =	shalt  }
0x86: {  	_ =	shalt  }
0x87: {  	_ =	shalt  }
.Lfunc_end0:
.L_simem_size_0:
called_computation_lowered:
.L_overlay_start_0:
0x88: {  	s2 =	sld [smem:$0x3FD9]  }
0x89: {  	s3 =	sld [smem:$0x3FFE];
	_ =	sdelay $0x1  }
0x8a: {  	s1 =	srdreg.scid  }
0x8b: {  	s0 =	sand.u32 $0x1, s1  }
0x8c: {  	s16 =	sshll.u32 s0, $0xA;
	s2 =	sadd.s32 s3, s2  }
0x8d: {  	s2 =	sadd.s32 s2, s16  }
0x8e: {  	[smem:$0x3FC2] =	sst s2  }
0x8f: {  	_ = 	snop  }
0x90: {  	(tm) =	ssettm $0x1  }
0x91: {  	s17 =	sld [smem:$0x3FFB];
	_ =	sdelay $0x3  }
0x92: {  	_ =	strace s17  }
0x93: {  	s2 =	sld [smem:$0x3FFC];
	_ =	sdelay $0x3  }
0x94: {  	_ =	strace s2  }
0x95: {  	s2 =	sld [smem:$0x3FFD];
	_ =	sdelay $0x3  }
0x96: {  	_ =	strace s2  }
0x97: {  	_ =	strace $0x8FFFFFFF  }
0x98: {  	s18 =	sld [smem:$0x3FDB];
	_ =	sdelay $0x1  }
0x99: {  	s19 =	simm.s32 $_scs_section_size  }
0x9a: {  	s4 =	simm.s32 $_size__tile_overlayer_lowered;
	s5 =	simm.s32 $_tile_overlayer_lowered  }
0x9b: {  	s22 =	simm.s32 $0x1BFF;
	s21 =	sshll.u32 s5, $0x1;
	s2 =	sadd.s32 s19, s18  }
0x9c: {  	s6 =	simm.s32 $0x0;
	s20 =	sshll.u32 s4, $0x1;
	s4 =	sadd.s32 s21, s2  }
0x9d: {  	[timem:s6], [sflag:s22] =	dma.local [hbm:s4], s20  }
0x9e: {  	_ =	swait.ge [sflag:s22], s20  }
0x9f: {  	s3 =	ssub.s32 $0x0, s20;
	[sflag:s22] =	ssyncset.done $0x0  }
0xa0: {  	[sflag:s22] =	ssyncadd.s32 s3;
	_ =	sdelay $0x1  }
0xa1: {  	s23 =	simm.s32 $0x1B8B  }
0xa2: {  	_ =	swait.ge [sflag:s23], $0x1  }
0xa3: {  	[sflag:s23] =	ssyncset.done $0x0  }
0xa4: {  	s25 =	simm.s32 $0x1B8E;
	s24 =	sld [smem:$0x3FFE];
	[sflag:s23] =	ssyncadd.s32 $0xFFFFFFFF  }
0xa5: {  	s26 =	simm.s32 $execute0_lowered;
	[smem:$0x3FD2] =	sst s25  }
0xa6: {  	s4 =	sshll.u32 s26, $0x1;
	_ =	strace $0x80000046;
	[dreg:$0x1] =	wrdreg $0xFFFFFFFF  }
0xa7: {  	s28 =	simm.s32 $_size_execute0_lowered;
	s2 =	sadd.s32 s2, s4;
	[dreg:$0x0] =	wrdreg $0x0  }
0xa8: {  	s4 =	sshll.u32 s28, $0x1;
	[dreg:$0x2] =	wrdreg s2  }
0xa9: {  	[dreg:$0x3] =	wrdreg s4  }
0xaa: {  	[dreg:$0x4] =	wrdreg $0xC0  }
0xab: {  	_ =	task [dreg:s6], $0x5FFFF  }
0xac: {  	[dreg:$0x1] =	wrdreg $0xFFFFFFFF  }
0xad: {  	[dreg:$0x0] =	wrdreg $0x60  }
0xae: {  	[dreg:$0x2] =	wrdreg s24  }
0xaf: {  	[dreg:$0x3] =	wrdreg $0x58000  }
0xb0: {  	[dreg:$0x4] =	wrdreg $0x80000  }
0xb1: {  	[dreg:$0x5] =	wrdreg $0x9  }
0xb2: {  	_ =	task.clear_ibuf [dreg:s6], $0x6FFFF;
	_ =	strace $0x90000046  }
0xb3: {  	s29 =	simm.s32 $0x9;
	_ =	strace $0x80000048  }
0xb4: {  	_ =	swait.ge [sflag:s29], $0x1  }
0xb5: {  	[sflag:s29] =	ssyncadd.s32 $0xFFFFFFFF  }
0xb6: {  	_ =	strace $0x90000048  }
0xb7: {  	_ =	sfence  }
0xb8: {  	s30 =	sld [smem:$0x0];
	_ =	sdelay $0x2  }
0xb9: {  	s31 =	sshll.u32 s1, $0xD;
	s1 =	sshrl.u32 s1, $0x2  }
0xba: {  	s3 =	sand.u32 $0x4000, s31;
	s1 =	sadd.s32 s1, s30  }
0xbb: {  	s0 =	sor.u32 s3, s0;
	s1 =	sshll.u32 s1, $0x11  }
0xbc: {  	s0 =	sor.u32 s1, s0  }
0xbd: {  	s0 =	sadd.s32 $0x8F2B, s0  }
0xbe: {  	[sflag:s0] =	ssyncadd.remote.s32 $0x1  }
0xbf: {  	_ =	sfence.sel $0xFFFF  }
0xc0: {  	[dreg:$0x0] =	wrdreg $0xFFFFFFFF;
	(pc) =	sbr.abs _section_cstart, $3  }
0xc1: {  	[dreg:$0x1] =	wrdreg $0xFFFFFFFF  }
0xc2: {  	_ =	task.clear_ibuf [dreg:s6], $0x2FFFF;
	_ =	strace $0x9FFFFFFF  }
0xc3: {  	(tm) =	ssettm $0x7FFFFFFF  }
tec
execute0_lowered:
.L_overlay_start_1:
0x0: {  	(tag) =	ssettag $0x1  }
0x1: {  	s7 =	rddreg [dreg:$0x0]  }
0x2: {  	s2 =	rddreg [dreg:$0x1]  }
0x3: {  	s0 =	srdreg.scid;
	s3 =	rddreg [dreg:$0x2];
	s4 =	simm.s32 $0x0  }
0x4: {  	s13 =	simm.s32 $0x3;
	s17 =	simm.s32 $0x2800;
	s18 =	simm.s32 $0x80  }
0x5: {  	s19 =	simm.s32 $0x2880;
	s20 =	simm.s32 $0x100;
	s21 =	simm.s32 $0x2900  }
0x6: {  	s22 =	simm.s32 $0x180;
	s23 =	simm.s32 $0x2980;
	s24 =	simm.s32 $0x1  }
0x7: {  	s25 =	simm.s32 $0x2;
	s6 =	sand.u32 $0x1, s0;
	s0 =	stileid.u32  }
0x8: {  	s26 =	simm.s32 $0x0;
	[smem:$0x7FF] =	sst s4;
	s8 =	smul.u32 $0x2800, s0  }
0x9: {  	s1 =	sshll.u32 s6, $0x4;
	s9 =	smul.u32 $0x28000, s6;
	s11 =	ssub.s32 $0x2, s6  }
0xa: {  	s6 =	sadd.s32 $0x16000, s7;
	s14 =	sshll.u32 s0, $0x6;
	s1 =	sor.u32 s0, s1  }
0xb: {  	s31 =	sshrl.u32 s11, $0x1;
	s14 =	sor.u32 $0x1C03, s14;
	s5 =	smul.u32 $0x500, s1  }
0xc: {  	s1 =	rddreg [dreg:$0x3];
	_ =	strace $0x80000047;
	s9 =	sadd.s32 s8, s9  }
0xd: {  	s11 =	ssub.s32 s11, s31;
	s15 =	sadd.s32 s8, s2;
	s16 =	sadd.s32 s8, s3  }
0xe: {  	s9 =	sshrl.u32 s9, $0x3;
	s11 =	smax.u32 s11, $0x1;
	s15 =	sshrl.u32 s15, $0x3  }
0xf: {  	s16 =	sshrl.u32 s16, $0x3;
	s10 =	sadd.s32 s5, s7;
	s5 =	sadd.s32 $0x16600, s7  }
0x10: {  	s12 =	sadd.s32 s9, s7;
	s7 =	sadd.s32 $0x2000, s10;
	s8 =	sadd.s32 $0xC000, s10  }
0x11: {  	s9 =	sadd.s32 $0x20800, s12;
	s10 =	sadd.s32 $0x16800, s12;
	s12 =	simm.s32 $0x5000  }
.LBB2_1:
0x12: {  	[tilespmem:s12], [sflag:$0x3] =	stream.linear.gather [hbm4b:s5+s4], $0x800, $0x38;
	[tilespmem:$0xA800] =	vst v63  }
0x13: {  	_ =	swait.ge [sflag:s13], $0x800  }
0x14: {  	[sflag:s13] =	ssyncset.done $0x0  }
0x15: {  	[sflag:s13] =	ssyncadd.s32 $0xFFFFF800  }
0x16: {  	[spmem:s15], [sflag:s14] =	dma.local [hbm:s6], $0x500  }
0x17: {  	_ =	swait.ge [sflag:s13], $0x500  }
0x18: {  	[sflag:s13] =	ssyncset.done $0x0  }
0x19: {  	[sflag:s13] =	ssyncadd.s32 $0xFFFFFB00  }
0x1a: {  	[spmem:s16], [sflag:s14] =	dma.local [hbm:s6], $0x500  }
0x1b: {  	_ =	swait.ge [sflag:s13], $0x500  }
0x1c: {  	[sflag:s13] =	ssyncset.done $0x0  }
0x1d: {  	[sflag:s13] =	ssyncadd.s32 $0xFFFFFB00  }
0x1e: {  	[tilespmem:s4], [sflag:$0x3] =	stream.linear.gather [hbm4b:s7+s4], $0x2800, $0x38;
	[tilespmem:$0xA800] =	vst v63  }
0x1f: {  	_ =	swait.ge [sflag:s13], $0x2800  }
0x20: {  	[sflag:s13] =	ssyncset.done $0x0  }
0x21: {  	[sflag:s13] =	ssyncadd.s32 $0xFFFFD800  }
0x22: {  	[tilespmem:s17], [sflag:$0x3] =	stream.linear.gather [hbm4b:s8+s4], $0x2800, $0x38;
	[tilespmem:$0xA800] =	vst v63  }
0x23: {  	_ =	swait.ge [sflag:s13], $0x2800  }
0x24: {  	[sflag:s13] =	ssyncset.done $0x0  }
0x25: {  	[sflag:s13] =	ssyncadd.s32 $0xFFFFD800  }
0x26: {  	[bflag:$0x0] =	sbarrier.arrive $0xFFFF  }
0x27: {  	[spmem:s2] =	stream.indirect.scatter.add.f32 [tilespmem:s12], [sflag:$0x1], $0x10, s4, s18, $0xb8;
	[tilespmem:$0xA800] =	vst v63  }
0x28: {  	_ = 	snop  }
0x29: {  	[spmem:s3] =	stream.indirect.scatter.add.f32 [tilespmem:s12], [sflag:$0x2], $0x10, s17, s18, $0xb8;
	[tilespmem:$0xA800] =	vst v63  }
0x2a: {  	_ = 	snop  }
0x2b: {  	[spmem:s2] =	stream.indirect.scatter.add.f32 [tilespmem:s12], [sflag:$0x1], $0x10, s18, s18, $0xb8;
	[tilespmem:$0xA800] =	vst v63  }
0x2c: {  	_ = 	snop  }
0x2d: {  	[spmem:s3] =	stream.indirect.scatter.add.f32 [tilespmem:s12], [sflag:$0x2], $0x10, s19, s18, $0xb8;
	[tilespmem:$0xA800] =	vst v63  }
0x2e: {  	_ = 	snop  }
0x2f: {  	[spmem:s2] =	stream.indirect.scatter.add.f32 [tilespmem:s12], [sflag:$0x1], $0x10, s20, s18, $0xb8;
	[tilespmem:$0xA800] =	vst v63  }
0x30: {  	_ = 	snop  }
0x31: {  	[spmem:s3] =	stream.indirect.scatter.add.f32 [tilespmem:s12], [sflag:$0x2], $0x10, s21, s18, $0xb8;
	[tilespmem:$0xA800] =	vst v63  }
0x32: {  	_ = 	snop  }
0x33: {  	[spmem:s2] =	stream.indirect.scatter.add.f32 [tilespmem:s12], [sflag:$0x1], $0x10, s22, s18, $0xb8;
	[tilespmem:$0xA800] =	vst v63  }
0x34: {  	_ = 	snop  }
0x35: {  	[spmem:s3] =	stream.indirect.scatter.add.f32 [tilespmem:s12], [sflag:$0x2], $0x10, s23, s18, $0xb8;
	[tilespmem:$0xA800] =	vst v63  }
0x36: {  	_ =	swait.ge [sflag:s24], $0x800  }
0x37: {  	[sflag:s24] =	ssyncset.done $0x0  }
0x38: {  	[sflag:s24] =	ssyncadd.s32 $0xFFFFF800  }
0x39: {  	_ =	swait.ge [sflag:s25], $0x800  }
0x3a: {  	[sflag:s25] =	ssyncset.done $0x0  }
0x3b: {  	s28 =	simm.s32 $0x200;
	[sflag:s25] =	ssyncadd.s32 $0xFFFFF800  }
0x3c: {  	[spmem:s2] =	stream.indirect.scatter.add.f32 [tilespmem:s12], [sflag:$0x1], $0x10, s28, s18, $0xb8;
	[tilespmem:$0xA800] =	vst v63  }
0x3d: {  	s29 =	simm.s32 $0x2A00;
	s28 =	simm.s32 $0xA00  }
.LBB2_2:
0x3e: {  	[spmem:s3] =	stream.indirect.scatter.add.f32 [tilespmem:s12], [sflag:$0x2], $0x10, s29, s18, $0xb8;
	[tilespmem:$0xA800] =	vst v63  }
0x3f: {  	s29 =	smov.u32 s28  }
0x40: {  	p0 =	sne.s32 s28, $0x9E00;
	s28 =	sadd.s32 $0x200, s28;
	_ =	swait.ge [sflag:s24], $0x800  }
0x41: {  	[sflag:s24] =	ssyncset.done $0x0  }
0x42: {  	[sflag:s24] =	ssyncadd.s32 $0xFFFFF800  }
.Ltmp0:
0x43: {  	_ =	swait.ge [sflag:s25], $0x800;
	(pc) =	sbr.rel @p0 .LBB2_2-.Ltmp0, $4  }
0x44: {  	[sflag:s25] =	ssyncset.done $0x0  }
0x45: {  	s29 =	sshra.s32 s29, $0x2;
	[sflag:s25] =	ssyncadd.s32 $0xFFFFF800  }
0x46: {  	[spmem:s2] =	stream.indirect.scatter.add.f32 [tilespmem:s12], [sflag:$0x1], $0x10, s29, s18, $0xb8;
	[tilespmem:$0xA800] =	vst v63  }
0x47: {  	s29 =	sadd.s32 $0x2800, s29  }
0x48: {  	[spmem:s3] =	stream.indirect.scatter.add.f32 [tilespmem:s12], [sflag:$0x2], $0x10, s29, s18, $0xb8;
	[tilespmem:$0xA800] =	vst v63  }
0x49: {  	_ =	swait.ge [sflag:s24], $0x800  }
0x4a: {  	[sflag:s24] =	ssyncset.done $0x0  }
0x4b: {  	[sflag:s24] =	ssyncadd.s32 $0xFFFFF800  }
0x4c: {  	_ =	swait.ge [sflag:s25], $0x800  }
0x4d: {  	[sflag:s25] =	ssyncset.done $0x0  }
0x4e: {  	[sflag:s25] =	ssyncadd.s32 $0xFFFFF800  }
0x4f: {  	_ =	swait.ge [sflag:s24], $0x800  }
0x50: {  	[sflag:s24] =	ssyncset.done $0x0  }
0x51: {  	[sflag:s24] =	ssyncadd.s32 $0xFFFFF800  }
0x52: {  	_ =	swait.ge [sflag:s25], $0x800  }
0x53: {  	[sflag:s25] =	ssyncset.done $0x0  }
0x54: {  	[sflag:s25] =	ssyncadd.s32 $0xFFFFF800  }
0x55: {  	_ =	swait.ge [sflag:s24], $0x800  }
0x56: {  	[sflag:s24] =	ssyncset.done $0x0  }
0x57: {  	[sflag:s24] =	ssyncadd.s32 $0xFFFFF800  }
0x58: {  	_ =	swait.ge [sflag:s25], $0x800  }
0x59: {  	[sflag:s25] =	ssyncset.done $0x0  }
0x5a: {  	[sflag:s25] =	ssyncadd.s32 $0xFFFFF800  }
0x5b: {  	_ =	swait.ge [sflag:s24], $0x800  }
0x5c: {  	[sflag:s24] =	ssyncset.done $0x0  }
0x5d: {  	[sflag:s24] =	ssyncadd.s32 $0xFFFFF800  }
0x5e: {  	_ =	swait.ge [sflag:s25], $0x800  }
0x5f: {  	[sflag:s25] =	ssyncset.done $0x0  }
0x60: {  	[sflag:s25] =	ssyncadd.s32 $0xFFFFF800  }
0x61: {  	[bflag:$0x0] =	sbarrier.arrive $0xFFFF  }
0x62: {  	[hbm:s9], [sflag:s14] =	dma.local [spmem:s15], $0x500  }
0x63: {  	s26 =	sadd.s32 $0x1, s26;
	_ =	swait.ge [sflag:s13], $0x500  }
0x64: {  	p0 =	sne.s32 s26, s11;
	[sflag:s13] =	ssyncset.done $0x0  }
.Ltmp1:
0x65: {  	[sflag:s13] =	ssyncadd.s32 $0xFFFFFB00;
	(pc) =	sbr.rel @p0 .LBB2_1-.Ltmp1, $4  }
0x66: {  	[hbm:s10], [sflag:s14] =	dma.local [spmem:s16], $0x500  }
0x67: {  	_ =	swait.ge [sflag:s13], $0x500  }
0x68: {  	[sflag:s13] =	ssyncset.done $0x0  }
0x69: {  	[sflag:s13] =	ssyncadd.s32 $0xFFFFFB00  }
0x6a: {  	_ =	sfence.sel $0x180000  }
0x6b: {  	[bflag:$0x0] =	sbarrier.arrive $0xFFFF  }
0x6c: {  	p0 =	sne.s32 s0, $0x0;
	_ =	strace $0x90000047  }
0x6d: {  	s0 =	sadd.s32 @!p0 $0x100000, s1;
	[bflag:$0x2] =	sbarrier.arrive $0xFFFF  }
0x6e: {  	[sflag:s0] =	ssyncadd.tile.s32 @!p0 $0x1;
	_ =	shalt  }
.Lfunc_end2:
_tile_overlayer_lowered:
.L_overlay_start_2:
0x6f: {  	(tag) =	ssettag $0x2  }
0x70: {  	s0 =	rddreg [dreg:$0x0];
	s2 =	stileid.u32  }
0x71: {  	s1 =	rddreg [dreg:$0x1];
	p0 =	sne.s32 s2, $0x0  }
0x72: {  	s3 =	rddreg [dreg:$0x2];
	[bflag:$0x3] =	sbarrier.arrive $0xFFFF;
	s2 =	simm.s32 @!p0 $0x1C03  }
0x73: {  	[timem:s3], [sflag:s2] =	dma.local @!p0 [hbm:s0], s1  }
0x74: {  	s0 =	simm.s32 @!p0 $0x3  }
0x75: {  	_ =	swait.ge @!p0 [sflag:s0], s1  }
0x76: {  	s1 =	ssub.s32 @!p0 $0x0, s1;
	[sflag:s0] =	ssyncset.done @!p0 $0x0  }
0x77: {  	[sflag:s0] =	ssyncadd.s32 @!p0 s1  }
0x78: {  	[bflag:$0x3] =	sbarrier.arrive $0xFFFF  }
0x79: {  	_ =	shalt  }

</sc_bundles>
